<compile_context>
chip_gen: v7x
topology: tpu7x:2x2x1
jax: 0.10.2.dev20260603
libtpu: 0.0.44.dev20260713+nightly
codegen_flags: <defaults>
</compile_context>

<pallas_src>
import functools

import jax
import jax.numpy as jnp
from jax import lax
from jax.experimental import pallas as pl
from jax.experimental.pallas import tpu as pltpu
from jax.experimental.pallas import tpu_sc as plsc

VOCAB = 1000000
EMBED_DIM = 32
BATCH = 16384
HIST = 50

NC = 2
NS = 16
NW = NC * NS
NUNIT = HIST * (BATCH // 128)
PER_W = NUNIT // NW

NBLK_FULL = VOCAB // 128
BASE_BLK = NBLK_FULL // NW
TAIL_C0 = NBLK_FULL * 128
OUT_ROWS = HIST * 4 * 128 * 8


def _mesh():
    return plsc.VectorSubcoreMesh(core_axis_name="c", subcore_axis_name="s")


@functools.partial(
    pl.kernel,
    mesh=_mesh(),
    compiler_params=pltpu.CompilerParams(
        use_tc_tiling_on_sc=True, needs_layout_passes=False
    ),
    out_type=jax.ShapeDtypeStruct((HIST * BATCH,), jnp.int32),
    scratch_types=[pltpu.VMEM((BATCH,), jnp.int32)],
)
def _prep_idx(xt_hbm, idx_out, ibuf):
    wid = lax.axis_index("s") * NC + lax.axis_index("c")
    pltpu.sync_copy(xt_hbm.at[wid], ibuf)
    pltpu.sync_copy(ibuf, idx_out.at[pl.ds(wid * BATCH, BATCH)])

    @pl.when(wid < HIST - NW)
    def _():
        pltpu.sync_copy(xt_hbm.at[wid + NW], ibuf)
        pltpu.sync_copy(ibuf, idx_out.at[pl.ds((wid + NW) * BATCH, BATCH)])


@functools.partial(
    pl.kernel,
    mesh=_mesh(),
    compiler_params=pltpu.CompilerParams(
        use_tc_tiling_on_sc=False, needs_layout_passes=False
    ),
    out_type=jax.ShapeDtypeStruct((OUT_ROWS, 128), jnp.float32),
    scratch_types=[
        [pltpu.VMEM((128,), jnp.int32)] * 2,
        [pltpu.VMEM((128, EMBED_DIM), jnp.float32)] * 2,
        [pltpu.VMEM((EMBED_DIM, 129), jnp.float32)] * 2,
        [pltpu.SemaphoreType.DMA] * 2,
        [pltpu.SemaphoreType.DMA] * 2,
        [pltpu.SemaphoreType.DMA] * 2,
    ],
)
def _gather_kernel(tab_hbm, idx_hbm, out_hbm, idx_v, rows_v, tbuf, isems,
                   gsems, osems):
    wid = lax.axis_index("s") * NC + lax.axis_index("c")
    i16 = jnp.arange(16, dtype=jnp.int32)
    rsel = [i16, i16 + 16]

    def unit_id(i):
        return wid + NW * i

    def fire_idx(b, i):
        pltpu.async_copy(idx_hbm.at[unit_id(i)], idx_v[b], isems[b])

    def wait_idx(b):
        pltpu.make_async_copy(idx_hbm.at[0], idx_v[b], isems[b]).wait()

    def fire_gather(b):
        pltpu.async_copy(tab_hbm.at[idx_v[b]], rows_v[b], gsems[b])

    def drain_gather(b):
        pltpu.make_async_copy(
            tab_hbm.at[pl.ds(0, 128)], rows_v[b], gsems[b]
        ).wait()

    def transpose(b):
        for cc in range(128):
            col = jnp.full((16,), cc, dtype=jnp.int32)
            lo = rows_v[b][cc, pl.ds(0, 16)]
            hi = rows_v[b][cc, pl.ds(16, 16)]
            plsc.store_scatter(tbuf[b], [rsel[0], col], lo)
            plsc.store_scatter(tbuf[b], [rsel[1], col], hi)

    def store(b, i):
        u = unit_id(i)
        h = u // 128
        cc = lax.rem(u, 128)
        for r in range(4):
            row0 = ((h * 4 + r) * 128 + cc) * 8
            pltpu.async_copy(
                tbuf[b].at[pl.ds(r * 8, 8), pl.ds(0, 128)],
                out_hbm.at[pl.ds(row0, 8), :],
                osems[b],
            )

    def drain_store(b):
        for _ in range(4):
            pltpu.make_async_copy(
                tbuf[b].at[pl.ds(0, 8), pl.ds(0, 128)],
                out_hbm.at[pl.ds(0, 8), :],
                osems[b],
            ).wait()

    fire_idx(0, 0)
    wait_idx(0)
    fire_gather(0)
    fire_idx(1, 1)

    def body(k, carry):
        for p in range(2):
            i = 2 * k + p
            nxt = 1 - p

            drain_gather(p)

            @pl.when(i + 1 < PER_W)
            def _():
                wait_idx(nxt)
                fire_gather(nxt)

            @pl.when(i + 2 < PER_W)
            def _():
                fire_idx(p, i + 2)

            @pl.when(i >= 2)
            def _():
                drain_store(p)

            transpose(p)
            store(p, i)
        return carry

    lax.fori_loop(0, PER_W // 2, body, 0)
    drain_store(0)
    drain_store(1)


def kernel(x, table):
    idx_lin = _prep_idx(x.T)
    out2d = _gather_kernel(table, idx_lin.reshape(NUNIT, 128))
    out5 = out2d.reshape(HIST, 4, 128, 8, 128)
    return jnp.transpose(out5, (2, 4, 0, 1, 3)).reshape(BATCH, HIST, EMBED_DIM)

# --- scband reference (transcript-rebuilt; emitter-appended) ---
"""Pipeline reference for scband-embedder-68393059221576 (READ-ONLY COPY).

The authoritative reference and input builder live on the scoring server;
editing this copy changes nothing except your own understanding.
"""

import jax, jax.numpy as jnp
import numpy as np

VOCAB = 1000000
EMBED_DIM = 32
BATCH = 16384
HIST = 50

def setup_inputs(seed: int = 0) -> dict:
    key = jax.random.key(seed)
    k_idx, k_tab = jax.random.split(key)
    x = jax.random.randint(k_idx, (BATCH, HIST), 0, VOCAB, dtype=jnp.int64) if jax.config.jax_enable_x64 else jax.random.randint(k_idx, (BATCH, HIST), 0, VOCAB, dtype=jnp.int32)
    table = jax.random.normal(k_tab, (VOCAB, EMBED_DIM), dtype=jnp.float32) * 0.05
    return {"x": x, "table": table}

def reference(x, table):
    # Keras Embedding: simple row gather from the embedding table
    return jnp.take(table, x, axis=0)

if __name__ == "__main__":
    import jax
    _d = setup_inputs()
    print(jax.jit(kernel)(*tuple(_d.values())))

</pallas_src>

<mosaic_0001>
#map = affine_map<(d0, d1) -> (0, 0)>
#map1 = affine_map<(d0, d1) -> (0)>
module attributes {stable_mosaic.version = 14 : i64} {
  func.func @_prep_idx(%arg0: i32, %arg1: i32, %arg2: memref<50x16384xi32, #tpu.memory_space<hbm>>, %arg3: memref<819200xi32, #tpu.memory_space<hbm>>, %arg4: memref<16384xi32, #tpu.memory_space<vmem>>) attributes {dimension_semantics = [#tpu.dimension_semantics<core_parallel>, #tpu.dimension_semantics<subcore_parallel>], iteration_bounds = array<i64: 2, 16>, scalar_prefetch = 0 : i64, scratch_operands = 1 : i64, tpu.core_type = #tpu.core_type<sc_vector_subcore>, window_params = [{transform_indices = #map}, {transform_indices = #map1}]} {
    %mul3A = arith.constant 2 : i32
    %mul3A_0 = arith.muli %arg1, %mul3A : i32
    %add3A = arith.addi %mul3A_0, %arg0 : i32
    "tpu.region"() ({
      %run_scoped3A = tpu.sem_alloc : memref<!tpu.dma_semaphore, #tpu.memory_space<semaphore_mem>>
      %dma_start3A = arith.constant 0 : i32
      %dma_start3A_5 = tpu.memref_slice %arg2[%add3A, %dma_start3A] : memref<50x16384xi32, #tpu.memory_space<hbm>> -> memref<1x16384xi32, #tpu.memory_space<hbm>>
      %dma_start3A_6 = tpu.memref_squeeze %dma_start3A_5 : memref<1x16384xi32, #tpu.memory_space<hbm>> -> memref<16384xi32, #tpu.memory_space<hbm>>
      %dma_start3A_7 = arith.constant 0 : i32
      %dma_start3A_8 = tpu.memref_slice %arg2[%add3A, %dma_start3A_7] : memref<50x16384xi32, #tpu.memory_space<hbm>> -> memref<1x16384xi32, #tpu.memory_space<hbm>>
      %dma_start3A_9 = tpu.memref_squeeze %dma_start3A_8 : memref<1x16384xi32, #tpu.memory_space<hbm>> -> memref<16384xi32, #tpu.memory_space<hbm>>
      tpu.enqueue_dma source(%dma_start3A_9 : memref<16384xi32, #tpu.memory_space<hbm>>) target(%arg4 : memref<16384xi32, #tpu.memory_space<vmem>>) target_semaphore(%run_scoped3A : memref<!tpu.dma_semaphore, #tpu.memory_space<semaphore_mem>>)
      %dma_wait3A = arith.constant 0 : i32
      %dma_wait3A_10 = tpu.memref_slice %arg2[%add3A, %dma_wait3A] : memref<50x16384xi32, #tpu.memory_space<hbm>> -> memref<1x16384xi32, #tpu.memory_space<hbm>>
      %dma_wait3A_11 = tpu.memref_squeeze %dma_wait3A_10 : memref<1x16384xi32, #tpu.memory_space<hbm>> -> memref<16384xi32, #tpu.memory_space<hbm>>
      %dma_wait3A_12 = arith.constant 0 : i32
      %dma_wait3A_13 = tpu.memref_slice %arg2[%add3A, %dma_wait3A_12] : memref<50x16384xi32, #tpu.memory_space<hbm>> -> memref<1x16384xi32, #tpu.memory_space<hbm>>
      %dma_wait3A_14 = tpu.memref_squeeze %dma_wait3A_13 : memref<1x16384xi32, #tpu.memory_space<hbm>> -> memref<16384xi32, #tpu.memory_space<hbm>>
      tpu.wait_dma2 semaphore(%run_scoped3A : memref<!tpu.dma_semaphore, #tpu.memory_space<semaphore_mem>>) src(%dma_wait3A_14 : memref<16384xi32, #tpu.memory_space<hbm>>) dst(%arg4 : memref<16384xi32, #tpu.memory_space<vmem>>)
      tpu.yield
    }) : () -> ()
    %mul3A_1 = arith.constant 16384 : i32
    %mul3A_2 = arith.muli %add3A, %mul3A_1 : i32
    "tpu.region"() ({
      %run_scoped3A = tpu.sem_alloc : memref<!tpu.dma_semaphore, #tpu.memory_space<semaphore_mem>>
      %dma_start3A = tpu.memref_slice %arg3[%mul3A_2] : memref<819200xi32, #tpu.memory_space<hbm>> -> memref<16384xi32, #tpu.memory_space<hbm>>
      %dma_start3A_5 = tpu.memref_slice %arg3[%mul3A_2] : memref<819200xi32, #tpu.memory_space<hbm>> -> memref<16384xi32, #tpu.memory_space<hbm>>
      tpu.enqueue_dma source(%arg4 : memref<16384xi32, #tpu.memory_space<vmem>>) target(%dma_start3A_5 : memref<16384xi32, #tpu.memory_space<hbm>>) target_semaphore(%run_scoped3A : memref<!tpu.dma_semaphore, #tpu.memory_space<semaphore_mem>>)
      %dma_wait3A = tpu.memref_slice %arg3[%mul3A_2] : memref<819200xi32, #tpu.memory_space<hbm>> -> memref<16384xi32, #tpu.memory_space<hbm>>
      %dma_wait3A_6 = tpu.memref_slice %arg3[%mul3A_2] : memref<819200xi32, #tpu.memory_space<hbm>> -> memref<16384xi32, #tpu.memory_space<hbm>>
      tpu.wait_dma2 semaphore(%run_scoped3A : memref<!tpu.dma_semaphore, #tpu.memory_space<semaphore_mem>>) src(%arg4 : memref<16384xi32, #tpu.memory_space<vmem>>) dst(%dma_wait3A_6 : memref<16384xi32, #tpu.memory_space<hbm>>)
      tpu.yield
    }) : () -> ()
    %lt3A = arith.constant 18 : i32
    %lt3A_3 = arith.cmpi slt, %add3A, %lt3A : i32
    %convert_element_type3A = arith.extui %lt3A_3 : i1 to i32
    %cond3A = arith.constant 0 : i32
    %cond3A_4 = arith.cmpi ne, %convert_element_type3A, %cond3A : i32
    scf.if %cond3A_4 {
      %add3A_5 = arith.constant 32 : i32
      %add3A_6 = arith.addi %add3A, %add3A_5 : i32
      "tpu.region"() ({
        %run_scoped3A = tpu.sem_alloc : memref<!tpu.dma_semaphore, #tpu.memory_space<semaphore_mem>>
        %dma_start3A = arith.constant 0 : i32
        %dma_start3A_11 = tpu.memref_slice %arg2[%add3A_6, %dma_start3A] : memref<50x16384xi32, #tpu.memory_space<hbm>> -> memref<1x16384xi32, #tpu.memory_space<hbm>>
        %dma_start3A_12 = tpu.memref_squeeze %dma_start3A_11 : memref<1x16384xi32, #tpu.memory_space<hbm>> -> memref<16384xi32, #tpu.memory_space<hbm>>
        %dma_start3A_13 = arith.constant 0 : i32
        %dma_start3A_14 = tpu.memref_slice %arg2[%add3A_6, %dma_start3A_13] : memref<50x16384xi32, #tpu.memory_space<hbm>> -> memref<1x16384xi32, #tpu.memory_space<hbm>>
        %dma_start3A_15 = tpu.memref_squeeze %dma_start3A_14 : memref<1x16384xi32, #tpu.memory_space<hbm>> -> memref<16384xi32, #tpu.memory_space<hbm>>
        tpu.enqueue_dma source(%dma_start3A_15 : memref<16384xi32, #tpu.memory_space<hbm>>) target(%arg4 : memref<16384xi32, #tpu.memory_space<vmem>>) target_semaphore(%run_scoped3A : memref<!tpu.dma_semaphore, #tpu.memory_space<semaphore_mem>>)
        %dma_wait3A = arith.constant 0 : i32
        %dma_wait3A_16 = tpu.memref_slice %arg2[%add3A_6, %dma_wait3A] : memref<50x16384xi32, #tpu.memory_space<hbm>> -> memref<1x16384xi32, #tpu.memory_space<hbm>>
        %dma_wait3A_17 = tpu.memref_squeeze %dma_wait3A_16 : memref<1x16384xi32, #tpu.memory_space<hbm>> -> memref<16384xi32, #tpu.memory_space<hbm>>
        %dma_wait3A_18 = arith.constant 0 : i32
        %dma_wait3A_19 = tpu.memref_slice %arg2[%add3A_6, %dma_wait3A_18] : memref<50x16384xi32, #tpu.memory_space<hbm>> -> memref<1x16384xi32, #tpu.memory_space<hbm>>
        %dma_wait3A_20 = tpu.memref_squeeze %dma_wait3A_19 : memref<1x16384xi32, #tpu.memory_space<hbm>> -> memref<16384xi32, #tpu.memory_space<hbm>>
        tpu.wait_dma2 semaphore(%run_scoped3A : memref<!tpu.dma_semaphore, #tpu.memory_space<semaphore_mem>>) src(%dma_wait3A_20 : memref<16384xi32, #tpu.memory_space<hbm>>) dst(%arg4 : memref<16384xi32, #tpu.memory_space<vmem>>)
        tpu.yield
      }) : () -> ()
      %add3A_7 = arith.constant 32 : i32
      %add3A_8 = arith.addi %add3A, %add3A_7 : i32
      %mul3A_9 = arith.constant 16384 : i32
      %mul3A_10 = arith.muli %add3A_8, %mul3A_9 : i32
      "tpu.region"() ({
        %run_scoped3A = tpu.sem_alloc : memref<!tpu.dma_semaphore, #tpu.memory_space<semaphore_mem>>
        %dma_start3A = tpu.memref_slice %arg3[%mul3A_10] : memref<819200xi32, #tpu.memory_space<hbm>> -> memref<16384xi32, #tpu.memory_space<hbm>>
        %dma_start3A_11 = tpu.memref_slice %arg3[%mul3A_10] : memref<819200xi32, #tpu.memory_space<hbm>> -> memref<16384xi32, #tpu.memory_space<hbm>>
        tpu.enqueue_dma source(%arg4 : memref<16384xi32, #tpu.memory_space<vmem>>) target(%dma_start3A_11 : memref<16384xi32, #tpu.memory_space<hbm>>) target_semaphore(%run_scoped3A : memref<!tpu.dma_semaphore, #tpu.memory_space<semaphore_mem>>)
        %dma_wait3A = tpu.memref_slice %arg3[%mul3A_10] : memref<819200xi32, #tpu.memory_space<hbm>> -> memref<16384xi32, #tpu.memory_space<hbm>>
        %dma_wait3A_12 = tpu.memref_slice %arg3[%mul3A_10] : memref<819200xi32, #tpu.memory_space<hbm>> -> memref<16384xi32, #tpu.memory_space<hbm>>
        tpu.wait_dma2 semaphore(%run_scoped3A : memref<!tpu.dma_semaphore, #tpu.memory_space<semaphore_mem>>) src(%arg4 : memref<16384xi32, #tpu.memory_space<vmem>>) dst(%dma_wait3A_12 : memref<16384xi32, #tpu.memory_space<hbm>>)
        tpu.yield
      }) : () -> ()
    } else {
    }
    return
  }
}

#map = affine_map<(d0, d1) -> (0, 0)>
module attributes {stable_mosaic.version = 14 : i64} {
  func.func @_gather_kernel(%arg0: i32, %arg1: i32, %arg2: memref<1000000x32xf32, #tpu.memory_space<hbm>>, %arg3: memref<6400x128xi32, #tpu.memory_space<hbm>>, %arg4: memref<204800x128xf32, #tpu.memory_space<hbm>>, %arg5: memref<128xi32, #tpu.memory_space<vmem>>, %arg6: memref<128xi32, #tpu.memory_space<vmem>>, %arg7: memref<128x32xf32, #tpu.memory_space<vmem>>, %arg8: memref<128x32xf32, #tpu.memory_space<vmem>>, %arg9: memref<32x129xf32, #tpu.memory_space<vmem>>, %arg10: memref<32x129xf32, #tpu.memory_space<vmem>>, %arg11: memref<!tpu.dma_semaphore, #tpu.memory_space<semaphore_mem>>, %arg12: memref<!tpu.dma_semaphore, #tpu.memory_space<semaphore_mem>>, %arg13: memref<!tpu.dma_semaphore, #tpu.memory_space<semaphore_mem>>, %arg14: memref<!tpu.dma_semaphore, #tpu.memory_space<semaphore_mem>>, %arg15: memref<!tpu.dma_semaphore, #tpu.memory_space<semaphore_mem>>, %arg16: memref<!tpu.dma_semaphore, #tpu.memory_space<semaphore_mem>>) attributes {dimension_semantics = [#tpu.dimension_semantics<core_parallel>, #tpu.dimension_semantics<subcore_parallel>], iteration_bounds = array<i64: 2, 16>, scalar_prefetch = 0 : i64, scratch_operands = 12 : i64, tpu.core_type = #tpu.core_type<sc_vector_subcore>, window_params = [{transform_indices = #map}, {transform_indices = #map}, {transform_indices = #map}]} {
    %mul3A = arith.constant 2 : i32
    %mul3A_0 = arith.muli %arg1, %mul3A : i32
    %add3A = arith.addi %mul3A_0, %arg0 : i32
    %iota3A = tpu.iota {dimensions = array<i32: 0>} : vector<16xi32>
    %add3A_1 = arith.constant 16 : i32
    %add3A_2 = vector.broadcast %add3A_1 : i32 to vector<16xi32>
    %add3A_3 = arith.addi %iota3A, %add3A_2 : vector<16xi32>
    %add3A_4 = arith.constant 0 : i32
    %add3A_5 = arith.addi %add3A, %add3A_4 : i32
    %dma_start3A = arith.constant 0 : i32
    %dma_start3A_6 = tpu.memref_slice %arg3[%add3A_5, %dma_start3A] : memref<6400x128xi32, #tpu.memory_space<hbm>> -> memref<1x128xi32, #tpu.memory_space<hbm>>
    %dma_start3A_7 = tpu.memref_squeeze %dma_start3A_6 : memref<1x128xi32, #tpu.memory_space<hbm>> -> memref<128xi32, #tpu.memory_space<hbm>>
    %dma_start3A_8 = arith.constant 0 : i32
    %dma_start3A_9 = tpu.memref_slice %arg3[%add3A_5, %dma_start3A_8] : memref<6400x128xi32, #tpu.memory_space<hbm>> -> memref<1x128xi32, #tpu.memory_space<hbm>>
    %dma_start3A_10 = tpu.memref_squeeze %dma_start3A_9 : memref<1x128xi32, #tpu.memory_space<hbm>> -> memref<128xi32, #tpu.memory_space<hbm>>
    tpu.enqueue_dma source(%dma_start3A_10 : memref<128xi32, #tpu.memory_space<hbm>>) target(%arg5 : memref<128xi32, #tpu.memory_space<vmem>>) target_semaphore(%arg11 : memref<!tpu.dma_semaphore, #tpu.memory_space<semaphore_mem>>)
    %dma_wait3A = arith.constant 0 : i32
    %dma_wait3A_11 = arith.constant 0 : i32
    %dma_wait3A_12 = tpu.memref_slice %arg3[%dma_wait3A, %dma_wait3A_11] : memref<6400x128xi32, #tpu.memory_space<hbm>> -> memref<1x128xi32, #tpu.memory_space<hbm>>
    %dma_wait3A_13 = tpu.memref_squeeze %dma_wait3A_12 : memref<1x128xi32, #tpu.memory_space<hbm>> -> memref<128xi32, #tpu.memory_space<hbm>>
    %dma_wait3A_14 = arith.constant 0 : i32
    %dma_wait3A_15 = tpu.memref_slice %arg3[%dma_wait3A, %dma_wait3A_14] : memref<6400x128xi32, #tpu.memory_space<hbm>> -> memref<1x128xi32, #tpu.memory_space<hbm>>
    %dma_wait3A_16 = tpu.memref_squeeze %dma_wait3A_15 : memref<1x128xi32, #tpu.memory_space<hbm>> -> memref<128xi32, #tpu.memory_space<hbm>>
    tpu.wait_dma2 semaphore(%arg11 : memref<!tpu.dma_semaphore, #tpu.memory_space<semaphore_mem>>) src(%dma_wait3A_16 : memref<128xi32, #tpu.memory_space<hbm>>) dst(%arg5 : memref<128xi32, #tpu.memory_space<vmem>>)
    %dma_start3A_17 = arith.constant 0 : i32
    %dma_start3A_18 = arith.constant 0 : i32
    %dma_start3A_19 = tpu.memref_slice %arg2[%dma_start3A_17, %dma_start3A_18] : memref<1000000x32xf32, #tpu.memory_space<hbm>> -> memref<1000000x32xf32, #tpu.memory_space<hbm>>
    tpu.enqueue_indirect_dma source(%dma_start3A_19 : memref<1000000x32xf32, #tpu.memory_space<hbm>>) target(%arg7 : memref<128x32xf32, #tpu.memory_space<vmem>>) offsets(%arg5 : memref<128xi32, #tpu.memory_space<vmem>>) semaphore(%arg13 : memref<!tpu.dma_semaphore, #tpu.memory_space<semaphore_mem>>)
    %add3A_20 = arith.constant 32 : i32
    %add3A_21 = arith.addi %add3A, %add3A_20 : i32
    %dma_start3A_22 = arith.constant 0 : i32
    %dma_start3A_23 = tpu.memref_slice %arg3[%add3A_21, %dma_start3A_22] : memref<6400x128xi32, #tpu.memory_space<hbm>> -> memref<1x128xi32, #tpu.memory_space<hbm>>
    %dma_start3A_24 = tpu.memref_squeeze %dma_start3A_23 : memref<1x128xi32, #tpu.memory_space<hbm>> -> memref<128xi32, #tpu.memory_space<hbm>>
    %dma_start3A_25 = arith.constant 0 : i32
    %dma_start3A_26 = tpu.memref_slice %arg3[%add3A_21, %dma_start3A_25] : memref<6400x128xi32, #tpu.memory_space<hbm>> -> memref<1x128xi32, #tpu.memory_space<hbm>>
    %dma_start3A_27 = tpu.memref_squeeze %dma_start3A_26 : memref<1x128xi32, #tpu.memory_space<hbm>> -> memref<128xi32, #tpu.memory_space<hbm>>
    tpu.enqueue_dma source(%dma_start3A_27 : memref<128xi32, #tpu.memory_space<hbm>>) target(%arg6 : memref<128xi32, #tpu.memory_space<vmem>>) target_semaphore(%arg12 : memref<!tpu.dma_semaphore, #tpu.memory_space<semaphore_mem>>)
    %scan3A = arith.constant 0 : i32
    %scan3A_28 = arith.constant 0 : i32
    %scan3A_29 = arith.constant 100 : i32
    %scan3A_30 = arith.addi %scan3A_28, %scan3A_29 : i32
    %scan3A_31 = arith.constant 1 : i32
    scf.for %scan3A_129 = %scan3A_28 to %scan3A_30 step %scan3A_31  : i32 {
      %mul3A_130 = arith.constant 2 : i32
      %mul3A_131 = arith.muli %mul3A_130, %scan3A_129 : i32
      %add3A_132 = arith.constant 0 : i32
      %add3A_133 = arith.addi %mul3A_131, %add3A_132 : i32
      %dma_wait3A_134 = arith.constant 0 : i32
      %dma_wait3A_135 = arith.constant 0 : i32
      %dma_wait3A_136 = tpu.memref_slice %arg2[%dma_wait3A_134, %dma_wait3A_135] : memref<1000000x32xf32, #tpu.memory_space<hbm>> -> memref<128x32xf32, #tpu.memory_space<hbm>>
      %dma_wait3A_137 = arith.constant 0 : i32
      %dma_wait3A_138 = arith.constant 0 : i32
      %dma_wait3A_139 = tpu.memref_slice %arg2[%dma_wait3A_137, %dma_wait3A_138] : memref<1000000x32xf32, #tpu.memory_space<hbm>> -> memref<128x32xf32, #tpu.memory_space<hbm>>
      tpu.wait_dma2 semaphore(%arg13 : memref<!tpu.dma_semaphore, #tpu.memory_space<semaphore_mem>>) src(%dma_wait3A_139 : memref<128x32xf32, #tpu.memory_space<hbm>>) dst(%arg7 : memref<128x32xf32, #tpu.memory_space<vmem>>)
      %add3A_140 = arith.constant 1 : i32
      %add3A_141 = arith.addi %add3A_133, %add3A_140 : i32
      %lt3A = arith.constant 200 : i32
      %lt3A_142 = arith.cmpi slt, %add3A_141, %lt3A : i32
      %convert_element_type3A = arith.extui %lt3A_142 : i1 to i32
      %cond3A = arith.constant 0 : i32
      %cond3A_143 = arith.cmpi ne, %convert_element_type3A, %cond3A : i32
      scf.if %cond3A_143 {
        %dma_wait3A_2944 = arith.constant 0 : i32
        %dma_wait3A_2945 = arith.constant 0 : i32
        %dma_wait3A_2946 = tpu.memref_slice %arg3[%dma_wait3A_2944, %dma_wait3A_2945] : memref<6400x128xi32, #tpu.memory_space<hbm>> -> memref<1x128xi32, #tpu.memory_space<hbm>>
        %dma_wait3A_2947 = tpu.memref_squeeze %dma_wait3A_2946 : memref<1x128xi32, #tpu.memory_space<hbm>> -> memref<128xi32, #tpu.memory_space<hbm>>
        %dma_wait3A_2948 = arith.constant 0 : i32
        %dma_wait3A_2949 = tpu.memref_slice %arg3[%dma_wait3A_2944, %dma_wait3A_2948] : memref<6400x128xi32, #tpu.memory_space<hbm>> -> memref<1x128xi32, #tpu.memory_space<hbm>>
        %dma_wait3A_2950 = tpu.memref_squeeze %dma_wait3A_2949 : memref<1x128xi32, #tpu.memory_space<hbm>> -> memref<128xi32, #tpu.memory_space<hbm>>
        tpu.wait_dma2 semaphore(%arg12 : memref<!tpu.dma_semaphore, #tpu.memory_space<semaphore_mem>>) src(%dma_wait3A_2950 : memref<128xi32, #tpu.memory_space<hbm>>) dst(%arg6 : memref<128xi32, #tpu.memory_space<vmem>>)
        %dma_start3A_2951 = arith.constant 0 : i32
        %dma_start3A_2952 = arith.constant 0 : i32
        %dma_start3A_2953 = tpu.memref_slice %arg2[%dma_start3A_2951, %dma_start3A_2952] : memref<1000000x32xf32, #tpu.memory_space<hbm>> -> memref<1000000x32xf32, #tpu.memory_space<hbm>>
        tpu.enqueue_indirect_dma source(%dma_start3A_2953 : memref<1000000x32xf32, #tpu.memory_space<hbm>>) target(%arg8 : memref<128x32xf32, #tpu.memory_space<vmem>>) offsets(%arg6 : memref<128xi32, #tpu.memory_space<vmem>>) semaphore(%arg14 : memref<!tpu.dma_semaphore, #tpu.memory_space<semaphore_mem>>)
      } else {
      }
      %add3A_144 = arith.constant 2 : i32
      %add3A_145 = arith.addi %add3A_133, %add3A_144 : i32
      %lt3A_146 = arith.constant 200 : i32
      %lt3A_147 = arith.cmpi slt, %add3A_145, %lt3A_146 : i32
      %convert_element_type3A_148 = arith.extui %lt3A_147 : i1 to i32
      %cond3A_149 = arith.constant 0 : i32
      %cond3A_150 = arith.cmpi ne, %convert_element_type3A_148, %cond3A_149 : i32
      scf.if %cond3A_150 {
        %add3A_2944 = arith.constant 2 : i32
        %add3A_2945 = arith.addi %add3A_133, %add3A_2944 : i32
        %mul3A_2946 = arith.constant 32 : i32
        %mul3A_2947 = arith.muli %mul3A_2946, %add3A_2945 : i32
        %add3A_2948 = arith.addi %add3A, %mul3A_2947 : i32
        %dma_start3A_2949 = arith.constant 0 : i32
        %dma_start3A_2950 = tpu.memref_slice %arg3[%add3A_2948, %dma_start3A_2949] : memref<6400x128xi32, #tpu.memory_space<hbm>> -> memref<1x128xi32, #tpu.memory_space<hbm>>
        %dma_start3A_2951 = tpu.memref_squeeze %dma_start3A_2950 : memref<1x128xi32, #tpu.memory_space<hbm>> -> memref<128xi32, #tpu.memory_space<hbm>>
        %dma_start3A_2952 = arith.constant 0 : i32
        %dma_start3A_2953 = tpu.memref_slice %arg3[%add3A_2948, %dma_start3A_2952] : memref<6400x128xi32, #tpu.memory_space<hbm>> -> memref<1x128xi32, #tpu.memory_space<hbm>>
        %dma_start3A_2954 = tpu.memref_squeeze %dma_start3A_2953 : memref<1x128xi32, #tpu.memory_space<hbm>> -> memref<128xi32, #tpu.memory_space<hbm>>
        tpu.enqueue_dma source(%dma_start3A_2954 : memref<128xi32, #tpu.memory_space<hbm>>) target(%arg5 : memref<128xi32, #tpu.memory_space<vmem>>) target_semaphore(%arg11 : memref<!tpu.dma_semaphore, #tpu.memory_space<semaphore_mem>>)
      } else {
      }
      %ge3A = arith.constant 2 : i32
      %ge3A_151 = arith.cmpi sge, %add3A_133, %ge3A : i32
      %convert_element_type3A_152 = arith.extui %ge3A_151 : i1 to i32
      %cond3A_153 = arith.constant 0 : i32
      %cond3A_154 = arith.cmpi ne, %convert_element_type3A_152, %cond3A_153 : i32
      scf.if %cond3A_154 {
        %dma_wait3A_2944 = arith.constant 0 : i32
        %dma_wait3A_2945 = arith.constant 0 : i32
        %dma_wait3A_2946 = tpu.memref_slice %arg9[%dma_wait3A_2944, %dma_wait3A_2945] : memref<32x129xf32, #tpu.memory_space<vmem>> -> memref<8x128xf32, #tpu.memory_space<vmem>>
        %dma_wait3A_2947 = arith.constant 0 : i32
        %dma_wait3A_2948 = arith.constant 0 : i32
        %dma_wait3A_2949 = tpu.memref_slice %arg4[%dma_wait3A_2947, %dma_wait3A_2948] : memref<204800x128xf32, #tpu.memory_space<hbm>> -> memref<8x128xf32, #tpu.memory_space<hbm>>
        %dma_wait3A_2950 = arith.constant 0 : i32
        %dma_wait3A_2951 = arith.constant 0 : i32
        %dma_wait3A_2952 = tpu.memref_slice %arg4[%dma_wait3A_2950, %dma_wait3A_2951] : memref<204800x128xf32, #tpu.memory_space<hbm>> -> memref<8x128xf32, #tpu.memory_space<hbm>>
        %dma_wait3A_2953 = arith.constant 0 : i32
        %dma_wait3A_2954 = arith.constant 0 : i32
        %dma_wait3A_2955 = tpu.memref_slice %arg9[%dma_wait3A_2953, %dma_wait3A_2954] : memref<32x129xf32, #tpu.memory_space<vmem>> -> memref<8x128xf32, #tpu.memory_space<vmem>>
        tpu.wait_dma2 semaphore(%arg15 : memref<!tpu.dma_semaphore, #tpu.memory_space<semaphore_mem>>) src(%dma_wait3A_2955 : memref<8x128xf32, #tpu.memory_space<vmem>>) dst(%dma_wait3A_2952 : memref<8x128xf32, #tpu.memory_space<hbm>>)
        %dma_wait3A_2956 = arith.constant 0 : i32
        %dma_wait3A_2957 = arith.constant 0 : i32
        %dma_wait3A_2958 = tpu.memref_slice %arg9[%dma_wait3A_2956, %dma_wait3A_2957] : memref<32x129xf32, #tpu.memory_space<vmem>> -> memref<8x128xf32, #tpu.memory_space<vmem>>
        %dma_wait3A_2959 = arith.constant 0 : i32
        %dma_wait3A_2960 = arith.constant 0 : i32
        %dma_wait3A_2961 = tpu.memref_slice %arg4[%dma_wait3A_2959, %dma_wait3A_2960] : memref<204800x128xf32, #tpu.memory_space<hbm>> -> memref<8x128xf32, #tpu.memory_space<hbm>>
        %dma_wait3A_2962 = arith.constant 0 : i32
        %dma_wait3A_2963 = arith.constant 0 : i32
        %dma_wait3A_2964 = tpu.memref_slice %arg4[%dma_wait3A_2962, %dma_wait3A_2963] : memref<204800x128xf32, #tpu.memory_space<hbm>> -> memref<8x128xf32, #tpu.memory_space<hbm>>
        %dma_wait3A_2965 = arith.constant 0 : i32
        %dma_wait3A_2966 = arith.constant 0 : i32
        %dma_wait3A_2967 = tpu.memref_slice %arg9[%dma_wait3A_2965, %dma_wait3A_2966] : memref<32x129xf32, #tpu.memory_space<vmem>> -> memref<8x128xf32, #tpu.memory_space<vmem>>
        tpu.wait_dma2 semaphore(%arg15 : memref<!tpu.dma_semaphore, #tpu.memory_space<semaphore_mem>>) src(%dma_wait3A_2967 : memref<8x128xf32, #tpu.memory_space<vmem>>) dst(%dma_wait3A_2964 : memref<8x128xf32, #tpu.memory_space<hbm>>)
        %dma_wait3A_2968 = arith.constant 0 : i32
        %dma_wait3A_2969 = arith.constant 0 : i32
        %dma_wait3A_2970 = tpu.memref_slice %arg9[%dma_wait3A_2968, %dma_wait3A_2969] : memref<32x129xf32, #tpu.memory_space<vmem>> -> memref<8x128xf32, #tpu.memory_space<vmem>>
        %dma_wait3A_2971 = arith.constant 0 : i32
        %dma_wait3A_2972 = arith.constant 0 : i32
        %dma_wait3A_2973 = tpu.memref_slice %arg4[%dma_wait3A_2971, %dma_wait3A_2972] : memref<204800x128xf32, #tpu.memory_space<hbm>> -> memref<8x128xf32, #tpu.memory_space<hbm>>
        %dma_wait3A_2974 = arith.constant 0 : i32
        %dma_wait3A_2975 = arith.constant 0 : i32
        %dma_wait3A_2976 = tpu.memref_slice %arg4[%dma_wait3A_2974, %dma_wait3A_2975] : memref<204800x128xf32, #tpu.memory_space<hbm>> -> memref<8x128xf32, #tpu.memory_space<hbm>>
        %dma_wait3A_2977 = arith.constant 0 : i32
        %dma_wait3A_2978 = arith.constant 0 : i32
        %dma_wait3A_2979 = tpu.memref_slice %arg9[%dma_wait3A_2977, %dma_wait3A_2978] : memref<32x129xf32, #tpu.memory_space<vmem>> -> memref<8x128xf32, #tpu.memory_space<vmem>>
        tpu.wait_dma2 semaphore(%arg15 : memref<!tpu.dma_semaphore, #tpu.memory_space<semaphore_mem>>) src(%dma_wait3A_2979 : memref<8x128xf32, #tpu.memory_space<vmem>>) dst(%dma_wait3A_2976 : memref<8x128xf32, #tpu.memory_space<hbm>>)
        %dma_wait3A_2980 = arith.constant 0 : i32
        %dma_wait3A_2981 = arith.constant 0 : i32
        %dma_wait3A_2982 = tpu.memref_slice %arg9[%dma_wait3A_2980, %dma_wait3A_2981] : memref<32x129xf32, #tpu.memory_space<vmem>> -> memref<8x128xf32, #tpu.memory_space<vmem>>
        %dma_wait3A_2983 = arith.constant 0 : i32
        %dma_wait3A_2984 = arith.constant 0 : i32
        %dma_wait3A_2985 = tpu.memref_slice %arg4[%dma_wait3A_2983, %dma_wait3A_2984] : memref<204800x128xf32, #tpu.memory_space<hbm>> -> memref<8x128xf32, #tpu.memory_space<hbm>>
        %dma_wait3A_2986 = arith.constant 0 : i32
        %dma_wait3A_2987 = arith.constant 0 : i32
        %dma_wait3A_2988 = tpu.memref_slice %arg4[%dma_wait3A_2986, %dma_wait3A_2987] : memref<204800x128xf32, #tpu.memory_space<hbm>> -> memref<8x128xf32, #tpu.memory_space<hbm>>
        %dma_wait3A_2989 = arith.constant 0 : i32
        %dma_wait3A_2990 = arith.constant 0 : i32
        %dma_wait3A_2991 = tpu.memref_slice %arg9[%dma_wait3A_2989, %dma_wait3A_2990] : memref<32x129xf32, #tpu.memory_space<vmem>> -> memref<8x128xf32, #tpu.memory_space<vmem>>
        tpu.wait_dma2 semaphore(%arg15 : memref<!tpu.dma_semaphore, #tpu.memory_space<semaphore_mem>>) src(%dma_wait3A_2991 : memref<8x128xf32, #tpu.memory_space<vmem>>) dst(%dma_wait3A_2988 : memref<8x128xf32, #tpu.memory_space<hbm>>)
      } else {
      }
      %broadcast_in_dim3A = arith.constant 0 : i32
      %broadcast_in_dim3A_155 = vector.broadcast %broadcast_in_dim3A : i32 to vector<16xi32>
      %get3A = arith.constant 0 : i32
      %get3A_156 = arith.index_cast %get3A : i32 to index
      %get3A_157 = arith.constant 0 : index
      %get3A_158 = tpu.vector_load %arg7[%get3A_156, %get3A_157] {strides = array<i32>} : memref<128x32xf32, #tpu.memory_space<vmem>>, vector<16xf32>,
      %get3A_159 = arith.constant 0 : i32
      %get3A_160 = arith.index_cast %get3A_159 : i32 to index
      %get3A_161 = arith.constant 16 : index
      %get3A_162 = tpu.vector_load %arg7[%get3A_160, %get3A_161] {strides = array<i32>} : memref<128x32xf32, #tpu.memory_space<vmem>>, vector<16xf32>,
      tpu.vector_store_idx %arg9[%iota3A, %broadcast_in_dim3A_155], %get3A_158 : memref<32x129xf32, #tpu.memory_space<vmem>>[vector<16xi32>, vector<16xi32>], vector<16xf32>,
      tpu.vector_store_idx %arg9[%add3A_3, %broadcast_in_dim3A_155], %get3A_162 : memref<32x129xf32, #tpu.memory_space<vmem>>[vector<16xi32>, vector<16xi32>], vector<16xf32>,
      %broadcast_in_dim3A_163 = arith.constant 1 : i32
      %broadcast_in_dim3A_164 = vector.broadcast %broadcast_in_dim3A_163 : i32 to vector<16xi32>
      %get3A_165 = arith.constant 1 : i32
      %get3A_166 = arith.index_cast %get3A_165 : i32 to index
      %get3A_167 = arith.constant 0 : index
      %get3A_168 = tpu.vector_load %arg7[%get3A_166, %get3A_167] {strides = array<i32>} : memref<128x32xf32, #tpu.memory_space<vmem>>, vector<16xf32>,
      %get3A_169 = arith.constant 1 : i32
      %get3A_170 = arith.index_cast %get3A_169 : i32 to index
      %get3A_171 = arith.constant 16 : index
      %get3A_172 = tpu.vector_load %arg7[%get3A_170, %get3A_171] {strides = array<i32>} : memref<128x32xf32, #tpu.memory_space<vmem>>, vector<16xf32>,
      tpu.vector_store_idx %arg9[%iota3A, %broadcast_in_dim3A_164], %get3A_168 : memref<32x129xf32, #tpu.memory_space<vmem>>[vector<16xi32>, vector<16xi32>], vector<16xf32>,
      tpu.vector_store_idx %arg9[%add3A_3, %broadcast_in_dim3A_164], %get3A_172 : memref<32x129xf32, #tpu.memory_space<vmem>>[vector<16xi32>, vector<16xi32>], vector<16xf32>,
      %broadcast_in_dim3A_173 = arith.constant 2 : i32
      %broadcast_in_dim3A_174 = vector.broadcast %broadcast_in_dim3A_173 : i32 to vector<16xi32>
      %get3A_175 = arith.constant 2 : i32
      %get3A_176 = arith.index_cast %get3A_175 : i32 to index
      %get3A_177 = arith.constant 0 : index
      %get3A_178 = tpu.vector_load %arg7[%get3A_176, %get3A_177] {strides = array<i32>} : memref<128x32xf32, #tpu.memory_space<vmem>>, vector<16xf32>,
      %get3A_179 = arith.constant 2 : i32
      %get3A_180 = arith.index_cast %get3A_179 : i32 to index
      %get3A_181 = arith.constant 16 : index
      %get3A_182 = tpu.vector_load %arg7[%get3A_180, %get3A_181] {strides = array<i32>} : memref<128x32xf32, #tpu.memory_space<vmem>>, vector<16xf32>,
      tpu.vector_store_idx %arg9[%iota3A, %broadcast_in_dim3A_174], %get3A_178 : memref<32x129xf32, #tpu.memory_space<vmem>>[vector<16xi32>, vector<16xi32>], vector<16xf32>,
      tpu.vector_store_idx %arg9[%add3A_3, %broadcast_in_dim3A_174], %get3A_182 : memref<32x129xf32, #tpu.memory_space<vmem>>[vector<16xi32>, vector<16xi32>], vector<16xf32>,
      %broadcast_in_dim3A_183 = arith.constant 3 : i32
      %broadcast_in_dim3A_184 = vector.broadcast %broadcast_in_dim3A_183 : i32 to vector<16xi32>
      %get3A_185 = arith.constant 3 : i32
      %get3A_186 = arith.index_cast %get3A_185 : i32 to index
      %get3A_187 = arith.constant 0 : index
      %get3A_188 = tpu.vector_load %arg7[%get3A_186, %get3A_187] {strides = array<i32>} : memref<128x32xf32, #tpu.memory_space<vmem>>, vector<16xf32>,
      %get3A_189 = arith.constant 3 : i32
      %get3A_190 = arith.index_cast %get3A_189 : i32 to index
      %get3A_191 = arith.constant 16 : index
      %get3A_192 = tpu.vector_load %arg7[%get3A_190, %get3A_191] {strides = array<i32>} : memref<128x32xf32, #tpu.memory_space<vmem>>, vector<16xf32>,
      tpu.vector_store_idx %arg9[%iota3A, %broadcast_in_dim3A_184], %get3A_188 : memref<32x129xf32, #tpu.memory_space<vmem>>[vector<16xi32>, vector<16xi32>], vector<16xf32>,
      tpu.vector_store_idx %arg9[%add3A_3, %broadcast_in_dim3A_184], %get3A_192 : memref<32x129xf32, #tpu.memory_space<vmem>>[vector<16xi32>, vector<16xi32>], vector<16xf32>,
      %broadcast_in_dim3A_193 = arith.constant 4 : i32
      %broadcast_in_dim3A_194 = vector.broadcast %broadcast_in_dim3A_193 : i32 to vector<16xi32>
      %get3A_195 = arith.constant 4 : i32
      %get3A_196 = arith.index_cast %get3A_195 : i32 to index
      %get3A_197 = arith.constant 0 : index
      %get3A_198 = tpu.vector_load %arg7[%get3A_196, %get3A_197] {strides = array<i32>} : memref<128x32xf32, #tpu.memory_space<vmem>>, vector<16xf32>,
      %get3A_199 = arith.constant 4 : i32
      %get3A_200 = arith.index_cast %get3A_199 : i32 to index
      %get3A_201 = arith.constant 16 : index
      %get3A_202 = tpu.vector_load %arg7[%get3A_200, %get3A_201] {strides = array<i32>} : memref<128x32xf32, #tpu.memory_space<vmem>>, vector<16xf32>,
      tpu.vector_store_idx %arg9[%iota3A, %broadcast_in_dim3A_194], %get3A_198 : memref<32x129xf32, #tpu.memory_space<vmem>>[vector<16xi32>, vector<16xi32>], vector<16xf32>,
      tpu.vector_store_idx %arg9[%add3A_3, %broadcast_in_dim3A_194], %get3A_202 : memref<32x129xf32, #tpu.memory_space<vmem>>[vector<16xi32>, vector<16xi32>], vector<16xf32>,
      %broadcast_in_dim3A_203 = arith.constant 5 : i32
      %broadcast_in_dim3A_204 = vector.broadcast %broadcast_in_dim3A_203 : i32 to vector<16xi32>
      %get3A_205 = arith.constant 5 : i32
      %get3A_206 = arith.index_cast %get3A_205 : i32 to index
      %get3A_207 = arith.constant 0 : index
      %get3A_208 = tpu.vector_load %arg7[%get3A_206, %get3A_207] {strides = array<i32>} : memref<128x32xf32, #tpu.memory_space<vmem>>, vector<16xf32>,
      %get3A_209 = arith.constant 5 : i32
      %get3A_210 = arith.index_cast %get3A_209 : i32 to index
      %get3A_211 = arith.constant 16 : index
      %get3A_212 = tpu.vector_load %arg7[%get3A_210, %get3A_211] {strides = array<i32>} : memref<128x32xf32, #tpu.memory_space<vmem>>, vector<16xf32>,
      tpu.vector_store_idx %arg9[%iota3A, %broadcast_in_dim3A_204], %get3A_208 : memref<32x129xf32, #tpu.memory_space<vmem>>[vector<16xi32>, vector<16xi32>], vector<16xf32>,
      tpu.vector_store_idx %arg9[%add3A_3, %broadcast_in_dim3A_204], %get3A_212 : memref<32x129xf32, #tpu.memory_space<vmem>>[vector<16xi32>, vector<16xi32>], vector<16xf32>,
      %broadcast_in_dim3A_213 = arith.constant 6 : i32
      %broadcast_in_dim3A_214 = vector.broadcast %broadcast_in_dim3A_213 : i32 to vector<16xi32>
      %get3A_215 = arith.constant 6 : i32
      %get3A_216 = arith.index_cast %get3A_215 : i32 to index
      %get3A_217 = arith.constant 0 : index
      %get3A_218 = tpu.vector_load %arg7[%get3A_216, %get3A_217] {strides = array<i32>} : memref<128x32xf32, #tpu.memory_space<vmem>>, vector<16xf32>,
      %get3A_219 = arith.constant 6 : i32
      %get3A_220 = arith.index_cast %get3A_219 : i32 to index
      %get3A_221 = arith.constant 16 : index
      %get3A_222 = tpu.vector_load %arg7[%get3A_220, %get3A_221] {strides = array<i32>} : memref<128x32xf32, #tpu.memory_space<vmem>>, vector<16xf32>,
      tpu.vector_store_idx %arg9[%iota3A, %broadcast_in_dim3A_214], %get3A_218 : memref<32x129xf32, #tpu.memory_space<vmem>>[vector<16xi32>, vector<16xi32>], vector<16xf32>,
      tpu.vector_store_idx %arg9[%add3A_3, %broadcast_in_dim3A_214], %get3A_222 : memref<32x129xf32, #tpu.memory_space<vmem>>[vector<16xi32>, vector<16xi32>], vector<16xf32>,
      %broadcast_in_dim3A_223 = arith.constant 7 : i32
      %broadcast_in_dim3A_224 = vector.broadcast %broadcast_in_dim3A_223 : i32 to vector<16xi32>
      %get3A_225 = arith.constant 7 : i32
      %get3A_226 = arith.index_cast %get3A_225 : i32 to index
      %get3A_227 = arith.constant 0 : index
      %get3A_228 = tpu.vector_load %arg7[%get3A_226, %get3A_227] {strides = array<i32>} : memref<128x32xf32, #tpu.memory_space<vmem>>, vector<16xf32>,
      %get3A_229 = arith.constant 7 : i32
      %get3A_230 = arith.index_cast %get3A_229 : i32 to index
      %get3A_231 = arith.constant 16 : index
      %get3A_232 = tpu.vector_load %arg7[%get3A_230, %get3A_231] {strides = array<i32>} : memref<128x32xf32, #tpu.memory_space<vmem>>, vector<16xf32>,
      tpu.vector_store_idx %arg9[%iota3A, %broadcast_in_dim3A_224], %get3A_228 : memref<32x129xf32, #tpu.memory_space<vmem>>[vector<16xi32>, vector<16xi32>], vector<16xf32>,
      tpu.vector_store_idx %arg9[%add3A_3, %broadcast_in_dim3A_224], %get3A_232 : memref<32x129xf32, #tpu.memory_space<vmem>>[vector<16xi32>, vector<16xi32>], vector<16xf32>,
      %broadcast_in_dim3A_233 = arith.constant 8 : i32
      %broadcast_in_dim3A_234 = vector.broadcast %broadcast_in_dim3A_233 : i32 to vector<16xi32>
      %get3A_235 = arith.constant 8 : i32
      %get3A_236 = arith.index_cast %get3A_235 : i32 to index
      %get3A_237 = arith.constant 0 : index
      %get3A_238 = tpu.vector_load %arg7[%get3A_236, %get3A_237] {strides = array<i32>} : memref<128x32xf32, #tpu.memory_space<vmem>>, vector<16xf32>,
      %get3A_239 = arith.constant 8 : i32
      %get3A_240 = arith.index_cast %get3A_239 : i32 to index
      %get3A_241 = arith.constant 16 : index
      %get3A_242 = tpu.vector_load %arg7[%get3A_240, %get3A_241] {strides = array<i32>} : memref<128x32xf32, #tpu.memory_space<vmem>>, vector<16xf32>,
      tpu.vector_store_idx %arg9[%iota3A, %broadcast_in_dim3A_234], %get3A_238 : memref<32x129xf32, #tpu.memory_space<vmem>>[vector<16xi32>, vector<16xi32>], vector<16xf32>,
      tpu.vector_store_idx %arg9[%add3A_3, %broadcast_in_dim3A_234], %get3A_242 : memref<32x129xf32, #tpu.memory_space<vmem>>[vector<16xi32>, vector<16xi32>], vector<16xf32>,
      %broadcast_in_dim3A_243 = arith.constant 9 : i32
      %broadcast_in_dim3A_244 = vector.broadcast %broadcast_in_dim3A_243 : i32 to vector<16xi32>
      %get3A_245 = arith.constant 9 : i32
      %get3A_246 = arith.index_cast %get3A_245 : i32 to index
      %get3A_247 = arith.constant 0 : index
      %get3A_248 = tpu.vector_load %arg7[%get3A_246, %get3A_247] {strides = array<i32>} : memref<128x32xf32, #tpu.memory_space<vmem>>, vector<16xf32>,
      %get3A_249 = arith.constant 9 : i32
      %get3A_250 = arith.index_cast %get3A_249 : i32 to index
      %get3A_251 = arith.constant 16 : index
      %get3A_252 = tpu.vector_load %arg7[%get3A_250, %get3A_251] {strides = array<i32>} : memref<128x32xf32, #tpu.memory_space<vmem>>, vector<16xf32>,
      tpu.vector_store_idx %arg9[%iota3A, %broadcast_in_dim3A_244], %get3A_248 : memref<32x129xf32, #tpu.memory_space<vmem>>[vector<16xi32>, vector<16xi32>], vector<16xf32>,
      tpu.vector_store_idx %arg9[%add3A_3, %broadcast_in_dim3A_244], %get3A_252 : memref<32x129xf32, #tpu.memory_space<vmem>>[vector<16xi32>, vector<16xi32>], vector<16xf32>,
      %broadcast_in_dim3A_253 = arith.constant 10 : i32
      %broadcast_in_dim3A_254 = vector.broadcast %broadcast_in_dim3A_253 : i32 to vector<16xi32>
      %get3A_255 = arith.constant 10 : i32
      %get3A_256 = arith.index_cast %get3A_255 : i32 to index
      %get3A_257 = arith.constant 0 : index
      %get3A_258 = tpu.vector_load %arg7[%get3A_256, %get3A_257] {strides = array<i32>} : memref<128x32xf32, #tpu.memory_space<vmem>>, vector<16xf32>,
      %get3A_259 = arith.constant 10 : i32
      %get3A_260 = arith.index_cast %get3A_259 : i32 to index
      %get3A_261 = arith.constant 16 : index
      %get3A_262 = tpu.vector_load %arg7[%get3A_260, %get3A_261] {strides = array<i32>} : memref<128x32xf32, #tpu.memory_space<vmem>>, vector<16xf32>,
      tpu.vector_store_idx %arg9[%iota3A, %broadcast_in_dim3A_254], %get3A_258 : memref<32x129xf32, #tpu.memory_space<vmem>>[vector<16xi32>, vector<16xi32>], vector<16xf32>,
      tpu.vector_store_idx %arg9[%add3A_3, %broadcast_in_dim3A_254], %get3A_262 : memref<32x129xf32, #tpu.memory_space<vmem>>[vector<16xi32>, vector<16xi32>], vector<16xf32>,
      %broadcast_in_dim3A_263 = arith.constant 11 : i32
      %broadcast_in_dim3A_264 = vector.broadcast %broadcast_in_dim3A_263 : i32 to vector<16xi32>
      %get3A_265 = arith.constant 11 : i32
      %get3A_266 = arith.index_cast %get3A_265 : i32 to index
      %get3A_267 = arith.constant 0 : index
      %get3A_268 = tpu.vector_load %arg7[%get3A_266, %get3A_267] {strides = array<i32>} : memref<128x32xf32, #tpu.memory_space<vmem>>, vector<16xf32>,
      %get3A_269 = arith.constant 11 : i32
      %get3A_270 = arith.index_cast %get3A_269 : i32 to index
      %get3A_271 = arith.constant 16 : index
      %get3A_272 = tpu.vector_load %arg7[%get3A_270, %get3A_271] {strides = array<i32>} : memref<128x32xf32, #tpu.memory_space<vmem>>, vector<16xf32>,
      tpu.vector_store_idx %arg9[%iota3A, %broadcast_in_dim3A_264], %get3A_268 : memref<32x129xf32, #tpu.memory_space<vmem>>[vector<16xi32>, vector<16xi32>], vector<16xf32>,
      tpu.vector_store_idx %arg9[%add3A_3, %broadcast_in_dim3A_264], %get3A_272 : memref<32x129xf32, #tpu.memory_space<vmem>>[vector<16xi32>, vector<16xi32>], vector<16xf32>,
      %broadcast_in_dim3A_273 = arith.constant 12 : i32
      %broadcast_in_dim3A_274 = vector.broadcast %broadcast_in_dim3A_273 : i32 to vector<16xi32>
      %get3A_275 = arith.constant 12 : i32
      %get3A_276 = arith.index_cast %get3A_275 : i32 to index
      %get3A_277 = arith.constant 0 : index
      %get3A_278 = tpu.vector_load %arg7[%get3A_276, %get3A_277] {strides = array<i32>} : memref<128x32xf32, #tpu.memory_space<vmem>>, vector<16xf32>,
      %get3A_279 = arith.constant 12 : i32
      %get3A_280 = arith.index_cast %get3A_279 : i32 to index
      %get3A_281 = arith.constant 16 : index
      %get3A_282 = tpu.vector_load %arg7[%get3A_280, %get3A_281] {strides = array<i32>} : memref<128x32xf32, #tpu.memory_space<vmem>>, vector<16xf32>,
      tpu.vector_store_idx %arg9[%iota3A, %broadcast_in_dim3A_274], %get3A_278 : memref<32x129xf32, #tpu.memory_space<vmem>>[vector<16xi32>, vector<16xi32>], vector<16xf32>,
      tpu.vector_store_idx %arg9[%add3A_3, %broadcast_in_dim3A_274], %get3A_282 : memref<32x129xf32, #tpu.memory_space<vmem>>[vector<16xi32>, vector<16xi32>], vector<16xf32>,
      %broadcast_in_dim3A_283 = arith.constant 13 : i32
      %broadcast_in_dim3A_284 = vector.broadcast %broadcast_in_dim3A_283 : i32 to vector<16xi32>
      %get3A_285 = arith.constant 13 : i32
      %get3A_286 = arith.index_cast %get3A_285 : i32 to index
      %get3A_287 = arith.constant 0 : index
      %get3A_288 = tpu.vector_load %arg7[%get3A_286, %get3A_287] {strides = array<i32>} : memref<128x32xf32, #tpu.memory_space<vmem>>, vector<16xf32>,
      %get3A_289 = arith.constant 13 : i32
      %get3A_290 = arith.index_cast %get3A_289 : i32 to index
      %get3A_291 = arith.constant 16 : index
      %get3A_292 = tpu.vector_load %arg7[%get3A_290, %get3A_291] {strides = array<i32>} : memref<128x32xf32, #tpu.memory_space<vmem>>, vector<16xf32>,
      tpu.vector_store_idx %arg9[%iota3A, %broadcast_in_dim3A_284], %get3A_288 : memref<32x129xf32, #tpu.memory_space<vmem>>[vector<16xi32>, vector<16xi32>], vector<16xf32>,
      tpu.vector_store_idx %arg9[%add3A_3, %broadcast_in_dim3A_284], %get3A_292 : memref<32x129xf32, #tpu.memory_space<vmem>>[vector<16xi32>, vector<16xi32>], vector<16xf32>,
      %broadcast_in_dim3A_293 = arith.constant 14 : i32
      %broadcast_in_dim3A_294 = vector.broadcast %broadcast_in_dim3A_293 : i32 to vector<16xi32>
      %get3A_295 = arith.constant 14 : i32
      %get3A_296 = arith.index_cast %get3A_295 : i32 to index
      %get3A_297 = arith.constant 0 : index
      %get3A_298 = tpu.vector_load %arg7[%get3A_296, %get3A_297] {strides = array<i32>} : memref<128x32xf32, #tpu.memory_space<vmem>>, vector<16xf32>,
      %get3A_299 = arith.constant 14 : i32
      %get3A_300 = arith.index_cast %get3A_299 : i32 to index
      %get3A_301 = arith.constant 16 : index
      %get3A_302 = tpu.vector_load %arg7[%get3A_300, %get3A_301] {strides = array<i32>} : memref<128x32xf32, #tpu.memory_space<vmem>>, vector<16xf32>,
      tpu.vector_store_idx %arg9[%iota3A, %broadcast_in_dim3A_294], %get3A_298 : memref<32x129xf32, #tpu.memory_space<vmem>>[vector<16xi32>, vector<16xi32>], vector<16xf32>,
      tpu.vector_store_idx %arg9[%add3A_3, %broadcast_in_dim3A_294], %get3A_302 : memref<32x129xf32, #tpu.memory_space<vmem>>[vector<16xi32>, vector<16xi32>], vector<16xf32>,
      %broadcast_in_dim3A_303 = arith.constant 15 : i32
      %broadcast_in_dim3A_304 = vector.broadcast %broadcast_in_dim3A_303 : i32 to vector<16xi32>
      %get3A_305 = arith.constant 15 : i32
      %get3A_306 = arith.index_cast %get3A_305 : i32 to index
      %get3A_307 = arith.constant 0 : index
      %get3A_308 = tpu.vector_load %arg7[%get3A_306, %get3A_307] {strides = array<i32>} : memref<128x32xf32, #tpu.memory_space<vmem>>, vector<16xf32>,
      %get3A_309 = arith.constant 15 : i32
      %get3A_310 = arith.index_cast %get3A_309 : i32 to index
      %get3A_311 = arith.constant 16 : index
      %get3A_312 = tpu.vector_load %arg7[%get3A_310, %get3A_311] {strides = array<i32>} : memref<128x32xf32, #tpu.memory_space<vmem>>, vector<16xf32>,
      tpu.vector_store_idx %arg9[%iota3A, %broadcast_in_dim3A_304], %get3A_308 : memref<32x129xf32, #tpu.memory_space<vmem>>[vector<16xi32>, vector<16xi32>], vector<16xf32>,
      tpu.vector_store_idx %arg9[%add3A_3, %broadcast_in_dim3A_304], %get3A_312 : memref<32x129xf32, #tpu.memory_space<vmem>>[vector<16xi32>, vector<16xi32>], vector<16xf32>,
      %broadcast_in_dim3A_313 = arith.constant 16 : i32
      %broadcast_in_dim3A_314 = vector.broadcast %broadcast_in_dim3A_313 : i32 to vector<16xi32>
      %get3A_315 = arith.constant 16 : i32
      %get3A_316 = arith.index_cast %get3A_315 : i32 to index
      %get3A_317 = arith.constant 0 : index
      %get3A_318 = tpu.vector_load %arg7[%get3A_316, %get3A_317] {strides = array<i32>} : memref<128x32xf32, #tpu.memory_space<vmem>>, vector<16xf32>,
      %get3A_319 = arith.constant 16 : i32
      %get3A_320 = arith.index_cast %get3A_319 : i32 to index
      %get3A_321 = arith.constant 16 : index
      %get3A_322 = tpu.vector_load %arg7[%get3A_320, %get3A_321] {strides = array<i32>} : memref<128x32xf32, #tpu.memory_space<vmem>>, vector<16xf32>,
      tpu.vector_store_idx %arg9[%iota3A, %broadcast_in_dim3A_314], %get3A_318 : memref<32x129xf32, #tpu.memory_space<vmem>>[vector<16xi32>, vector<16xi32>], vector<16xf32>,
      tpu.vector_store_idx %arg9[%add3A_3, %broadcast_in_dim3A_314], %get3A_322 : memref<32x129xf32, #tpu.memory_space<vmem>>[vector<16xi32>, vector<16xi32>], vector<16xf32>,
      %broadcast_in_dim3A_323 = arith.constant 17 : i32
      %broadcast_in_dim3A_324 = vector.broadcast %broadcast_in_dim3A_323 : i32 to vector<16xi32>
      %get3A_325 = arith.constant 17 : i32
      %get3A_326 = arith.index_cast %get3A_325 : i32 to index
      %get3A_327 = arith.constant 0 : index
      %get3A_328 = tpu.vector_load %arg7[%get3A_326, %get3A_327] {strides = array<i32>} : memref<128x32xf32, #tpu.memory_space<vmem>>, vector<16xf32>,
      %get3A_329 = arith.constant 17 : i32
      %get3A_330 = arith.index_cast %get3A_329 : i32 to index
      %get3A_331 = arith.constant 16 : index
      %get3A_332 = tpu.vector_load %arg7[%get3A_330, %get3A_331] {strides = array<i32>} : memref<128x32xf32, #tpu.memory_space<vmem>>, vector<16xf32>,
      tpu.vector_store_idx %arg9[%iota3A, %broadcast_in_dim3A_324], %get3A_328 : memref<32x129xf32, #tpu.memory_space<vmem>>[vector<16xi32>, vector<16xi32>], vector<16xf32>,
      tpu.vector_store_idx %arg9[%add3A_3, %broadcast_in_dim3A_324], %get3A_332 : memref<32x129xf32, #tpu.memory_space<vmem>>[vector<16xi32>, vector<16xi32>], vector<16xf32>,
      %broadcast_in_dim3A_333 = arith.constant 18 : i32
      %broadcast_in_dim3A_334 = vector.broadcast %broadcast_in_dim3A_333 : i32 to vector<16xi32>
      %get3A_335 = arith.constant 18 : i32
      %get3A_336 = arith.index_cast %get3A_335 : i32 to index
      %get3A_337 = arith.constant 0 : index
      %get3A_338 = tpu.vector_load %arg7[%get3A_336, %get3A_337] {strides = array<i32>} : memref<128x32xf32, #tpu.memory_space<vmem>>, vector<16xf32>,
      %get3A_339 = arith.constant 18 : i32
      %get3A_340 = arith.index_cast %get3A_339 : i32 to index
      %get3A_341 = arith.constant 16 : index
      %get3A_342 = tpu.vector_load %arg7[%get3A_340, %get3A_341] {strides = array<i32>} : memref<128x32xf32, #tpu.memory_space<vmem>>, vector<16xf32>,
      tpu.vector_store_idx %arg9[%iota3A, %broadcast_in_dim3A_334], %get3A_338 : memref<32x129xf32, #tpu.memory_space<vmem>>[vector<16xi32>, vector<16xi32>], vector<16xf32>,
      tpu.vector_store_idx %arg9[%add3A_3, %broadcast_in_dim3A_334], %get3A_342 : memref<32x129xf32, #tpu.memory_space<vmem>>[vector<16xi32>, vector<16xi32>], vector<16xf32>,
      %broadcast_in_dim3A_343 = arith.constant 19 : i32
      %broadcast_in_dim3A_344 = vector.broadcast %broadcast_in_dim3A_343 : i32 to vector<16xi32>
      %get3A_345 = arith.constant 19 : i32
      %get3A_346 = arith.index_cast %get3A_345 : i32 to index
      %get3A_347 = arith.constant 0 : index
      %get3A_348 = tpu.vector_load %arg7[%get3A_346, %get3A_347] {strides = array<i32>} : memref<128x32xf32, #tpu.memory_space<vmem>>, vector<16xf32>,
      %get3A_349 = arith.constant 19 : i32
      %get3A_350 = arith.index_cast %get3A_349 : i32 to index
      %get3A_351 = arith.constant 16 : index
      %get3A_352 = tpu.vector_load %arg7[%get3A_350, %get3A_351] {strides = array<i32>} : memref<128x32xf32, #tpu.memory_space<vmem>>, vector<16xf32>,
      tpu.vector_store_idx %arg9[%iota3A, %broadcast_in_dim3A_344], %get3A_348 : memref<32x129xf32, #tpu.memory_space<vmem>>[vector<16xi32>, vector<16xi32>], vector<16xf32>,
      tpu.vector_store_idx %arg9[%add3A_3, %broadcast_in_dim3A_344], %get3A_352 : memref<32x129xf32, #tpu.memory_space<vmem>>[vector<16xi32>, vector<16xi32>], vector<16xf32>,
      %broadcast_in_dim3A_353 = arith.constant 20 : i32
      %broadcast_in_dim3A_354 = vector.broadcast %broadcast_in_dim3A_353 : i32 to vector<16xi32>
      %get3A_355 = arith.constant 20 : i32
      %get3A_356 = arith.index_cast %get3A_355 : i32 to index
      %get3A_357 = arith.constant 0 : index
      %get3A_358 = tpu.vector_load %arg7[%get3A_356, %get3A_357] {strides = array<i32>} : memref<128x32xf32, #tpu.memory_space<vmem>>, vector<16xf32>,
      %get3A_359 = arith.constant 20 : i32
      %get3A_360 = arith.index_cast %get3A_359 : i32 to index
      %get3A_361 = arith.constant 16 : index
      %get3A_362 = tpu.vector_load %arg7[%get3A_360, %get3A_361] {strides = array<i32>} : memref<128x32xf32, #tpu.memory_space<vmem>>, vector<16xf32>,
      tpu.vector_store_idx %arg9[%iota3A, %broadcast_in_dim3A_354], %get3A_358 : memref<32x129xf32, #tpu.memory_space<vmem>>[vector<16xi32>, vector<16xi32>], vector<16xf32>,
      tpu.vector_store_idx %arg9[%add3A_3, %broadcast_in_dim3A_354], %get3A_362 : memref<32x129xf32, #tpu.memory_space<vmem>>[vector<16xi32>, vector<16xi32>], vector<16xf32>,
      %broadcast_in_dim3A_363 = arith.constant 21 : i32
      %broadcast_in_dim3A_364 = vector.broadcast %broadcast_in_dim3A_363 : i32 to vector<16xi32>
      %get3A_365 = arith.constant 21 : i32
      %get3A_366 = arith.index_cast %get3A_365 : i32 to index
      %get3A_367 = arith.constant 0 : index
      %get3A_368 = tpu.vector_load %arg7[%get3A_366, %get3A_367] {strides = array<i32>} : memref<128x32xf32, #tpu.memory_space<vmem>>, vector<16xf32>,
      %get3A_369 = arith.constant 21 : i32
      %get3A_370 = arith.index_cast %get3A_369 : i32 to index
      %get3A_371 = arith.constant 16 : index
      %get3A_372 = tpu.vector_load %arg7[%get3A_370, %get3A_371] {strides = array<i32>} : memref<128x32xf32, #tpu.memory_space<vmem>>, vector<16xf32>,
      tpu.vector_store_idx %arg9[%iota3A, %broadcast_in_dim3A_364], %get3A_368 : memref<32x129xf32, #tpu.memory_space<vmem>>[vector<16xi32>, vector<16xi32>], vector<16xf32>,
      tpu.vector_store_idx %arg9[%add3A_3, %broadcast_in_dim3A_364], %get3A_372 : memref<32x129xf32, #tpu.memory_space<vmem>>[vector<16xi32>, vector<16xi32>], vector<16xf32>,
      %broadcast_in_dim3A_373 = arith.constant 22 : i32
      %broadcast_in_dim3A_374 = vector.broadcast %broadcast_in_dim3A_373 : i32 to vector<16xi32>
      %get3A_375 = arith.constant 22 : i32
      %get3A_376 = arith.index_cast %get3A_375 : i32 to index
      %get3A_377 = arith.constant 0 : index
      %get3A_378 = tpu.vector_load %arg7[%get3A_376, %get3A_377] {strides = array<i32>} : memref<128x32xf32, #tpu.memory_space<vmem>>, vector<16xf32>,
      %get3A_379 = arith.constant 22 : i32
      %get3A_380 = arith.index_cast %get3A_379 : i32 to index
      %get3A_381 = arith.constant 16 : index
      %get3A_382 = tpu.vector_load %arg7[%get3A_380, %get3A_381] {strides = array<i32>} : memref<128x32xf32, #tpu.memory_space<vmem>>, vector<16xf32>,
      tpu.vector_store_idx %arg9[%iota3A, %broadcast_in_dim3A_374], %get3A_378 : memref<32x129xf32, #tpu.memory_space<vmem>>[vector<16xi32>, vector<16xi32>], vector<16xf32>,
      tpu.vector_store_idx %arg9[%add3A_3, %broadcast_in_dim3A_374], %get3A_382 : memref<32x129xf32, #tpu.memory_space<vmem>>[vector<16xi32>, vector<16xi32>], vector<16xf32>,
      %broadcast_in_dim3A_383 = arith.constant 23 : i32
      %broadcast_in_dim3A_384 = vector.broadcast %broadcast_in_dim3A_383 : i32 to vector<16xi32>
      %get3A_385 = arith.constant 23 : i32
      %get3A_386 = arith.index_cast %get3A_385 : i32 to index
      %get3A_387 = arith.constant 0 : index
      %get3A_388 = tpu.vector_load %arg7[%get3A_386, %get3A_387] {strides = array<i32>} : memref<128x32xf32, #tpu.memory_space<vmem>>, vector<16xf32>,
      %get3A_389 = arith.constant 23 : i32
      %get3A_390 = arith.index_cast %get3A_389 : i32 to index
      %get3A_391 = arith.constant 16 : index
      %get3A_392 = tpu.vector_load %arg7[%get3A_390, %get3A_391] {strides = array<i32>} : memref<128x32xf32, #tpu.memory_space<vmem>>, vector<16xf32>,
      tpu.vector_store_idx %arg9[%iota3A, %broadcast_in_dim3A_384], %get3A_388 : memref<32x129xf32, #tpu.memory_space<vmem>>[vector<16xi32>, vector<16xi32>], vector<16xf32>,
      tpu.vector_store_idx %arg9[%add3A_3, %broadcast_in_dim3A_384], %get3A_392 : memref<32x129xf32, #tpu.memory_space<vmem>>[vector<16xi32>, vector<16xi32>], vector<16xf32>,
      %broadcast_in_dim3A_393 = arith.constant 24 : i32
      %broadcast_in_dim3A_394 = vector.broadcast %broadcast_in_dim3A_393 : i32 to vector<16xi32>
      %get3A_395 = arith.constant 24 : i32
      %get3A_396 = arith.index_cast %get3A_395 : i32 to index
      %get3A_397 = arith.constant 0 : index
      %get3A_398 = tpu.vector_load %arg7[%get3A_396, %get3A_397] {strides = array<i32>} : memref<128x32xf32, #tpu.memory_space<vmem>>, vector<16xf32>,
      %get3A_399 = arith.constant 24 : i32
      %get3A_400 = arith.index_cast %get3A_399 : i32 to index
      %get3A_401 = arith.constant 16 : index
      %get3A_402 = tpu.vector_load %arg7[%get3A_400, %get3A_401] {strides = array<i32>} : memref<128x32xf32, #tpu.memory_space<vmem>>, vector<16xf32>,
      tpu.vector_store_idx %arg9[%iota3A, %broadcast_in_dim3A_394], %get3A_398 : memref<32x129xf32, #tpu.memory_space<vmem>>[vector<16xi32>, vector<16xi32>], vector<16xf32>,
      tpu.vector_store_idx %arg9[%add3A_3, %broadcast_in_dim3A_394], %get3A_402 : memref<32x129xf32, #tpu.memory_space<vmem>>[vector<16xi32>, vector<16xi32>], vector<16xf32>,
      %broadcast_in_dim3A_403 = arith.constant 25 : i32
      %broadcast_in_dim3A_404 = vector.broadcast %broadcast_in_dim3A_403 : i32 to vector<16xi32>
      %get3A_405 = arith.constant 25 : i32
      %get3A_406 = arith.index_cast %get3A_405 : i32 to index
      %get3A_407 = arith.constant 0 : index
      %get3A_408 = tpu.vector_load %arg7[%get3A_406, %get3A_407] {strides = array<i32>} : memref<128x32xf32, #tpu.memory_space<vmem>>, vector<16xf32>,
      %get3A_409 = arith.constant 25 : i32
      %get3A_410 = arith.index_cast %get3A_409 : i32 to index
      %get3A_411 = arith.constant 16 : index
      %get3A_412 = tpu.vector_load %arg7[%get3A_410, %get3A_411] {strides = array<i32>} : memref<128x32xf32, #tpu.memory_space<vmem>>, vector<16xf32>,
      tpu.vector_store_idx %arg9[%iota3A, %broadcast_in_dim3A_404], %get3A_408 : memref<32x129xf32, #tpu.memory_space<vmem>>[vector<16xi32>, vector<16xi32>], vector<16xf32>,
      tpu.vector_store_idx %arg9[%add3A_3, %broadcast_in_dim3A_404], %get3A_412 : memref<32x129xf32, #tpu.memory_space<vmem>>[vector<16xi32>, vector<16xi32>], vector<16xf32>,
      %broadcast_in_dim3A_413 = arith.constant 26 : i32
      %broadcast_in_dim3A_414 = vector.broadcast %broadcast_in_dim3A_413 : i32 to vector<16xi32>
      %get3A_415 = arith.constant 26 : i32
      %get3A_416 = arith.index_cast %get3A_415 : i32 to index
      %get3A_417 = arith.constant 0 : index
      %get3A_418 = tpu.vector_load %arg7[%get3A_416, %get3A_417] {strides = array<i32>} : memref<128x32xf32, #tpu.memory_space<vmem>>, vector<16xf32>,
      %get3A_419 = arith.constant 26 : i32
      %get3A_420 = arith.index_cast %get3A_419 : i32 to index
      %get3A_421 = arith.constant 16 : index
      %get3A_422 = tpu.vector_load %arg7[%get3A_420, %get3A_421] {strides = array<i32>} : memref<128x32xf32, #tpu.memory_space<vmem>>, vector<16xf32>,
      tpu.vector_store_idx %arg9[%iota3A, %broadcast_in_dim3A_414], %get3A_418 : memref<32x129xf32, #tpu.memory_space<vmem>>[vector<16xi32>, vector<16xi32>], vector<16xf32>,
      tpu.vector_store_idx %arg9[%add3A_3, %broadcast_in_dim3A_414], %get3A_422 : memref<32x129xf32, #tpu.memory_space<vmem>>[vector<16xi32>, vector<16xi32>], vector<16xf32>,
      %broadcast_in_dim3A_423 = arith.constant 27 : i32
      %broadcast_in_dim3A_424 = vector.broadcast %broadcast_in_dim3A_423 : i32 to vector<16xi32>
      %get3A_425 = arith.constant 27 : i32
      %get3A_426 = arith.index_cast %get3A_425 : i32 to index
      %get3A_427 = arith.constant 0 : index
      %get3A_428 = tpu.vector_load %arg7[%get3A_426, %get3A_427] {strides = array<i32>} : memref<128x32xf32, #tpu.memory_space<vmem>>, vector<16xf32>,
      %get3A_429 = arith.constant 27 : i32
      %get3A_430 = arith.index_cast %get3A_429 : i32 to index
      %get3A_431 = arith.constant 16 : index
      %get3A_432 = tpu.vector_load %arg7[%get3A_430, %get3A_431] {strides = array<i32>} : memref<128x32xf32, #tpu.memory_space<vmem>>, vector<16xf32>,
      tpu.vector_store_idx %arg9[%iota3A, %broadcast_in_dim3A_424], %get3A_428 : memref<32x129xf32, #tpu.memory_space<vmem>>[vector<16xi32>, vector<16xi32>], vector<16xf32>,
      tpu.vector_store_idx %arg9[%add3A_3, %broadcast_in_dim3A_424], %get3A_432 : memref<32x129xf32, #tpu.memory_space<vmem>>[vector<16xi32>, vector<16xi32>], vector<16xf32>,
      %broadcast_in_dim3A_433 = arith.constant 28 : i32
      %broadcast_in_dim3A_434 = vector.broadcast %broadcast_in_dim3A_433 : i32 to vector<16xi32>
      %get3A_435 = arith.constant 28 : i32
      %get3A_436 = arith.index_cast %get3A_435 : i32 to index
      %get3A_437 = arith.constant 0 : index
      %get3A_438 = tpu.vector_load %arg7[%get3A_436, %get3A_437] {strides = array<i32>} : memref<128x32xf32, #tpu.memory_space<vmem>>, vector<16xf32>,
      %get3A_439 = arith.constant 28 : i32
      %get3A_440 = arith.index_cast %get3A_439 : i32 to index
      %get3A_441 = arith.constant 16 : index
      %get3A_442 = tpu.vector_load %arg7[%get3A_440, %get3A_441] {strides = array<i32>} : memref<128x32xf32, #tpu.memory_space<vmem>>, vector<16xf32>,
      tpu.vector_store_idx %arg9[%iota3A, %broadcast_in_dim3A_434], %get3A_438 : memref<32x129xf32, #tpu.memory_space<vmem>>[vector<16xi32>, vector<16xi32>], vector<16xf32>,
      tpu.vector_store_idx %arg9[%add3A_3, %broadcast_in_dim3A_434], %get3A_442 : memref<32x129xf32, #tpu.memory_space<vmem>>[vector<16xi32>, vector<16xi32>], vector<16xf32>,
      %broadcast_in_dim3A_443 = arith.constant 29 : i32
      %broadcast_in_dim3A_444 = vector.broadcast %broadcast_in_dim3A_443 : i32 to vector<16xi32>
      %get3A_445 = arith.constant 29 : i32
      %get3A_446 = arith.index_cast %get3A_445 : i32 to index
      %get3A_447 = arith.constant 0 : index
      %get3A_448 = tpu.vector_load %arg7[%get3A_446, %get3A_447] {strides = array<i32>} : memref<128x32xf32, #tpu.memory_space<vmem>>, vector<16xf32>,
      %get3A_449 = arith.constant 29 : i32
      %get3A_450 = arith.index_cast %get3A_449 : i32 to index
      %get3A_451 = arith.constant 16 : index
      %get3A_452 = tpu.vector_load %arg7[%get3A_450, %get3A_451] {strides = array<i32>} : memref<128x32xf32, #tpu.memory_space<vmem>>, vector<16xf32>,
      tpu.vector_store_idx %arg9[%iota3A, %broadcast_in_dim3A_444], %get3A_448 : memref<32x129xf32, #tpu.memory_space<vmem>>[vector<16xi32>, vector<16xi32>], vector<16xf32>,
      tpu.vector_store_idx %arg9[%add3A_3, %broadcast_in_dim3A_444], %get3A_452 : memref<32x129xf32, #tpu.memory_space<vmem>>[vector<16xi32>, vector<16xi32>], vector<16xf32>,
      %broadcast_in_dim3A_453 = arith.constant 30 : i32
      %broadcast_in_dim3A_454 = vector.broadcast %broadcast_in_dim3A_453 : i32 to vector<16xi32>
      %get3A_455 = arith.constant 30 : i32
      %get3A_456 = arith.index_cast %get3A_455 : i32 to index
      %get3A_457 = arith.constant 0 : index
      %get3A_458 = tpu.vector_load %arg7[%get3A_456, %get3A_457] {strides = array<i32>} : memref<128x32xf32, #tpu.memory_space<vmem>>, vector<16xf32>,
      %get3A_459 = arith.constant 30 : i32
      %get3A_460 = arith.index_cast %get3A_459 : i32 to index
      %get3A_461 = arith.constant 16 : index
      %get3A_462 = tpu.vector_load %arg7[%get3A_460, %get3A_461] {strides = array<i32>} : memref<128x32xf32, #tpu.memory_space<vmem>>, vector<16xf32>,
      tpu.vector_store_idx %arg9[%iota3A, %broadcast_in_dim3A_454], %get3A_458 : memref<32x129xf32, #tpu.memory_space<vmem>>[vector<16xi32>, vector<16xi32>], vector<16xf32>,
      tpu.vector_store_idx %arg9[%add3A_3, %broadcast_in_dim3A_454], %get3A_462 : memref<32x129xf32, #tpu.memory_space<vmem>>[vector<16xi32>, vector<16xi32>], vector<16xf32>,
      %broadcast_in_dim3A_463 = arith.constant 31 : i32
      %broadcast_in_dim3A_464 = vector.broadcast %broadcast_in_dim3A_463 : i32 to vector<16xi32>
      %get3A_465 = arith.constant 31 : i32
      %get3A_466 = arith.index_cast %get3A_465 : i32 to index
      %get3A_467 = arith.constant 0 : index
      %get3A_468 = tpu.vector_load %arg7[%get3A_466, %get3A_467] {strides = array<i32>} : memref<128x32xf32, #tpu.memory_space<vmem>>, vector<16xf32>,
      %get3A_469 = arith.constant 31 : i32
      %get3A_470 = arith.index_cast %get3A_469 : i32 to index
      %get3A_471 = arith.constant 16 : index
      %get3A_472 = tpu.vector_load %arg7[%get3A_470, %get3A_471] {strides = array<i32>} : memref<128x32xf32, #tpu.memory_space<vmem>>, vector<16xf32>,
      tpu.vector_store_idx %arg9[%iota3A, %broadcast_in_dim3A_464], %get3A_468 : memref<32x129xf32, #tpu.memory_space<vmem>>[vector<16xi32>, vector<16xi32>], vector<16xf32>,
      tpu.vector_store_idx %arg9[%add3A_3, %broadcast_in_dim3A_464], %get3A_472 : memref<32x129xf32, #tpu.memory_space<vmem>>[vector<16xi32>, vector<16xi32>], vector<16xf32>,
      %broadcast_in_dim3A_473 = arith.constant 32 : i32
      %broadcast_in_dim3A_474 = vector.broadcast %broadcast_in_dim3A_473 : i32 to vector<16xi32>
      %get3A_475 = arith.constant 32 : i32
      %get3A_476 = arith.index_cast %get3A_475 : i32 to index
      %get3A_477 = arith.constant 0 : index
      %get3A_478 = tpu.vector_load %arg7[%get3A_476, %get3A_477] {strides = array<i32>} : memref<128x32xf32, #tpu.memory_space<vmem>>, vector<16xf32>,
      %get3A_479 = arith.constant 32 : i32
      %get3A_480 = arith.index_cast %get3A_479 : i32 to index
      %get3A_481 = arith.constant 16 : index
      %get3A_482 = tpu.vector_load %arg7[%get3A_480, %get3A_481] {strides = array<i32>} : memref<128x32xf32, #tpu.memory_space<vmem>>, vector<16xf32>,
      tpu.vector_store_idx %arg9[%iota3A, %broadcast_in_dim3A_474], %get3A_478 : memref<32x129xf32, #tpu.memory_space<vmem>>[vector<16xi32>, vector<16xi32>], vector<16xf32>,
      tpu.vector_store_idx %arg9[%add3A_3, %broadcast_in_dim3A_474], %get3A_482 : memref<32x129xf32, #tpu.memory_space<vmem>>[vector<16xi32>, vector<16xi32>], vector<16xf32>,
      %broadcast_in_dim3A_483 = arith.constant 33 : i32
      %broadcast_in_dim3A_484 = vector.broadcast %broadcast_in_dim3A_483 : i32 to vector<16xi32>
      %get3A_485 = arith.constant 33 : i32
      %get3A_486 = arith.index_cast %get3A_485 : i32 to index
      %get3A_487 = arith.constant 0 : index
      %get3A_488 = tpu.vector_load %arg7[%get3A_486, %get3A_487] {strides = array<i32>} : memref<128x32xf32, #tpu.memory_space<vmem>>, vector<16xf32>,
      %get3A_489 = arith.constant 33 : i32
      %get3A_490 = arith.index_cast %get3A_489 : i32 to index
      %get3A_491 = arith.constant 16 : index
      %get3A_492 = tpu.vector_load %arg7[%get3A_490, %get3A_491] {strides = array<i32>} : memref<128x32xf32, #tpu.memory_space<vmem>>, vector<16xf32>,
      tpu.vector_store_idx %arg9[%iota3A, %broadcast_in_dim3A_484], %get3A_488 : memref<32x129xf32, #tpu.memory_space<vmem>>[vector<16xi32>, vector<16xi32>], vector<16xf32>,
      tpu.vector_store_idx %arg9[%add3A_3, %broadcast_in_dim3A_484], %get3A_492 : memref<32x129xf32, #tpu.memory_space<vmem>>[vector<16xi32>, vector<16xi32>], vector<16xf32>,
      %broadcast_in_dim3A_493 = arith.constant 34 : i32
      %broadcast_in_dim3A_494 = vector.broadcast %broadcast_in_dim3A_493 : i32 to vector<16xi32>
      %get3A_495 = arith.constant 34 : i32
      %get3A_496 = arith.index_cast %get3A_495 : i32 to index
      %get3A_497 = arith.constant 0 : index
      %get3A_498 = tpu.vector_load %arg7[%get3A_496, %get3A_497] {strides = array<i32>} : memref<128x32xf32, #tpu.memory_space<vmem>>, vector<16xf32>,
      %get3A_499 = arith.constant 34 : i32
      %get3A_500 = arith.index_cast %get3A_499 : i32 to index
      %get3A_501 = arith.constant 16 : index
      %get3A_502 = tpu.vector_load %arg7[%get3A_500, %get3A_501] {strides = array<i32>} : memref<128x32xf32, #tpu.memory_space<vmem>>, vector<16xf32>,
      tpu.vector_store_idx %arg9[%iota3A, %broadcast_in_dim3A_494], %get3A_498 : memref<32x129xf32, #tpu.memory_space<vmem>>[vector<16xi32>, vector<16xi32>], vector<16xf32>,
      tpu.vector_store_idx %arg9[%add3A_3, %broadcast_in_dim3A_494], %get3A_502 : memref<32x129xf32, #tpu.memory_space<vmem>>[vector<16xi32>, vector<16xi32>], vector<16xf32>,
      %broadcast_in_dim3A_503 = arith.constant 35 : i32
      %broadcast_in_dim3A_504 = vector.broadcast %broadcast_in_dim3A_503 : i32 to vector<16xi32>
      %get3A_505 = arith.constant 35 : i32
      %get3A_506 = arith.index_cast %get3A_505 : i32 to index
      %get3A_507 = arith.constant 0 : index
      %get3A_508 = tpu.vector_load %arg7[%get3A_506, %get3A_507] {strides = array<i32>} : memref<128x32xf32, #tpu.memory_space<vmem>>, vector<16xf32>,
      %get3A_509 = arith.constant 35 : i32
      %get3A_510 = arith.index_cast %get3A_509 : i32 to index
      %get3A_511 = arith.constant 16 : index
      %get3A_512 = tpu.vector_load %arg7[%get3A_510, %get3A_511] {strides = array<i32>} : memref<128x32xf32, #tpu.memory_space<vmem>>, vector<16xf32>,
      tpu.vector_store_idx %arg9[%iota3A, %broadcast_in_dim3A_504], %get3A_508 : memref<32x129xf32, #tpu.memory_space<vmem>>[vector<16xi32>, vector<16xi32>], vector<16xf32>,
      tpu.vector_store_idx %arg9[%add3A_3, %broadcast_in_dim3A_504], %get3A_512 : memref<32x129xf32, #tpu.memory_space<vmem>>[vector<16xi32>, vector<16xi32>], vector<16xf32>,
      %broadcast_in_dim3A_513 = arith.constant 36 : i32
      %broadcast_in_dim3A_514 = vector.broadcast %broadcast_in_dim3A_513 : i32 to vector<16xi32>
      %get3A_515 = arith.constant 36 : i32
      %get3A_516 = arith.index_cast %get3A_515 : i32 to index
      %get3A_517 = arith.constant 0 : index
      %get3A_518 = tpu.vector_load %arg7[%get3A_516, %get3A_517] {strides = array<i32>} : memref<128x32xf32, #tpu.memory_space<vmem>>, vector<16xf32>,
      %get3A_519 = arith.constant 36 : i32
      %get3A_520 = arith.index_cast %get3A_519 : i32 to index
      %get3A_521 = arith.constant 16 : index
      %get3A_522 = tpu.vector_load %arg7[%get3A_520, %get3A_521] {strides = array<i32>} : memref<128x32xf32, #tpu.memory_space<vmem>>, vector<16xf32>,
      tpu.vector_store_idx %arg9[%iota3A, %broadcast_in_dim3A_514], %get3A_518 : memref<32x129xf32, #tpu.memory_space<vmem>>[vector<16xi32>, vector<16xi32>], vector<16xf32>,
      tpu.vector_store_idx %arg9[%add3A_3, %broadcast_in_dim3A_514], %get3A_522 : memref<32x129xf32, #tpu.memory_space<vmem>>[vector<16xi32>, vector<16xi32>], vector<16xf32>,
      %broadcast_in_dim3A_523 = arith.constant 37 : i32
      %broadcast_in_dim3A_524 = vector.broadcast %broadcast_in_dim3A_523 : i32 to vector<16xi32>
      %get3A_525 = arith.constant 37 : i32
      %get3A_526 = arith.index_cast %get3A_525 : i32 to index
      %get3A_527 = arith.constant 0 : index
      %get3A_528 = tpu.vector_load %arg7[%get3A_526, %get3A_527] {strides = array<i32>} : memref<128x32xf32, #tpu.memory_space<vmem>>, vector<16xf32>,
      %get3A_529 = arith.constant 37 : i32
      %get3A_530 = arith.index_cast %get3A_529 : i32 to index
      %get3A_531 = arith.constant 16 : index
      %get3A_532 = tpu.vector_load %arg7[%get3A_530, %get3A_531] {strides = array<i32>} : memref<128x32xf32, #tpu.memory_space<vmem>>, vector<16xf32>,
      tpu.vector_store_idx %arg9[%iota3A, %broadcast_in_dim3A_524], %get3A_528 : memref<32x129xf32, #tpu.memory_space<vmem>>[vector<16xi32>, vector<16xi32>], vector<16xf32>,
      tpu.vector_store_idx %arg9[%add3A_3, %broadcast_in_dim3A_524], %get3A_532 : memref<32x129xf32, #tpu.memory_space<vmem>>[vector<16xi32>, vector<16xi32>], vector<16xf32>,
      %broadcast_in_dim3A_533 = arith.constant 38 : i32
      %broadcast_in_dim3A_534 = vector.broadcast %broadcast_in_dim3A_533 : i32 to vector<16xi32>
      %get3A_535 = arith.constant 38 : i32
      %get3A_536 = arith.index_cast %get3A_535 : i32 to index
      %get3A_537 = arith.constant 0 : index
      %get3A_538 = tpu.vector_load %arg7[%get3A_536, %get3A_537] {strides = array<i32>} : memref<128x32xf32, #tpu.memory_space<vmem>>, vector<16xf32>,
      %get3A_539 = arith.constant 38 : i32
      %get3A_540 = arith.index_cast %get3A_539 : i32 to index
      %get3A_541 = arith.constant 16 : index
      %get3A_542 = tpu.vector_load %arg7[%get3A_540, %get3A_541] {strides = array<i32>} : memref<128x32xf32, #tpu.memory_space<vmem>>, vector<16xf32>,
      tpu.vector_store_idx %arg9[%iota3A, %broadcast_in_dim3A_534], %get3A_538 : memref<32x129xf32, #tpu.memory_space<vmem>>[vector<16xi32>, vector<16xi32>], vector<16xf32>,
      tpu.vector_store_idx %arg9[%add3A_3, %broadcast_in_dim3A_534], %get3A_542 : memref<32x129xf32, #tpu.memory_space<vmem>>[vector<16xi32>, vector<16xi32>], vector<16xf32>,
      %broadcast_in_dim3A_543 = arith.constant 39 : i32
      %broadcast_in_dim3A_544 = vector.broadcast %broadcast_in_dim3A_543 : i32 to vector<16xi32>
      %get3A_545 = arith.constant 39 : i32
      %get3A_546 = arith.index_cast %get3A_545 : i32 to index
      %get3A_547 = arith.constant 0 : index
      %get3A_548 = tpu.vector_load %arg7[%get3A_546, %get3A_547] {strides = array<i32>} : memref<128x32xf32, #tpu.memory_space<vmem>>, vector<16xf32>,
      %get3A_549 = arith.constant 39 : i32
      %get3A_550 = arith.index_cast %get3A_549 : i32 to index
      %get3A_551 = arith.constant 16 : index
      %get3A_552 = tpu.vector_load %arg7[%get3A_550, %get3A_551] {strides = array<i32>} : memref<128x32xf32, #tpu.memory_space<vmem>>, vector<16xf32>,
      tpu.vector_store_idx %arg9[%iota3A, %broadcast_in_dim3A_544], %get3A_548 : memref<32x129xf32, #tpu.memory_space<vmem>>[vector<16xi32>, vector<16xi32>], vector<16xf32>,
      tpu.vector_store_idx %arg9[%add3A_3, %broadcast_in_dim3A_544], %get3A_552 : memref<32x129xf32, #tpu.memory_space<vmem>>[vector<16xi32>, vector<16xi32>], vector<16xf32>,
      %broadcast_in_dim3A_553 = arith.constant 40 : i32
      %broadcast_in_dim3A_554 = vector.broadcast %broadcast_in_dim3A_553 : i32 to vector<16xi32>
      %get3A_555 = arith.constant 40 : i32
      %get3A_556 = arith.index_cast %get3A_555 : i32 to index
      %get3A_557 = arith.constant 0 : index
      %get3A_558 = tpu.vector_load %arg7[%get3A_556, %get3A_557] {strides = array<i32>} : memref<128x32xf32, #tpu.memory_space<vmem>>, vector<16xf32>,
      %get3A_559 = arith.constant 40 : i32
      %get3A_560 = arith.index_cast %get3A_559 : i32 to index
      %get3A_561 = arith.constant 16 : index
      %get3A_562 = tpu.vector_load %arg7[%get3A_560, %get3A_561] {strides = array<i32>} : memref<128x32xf32, #tpu.memory_space<vmem>>, vector<16xf32>,
      tpu.vector_store_idx %arg9[%iota3A, %broadcast_in_dim3A_554], %get3A_558 : memref<32x129xf32, #tpu.memory_space<vmem>>[vector<16xi32>, vector<16xi32>], vector<16xf32>,
      tpu.vector_store_idx %arg9[%add3A_3, %broadcast_in_dim3A_554], %get3A_562 : memref<32x129xf32, #tpu.memory_space<vmem>>[vector<16xi32>, vector<16xi32>], vector<16xf32>,
      %broadcast_in_dim3A_563 = arith.constant 41 : i32
      %broadcast_in_dim3A_564 = vector.broadcast %broadcast_in_dim3A_563 : i32 to vector<16xi32>
      %get3A_565 = arith.constant 41 : i32
      %get3A_566 = arith.index_cast %get3A_565 : i32 to index
      %get3A_567 = arith.constant 0 : index
      %get3A_568 = tpu.vector_load %arg7[%get3A_566, %get3A_567] {strides = array<i32>} : memref<128x32xf32, #tpu.memory_space<vmem>>, vector<16xf32>,
      %get3A_569 = arith.constant 41 : i32
      %get3A_570 = arith.index_cast %get3A_569 : i32 to index
      %get3A_571 = arith.constant 16 : index
      %get3A_572 = tpu.vector_load %arg7[%get3A_570, %get3A_571] {strides = array<i32>} : memref<128x32xf32, #tpu.memory_space<vmem>>, vector<16xf32>,
      tpu.vector_store_idx %arg9[%iota3A, %broadcast_in_dim3A_564], %get3A_568 : memref<32x129xf32, #tpu.memory_space<vmem>>[vector<16xi32>, vector<16xi32>], vector<16xf32>,
      tpu.vector_store_idx %arg9[%add3A_3, %broadcast_in_dim3A_564], %get3A_572 : memref<32x129xf32, #tpu.memory_space<vmem>>[vector<16xi32>, vector<16xi32>], vector<16xf32>,
      %broadcast_in_dim3A_573 = arith.constant 42 : i32
      %broadcast_in_dim3A_574 = vector.broadcast %broadcast_in_dim3A_573 : i32 to vector<16xi32>
      %get3A_575 = arith.constant 42 : i32
      %get3A_576 = arith.index_cast %get3A_575 : i32 to index
      %get3A_577 = arith.constant 0 : index
      %get3A_578 = tpu.vector_load %arg7[%get3A_576, %get3A_577] {strides = array<i32>} : memref<128x32xf32, #tpu.memory_space<vmem>>, vector<16xf32>,
      %get3A_579 = arith.constant 42 : i32
      %get3A_580 = arith.index_cast %get3A_579 : i32 to index
      %get3A_581 = arith.constant 16 : index
      %get3A_582 = tpu.vector_load %arg7[%get3A_580, %get3A_581] {strides = array<i32>} : memref<128x32xf32, #tpu.memory_space<vmem>>, vector<16xf32>,
      tpu.vector_store_idx %arg9[%iota3A, %broadcast_in_dim3A_574], %get3A_578 : memref<32x129xf32, #tpu.memory_space<vmem>>[vector<16xi32>, vector<16xi32>], vector<16xf32>,
      tpu.vector_store_idx %arg9[%add3A_3, %broadcast_in_dim3A_574], %get3A_582 : memref<32x129xf32, #tpu.memory_space<vmem>>[vector<16xi32>, vector<16xi32>], vector<16xf32>,
      %broadcast_in_dim3A_583 = arith.constant 43 : i32
      %broadcast_in_dim3A_584 = vector.broadcast %broadcast_in_dim3A_583 : i32 to vector<16xi32>
      %get3A_585 = arith.constant 43 : i32
      %get3A_586 = arith.index_cast %get3A_585 : i32 to index
      %get3A_587 = arith.constant 0 : index
      %get3A_588 = tpu.vector_load %arg7[%get3A_586, %get3A_587] {strides = array<i32>} : memref<128x32xf32, #tpu.memory_space<vmem>>, vector<16xf32>,
      %get3A_589 = arith.constant 43 : i32
      %get3A_590 = arith.index_cast %get3A_589 : i32 to index
      %get3A_591 = arith.constant 16 : index
      %get3A_592 = tpu.vector_load %arg7[%get3A_590, %get3A_591] {strides = array<i32>} : memref<128x32xf32, #tpu.memory_space<vmem>>, vector<16xf32>,
      tpu.vector_store_idx %arg9[%iota3A, %broadcast_in_dim3A_584], %get3A_588 : memref<32x129xf32, #tpu.memory_space<vmem>>[vector<16xi32>, vector<16xi32>], vector<16xf32>,
      tpu.vector_store_idx %arg9[%add3A_3, %broadcast_in_dim3A_584], %get3A_592 : memref<32x129xf32, #tpu.memory_space<vmem>>[vector<16xi32>, vector<16xi32>], vector<16xf32>,
      %broadcast_in_dim3A_593 = arith.constant 44 : i32
      %broadcast_in_dim3A_594 = vector.broadcast %broadcast_in_dim3A_593 : i32 to vector<16xi32>
      %get3A_595 = arith.constant 44 : i32
      %get3A_596 = arith.index_cast %get3A_595 : i32 to index
      %get3A_597 = arith.constant 0 : index
      %get3A_598 = tpu.vector_load %arg7[%get3A_596, %get3A_597] {strides = array<i32>} : memref<128x32xf32, #tpu.memory_space<vmem>>, vector<16xf32>,
      %get3A_599 = arith.constant 44 : i32
      %get3A_600 = arith.index_cast %get3A_599 : i32 to index
      %get3A_601 = arith.constant 16 : index
      %get3A_602 = tpu.vector_load %arg7[%get3A_600, %get3A_601] {strides = array<i32>} : memref<128x32xf32, #tpu.memory_space<vmem>>, vector<16xf32>,
      tpu.vector_store_idx %arg9[%iota3A, %broadcast_in_dim3A_594], %get3A_598 : memref<32x129xf32, #tpu.memory_space<vmem>>[vector<16xi32>, vector<16xi32>], vector<16xf32>,
      tpu.vector_store_idx %arg9[%add3A_3, %broadcast_in_dim3A_594], %get3A_602 : memref<32x129xf32, #tpu.memory_space<vmem>>[vector<16xi32>, vector<16xi32>], vector<16xf32>,
      %broadcast_in_dim3A_603 = arith.constant 45 : i32
      %broadcast_in_dim3A_604 = vector.broadcast %broadcast_in_dim3A_603 : i32 to vector<16xi32>
      %get3A_605 = arith.constant 45 : i32
      %get3A_606 = arith.index_cast %get3A_605 : i32 to index
      %get3A_607 = arith.constant 0 : index
      %get3A_608 = tpu.vector_load %arg7[%get3A_606, %get3A_607] {strides = array<i32>} : memref<128x32xf32, #tpu.memory_space<vmem>>, vector<16xf32>,
      %get3A_609 = arith.constant 45 : i32
      %get3A_610 = arith.index_cast %get3A_609 : i32 to index
      %get3A_611 = arith.constant 16 : index
      %get3A_612 = tpu.vector_load %arg7[%get3A_610, %get3A_611] {strides = array<i32>} : memref<128x32xf32, #tpu.memory_space<vmem>>, vector<16xf32>,
      tpu.vector_store_idx %arg9[%iota3A, %broadcast_in_dim3A_604], %get3A_608 : memref<32x129xf32, #tpu.memory_space<vmem>>[vector<16xi32>, vector<16xi32>], vector<16xf32>,
      tpu.vector_store_idx %arg9[%add3A_3, %broadcast_in_dim3A_604], %get3A_612 : memref<32x129xf32, #tpu.memory_space<vmem>>[vector<16xi32>, vector<16xi32>], vector<16xf32>,
      %broadcast_in_dim3A_613 = arith.constant 46 : i32
      %broadcast_in_dim3A_614 = vector.broadcast %broadcast_in_dim3A_613 : i32 to vector<16xi32>
      %get3A_615 = arith.constant 46 : i32
      %get3A_616 = arith.index_cast %get3A_615 : i32 to index
      %get3A_617 = arith.constant 0 : index
      %get3A_618 = tpu.vector_load %arg7[%get3A_616, %get3A_617] {strides = array<i32>} : memref<128x32xf32, #tpu.memory_space<vmem>>, vector<16xf32>,
      %get3A_619 = arith.constant 46 : i32
      %get3A_620 = arith.index_cast %get3A_619 : i32 to index
      %get3A_621 = arith.constant 16 : index
      %get3A_622 = tpu.vector_load %arg7[%get3A_620, %get3A_621] {strides = array<i32>} : memref<128x32xf32, #tpu.memory_space<vmem>>, vector<16xf32>,
      tpu.vector_store_idx %arg9[%iota3A, %broadcast_in_dim3A_614], %get3A_618 : memref<32x129xf32, #tpu.memory_space<vmem>>[vector<16xi32>, vector<16xi32>], vector<16xf32>,
      tpu.vector_store_idx %arg9[%add3A_3, %broadcast_in_dim3A_614], %get3A_622 : memref<32x129xf32, #tpu.memory_space<vmem>>[vector<16xi32>, vector<16xi32>], vector<16xf32>,
      %broadcast_in_dim3A_623 = arith.constant 47 : i32
      %broadcast_in_dim3A_624 = vector.broadcast %broadcast_in_dim3A_623 : i32 to vector<16xi32>
      %get3A_625 = arith.constant 47 : i32
      %get3A_626 = arith.index_cast %get3A_625 : i32 to index
      %get3A_627 = arith.constant 0 : index
      %get3A_628 = tpu.vector_load %arg7[%get3A_626, %get3A_627] {strides = array<i32>} : memref<128x32xf32, #tpu.memory_space<vmem>>, vector<16xf32>,
      %get3A_629 = arith.constant 47 : i32
      %get3A_630 = arith.index_cast %get3A_629 : i32 to index
      %get3A_631 = arith.constant 16 : index
      %get3A_632 = tpu.vector_load %arg7[%get3A_630, %get3A_631] {strides = array<i32>} : memref<128x32xf32, #tpu.memory_space<vmem>>, vector<16xf32>,
      tpu.vector_store_idx %arg9[%iota3A, %broadcast_in_dim3A_624], %get3A_628 : memref<32x129xf32, #tpu.memory_space<vmem>>[vector<16xi32>, vector<16xi32>], vector<16xf32>,
      tpu.vector_store_idx %arg9[%add3A_3, %broadcast_in_dim3A_624], %get3A_632 : memref<32x129xf32, #tpu.memory_space<vmem>>[vector<16xi32>, vector<16xi32>], vector<16xf32>,
      %broadcast_in_dim3A_633 = arith.constant 48 : i32
      %broadcast_in_dim3A_634 = vector.broadcast %broadcast_in_dim3A_633 : i32 to vector<16xi32>
      %get3A_635 = arith.constant 48 : i32
      %get3A_636 = arith.index_cast %get3A_635 : i32 to index
      %get3A_637 = arith.constant 0 : index
      %get3A_638 = tpu.vector_load %arg7[%get3A_636, %get3A_637] {strides = array<i32>} : memref<128x32xf32, #tpu.memory_space<vmem>>, vector<16xf32>,
      %get3A_639 = arith.constant 48 : i32
      %get3A_640 = arith.index_cast %get3A_639 : i32 to index
      %get3A_641 = arith.constant 16 : index
      %get3A_642 = tpu.vector_load %arg7[%get3A_640, %get3A_641] {strides = array<i32>} : memref<128x32xf32, #tpu.memory_space<vmem>>, vector<16xf32>,
      tpu.vector_store_idx %arg9[%iota3A, %broadcast_in_dim3A_634], %get3A_638 : memref<32x129xf32, #tpu.memory_space<vmem>>[vector<16xi32>, vector<16xi32>], vector<16xf32>,
      tpu.vector_store_idx %arg9[%add3A_3, %broadcast_in_dim3A_634], %get3A_642 : memref<32x129xf32, #tpu.memory_space<vmem>>[vector<16xi32>, vector<16xi32>], vector<16xf32>,
      %broadcast_in_dim3A_643 = arith.constant 49 : i32
      %broadcast_in_dim3A_644 = vector.broadcast %broadcast_in_dim3A_643 : i32 to vector<16xi32>
      %get3A_645 = arith.constant 49 : i32
      %get3A_646 = arith.index_cast %get3A_645 : i32 to index
      %get3A_647 = arith.constant 0 : index
      %get3A_648 = tpu.vector_load %arg7[%get3A_646, %get3A_647] {strides = array<i32>} : memref<128x32xf32, #tpu.memory_space<vmem>>, vector<16xf32>,
      %get3A_649 = arith.constant 49 : i32
      %get3A_650 = arith.index_cast %get3A_649 : i32 to index
      %get3A_651 = arith.constant 16 : index
      %get3A_652 = tpu.vector_load %arg7[%get3A_650, %get3A_651] {strides = array<i32>} : memref<128x32xf32, #tpu.memory_space<vmem>>, vector<16xf32>,
      tpu.vector_store_idx %arg9[%iota3A, %broadcast_in_dim3A_644], %get3A_648 : memref<32x129xf32, #tpu.memory_space<vmem>>[vector<16xi32>, vector<16xi32>], vector<16xf32>,
      tpu.vector_store_idx %arg9[%add3A_3, %broadcast_in_dim3A_644], %get3A_652 : memref<32x129xf32, #tpu.memory_space<vmem>>[vector<16xi32>, vector<16xi32>], vector<16xf32>,
      %broadcast_in_dim3A_653 = arith.constant 50 : i32
      %broadcast_in_dim3A_654 = vector.broadcast %broadcast_in_dim3A_653 : i32 to vector<16xi32>
      %get3A_655 = arith.constant 50 : i32
      %get3A_656 = arith.index_cast %get3A_655 : i32 to index
      %get3A_657 = arith.constant 0 : index
      %get3A_658 = tpu.vector_load %arg7[%get3A_656, %get3A_657] {strides = array<i32>} : memref<128x32xf32, #tpu.memory_space<vmem>>, vector<16xf32>,
      %get3A_659 = arith.constant 50 : i32
      %get3A_660 = arith.index_cast %get3A_659 : i32 to index
      %get3A_661 = arith.constant 16 : index
      %get3A_662 = tpu.vector_load %arg7[%get3A_660, %get3A_661] {strides = array<i32>} : memref<128x32xf32, #tpu.memory_space<vmem>>, vector<16xf32>,
      tpu.vector_store_idx %arg9[%iota3A, %broadcast_in_dim3A_654], %get3A_658 : memref<32x129xf32, #tpu.memory_space<vmem>>[vector<16xi32>, vector<16xi32>], vector<16xf32>,
      tpu.vector_store_idx %arg9[%add3A_3, %broadcast_in_dim3A_654], %get3A_662 : memref<32x129xf32, #tpu.memory_space<vmem>>[vector<16xi32>, vector<16xi32>], vector<16xf32>,
      %broadcast_in_dim3A_663 = arith.constant 51 : i32
      %broadcast_in_dim3A_664 = vector.broadcast %broadcast_in_dim3A_663 : i32 to vector<16xi32>
      %get3A_665 = arith.constant 51 : i32
      %get3A_666 = arith.index_cast %get3A_665 : i32 to index
      %get3A_667 = arith.constant 0 : index
      %get3A_668 = tpu.vector_load %arg7[%get3A_666, %get3A_667] {strides = array<i32>} : memref<128x32xf32, #tpu.memory_space<vmem>>, vector<16xf32>,
      %get3A_669 = arith.constant 51 : i32
      %get3A_670 = arith.index_cast %get3A_669 : i32 to index
      %get3A_671 = arith.constant 16 : index
      %get3A_672 = tpu.vector_load %arg7[%get3A_670, %get3A_671] {strides = array<i32>} : memref<128x32xf32, #tpu.memory_space<vmem>>, vector<16xf32>,
      tpu.vector_store_idx %arg9[%iota3A, %broadcast_in_dim3A_664], %get3A_668 : memref<32x129xf32, #tpu.memory_space<vmem>>[vector<16xi32>, vector<16xi32>], vector<16xf32>,
      tpu.vector_store_idx %arg9[%add3A_3, %broadcast_in_dim3A_664], %get3A_672 : memref<32x129xf32, #tpu.memory_space<vmem>>[vector<16xi32>, vector<16xi32>], vector<16xf32>,
      %broadcast_in_dim3A_673 = arith.constant 52 : i32
      %broadcast_in_dim3A_674 = vector.broadcast %broadcast_in_dim3A_673 : i32 to vector<16xi32>
      %get3A_675 = arith.constant 52 : i32
      %get3A_676 = arith.index_cast %get3A_675 : i32 to index
      %get3A_677 = arith.constant 0 : index
      %get3A_678 = tpu.vector_load %arg7[%get3A_676, %get3A_677] {strides = array<i32>} : memref<128x32xf32, #tpu.memory_space<vmem>>, vector<16xf32>,
      %get3A_679 = arith.constant 52 : i32
      %get3A_680 = arith.index_cast %get3A_679 : i32 to index
      %get3A_681 = arith.constant 16 : index
      %get3A_682 = tpu.vector_load %arg7[%get3A_680, %get3A_681] {strides = array<i32>} : memref<128x32xf32, #tpu.memory_space<vmem>>, vector<16xf32>,
      tpu.vector_store_idx %arg9[%iota3A, %broadcast_in_dim3A_674], %get3A_678 : memref<32x129xf32, #tpu.memory_space<vmem>>[vector<16xi32>, vector<16xi32>], vector<16xf32>,
      tpu.vector_store_idx %arg9[%add3A_3, %broadcast_in_dim3A_674], %get3A_682 : memref<32x129xf32, #tpu.memory_space<vmem>>[vector<16xi32>, vector<16xi32>], vector<16xf32>,
      %broadcast_in_dim3A_683 = arith.constant 53 : i32
      %broadcast_in_dim3A_684 = vector.broadcast %broadcast_in_dim3A_683 : i32 to vector<16xi32>
      %get3A_685 = arith.constant 53 : i32
      %get3A_686 = arith.index_cast %get3A_685 : i32 to index
      %get3A_687 = arith.constant 0 : index
      %get3A_688 = tpu.vector_load %arg7[%get3A_686, %get3A_687] {strides = array<i32>} : memref<128x32xf32, #tpu.memory_space<vmem>>, vector<16xf32>,
      %get3A_689 = arith.constant 53 : i32
      %get3A_690 = arith.index_cast %get3A_689 : i32 to index
      %get3A_691 = arith.constant 16 : index
      %get3A_692 = tpu.vector_load %arg7[%get3A_690, %get3A_691] {strides = array<i32>} : memref<128x32xf32, #tpu.memory_space<vmem>>, vector<16xf32>,
      tpu.vector_store_idx %arg9[%iota3A, %broadcast_in_dim3A_684], %get3A_688 : memref<32x129xf32, #tpu.memory_space<vmem>>[vector<16xi32>, vector<16xi32>], vector<16xf32>,
      tpu.vector_store_idx %arg9[%add3A_3, %broadcast_in_dim3A_684], %get3A_692 : memref<32x129xf32, #tpu.memory_space<vmem>>[vector<16xi32>, vector<16xi32>], vector<16xf32>,
      %broadcast_in_dim3A_693 = arith.constant 54 : i32
      %broadcast_in_dim3A_694 = vector.broadcast %broadcast_in_dim3A_693 : i32 to vector<16xi32>
      %get3A_695 = arith.constant 54 : i32
      %get3A_696 = arith.index_cast %get3A_695 : i32 to index
      %get3A_697 = arith.constant 0 : index
      %get3A_698 = tpu.vector_load %arg7[%get3A_696, %get3A_697] {strides = array<i32>} : memref<128x32xf32, #tpu.memory_space<vmem>>, vector<16xf32>,
      %get3A_699 = arith.constant 54 : i32
      %get3A_700 = arith.index_cast %get3A_699 : i32 to index
      %get3A_701 = arith.constant 16 : index
      %get3A_702 = tpu.vector_load %arg7[%get3A_700, %get3A_701] {strides = array<i32>} : memref<128x32xf32, #tpu.memory_space<vmem>>, vector<16xf32>,
      tpu.vector_store_idx %arg9[%iota3A, %broadcast_in_dim3A_694], %get3A_698 : memref<32x129xf32, #tpu.memory_space<vmem>>[vector<16xi32>, vector<16xi32>], vector<16xf32>,
      tpu.vector_store_idx %arg9[%add3A_3, %broadcast_in_dim3A_694], %get3A_702 : memref<32x129xf32, #tpu.memory_space<vmem>>[vector<16xi32>, vector<16xi32>], vector<16xf32>,
      %broadcast_in_dim3A_703 = arith.constant 55 : i32
      %broadcast_in_dim3A_704 = vector.broadcast %broadcast_in_dim3A_703 : i32 to vector<16xi32>
      %get3A_705 = arith.constant 55 : i32
      %get3A_706 = arith.index_cast %get3A_705 : i32 to index
      %get3A_707 = arith.constant 0 : index
      %get3A_708 = tpu.vector_load %arg7[%get3A_706, %get3A_707] {strides = array<i32>} : memref<128x32xf32, #tpu.memory_space<vmem>>, vector<16xf32>,
      %get3A_709 = arith.constant 55 : i32
      %get3A_710 = arith.index_cast %get3A_709 : i32 to index
      %get3A_711 = arith.constant 16 : index
      %get3A_712 = tpu.vector_load %arg7[%get3A_710, %get3A_711] {strides = array<i32>} : memref<128x32xf32, #tpu.memory_space<vmem>>, vector<16xf32>,
      tpu.vector_store_idx %arg9[%iota3A, %broadcast_in_dim3A_704], %get3A_708 : memref<32x129xf32, #tpu.memory_space<vmem>>[vector<16xi32>, vector<16xi32>], vector<16xf32>,
      tpu.vector_store_idx %arg9[%add3A_3, %broadcast_in_dim3A_704], %get3A_712 : memref<32x129xf32, #tpu.memory_space<vmem>>[vector<16xi32>, vector<16xi32>], vector<16xf32>,
      %broadcast_in_dim3A_713 = arith.constant 56 : i32
      %broadcast_in_dim3A_714 = vector.broadcast %broadcast_in_dim3A_713 : i32 to vector<16xi32>
      %get3A_715 = arith.constant 56 : i32
      %get3A_716 = arith.index_cast %get3A_715 : i32 to index
      %get3A_717 = arith.constant 0 : index
      %get3A_718 = tpu.vector_load %arg7[%get3A_716, %get3A_717] {strides = array<i32>} : memref<128x32xf32, #tpu.memory_space<vmem>>, vector<16xf32>,
      %get3A_719 = arith.constant 56 : i32
      %get3A_720 = arith.index_cast %get3A_719 : i32 to index
      %get3A_721 = arith.constant 16 : index
      %get3A_722 = tpu.vector_load %arg7[%get3A_720, %get3A_721] {strides = array<i32>} : memref<128x32xf32, #tpu.memory_space<vmem>>, vector<16xf32>,
      tpu.vector_store_idx %arg9[%iota3A, %broadcast_in_dim3A_714], %get3A_718 : memref<32x129xf32, #tpu.memory_space<vmem>>[vector<16xi32>, vector<16xi32>], vector<16xf32>,
      tpu.vector_store_idx %arg9[%add3A_3, %broadcast_in_dim3A_714], %get3A_722 : memref<32x129xf32, #tpu.memory_space<vmem>>[vector<16xi32>, vector<16xi32>], vector<16xf32>,
      %broadcast_in_dim3A_723 = arith.constant 57 : i32
      %broadcast_in_dim3A_724 = vector.broadcast %broadcast_in_dim3A_723 : i32 to vector<16xi32>
      %get3A_725 = arith.constant 57 : i32
      %get3A_726 = arith.index_cast %get3A_725 : i32 to index
      %get3A_727 = arith.constant 0 : index
      %get3A_728 = tpu.vector_load %arg7[%get3A_726, %get3A_727] {strides = array<i32>} : memref<128x32xf32, #tpu.memory_space<vmem>>, vector<16xf32>,
      %get3A_729 = arith.constant 57 : i32
      %get3A_730 = arith.index_cast %get3A_729 : i32 to index
      %get3A_731 = arith.constant 16 : index
      %get3A_732 = tpu.vector_load %arg7[%get3A_730, %get3A_731] {strides = array<i32>} : memref<128x32xf32, #tpu.memory_space<vmem>>, vector<16xf32>,
      tpu.vector_store_idx %arg9[%iota3A, %broadcast_in_dim3A_724], %get3A_728 : memref<32x129xf32, #tpu.memory_space<vmem>>[vector<16xi32>, vector<16xi32>], vector<16xf32>,
      tpu.vector_store_idx %arg9[%add3A_3, %broadcast_in_dim3A_724], %get3A_732 : memref<32x129xf32, #tpu.memory_space<vmem>>[vector<16xi32>, vector<16xi32>], vector<16xf32>,
      %broadcast_in_dim3A_733 = arith.constant 58 : i32
      %broadcast_in_dim3A_734 = vector.broadcast %broadcast_in_dim3A_733 : i32 to vector<16xi32>
      %get3A_735 = arith.constant 58 : i32
      %get3A_736 = arith.index_cast %get3A_735 : i32 to index
      %get3A_737 = arith.constant 0 : index
      %get3A_738 = tpu.vector_load %arg7[%get3A_736, %get3A_737] {strides = array<i32>} : memref<128x32xf32, #tpu.memory_space<vmem>>, vector<16xf32>,
      %get3A_739 = arith.constant 58 : i32
      %get3A_740 = arith.index_cast %get3A_739 : i32 to index
      %get3A_741 = arith.constant 16 : index
      %get3A_742 = tpu.vector_load %arg7[%get3A_740, %get3A_741] {strides = array<i32>} : memref<128x32xf32, #tpu.memory_space<vmem>>, vector<16xf32>,
      tpu.vector_store_idx %arg9[%iota3A, %broadcast_in_dim3A_734], %get3A_738 : memref<32x129xf32, #tpu.memory_space<vmem>>[vector<16xi32>, vector<16xi32>], vector<16xf32>,
      tpu.vector_store_idx %arg9[%add3A_3, %broadcast_in_dim3A_734], %get3A_742 : memref<32x129xf32, #tpu.memory_space<vmem>>[vector<16xi32>, vector<16xi32>], vector<16xf32>,
      %broadcast_in_dim3A_743 = arith.constant 59 : i32
      %broadcast_in_dim3A_744 = vector.broadcast %broadcast_in_dim3A_743 : i32 to vector<16xi32>
      %get3A_745 = arith.constant 59 : i32
      %get3A_746 = arith.index_cast %get3A_745 : i32 to index
      %get3A_747 = arith.constant 0 : index
      %get3A_748 = tpu.vector_load %arg7[%get3A_746, %get3A_747] {strides = array<i32>} : memref<128x32xf32, #tpu.memory_space<vmem>>, vector<16xf32>,
      %get3A_749 = arith.constant 59 : i32
      %get3A_750 = arith.index_cast %get3A_749 : i32 to index
      %get3A_751 = arith.constant 16 : index
      %get3A_752 = tpu.vector_load %arg7[%get3A_750, %get3A_751] {strides = array<i32>} : memref<128x32xf32, #tpu.memory_space<vmem>>, vector<16xf32>,
      tpu.vector_store_idx %arg9[%iota3A, %broadcast_in_dim3A_744], %get3A_748 : memref<32x129xf32, #tpu.memory_space<vmem>>[vector<16xi32>, vector<16xi32>], vector<16xf32>,
      tpu.vector_store_idx %arg9[%add3A_3, %broadcast_in_dim3A_744], %get3A_752 : memref<32x129xf32, #tpu.memory_space<vmem>>[vector<16xi32>, vector<16xi32>], vector<16xf32>,
      %broadcast_in_dim3A_753 = arith.constant 60 : i32
      %broadcast_in_dim3A_754 = vector.broadcast %broadcast_in_dim3A_753 : i32 to vector<16xi32>
      %get3A_755 = arith.constant 60 : i32
      %get3A_756 = arith.index_cast %get3A_755 : i32 to index
      %get3A_757 = arith.constant 0 : index
      %get3A_758 = tpu.vector_load %arg7[%get3A_756, %get3A_757] {strides = array<i32>} : memref<128x32xf32, #tpu.memory_space<vmem>>, vector<16xf32>,
      %get3A_759 = arith.constant 60 : i32
      %get3A_760 = arith.index_cast %get3A_759 : i32 to index
      %get3A_761 = arith.constant 16 : index
      %get3A_762 = tpu.vector_load %arg7[%get3A_760, %get3A_761] {strides = array<i32>} : memref<128x32xf32, #tpu.memory_space<vmem>>, vector<16xf32>,
      tpu.vector_store_idx %arg9[%iota3A, %broadcast_in_dim3A_754], %get3A_758 : memref<32x129xf32, #tpu.memory_space<vmem>>[vector<16xi32>, vector<16xi32>], vector<16xf32>,
      tpu.vector_store_idx %arg9[%add3A_3, %broadcast_in_dim3A_754], %get3A_762 : memref<32x129xf32, #tpu.memory_space<vmem>>[vector<16xi32>, vector<16xi32>], vector<16xf32>,
      %broadcast_in_dim3A_763 = arith.constant 61 : i32
      %broadcast_in_dim3A_764 = vector.broadcast %broadcast_in_dim3A_763 : i32 to vector<16xi32>
      %get3A_765 = arith.constant 61 : i32
      %get3A_766 = arith.index_cast %get3A_765 : i32 to index
      %get3A_767 = arith.constant 0 : index
      %get3A_768 = tpu.vector_load %arg7[%get3A_766, %get3A_767] {strides = array<i32>} : memref<128x32xf32, #tpu.memory_space<vmem>>, vector<16xf32>,
      %get3A_769 = arith.constant 61 : i32
      %get3A_770 = arith.index_cast %get3A_769 : i32 to index
      %get3A_771 = arith.constant 16 : index
      %get3A_772 = tpu.vector_load %arg7[%get3A_770, %get3A_771] {strides = array<i32>} : memref<128x32xf32, #tpu.memory_space<vmem>>, vector<16xf32>,
      tpu.vector_store_idx %arg9[%iota3A, %broadcast_in_dim3A_764], %get3A_768 : memref<32x129xf32, #tpu.memory_space<vmem>>[vector<16xi32>, vector<16xi32>], vector<16xf32>,
      tpu.vector_store_idx %arg9[%add3A_3, %broadcast_in_dim3A_764], %get3A_772 : memref<32x129xf32, #tpu.memory_space<vmem>>[vector<16xi32>, vector<16xi32>], vector<16xf32>,
      %broadcast_in_dim3A_773 = arith.constant 62 : i32
      %broadcast_in_dim3A_774 = vector.broadcast %broadcast_in_dim3A_773 : i32 to vector<16xi32>
      %get3A_775 = arith.constant 62 : i32
      %get3A_776 = arith.index_cast %get3A_775 : i32 to index
      %get3A_777 = arith.constant 0 : index
      %get3A_778 = tpu.vector_load %arg7[%get3A_776, %get3A_777] {strides = array<i32>} : memref<128x32xf32, #tpu.memory_space<vmem>>, vector<16xf32>,
      %get3A_779 = arith.constant 62 : i32
      %get3A_780 = arith.index_cast %get3A_779 : i32 to index
      %get3A_781 = arith.constant 16 : index
      %get3A_782 = tpu.vector_load %arg7[%get3A_780, %get3A_781] {strides = array<i32>} : memref<128x32xf32, #tpu.memory_space<vmem>>, vector<16xf32>,
      tpu.vector_store_idx %arg9[%iota3A, %broadcast_in_dim3A_774], %get3A_778 : memref<32x129xf32, #tpu.memory_space<vmem>>[vector<16xi32>, vector<16xi32>], vector<16xf32>,
      tpu.vector_store_idx %arg9[%add3A_3, %broadcast_in_dim3A_774], %get3A_782 : memref<32x129xf32, #tpu.memory_space<vmem>>[vector<16xi32>, vector<16xi32>], vector<16xf32>,
      %broadcast_in_dim3A_783 = arith.constant 63 : i32
      %broadcast_in_dim3A_784 = vector.broadcast %broadcast_in_dim3A_783 : i32 to vector<16xi32>
      %get3A_785 = arith.constant 63 : i32
      %get3A_786 = arith.index_cast %get3A_785 : i32 to index
      %get3A_787 = arith.constant 0 : index
      %get3A_788 = tpu.vector_load %arg7[%get3A_786, %get3A_787] {strides = array<i32>} : memref<128x32xf32, #tpu.memory_space<vmem>>, vector<16xf32>,
      %get3A_789 = arith.constant 63 : i32
      %get3A_790 = arith.index_cast %get3A_789 : i32 to index
      %get3A_791 = arith.constant 16 : index
      %get3A_792 = tpu.vector_load %arg7[%get3A_790, %get3A_791] {strides = array<i32>} : memref<128x32xf32, #tpu.memory_space<vmem>>, vector<16xf32>,
      tpu.vector_store_idx %arg9[%iota3A, %broadcast_in_dim3A_784], %get3A_788 : memref<32x129xf32, #tpu.memory_space<vmem>>[vector<16xi32>, vector<16xi32>], vector<16xf32>,
      tpu.vector_store_idx %arg9[%add3A_3, %broadcast_in_dim3A_784], %get3A_792 : memref<32x129xf32, #tpu.memory_space<vmem>>[vector<16xi32>, vector<16xi32>], vector<16xf32>,
      %broadcast_in_dim3A_793 = arith.constant 64 : i32
      %broadcast_in_dim3A_794 = vector.broadcast %broadcast_in_dim3A_793 : i32 to vector<16xi32>
      %get3A_795 = arith.constant 64 : i32
      %get3A_796 = arith.index_cast %get3A_795 : i32 to index
      %get3A_797 = arith.constant 0 : index
      %get3A_798 = tpu.vector_load %arg7[%get3A_796, %get3A_797] {strides = array<i32>} : memref<128x32xf32, #tpu.memory_space<vmem>>, vector<16xf32>,
      %get3A_799 = arith.constant 64 : i32
      %get3A_800 = arith.index_cast %get3A_799 : i32 to index
      %get3A_801 = arith.constant 16 : index
      %get3A_802 = tpu.vector_load %arg7[%get3A_800, %get3A_801] {strides = array<i32>} : memref<128x32xf32, #tpu.memory_space<vmem>>, vector<16xf32>,
      tpu.vector_store_idx %arg9[%iota3A, %broadcast_in_dim3A_794], %get3A_798 : memref<32x129xf32, #tpu.memory_space<vmem>>[vector<16xi32>, vector<16xi32>], vector<16xf32>,
      tpu.vector_store_idx %arg9[%add3A_3, %broadcast_in_dim3A_794], %get3A_802 : memref<32x129xf32, #tpu.memory_space<vmem>>[vector<16xi32>, vector<16xi32>], vector<16xf32>,
      %broadcast_in_dim3A_803 = arith.constant 65 : i32
      %broadcast_in_dim3A_804 = vector.broadcast %broadcast_in_dim3A_803 : i32 to vector<16xi32>
      %get3A_805 = arith.constant 65 : i32
      %get3A_806 = arith.index_cast %get3A_805 : i32 to index
      %get3A_807 = arith.constant 0 : index
      %get3A_808 = tpu.vector_load %arg7[%get3A_806, %get3A_807] {strides = array<i32>} : memref<128x32xf32, #tpu.memory_space<vmem>>, vector<16xf32>,
      %get3A_809 = arith.constant 65 : i32
      %get3A_810 = arith.index_cast %get3A_809 : i32 to index
      %get3A_811 = arith.constant 16 : index
      %get3A_812 = tpu.vector_load %arg7[%get3A_810, %get3A_811] {strides = array<i32>} : memref<128x32xf32, #tpu.memory_space<vmem>>, vector<16xf32>,
      tpu.vector_store_idx %arg9[%iota3A, %broadcast_in_dim3A_804], %get3A_808 : memref<32x129xf32, #tpu.memory_space<vmem>>[vector<16xi32>, vector<16xi32>], vector<16xf32>,
      tpu.vector_store_idx %arg9[%add3A_3, %broadcast_in_dim3A_804], %get3A_812 : memref<32x129xf32, #tpu.memory_space<vmem>>[vector<16xi32>, vector<16xi32>], vector<16xf32>,
      %broadcast_in_dim3A_813 = arith.constant 66 : i32
      %broadcast_in_dim3A_814 = vector.broadcast %broadcast_in_dim3A_813 : i32 to vector<16xi32>
      %get3A_815 = arith.constant 66 : i32
      %get3A_816 = arith.index_cast %get3A_815 : i32 to index
      %get3A_817 = arith.constant 0 : index
      %get3A_818 = tpu.vector_load %arg7[%get3A_816, %get3A_817] {strides = array<i32>} : memref<128x32xf32, #tpu.memory_space<vmem>>, vector<16xf32>,
      %get3A_819 = arith.constant 66 : i32
      %get3A_820 = arith.index_cast %get3A_819 : i32 to index
      %get3A_821 = arith.constant 16 : index
      %get3A_822 = tpu.vector_load %arg7[%get3A_820, %get3A_821] {strides = array<i32>} : memref<128x32xf32, #tpu.memory_space<vmem>>, vector<16xf32>,
      tpu.vector_store_idx %arg9[%iota3A, %broadcast_in_dim3A_814], %get3A_818 : memref<32x129xf32, #tpu.memory_space<vmem>>[vector<16xi32>, vector<16xi32>], vector<16xf32>,
      tpu.vector_store_idx %arg9[%add3A_3, %broadcast_in_dim3A_814], %get3A_822 : memref<32x129xf32, #tpu.memory_space<vmem>>[vector<16xi32>, vector<16xi32>], vector<16xf32>,
      %broadcast_in_dim3A_823 = arith.constant 67 : i32
      %broadcast_in_dim3A_824 = vector.broadcast %broadcast_in_dim3A_823 : i32 to vector<16xi32>
      %get3A_825 = arith.constant 67 : i32
      %get3A_826 = arith.index_cast %get3A_825 : i32 to index
      %get3A_827 = arith.constant 0 : index
      %get3A_828 = tpu.vector_load %arg7[%get3A_826, %get3A_827] {strides = array<i32>} : memref<128x32xf32, #tpu.memory_space<vmem>>, vector<16xf32>,
      %get3A_829 = arith.constant 67 : i32
      %get3A_830 = arith.index_cast %get3A_829 : i32 to index
      %get3A_831 = arith.constant 16 : index
      %get3A_832 = tpu.vector_load %arg7[%get3A_830, %get3A_831] {strides = array<i32>} : memref<128x32xf32, #tpu.memory_space<vmem>>, vector<16xf32>,
      tpu.vector_store_idx %arg9[%iota3A, %broadcast_in_dim3A_824], %get3A_828 : memref<32x129xf32, #tpu.memory_space<vmem>>[vector<16xi32>, vector<16xi32>], vector<16xf32>,
      tpu.vector_store_idx %arg9[%add3A_3, %broadcast_in_dim3A_824], %get3A_832 : memref<32x129xf32, #tpu.memory_space<vmem>>[vector<16xi32>, vector<16xi32>], vector<16xf32>,
      %broadcast_in_dim3A_833 = arith.constant 68 : i32
      %broadcast_in_dim3A_834 = vector.broadcast %broadcast_in_dim3A_833 : i32 to vector<16xi32>
      %get3A_835 = arith.constant 68 : i32
      %get3A_836 = arith.index_cast %get3A_835 : i32 to index
      %get3A_837 = arith.constant 0 : index
      %get3A_838 = tpu.vector_load %arg7[%get3A_836, %get3A_837] {strides = array<i32>} : memref<128x32xf32, #tpu.memory_space<vmem>>, vector<16xf32>,
      %get3A_839 = arith.constant 68 : i32
      %get3A_840 = arith.index_cast %get3A_839 : i32 to index
      %get3A_841 = arith.constant 16 : index
      %get3A_842 = tpu.vector_load %arg7[%get3A_840, %get3A_841] {strides = array<i32>} : memref<128x32xf32, #tpu.memory_space<vmem>>, vector<16xf32>,
      tpu.vector_store_idx %arg9[%iota3A, %broadcast_in_dim3A_834], %get3A_838 : memref<32x129xf32, #tpu.memory_space<vmem>>[vector<16xi32>, vector<16xi32>], vector<16xf32>,
      tpu.vector_store_idx %arg9[%add3A_3, %broadcast_in_dim3A_834], %get3A_842 : memref<32x129xf32, #tpu.memory_space<vmem>>[vector<16xi32>, vector<16xi32>], vector<16xf32>,
      %broadcast_in_dim3A_843 = arith.constant 69 : i32
      %broadcast_in_dim3A_844 = vector.broadcast %broadcast_in_dim3A_843 : i32 to vector<16xi32>
      %get3A_845 = arith.constant 69 : i32
      %get3A_846 = arith.index_cast %get3A_845 : i32 to index
      %get3A_847 = arith.constant 0 : index
      %get3A_848 = tpu.vector_load %arg7[%get3A_846, %get3A_847] {strides = array<i32>} : memref<128x32xf32, #tpu.memory_space<vmem>>, vector<16xf32>,
      %get3A_849 = arith.constant 69 : i32
      %get3A_850 = arith.index_cast %get3A_849 : i32 to index
      %get3A_851 = arith.constant 16 : index
      %get3A_852 = tpu.vector_load %arg7[%get3A_850, %get3A_851] {strides = array<i32>} : memref<128x32xf32, #tpu.memory_space<vmem>>, vector<16xf32>,
      tpu.vector_store_idx %arg9[%iota3A, %broadcast_in_dim3A_844], %get3A_848 : memref<32x129xf32, #tpu.memory_space<vmem>>[vector<16xi32>, vector<16xi32>], vector<16xf32>,
      tpu.vector_store_idx %arg9[%add3A_3, %broadcast_in_dim3A_844], %get3A_852 : memref<32x129xf32, #tpu.memory_space<vmem>>[vector<16xi32>, vector<16xi32>], vector<16xf32>,
      %broadcast_in_dim3A_853 = arith.constant 70 : i32
      %broadcast_in_dim3A_854 = vector.broadcast %broadcast_in_dim3A_853 : i32 to vector<16xi32>
      %get3A_855 = arith.constant 70 : i32
      %get3A_856 = arith.index_cast %get3A_855 : i32 to index
      %get3A_857 = arith.constant 0 : index
      %get3A_858 = tpu.vector_load %arg7[%get3A_856, %get3A_857] {strides = array<i32>} : memref<128x32xf32, #tpu.memory_space<vmem>>, vector<16xf32>,
      %get3A_859 = arith.constant 70 : i32
      %get3A_860 = arith.index_cast %get3A_859 : i32 to index
      %get3A_861 = arith.constant 16 : index
      %get3A_862 = tpu.vector_load %arg7[%get3A_860, %get3A_861] {strides = array<i32>} : memref<128x32xf32, #tpu.memory_space<vmem>>, vector<16xf32>,
      tpu.vector_store_idx %arg9[%iota3A, %broadcast_in_dim3A_854], %get3A_858 : memref<32x129xf32, #tpu.memory_space<vmem>>[vector<16xi32>, vector<16xi32>], vector<16xf32>,
      tpu.vector_store_idx %arg9[%add3A_3, %broadcast_in_dim3A_854], %get3A_862 : memref<32x129xf32, #tpu.memory_space<vmem>>[vector<16xi32>, vector<16xi32>], vector<16xf32>,
      %broadcast_in_dim3A_863 = arith.constant 71 : i32
      %broadcast_in_dim3A_864 = vector.broadcast %broadcast_in_dim3A_863 : i32 to vector<16xi32>
      %get3A_865 = arith.constant 71 : i32
      %get3A_866 = arith.index_cast %get3A_865 : i32 to index
      %get3A_867 = arith.constant 0 : index
      %get3A_868 = tpu.vector_load %arg7[%get3A_866, %get3A_867] {strides = array<i32>} : memref<128x32xf32, #tpu.memory_space<vmem>>, vector<16xf32>,
      %get3A_869 = arith.constant 71 : i32
      %get3A_870 = arith.index_cast %get3A_869 : i32 to index
      %get3A_871 = arith.constant 16 : index
      %get3A_872 = tpu.vector_load %arg7[%get3A_870, %get3A_871] {strides = array<i32>} : memref<128x32xf32, #tpu.memory_space<vmem>>, vector<16xf32>,
      tpu.vector_store_idx %arg9[%iota3A, %broadcast_in_dim3A_864], %get3A_868 : memref<32x129xf32, #tpu.memory_space<vmem>>[vector<16xi32>, vector<16xi32>], vector<16xf32>,
      tpu.vector_store_idx %arg9[%add3A_3, %broadcast_in_dim3A_864], %get3A_872 : memref<32x129xf32, #tpu.memory_space<vmem>>[vector<16xi32>, vector<16xi32>], vector<16xf32>,
      %broadcast_in_dim3A_873 = arith.constant 72 : i32
      %broadcast_in_dim3A_874 = vector.broadcast %broadcast_in_dim3A_873 : i32 to vector<16xi32>
      %get3A_875 = arith.constant 72 : i32
      %get3A_876 = arith.index_cast %get3A_875 : i32 to index
      %get3A_877 = arith.constant 0 : index
      %get3A_878 = tpu.vector_load %arg7[%get3A_876, %get3A_877] {strides = array<i32>} : memref<128x32xf32, #tpu.memory_space<vmem>>, vector<16xf32>,
      %get3A_879 = arith.constant 72 : i32
      %get3A_880 = arith.index_cast %get3A_879 : i32 to index
      %get3A_881 = arith.constant 16 : index
      %get3A_882 = tpu.vector_load %arg7[%get3A_880, %get3A_881] {strides = array<i32>} : memref<128x32xf32, #tpu.memory_space<vmem>>, vector<16xf32>,
      tpu.vector_store_idx %arg9[%iota3A, %broadcast_in_dim3A_874], %get3A_878 : memref<32x129xf32, #tpu.memory_space<vmem>>[vector<16xi32>, vector<16xi32>], vector<16xf32>,
      tpu.vector_store_idx %arg9[%add3A_3, %broadcast_in_dim3A_874], %get3A_882 : memref<32x129xf32, #tpu.memory_space<vmem>>[vector<16xi32>, vector<16xi32>], vector<16xf32>,
      %broadcast_in_dim3A_883 = arith.constant 73 : i32
      %broadcast_in_dim3A_884 = vector.broadcast %broadcast_in_dim3A_883 : i32 to vector<16xi32>
      %get3A_885 = arith.constant 73 : i32
      %get3A_886 = arith.index_cast %get3A_885 : i32 to index
      %get3A_887 = arith.constant 0 : index
      %get3A_888 = tpu.vector_load %arg7[%get3A_886, %get3A_887] {strides = array<i32>} : memref<128x32xf32, #tpu.memory_space<vmem>>, vector<16xf32>,
      %get3A_889 = arith.constant 73 : i32
      %get3A_890 = arith.index_cast %get3A_889 : i32 to index
      %get3A_891 = arith.constant 16 : index
      %get3A_892 = tpu.vector_load %arg7[%get3A_890, %get3A_891] {strides = array<i32>} : memref<128x32xf32, #tpu.memory_space<vmem>>, vector<16xf32>,
      tpu.vector_store_idx %arg9[%iota3A, %broadcast_in_dim3A_884], %get3A_888 : memref<32x129xf32, #tpu.memory_space<vmem>>[vector<16xi32>, vector<16xi32>], vector<16xf32>,
      tpu.vector_store_idx %arg9[%add3A_3, %broadcast_in_dim3A_884], %get3A_892 : memref<32x129xf32, #tpu.memory_space<vmem>>[vector<16xi32>, vector<16xi32>], vector<16xf32>,
      %broadcast_in_dim3A_893 = arith.constant 74 : i32
      %broadcast_in_dim3A_894 = vector.broadcast %broadcast_in_dim3A_893 : i32 to vector<16xi32>
      %get3A_895 = arith.constant 74 : i32
      %get3A_896 = arith.index_cast %get3A_895 : i32 to index
      %get3A_897 = arith.constant 0 : index
      %get3A_898 = tpu.vector_load %arg7[%get3A_896, %get3A_897] {strides = array<i32>} : memref<128x32xf32, #tpu.memory_space<vmem>>, vector<16xf32>,
      %get3A_899 = arith.constant 74 : i32
      %get3A_900 = arith.index_cast %get3A_899 : i32 to index
      %get3A_901 = arith.constant 16 : index
      %get3A_902 = tpu.vector_load %arg7[%get3A_900, %get3A_901] {strides = array<i32>} : memref<128x32xf32, #tpu.memory_space<vmem>>, vector<16xf32>,
      tpu.vector_store_idx %arg9[%iota3A, %broadcast_in_dim3A_894], %get3A_898 : memref<32x129xf32, #tpu.memory_space<vmem>>[vector<16xi32>, vector<16xi32>], vector<16xf32>,
      tpu.vector_store_idx %arg9[%add3A_3, %broadcast_in_dim3A_894], %get3A_902 : memref<32x129xf32, #tpu.memory_space<vmem>>[vector<16xi32>, vector<16xi32>], vector<16xf32>,
      %broadcast_in_dim3A_903 = arith.constant 75 : i32
      %broadcast_in_dim3A_904 = vector.broadcast %broadcast_in_dim3A_903 : i32 to vector<16xi32>
      %get3A_905 = arith.constant 75 : i32
      %get3A_906 = arith.index_cast %get3A_905 : i32 to index
      %get3A_907 = arith.constant 0 : index
      %get3A_908 = tpu.vector_load %arg7[%get3A_906, %get3A_907] {strides = array<i32>} : memref<128x32xf32, #tpu.memory_space<vmem>>, vector<16xf32>,
      %get3A_909 = arith.constant 75 : i32
      %get3A_910 = arith.index_cast %get3A_909 : i32 to index
      %get3A_911 = arith.constant 16 : index
      %get3A_912 = tpu.vector_load %arg7[%get3A_910, %get3A_911] {strides = array<i32>} : memref<128x32xf32, #tpu.memory_space<vmem>>, vector<16xf32>,
      tpu.vector_store_idx %arg9[%iota3A, %broadcast_in_dim3A_904], %get3A_908 : memref<32x129xf32, #tpu.memory_space<vmem>>[vector<16xi32>, vector<16xi32>], vector<16xf32>,
      tpu.vector_store_idx %arg9[%add3A_3, %broadcast_in_dim3A_904], %get3A_912 : memref<32x129xf32, #tpu.memory_space<vmem>>[vector<16xi32>, vector<16xi32>], vector<16xf32>,
      %broadcast_in_dim3A_913 = arith.constant 76 : i32
      %broadcast_in_dim3A_914 = vector.broadcast %broadcast_in_dim3A_913 : i32 to vector<16xi32>
      %get3A_915 = arith.constant 76 : i32
      %get3A_916 = arith.index_cast %get3A_915 : i32 to index
      %get3A_917 = arith.constant 0 : index
      %get3A_918 = tpu.vector_load %arg7[%get3A_916, %get3A_917] {strides = array<i32>} : memref<128x32xf32, #tpu.memory_space<vmem>>, vector<16xf32>,
      %get3A_919 = arith.constant 76 : i32
      %get3A_920 = arith.index_cast %get3A_919 : i32 to index
      %get3A_921 = arith.constant 16 : index
      %get3A_922 = tpu.vector_load %arg7[%get3A_920, %get3A_921] {strides = array<i32>} : memref<128x32xf32, #tpu.memory_space<vmem>>, vector<16xf32>,
      tpu.vector_store_idx %arg9[%iota3A, %broadcast_in_dim3A_914], %get3A_918 : memref<32x129xf32, #tpu.memory_space<vmem>>[vector<16xi32>, vector<16xi32>], vector<16xf32>,
      tpu.vector_store_idx %arg9[%add3A_3, %broadcast_in_dim3A_914], %get3A_922 : memref<32x129xf32, #tpu.memory_space<vmem>>[vector<16xi32>, vector<16xi32>], vector<16xf32>,
      %broadcast_in_dim3A_923 = arith.constant 77 : i32
      %broadcast_in_dim3A_924 = vector.broadcast %broadcast_in_dim3A_923 : i32 to vector<16xi32>
      %get3A_925 = arith.constant 77 : i32
      %get3A_926 = arith.index_cast %get3A_925 : i32 to index
      %get3A_927 = arith.constant 0 : index
      %get3A_928 = tpu.vector_load %arg7[%get3A_926, %get3A_927] {strides = array<i32>} : memref<128x32xf32, #tpu.memory_space<vmem>>, vector<16xf32>,
      %get3A_929 = arith.constant 77 : i32
      %get3A_930 = arith.index_cast %get3A_929 : i32 to index
      %get3A_931 = arith.constant 16 : index
      %get3A_932 = tpu.vector_load %arg7[%get3A_930, %get3A_931] {strides = array<i32>} : memref<128x32xf32, #tpu.memory_space<vmem>>, vector<16xf32>,
      tpu.vector_store_idx %arg9[%iota3A, %broadcast_in_dim3A_924], %get3A_928 : memref<32x129xf32, #tpu.memory_space<vmem>>[vector<16xi32>, vector<16xi32>], vector<16xf32>,
      tpu.vector_store_idx %arg9[%add3A_3, %broadcast_in_dim3A_924], %get3A_932 : memref<32x129xf32, #tpu.memory_space<vmem>>[vector<16xi32>, vector<16xi32>], vector<16xf32>,
      %broadcast_in_dim3A_933 = arith.constant 78 : i32
      %broadcast_in_dim3A_934 = vector.broadcast %broadcast_in_dim3A_933 : i32 to vector<16xi32>
      %get3A_935 = arith.constant 78 : i32
      %get3A_936 = arith.index_cast %get3A_935 : i32 to index
      %get3A_937 = arith.constant 0 : index
      %get3A_938 = tpu.vector_load %arg7[%get3A_936, %get3A_937] {strides = array<i32>} : memref<128x32xf32, #tpu.memory_space<vmem>>, vector<16xf32>,
      %get3A_939 = arith.constant 78 : i32
      %get3A_940 = arith.index_cast %get3A_939 : i32 to index
      %get3A_941 = arith.constant 16 : index
      %get3A_942 = tpu.vector_load %arg7[%get3A_940, %get3A_941] {strides = array<i32>} : memref<128x32xf32, #tpu.memory_space<vmem>>, vector<16xf32>,
      tpu.vector_store_idx %arg9[%iota3A, %broadcast_in_dim3A_934], %get3A_938 : memref<32x129xf32, #tpu.memory_space<vmem>>[vector<16xi32>, vector<16xi32>], vector<16xf32>,
      tpu.vector_store_idx %arg9[%add3A_3, %broadcast_in_dim3A_934], %get3A_942 : memref<32x129xf32, #tpu.memory_space<vmem>>[vector<16xi32>, vector<16xi32>], vector<16xf32>,
      %broadcast_in_dim3A_943 = arith.constant 79 : i32
      %broadcast_in_dim3A_944 = vector.broadcast %broadcast_in_dim3A_943 : i32 to vector<16xi32>
      %get3A_945 = arith.constant 79 : i32
      %get3A_946 = arith.index_cast %get3A_945 : i32 to index
      %get3A_947 = arith.constant 0 : index
      %get3A_948 = tpu.vector_load %arg7[%get3A_946, %get3A_947] {strides = array<i32>} : memref<128x32xf32, #tpu.memory_space<vmem>>, vector<16xf32>,
      %get3A_949 = arith.constant 79 : i32
      %get3A_950 = arith.index_cast %get3A_949 : i32 to index
      %get3A_951 = arith.constant 16 : index
      %get3A_952 = tpu.vector_load %arg7[%get3A_950, %get3A_951] {strides = array<i32>} : memref<128x32xf32, #tpu.memory_space<vmem>>, vector<16xf32>,
      tpu.vector_store_idx %arg9[%iota3A, %broadcast_in_dim3A_944], %get3A_948 : memref<32x129xf32, #tpu.memory_space<vmem>>[vector<16xi32>, vector<16xi32>], vector<16xf32>,
      tpu.vector_store_idx %arg9[%add3A_3, %broadcast_in_dim3A_944], %get3A_952 : memref<32x129xf32, #tpu.memory_space<vmem>>[vector<16xi32>, vector<16xi32>], vector<16xf32>,
      %broadcast_in_dim3A_953 = arith.constant 80 : i32
      %broadcast_in_dim3A_954 = vector.broadcast %broadcast_in_dim3A_953 : i32 to vector<16xi32>
      %get3A_955 = arith.constant 80 : i32
      %get3A_956 = arith.index_cast %get3A_955 : i32 to index
      %get3A_957 = arith.constant 0 : index
      %get3A_958 = tpu.vector_load %arg7[%get3A_956, %get3A_957] {strides = array<i32>} : memref<128x32xf32, #tpu.memory_space<vmem>>, vector<16xf32>,
      %get3A_959 = arith.constant 80 : i32
      %get3A_960 = arith.index_cast %get3A_959 : i32 to index
      %get3A_961 = arith.constant 16 : index
      %get3A_962 = tpu.vector_load %arg7[%get3A_960, %get3A_961] {strides = array<i32>} : memref<128x32xf32, #tpu.memory_space<vmem>>, vector<16xf32>,
      tpu.vector_store_idx %arg9[%iota3A, %broadcast_in_dim3A_954], %get3A_958 : memref<32x129xf32, #tpu.memory_space<vmem>>[vector<16xi32>, vector<16xi32>], vector<16xf32>,
      tpu.vector_store_idx %arg9[%add3A_3, %broadcast_in_dim3A_954], %get3A_962 : memref<32x129xf32, #tpu.memory_space<vmem>>[vector<16xi32>, vector<16xi32>], vector<16xf32>,
      %broadcast_in_dim3A_963 = arith.constant 81 : i32
      %broadcast_in_dim3A_964 = vector.broadcast %broadcast_in_dim3A_963 : i32 to vector<16xi32>
      %get3A_965 = arith.constant 81 : i32
      %get3A_966 = arith.index_cast %get3A_965 : i32 to index
      %get3A_967 = arith.constant 0 : index
      %get3A_968 = tpu.vector_load %arg7[%get3A_966, %get3A_967] {strides = array<i32>} : memref<128x32xf32, #tpu.memory_space<vmem>>, vector<16xf32>,
      %get3A_969 = arith.constant 81 : i32
      %get3A_970 = arith.index_cast %get3A_969 : i32 to index
      %get3A_971 = arith.constant 16 : index
      %get3A_972 = tpu.vector_load %arg7[%get3A_970, %get3A_971] {strides = array<i32>} : memref<128x32xf32, #tpu.memory_space<vmem>>, vector<16xf32>,
      tpu.vector_store_idx %arg9[%iota3A, %broadcast_in_dim3A_964], %get3A_968 : memref<32x129xf32, #tpu.memory_space<vmem>>[vector<16xi32>, vector<16xi32>], vector<16xf32>,
      tpu.vector_store_idx %arg9[%add3A_3, %broadcast_in_dim3A_964], %get3A_972 : memref<32x129xf32, #tpu.memory_space<vmem>>[vector<16xi32>, vector<16xi32>], vector<16xf32>,
      %broadcast_in_dim3A_973 = arith.constant 82 : i32
      %broadcast_in_dim3A_974 = vector.broadcast %broadcast_in_dim3A_973 : i32 to vector<16xi32>
      %get3A_975 = arith.constant 82 : i32
      %get3A_976 = arith.index_cast %get3A_975 : i32 to index
      %get3A_977 = arith.constant 0 : index
      %get3A_978 = tpu.vector_load %arg7[%get3A_976, %get3A_977] {strides = array<i32>} : memref<128x32xf32, #tpu.memory_space<vmem>>, vector<16xf32>,
      %get3A_979 = arith.constant 82 : i32
      %get3A_980 = arith.index_cast %get3A_979 : i32 to index
      %get3A_981 = arith.constant 16 : index
      %get3A_982 = tpu.vector_load %arg7[%get3A_980, %get3A_981] {strides = array<i32>} : memref<128x32xf32, #tpu.memory_space<vmem>>, vector<16xf32>,
      tpu.vector_store_idx %arg9[%iota3A, %broadcast_in_dim3A_974], %get3A_978 : memref<32x129xf32, #tpu.memory_space<vmem>>[vector<16xi32>, vector<16xi32>], vector<16xf32>,
      tpu.vector_store_idx %arg9[%add3A_3, %broadcast_in_dim3A_974], %get3A_982 : memref<32x129xf32, #tpu.memory_space<vmem>>[vector<16xi32>, vector<16xi32>], vector<16xf32>,
      %broadcast_in_dim3A_983 = arith.constant 83 : i32
      %broadcast_in_dim3A_984 = vector.broadcast %broadcast_in_dim3A_983 : i32 to vector<16xi32>
      %get3A_985 = arith.constant 83 : i32
      %get3A_986 = arith.index_cast %get3A_985 : i32 to index
      %get3A_987 = arith.constant 0 : index
      %get3A_988 = tpu.vector_load %arg7[%get3A_986, %get3A_987] {strides = array<i32>} : memref<128x32xf32, #tpu.memory_space<vmem>>, vector<16xf32>,
      %get3A_989 = arith.constant 83 : i32
      %get3A_990 = arith.index_cast %get3A_989 : i32 to index
      %get3A_991 = arith.constant 16 : index
      %get3A_992 = tpu.vector_load %arg7[%get3A_990, %get3A_991] {strides = array<i32>} : memref<128x32xf32, #tpu.memory_space<vmem>>, vector<16xf32>,
      tpu.vector_store_idx %arg9[%iota3A, %broadcast_in_dim3A_984], %get3A_988 : memref<32x129xf32, #tpu.memory_space<vmem>>[vector<16xi32>, vector<16xi32>], vector<16xf32>,
      tpu.vector_store_idx %arg9[%add3A_3, %broadcast_in_dim3A_984], %get3A_992 : memref<32x129xf32, #tpu.memory_space<vmem>>[vector<16xi32>, vector<16xi32>], vector<16xf32>,
      %broadcast_in_dim3A_993 = arith.constant 84 : i32
      %broadcast_in_dim3A_994 = vector.broadcast %broadcast_in_dim3A_993 : i32 to vector<16xi32>
      %get3A_995 = arith.constant 84 : i32
      %get3A_996 = arith.index_cast %get3A_995 : i32 to index
      %get3A_997 = arith.constant 0 : index
      %get3A_998 = tpu.vector_load %arg7[%get3A_996, %get3A_997] {strides = array<i32>} : memref<128x32xf32, #tpu.memory_space<vmem>>, vector<16xf32>,
      %get3A_999 = arith.constant 84 : i32
      %get3A_1000 = arith.index_cast %get3A_999 : i32 to index
      %get3A_1001 = arith.constant 16 : index
      %get3A_1002 = tpu.vector_load %arg7[%get3A_1000, %get3A_1001] {strides = array<i32>} : memref<128x32xf32, #tpu.memory_space<vmem>>, vector<16xf32>,
      tpu.vector_store_idx %arg9[%iota3A, %broadcast_in_dim3A_994], %get3A_998 : memref<32x129xf32, #tpu.memory_space<vmem>>[vector<16xi32>, vector<16xi32>], vector<16xf32>,
      tpu.vector_store_idx %arg9[%add3A_3, %broadcast_in_dim3A_994], %get3A_1002 : memref<32x129xf32, #tpu.memory_space<vmem>>[vector<16xi32>, vector<16xi32>], vector<16xf32>,
      %broadcast_in_dim3A_1003 = arith.constant 85 : i32
      %broadcast_in_dim3A_1004 = vector.broadcast %broadcast_in_dim3A_1003 : i32 to vector<16xi32>
      %get3A_1005 = arith.constant 85 : i32
      %get3A_1006 = arith.index_cast %get3A_1005 : i32 to index
      %get3A_1007 = arith.constant 0 : index
      %get3A_1008 = tpu.vector_load %arg7[%get3A_1006, %get3A_1007] {strides = array<i32>} : memref<128x32xf32, #tpu.memory_space<vmem>>, vector<16xf32>,
      %get3A_1009 = arith.constant 85 : i32
      %get3A_1010 = arith.index_cast %get3A_1009 : i32 to index
      %get3A_1011 = arith.constant 16 : index
      %get3A_1012 = tpu.vector_load %arg7[%get3A_1010, %get3A_1011] {strides = array<i32>} : memref<128x32xf32, #tpu.memory_space<vmem>>, vector<16xf32>,
      tpu.vector_store_idx %arg9[%iota3A, %broadcast_in_dim3A_1004], %get3A_1008 : memref<32x129xf32, #tpu.memory_space<vmem>>[vector<16xi32>, vector<16xi32>], vector<16xf32>,
      tpu.vector_store_idx %arg9[%add3A_3, %broadcast_in_dim3A_1004], %get3A_1012 : memref<32x129xf32, #tpu.memory_space<vmem>>[vector<16xi32>, vector<16xi32>], vector<16xf32>,
      %broadcast_in_dim3A_1013 = arith.constant 86 : i32
      %broadcast_in_dim3A_1014 = vector.broadcast %broadcast_in_dim3A_1013 : i32 to vector<16xi32>
      %get3A_1015 = arith.constant 86 : i32
      %get3A_1016 = arith.index_cast %get3A_1015 : i32 to index
      %get3A_1017 = arith.constant 0 : index
      %get3A_1018 = tpu.vector_load %arg7[%get3A_1016, %get3A_1017] {strides = array<i32>} : memref<128x32xf32, #tpu.memory_space<vmem>>, vector<16xf32>,
      %get3A_1019 = arith.constant 86 : i32
      %get3A_1020 = arith.index_cast %get3A_1019 : i32 to index
      %get3A_1021 = arith.constant 16 : index
      %get3A_1022 = tpu.vector_load %arg7[%get3A_1020, %get3A_1021] {strides = array<i32>} : memref<128x32xf32, #tpu.memory_space<vmem>>, vector<16xf32>,
      tpu.vector_store_idx %arg9[%iota3A, %broadcast_in_dim3A_1014], %get3A_1018 : memref<32x129xf32, #tpu.memory_space<vmem>>[vector<16xi32>, vector<16xi32>], vector<16xf32>,
      tpu.vector_store_idx %arg9[%add3A_3, %broadcast_in_dim3A_1014], %get3A_1022 : memref<32x129xf32, #tpu.memory_space<vmem>>[vector<16xi32>, vector<16xi32>], vector<16xf32>,
      %broadcast_in_dim3A_1023 = arith.constant 87 : i32
      %broadcast_in_dim3A_1024 = vector.broadcast %broadcast_in_dim3A_1023 : i32 to vector<16xi32>
      %get3A_1025 = arith.constant 87 : i32
      %get3A_1026 = arith.index_cast %get3A_1025 : i32 to index
      %get3A_1027 = arith.constant 0 : index
      %get3A_1028 = tpu.vector_load %arg7[%get3A_1026, %get3A_1027] {strides = array<i32>} : memref<128x32xf32, #tpu.memory_space<vmem>>, vector<16xf32>,
      %get3A_1029 = arith.constant 87 : i32
      %get3A_1030 = arith.index_cast %get3A_1029 : i32 to index
      %get3A_1031 = arith.constant 16 : index
      %get3A_1032 = tpu.vector_load %arg7[%get3A_1030, %get3A_1031] {strides = array<i32>} : memref<128x32xf32, #tpu.memory_space<vmem>>, vector<16xf32>,
      tpu.vector_store_idx %arg9[%iota3A, %broadcast_in_dim3A_1024], %get3A_1028 : memref<32x129xf32, #tpu.memory_space<vmem>>[vector<16xi32>, vector<16xi32>], vector<16xf32>,
      tpu.vector_store_idx %arg9[%add3A_3, %broadcast_in_dim3A_1024], %get3A_1032 : memref<32x129xf32, #tpu.memory_space<vmem>>[vector<16xi32>, vector<16xi32>], vector<16xf32>,
      %broadcast_in_dim3A_1033 = arith.constant 88 : i32
      %broadcast_in_dim3A_1034 = vector.broadcast %broadcast_in_dim3A_1033 : i32 to vector<16xi32>
      %get3A_1035 = arith.constant 88 : i32
      %get3A_1036 = arith.index_cast %get3A_1035 : i32 to index
      %get3A_1037 = arith.constant 0 : index
      %get3A_1038 = tpu.vector_load %arg7[%get3A_1036, %get3A_1037] {strides = array<i32>} : memref<128x32xf32, #tpu.memory_space<vmem>>, vector<16xf32>,
      %get3A_1039 = arith.constant 88 : i32
      %get3A_1040 = arith.index_cast %get3A_1039 : i32 to index
      %get3A_1041 = arith.constant 16 : index
      %get3A_1042 = tpu.vector_load %arg7[%get3A_1040, %get3A_1041] {strides = array<i32>} : memref<128x32xf32, #tpu.memory_space<vmem>>, vector<16xf32>,
      tpu.vector_store_idx %arg9[%iota3A, %broadcast_in_dim3A_1034], %get3A_1038 : memref<32x129xf32, #tpu.memory_space<vmem>>[vector<16xi32>, vector<16xi32>], vector<16xf32>,
      tpu.vector_store_idx %arg9[%add3A_3, %broadcast_in_dim3A_1034], %get3A_1042 : memref<32x129xf32, #tpu.memory_space<vmem>>[vector<16xi32>, vector<16xi32>], vector<16xf32>,
      %broadcast_in_dim3A_1043 = arith.constant 89 : i32
      %broadcast_in_dim3A_1044 = vector.broadcast %broadcast_in_dim3A_1043 : i32 to vector<16xi32>
      %get3A_1045 = arith.constant 89 : i32
      %get3A_1046 = arith.index_cast %get3A_1045 : i32 to index
      %get3A_1047 = arith.constant 0 : index
      %get3A_1048 = tpu.vector_load %arg7[%get3A_1046, %get3A_1047] {strides = array<i32>} : memref<128x32xf32, #tpu.memory_space<vmem>>, vector<16xf32>,
      %get3A_1049 = arith.constant 89 : i32
      %get3A_1050 = arith.index_cast %get3A_1049 : i32 to index
      %get3A_1051 = arith.constant 16 : index
      %get3A_1052 = tpu.vector_load %arg7[%get3A_1050, %get3A_1051] {strides = array<i32>} : memref<128x32xf32, #tpu.memory_space<vmem>>, vector<16xf32>,
      tpu.vector_store_idx %arg9[%iota3A, %broadcast_in_dim3A_1044], %get3A_1048 : memref<32x129xf32, #tpu.memory_space<vmem>>[vector<16xi32>, vector<16xi32>], vector<16xf32>,
      tpu.vector_store_idx %arg9[%add3A_3, %broadcast_in_dim3A_1044], %get3A_1052 : memref<32x129xf32, #tpu.memory_space<vmem>>[vector<16xi32>, vector<16xi32>], vector<16xf32>,
      %broadcast_in_dim3A_1053 = arith.constant 90 : i32
      %broadcast_in_dim3A_1054 = vector.broadcast %broadcast_in_dim3A_1053 : i32 to vector<16xi32>
      %get3A_1055 = arith.constant 90 : i32
      %get3A_1056 = arith.index_cast %get3A_1055 : i32 to index
      %get3A_1057 = arith.constant 0 : index
      %get3A_1058 = tpu.vector_load %arg7[%get3A_1056, %get3A_1057] {strides = array<i32>} : memref<128x32xf32, #tpu.memory_space<vmem>>, vector<16xf32>,
      %get3A_1059 = arith.constant 90 : i32
      %get3A_1060 = arith.index_cast %get3A_1059 : i32 to index
      %get3A_1061 = arith.constant 16 : index
      %get3A_1062 = tpu.vector_load %arg7[%get3A_1060, %get3A_1061] {strides = array<i32>} : memref<128x32xf32, #tpu.memory_space<vmem>>, vector<16xf32>,
      tpu.vector_store_idx %arg9[%iota3A, %broadcast_in_dim3A_1054], %get3A_1058 : memref<32x129xf32, #tpu.memory_space<vmem>>[vector<16xi32>, vector<16xi32>], vector<16xf32>,
      tpu.vector_store_idx %arg9[%add3A_3, %broadcast_in_dim3A_1054], %get3A_1062 : memref<32x129xf32, #tpu.memory_space<vmem>>[vector<16xi32>, vector<16xi32>], vector<16xf32>,
      %broadcast_in_dim3A_1063 = arith.constant 91 : i32
      %broadcast_in_dim3A_1064 = vector.broadcast %broadcast_in_dim3A_1063 : i32 to vector<16xi32>
      %get3A_1065 = arith.constant 91 : i32
      %get3A_1066 = arith.index_cast %get3A_1065 : i32 to index
      %get3A_1067 = arith.constant 0 : index
      %get3A_1068 = tpu.vector_load %arg7[%get3A_1066, %get3A_1067] {strides = array<i32>} : memref<128x32xf32, #tpu.memory_space<vmem>>, vector<16xf32>,
      %get3A_1069 = arith.constant 91 : i32
      %get3A_1070 = arith.index_cast %get3A_1069 : i32 to index
      %get3A_1071 = arith.constant 16 : index
      %get3A_1072 = tpu.vector_load %arg7[%get3A_1070, %get3A_1071] {strides = array<i32>} : memref<128x32xf32, #tpu.memory_space<vmem>>, vector<16xf32>,
      tpu.vector_store_idx %arg9[%iota3A, %broadcast_in_dim3A_1064], %get3A_1068 : memref<32x129xf32, #tpu.memory_space<vmem>>[vector<16xi32>, vector<16xi32>], vector<16xf32>,
      tpu.vector_store_idx %arg9[%add3A_3, %broadcast_in_dim3A_1064], %get3A_1072 : memref<32x129xf32, #tpu.memory_space<vmem>>[vector<16xi32>, vector<16xi32>], vector<16xf32>,
      %broadcast_in_dim3A_1073 = arith.constant 92 : i32
      %broadcast_in_dim3A_1074 = vector.broadcast %broadcast_in_dim3A_1073 : i32 to vector<16xi32>
      %get3A_1075 = arith.constant 92 : i32
      %get3A_1076 = arith.index_cast %get3A_1075 : i32 to index
      %get3A_1077 = arith.constant 0 : index
      %get3A_1078 = tpu.vector_load %arg7[%get3A_1076, %get3A_1077] {strides = array<i32>} : memref<128x32xf32, #tpu.memory_space<vmem>>, vector<16xf32>,
      %get3A_1079 = arith.constant 92 : i32
      %get3A_1080 = arith.index_cast %get3A_1079 : i32 to index
      %get3A_1081 = arith.constant 16 : index
      %get3A_1082 = tpu.vector_load %arg7[%get3A_1080, %get3A_1081] {strides = array<i32>} : memref<128x32xf32, #tpu.memory_space<vmem>>, vector<16xf32>,
      tpu.vector_store_idx %arg9[%iota3A, %broadcast_in_dim3A_1074], %get3A_1078 : memref<32x129xf32, #tpu.memory_space<vmem>>[vector<16xi32>, vector<16xi32>], vector<16xf32>,
      tpu.vector_store_idx %arg9[%add3A_3, %broadcast_in_dim3A_1074], %get3A_1082 : memref<32x129xf32, #tpu.memory_space<vmem>>[vector<16xi32>, vector<16xi32>], vector<16xf32>,
      %broadcast_in_dim3A_1083 = arith.constant 93 : i32
      %broadcast_in_dim3A_1084 = vector.broadcast %broadcast_in_dim3A_1083 : i32 to vector<16xi32>
      %get3A_1085 = arith.constant 93 : i32
      %get3A_1086 = arith.index_cast %get3A_1085 : i32 to index
      %get3A_1087 = arith.constant 0 : index
      %get3A_1088 = tpu.vector_load %arg7[%get3A_1086, %get3A_1087] {strides = array<i32>} : memref<128x32xf32, #tpu.memory_space<vmem>>, vector<16xf32>,
      %get3A_1089 = arith.constant 93 : i32
      %get3A_1090 = arith.index_cast %get3A_1089 : i32 to index
      %get3A_1091 = arith.constant 16 : index
      %get3A_1092 = tpu.vector_load %arg7[%get3A_1090, %get3A_1091] {strides = array<i32>} : memref<128x32xf32, #tpu.memory_space<vmem>>, vector<16xf32>,
      tpu.vector_store_idx %arg9[%iota3A, %broadcast_in_dim3A_1084], %get3A_1088 : memref<32x129xf32, #tpu.memory_space<vmem>>[vector<16xi32>, vector<16xi32>], vector<16xf32>,
      tpu.vector_store_idx %arg9[%add3A_3, %broadcast_in_dim3A_1084], %get3A_1092 : memref<32x129xf32, #tpu.memory_space<vmem>>[vector<16xi32>, vector<16xi32>], vector<16xf32>,
      %broadcast_in_dim3A_1093 = arith.constant 94 : i32
      %broadcast_in_dim3A_1094 = vector.broadcast %broadcast_in_dim3A_1093 : i32 to vector<16xi32>
      %get3A_1095 = arith.constant 94 : i32
      %get3A_1096 = arith.index_cast %get3A_1095 : i32 to index
      %get3A_1097 = arith.constant 0 : index
      %get3A_1098 = tpu.vector_load %arg7[%get3A_1096, %get3A_1097] {strides = array<i32>} : memref<128x32xf32, #tpu.memory_space<vmem>>, vector<16xf32>,
      %get3A_1099 = arith.constant 94 : i32
      %get3A_1100 = arith.index_cast %get3A_1099 : i32 to index
      %get3A_1101 = arith.constant 16 : index
      %get3A_1102 = tpu.vector_load %arg7[%get3A_1100, %get3A_1101] {strides = array<i32>} : memref<128x32xf32, #tpu.memory_space<vmem>>, vector<16xf32>,
      tpu.vector_store_idx %arg9[%iota3A, %broadcast_in_dim3A_1094], %get3A_1098 : memref<32x129xf32, #tpu.memory_space<vmem>>[vector<16xi32>, vector<16xi32>], vector<16xf32>,
      tpu.vector_store_idx %arg9[%add3A_3, %broadcast_in_dim3A_1094], %get3A_1102 : memref<32x129xf32, #tpu.memory_space<vmem>>[vector<16xi32>, vector<16xi32>], vector<16xf32>,
      %broadcast_in_dim3A_1103 = arith.constant 95 : i32
      %broadcast_in_dim3A_1104 = vector.broadcast %broadcast_in_dim3A_1103 : i32 to vector<16xi32>
      %get3A_1105 = arith.constant 95 : i32
      %get3A_1106 = arith.index_cast %get3A_1105 : i32 to index
      %get3A_1107 = arith.constant 0 : index
      %get3A_1108 = tpu.vector_load %arg7[%get3A_1106, %get3A_1107] {strides = array<i32>} : memref<128x32xf32, #tpu.memory_space<vmem>>, vector<16xf32>,
      %get3A_1109 = arith.constant 95 : i32
      %get3A_1110 = arith.index_cast %get3A_1109 : i32 to index
      %get3A_1111 = arith.constant 16 : index
      %get3A_1112 = tpu.vector_load %arg7[%get3A_1110, %get3A_1111] {strides = array<i32>} : memref<128x32xf32, #tpu.memory_space<vmem>>, vector<16xf32>,
      tpu.vector_store_idx %arg9[%iota3A, %broadcast_in_dim3A_1104], %get3A_1108 : memref<32x129xf32, #tpu.memory_space<vmem>>[vector<16xi32>, vector<16xi32>], vector<16xf32>,
      tpu.vector_store_idx %arg9[%add3A_3, %broadcast_in_dim3A_1104], %get3A_1112 : memref<32x129xf32, #tpu.memory_space<vmem>>[vector<16xi32>, vector<16xi32>], vector<16xf32>,
      %broadcast_in_dim3A_1113 = arith.constant 96 : i32
      %broadcast_in_dim3A_1114 = vector.broadcast %broadcast_in_dim3A_1113 : i32 to vector<16xi32>
      %get3A_1115 = arith.constant 96 : i32
      %get3A_1116 = arith.index_cast %get3A_1115 : i32 to index
      %get3A_1117 = arith.constant 0 : index
      %get3A_1118 = tpu.vector_load %arg7[%get3A_1116, %get3A_1117] {strides = array<i32>} : memref<128x32xf32, #tpu.memory_space<vmem>>, vector<16xf32>,
      %get3A_1119 = arith.constant 96 : i32
      %get3A_1120 = arith.index_cast %get3A_1119 : i32 to index
      %get3A_1121 = arith.constant 16 : index
      %get3A_1122 = tpu.vector_load %arg7[%get3A_1120, %get3A_1121] {strides = array<i32>} : memref<128x32xf32, #tpu.memory_space<vmem>>, vector<16xf32>,
      tpu.vector_store_idx %arg9[%iota3A, %broadcast_in_dim3A_1114], %get3A_1118 : memref<32x129xf32, #tpu.memory_space<vmem>>[vector<16xi32>, vector<16xi32>], vector<16xf32>,
      tpu.vector_store_idx %arg9[%add3A_3, %broadcast_in_dim3A_1114], %get3A_1122 : memref<32x129xf32, #tpu.memory_space<vmem>>[vector<16xi32>, vector<16xi32>], vector<16xf32>,
      %broadcast_in_dim3A_1123 = arith.constant 97 : i32
      %broadcast_in_dim3A_1124 = vector.broadcast %broadcast_in_dim3A_1123 : i32 to vector<16xi32>
      %get3A_1125 = arith.constant 97 : i32
      %get3A_1126 = arith.index_cast %get3A_1125 : i32 to index
      %get3A_1127 = arith.constant 0 : index
      %get3A_1128 = tpu.vector_load %arg7[%get3A_1126, %get3A_1127] {strides = array<i32>} : memref<128x32xf32, #tpu.memory_space<vmem>>, vector<16xf32>,
      %get3A_1129 = arith.constant 97 : i32
      %get3A_1130 = arith.index_cast %get3A_1129 : i32 to index
      %get3A_1131 = arith.constant 16 : index
      %get3A_1132 = tpu.vector_load %arg7[%get3A_1130, %get3A_1131] {strides = array<i32>} : memref<128x32xf32, #tpu.memory_space<vmem>>, vector<16xf32>,
      tpu.vector_store_idx %arg9[%iota3A, %broadcast_in_dim3A_1124], %get3A_1128 : memref<32x129xf32, #tpu.memory_space<vmem>>[vector<16xi32>, vector<16xi32>], vector<16xf32>,
      tpu.vector_store_idx %arg9[%add3A_3, %broadcast_in_dim3A_1124], %get3A_1132 : memref<32x129xf32, #tpu.memory_space<vmem>>[vector<16xi32>, vector<16xi32>], vector<16xf32>,
      %broadcast_in_dim3A_1133 = arith.constant 98 : i32
      %broadcast_in_dim3A_1134 = vector.broadcast %broadcast_in_dim3A_1133 : i32 to vector<16xi32>
      %get3A_1135 = arith.constant 98 : i32
      %get3A_1136 = arith.index_cast %get3A_1135 : i32 to index
      %get3A_1137 = arith.constant 0 : index
      %get3A_1138 = tpu.vector_load %arg7[%get3A_1136, %get3A_1137] {strides = array<i32>} : memref<128x32xf32, #tpu.memory_space<vmem>>, vector<16xf32>,
      %get3A_1139 = arith.constant 98 : i32
      %get3A_1140 = arith.index_cast %get3A_1139 : i32 to index
      %get3A_1141 = arith.constant 16 : index
      %get3A_1142 = tpu.vector_load %arg7[%get3A_1140, %get3A_1141] {strides = array<i32>} : memref<128x32xf32, #tpu.memory_space<vmem>>, vector<16xf32>,
      tpu.vector_store_idx %arg9[%iota3A, %broadcast_in_dim3A_1134], %get3A_1138 : memref<32x129xf32, #tpu.memory_space<vmem>>[vector<16xi32>, vector<16xi32>], vector<16xf32>,
      tpu.vector_store_idx %arg9[%add3A_3, %broadcast_in_dim3A_1134], %get3A_1142 : memref<32x129xf32, #tpu.memory_space<vmem>>[vector<16xi32>, vector<16xi32>], vector<16xf32>,
      %broadcast_in_dim3A_1143 = arith.constant 99 : i32
      %broadcast_in_dim3A_1144 = vector.broadcast %broadcast_in_dim3A_1143 : i32 to vector<16xi32>
      %get3A_1145 = arith.constant 99 : i32
      %get3A_1146 = arith.index_cast %get3A_1145 : i32 to index
      %get3A_1147 = arith.constant 0 : index
      %get3A_1148 = tpu.vector_load %arg7[%get3A_1146, %get3A_1147] {strides = array<i32>} : memref<128x32xf32, #tpu.memory_space<vmem>>, vector<16xf32>,
      %get3A_1149 = arith.constant 99 : i32
      %get3A_1150 = arith.index_cast %get3A_1149 : i32 to index
      %get3A_1151 = arith.constant 16 : index
      %get3A_1152 = tpu.vector_load %arg7[%get3A_1150, %get3A_1151] {strides = array<i32>} : memref<128x32xf32, #tpu.memory_space<vmem>>, vector<16xf32>,
      tpu.vector_store_idx %arg9[%iota3A, %broadcast_in_dim3A_1144], %get3A_1148 : memref<32x129xf32, #tpu.memory_space<vmem>>[vector<16xi32>, vector<16xi32>], vector<16xf32>,
      tpu.vector_store_idx %arg9[%add3A_3, %broadcast_in_dim3A_1144], %get3A_1152 : memref<32x129xf32, #tpu.memory_space<vmem>>[vector<16xi32>, vector<16xi32>], vector<16xf32>,
      %broadcast_in_dim3A_1153 = arith.constant 100 : i32
      %broadcast_in_dim3A_1154 = vector.broadcast %broadcast_in_dim3A_1153 : i32 to vector<16xi32>
      %get3A_1155 = arith.constant 100 : i32
      %get3A_1156 = arith.index_cast %get3A_1155 : i32 to index
      %get3A_1157 = arith.constant 0 : index
      %get3A_1158 = tpu.vector_load %arg7[%get3A_1156, %get3A_1157] {strides = array<i32>} : memref<128x32xf32, #tpu.memory_space<vmem>>, vector<16xf32>,
      %get3A_1159 = arith.constant 100 : i32
      %get3A_1160 = arith.index_cast %get3A_1159 : i32 to index
      %get3A_1161 = arith.constant 16 : index
      %get3A_1162 = tpu.vector_load %arg7[%get3A_1160, %get3A_1161] {strides = array<i32>} : memref<128x32xf32, #tpu.memory_space<vmem>>, vector<16xf32>,
      tpu.vector_store_idx %arg9[%iota3A, %broadcast_in_dim3A_1154], %get3A_1158 : memref<32x129xf32, #tpu.memory_space<vmem>>[vector<16xi32>, vector<16xi32>], vector<16xf32>,
      tpu.vector_store_idx %arg9[%add3A_3, %broadcast_in_dim3A_1154], %get3A_1162 : memref<32x129xf32, #tpu.memory_space<vmem>>[vector<16xi32>, vector<16xi32>], vector<16xf32>,
      %broadcast_in_dim3A_1163 = arith.constant 101 : i32
      %broadcast_in_dim3A_1164 = vector.broadcast %broadcast_in_dim3A_1163 : i32 to vector<16xi32>
      %get3A_1165 = arith.constant 101 : i32
      %get3A_1166 = arith.index_cast %get3A_1165 : i32 to index
      %get3A_1167 = arith.constant 0 : index
      %get3A_1168 = tpu.vector_load %arg7[%get3A_1166, %get3A_1167] {strides = array<i32>} : memref<128x32xf32, #tpu.memory_space<vmem>>, vector<16xf32>,
      %get3A_1169 = arith.constant 101 : i32
      %get3A_1170 = arith.index_cast %get3A_1169 : i32 to index
      %get3A_1171 = arith.constant 16 : index
      %get3A_1172 = tpu.vector_load %arg7[%get3A_1170, %get3A_1171] {strides = array<i32>} : memref<128x32xf32, #tpu.memory_space<vmem>>, vector<16xf32>,
      tpu.vector_store_idx %arg9[%iota3A, %broadcast_in_dim3A_1164], %get3A_1168 : memref<32x129xf32, #tpu.memory_space<vmem>>[vector<16xi32>, vector<16xi32>], vector<16xf32>,
      tpu.vector_store_idx %arg9[%add3A_3, %broadcast_in_dim3A_1164], %get3A_1172 : memref<32x129xf32, #tpu.memory_space<vmem>>[vector<16xi32>, vector<16xi32>], vector<16xf32>,
      %broadcast_in_dim3A_1173 = arith.constant 102 : i32
      %broadcast_in_dim3A_1174 = vector.broadcast %broadcast_in_dim3A_1173 : i32 to vector<16xi32>
      %get3A_1175 = arith.constant 102 : i32
      %get3A_1176 = arith.index_cast %get3A_1175 : i32 to index
      %get3A_1177 = arith.constant 0 : index
      %get3A_1178 = tpu.vector_load %arg7[%get3A_1176, %get3A_1177] {strides = array<i32>} : memref<128x32xf32, #tpu.memory_space<vmem>>, vector<16xf32>,
      %get3A_1179 = arith.constant 102 : i32
      %get3A_1180 = arith.index_cast %get3A_1179 : i32 to index
      %get3A_1181 = arith.constant 16 : index
      %get3A_1182 = tpu.vector_load %arg7[%get3A_1180, %get3A_1181] {strides = array<i32>} : memref<128x32xf32, #tpu.memory_space<vmem>>, vector<16xf32>,
      tpu.vector_store_idx %arg9[%iota3A, %broadcast_in_dim3A_1174], %get3A_1178 : memref<32x129xf32, #tpu.memory_space<vmem>>[vector<16xi32>, vector<16xi32>], vector<16xf32>,
      tpu.vector_store_idx %arg9[%add3A_3, %broadcast_in_dim3A_1174], %get3A_1182 : memref<32x129xf32, #tpu.memory_space<vmem>>[vector<16xi32>, vector<16xi32>], vector<16xf32>,
      %broadcast_in_dim3A_1183 = arith.constant 103 : i32
      %broadcast_in_dim3A_1184 = vector.broadcast %broadcast_in_dim3A_1183 : i32 to vector<16xi32>
      %get3A_1185 = arith.constant 103 : i32
      %get3A_1186 = arith.index_cast %get3A_1185 : i32 to index
      %get3A_1187 = arith.constant 0 : index
      %get3A_1188 = tpu.vector_load %arg7[%get3A_1186, %get3A_1187] {strides = array<i32>} : memref<128x32xf32, #tpu.memory_space<vmem>>, vector<16xf32>,
      %get3A_1189 = arith.constant 103 : i32
      %get3A_1190 = arith.index_cast %get3A_1189 : i32 to index
      %get3A_1191 = arith.constant 16 : index
      %get3A_1192 = tpu.vector_load %arg7[%get3A_1190, %get3A_1191] {strides = array<i32>} : memref<128x32xf32, #tpu.memory_space<vmem>>, vector<16xf32>,
      tpu.vector_store_idx %arg9[%iota3A, %broadcast_in_dim3A_1184], %get3A_1188 : memref<32x129xf32, #tpu.memory_space<vmem>>[vector<16xi32>, vector<16xi32>], vector<16xf32>,
      tpu.vector_store_idx %arg9[%add3A_3, %broadcast_in_dim3A_1184], %get3A_1192 : memref<32x129xf32, #tpu.memory_space<vmem>>[vector<16xi32>, vector<16xi32>], vector<16xf32>,
      %broadcast_in_dim3A_1193 = arith.constant 104 : i32
      %broadcast_in_dim3A_1194 = vector.broadcast %broadcast_in_dim3A_1193 : i32 to vector<16xi32>
      %get3A_1195 = arith.constant 104 : i32
      %get3A_1196 = arith.index_cast %get3A_1195 : i32 to index
      %get3A_1197 = arith.constant 0 : index
      %get3A_1198 = tpu.vector_load %arg7[%get3A_1196, %get3A_1197] {strides = array<i32>} : memref<128x32xf32, #tpu.memory_space<vmem>>, vector<16xf32>,
      %get3A_1199 = arith.constant 104 : i32
      %get3A_1200 = arith.index_cast %get3A_1199 : i32 to index
      %get3A_1201 = arith.constant 16 : index
      %get3A_1202 = tpu.vector_load %arg7[%get3A_1200, %get3A_1201] {strides = array<i32>} : memref<128x32xf32, #tpu.memory_space<vmem>>, vector<16xf32>,
      tpu.vector_store_idx %arg9[%iota3A, %broadcast_in_dim3A_1194], %get3A_1198 : memref<32x129xf32, #tpu.memory_space<vmem>>[vector<16xi32>, vector<16xi32>], vector<16xf32>,
      tpu.vector_store_idx %arg9[%add3A_3, %broadcast_in_dim3A_1194], %get3A_1202 : memref<32x129xf32, #tpu.memory_space<vmem>>[vector<16xi32>, vector<16xi32>], vector<16xf32>,
      %broadcast_in_dim3A_1203 = arith.constant 105 : i32
      %broadcast_in_dim3A_1204 = vector.broadcast %broadcast_in_dim3A_1203 : i32 to vector<16xi32>
      %get3A_1205 = arith.constant 105 : i32
      %get3A_1206 = arith.index_cast %get3A_1205 : i32 to index
      %get3A_1207 = arith.constant 0 : index
      %get3A_1208 = tpu.vector_load %arg7[%get3A_1206, %get3A_1207] {strides = array<i32>} : memref<128x32xf32, #tpu.memory_space<vmem>>, vector<16xf32>,
      %get3A_1209 = arith.constant 105 : i32
      %get3A_1210 = arith.index_cast %get3A_1209 : i32 to index
      %get3A_1211 = arith.constant 16 : index
      %get3A_1212 = tpu.vector_load %arg7[%get3A_1210, %get3A_1211] {strides = array<i32>} : memref<128x32xf32, #tpu.memory_space<vmem>>, vector<16xf32>,
      tpu.vector_store_idx %arg9[%iota3A, %broadcast_in_dim3A_1204], %get3A_1208 : memref<32x129xf32, #tpu.memory_space<vmem>>[vector<16xi32>, vector<16xi32>], vector<16xf32>,
      tpu.vector_store_idx %arg9[%add3A_3, %broadcast_in_dim3A_1204], %get3A_1212 : memref<32x129xf32, #tpu.memory_space<vmem>>[vector<16xi32>, vector<16xi32>], vector<16xf32>,
      %broadcast_in_dim3A_1213 = arith.constant 106 : i32
      %broadcast_in_dim3A_1214 = vector.broadcast %broadcast_in_dim3A_1213 : i32 to vector<16xi32>
      %get3A_1215 = arith.constant 106 : i32
      %get3A_1216 = arith.index_cast %get3A_1215 : i32 to index
      %get3A_1217 = arith.constant 0 : index
      %get3A_1218 = tpu.vector_load %arg7[%get3A_1216, %get3A_1217] {strides = array<i32>} : memref<128x32xf32, #tpu.memory_space<vmem>>, vector<16xf32>,
      %get3A_1219 = arith.constant 106 : i32
      %get3A_1220 = arith.index_cast %get3A_1219 : i32 to index
      %get3A_1221 = arith.constant 16 : index
      %get3A_1222 = tpu.vector_load %arg7[%get3A_1220, %get3A_1221] {strides = array<i32>} : memref<128x32xf32, #tpu.memory_space<vmem>>, vector<16xf32>,
      tpu.vector_store_idx %arg9[%iota3A, %broadcast_in_dim3A_1214], %get3A_1218 : memref<32x129xf32, #tpu.memory_space<vmem>>[vector<16xi32>, vector<16xi32>], vector<16xf32>,
      tpu.vector_store_idx %arg9[%add3A_3, %broadcast_in_dim3A_1214], %get3A_1222 : memref<32x129xf32, #tpu.memory_space<vmem>>[vector<16xi32>, vector<16xi32>], vector<16xf32>,
      %broadcast_in_dim3A_1223 = arith.constant 107 : i32
      %broadcast_in_dim3A_1224 = vector.broadcast %broadcast_in_dim3A_1223 : i32 to vector<16xi32>
      %get3A_1225 = arith.constant 107 : i32
      %get3A_1226 = arith.index_cast %get3A_1225 : i32 to index
      %get3A_1227 = arith.constant 0 : index
      %get3A_1228 = tpu.vector_load %arg7[%get3A_1226, %get3A_1227] {strides = array<i32>} : memref<128x32xf32, #tpu.memory_space<vmem>>, vector<16xf32>,
      %get3A_1229 = arith.constant 107 : i32
      %get3A_1230 = arith.index_cast %get3A_1229 : i32 to index
      %get3A_1231 = arith.constant 16 : index
      %get3A_1232 = tpu.vector_load %arg7[%get3A_1230, %get3A_1231] {strides = array<i32>} : memref<128x32xf32, #tpu.memory_space<vmem>>, vector<16xf32>,
      tpu.vector_store_idx %arg9[%iota3A, %broadcast_in_dim3A_1224], %get3A_1228 : memref<32x129xf32, #tpu.memory_space<vmem>>[vector<16xi32>, vector<16xi32>], vector<16xf32>,
      tpu.vector_store_idx %arg9[%add3A_3, %broadcast_in_dim3A_1224], %get3A_1232 : memref<32x129xf32, #tpu.memory_space<vmem>>[vector<16xi32>, vector<16xi32>], vector<16xf32>,
      %broadcast_in_dim3A_1233 = arith.constant 108 : i32
      %broadcast_in_dim3A_1234 = vector.broadcast %broadcast_in_dim3A_1233 : i32 to vector<16xi32>
      %get3A_1235 = arith.constant 108 : i32
      %get3A_1236 = arith.index_cast %get3A_1235 : i32 to index
      %get3A_1237 = arith.constant 0 : index
      %get3A_1238 = tpu.vector_load %arg7[%get3A_1236, %get3A_1237] {strides = array<i32>} : memref<128x32xf32, #tpu.memory_space<vmem>>, vector<16xf32>,
      %get3A_1239 = arith.constant 108 : i32
      %get3A_1240 = arith.index_cast %get3A_1239 : i32 to index
      %get3A_1241 = arith.constant 16 : index
      %get3A_1242 = tpu.vector_load %arg7[%get3A_1240, %get3A_1241] {strides = array<i32>} : memref<128x32xf32, #tpu.memory_space<vmem>>, vector<16xf32>,
      tpu.vector_store_idx %arg9[%iota3A, %broadcast_in_dim3A_1234], %get3A_1238 : memref<32x129xf32, #tpu.memory_space<vmem>>[vector<16xi32>, vector<16xi32>], vector<16xf32>,
      tpu.vector_store_idx %arg9[%add3A_3, %broadcast_in_dim3A_1234], %get3A_1242 : memref<32x129xf32, #tpu.memory_space<vmem>>[vector<16xi32>, vector<16xi32>], vector<16xf32>,
      %broadcast_in_dim3A_1243 = arith.constant 109 : i32
      %broadcast_in_dim3A_1244 = vector.broadcast %broadcast_in_dim3A_1243 : i32 to vector<16xi32>
      %get3A_1245 = arith.constant 109 : i32
      %get3A_1246 = arith.index_cast %get3A_1245 : i32 to index
      %get3A_1247 = arith.constant 0 : index
      %get3A_1248 = tpu.vector_load %arg7[%get3A_1246, %get3A_1247] {strides = array<i32>} : memref<128x32xf32, #tpu.memory_space<vmem>>, vector<16xf32>,
      %get3A_1249 = arith.constant 109 : i32
      %get3A_1250 = arith.index_cast %get3A_1249 : i32 to index
      %get3A_1251 = arith.constant 16 : index
      %get3A_1252 = tpu.vector_load %arg7[%get3A_1250, %get3A_1251] {strides = array<i32>} : memref<128x32xf32, #tpu.memory_space<vmem>>, vector<16xf32>,
      tpu.vector_store_idx %arg9[%iota3A, %broadcast_in_dim3A_1244], %get3A_1248 : memref<32x129xf32, #tpu.memory_space<vmem>>[vector<16xi32>, vector<16xi32>], vector<16xf32>,
      tpu.vector_store_idx %arg9[%add3A_3, %broadcast_in_dim3A_1244], %get3A_1252 : memref<32x129xf32, #tpu.memory_space<vmem>>[vector<16xi32>, vector<16xi32>], vector<16xf32>,
      %broadcast_in_dim3A_1253 = arith.constant 110 : i32
      %broadcast_in_dim3A_1254 = vector.broadcast %broadcast_in_dim3A_1253 : i32 to vector<16xi32>
      %get3A_1255 = arith.constant 110 : i32
      %get3A_1256 = arith.index_cast %get3A_1255 : i32 to index
      %get3A_1257 = arith.constant 0 : index
      %get3A_1258 = tpu.vector_load %arg7[%get3A_1256, %get3A_1257] {strides = array<i32>} : memref<128x32xf32, #tpu.memory_space<vmem>>, vector<16xf32>,
      %get3A_1259 = arith.constant 110 : i32
      %get3A_1260 = arith.index_cast %get3A_1259 : i32 to index
      %get3A_1261 = arith.constant 16 : index
      %get3A_1262 = tpu.vector_load %arg7[%get3A_1260, %get3A_1261] {strides = array<i32>} : memref<128x32xf32, #tpu.memory_space<vmem>>, vector<16xf32>,
      tpu.vector_store_idx %arg9[%iota3A, %broadcast_in_dim3A_1254], %get3A_1258 : memref<32x129xf32, #tpu.memory_space<vmem>>[vector<16xi32>, vector<16xi32>], vector<16xf32>,
      tpu.vector_store_idx %arg9[%add3A_3, %broadcast_in_dim3A_1254], %get3A_1262 : memref<32x129xf32, #tpu.memory_space<vmem>>[vector<16xi32>, vector<16xi32>], vector<16xf32>,
      %broadcast_in_dim3A_1263 = arith.constant 111 : i32
      %broadcast_in_dim3A_1264 = vector.broadcast %broadcast_in_dim3A_1263 : i32 to vector<16xi32>
      %get3A_1265 = arith.constant 111 : i32
      %get3A_1266 = arith.index_cast %get3A_1265 : i32 to index
      %get3A_1267 = arith.constant 0 : index
      %get3A_1268 = tpu.vector_load %arg7[%get3A_1266, %get3A_1267] {strides = array<i32>} : memref<128x32xf32, #tpu.memory_space<vmem>>, vector<16xf32>,
      %get3A_1269 = arith.constant 111 : i32
      %get3A_1270 = arith.index_cast %get3A_1269 : i32 to index
      %get3A_1271 = arith.constant 16 : index
      %get3A_1272 = tpu.vector_load %arg7[%get3A_1270, %get3A_1271] {strides = array<i32>} : memref<128x32xf32, #tpu.memory_space<vmem>>, vector<16xf32>,
      tpu.vector_store_idx %arg9[%iota3A, %broadcast_in_dim3A_1264], %get3A_1268 : memref<32x129xf32, #tpu.memory_space<vmem>>[vector<16xi32>, vector<16xi32>], vector<16xf32>,
      tpu.vector_store_idx %arg9[%add3A_3, %broadcast_in_dim3A_1264], %get3A_1272 : memref<32x129xf32, #tpu.memory_space<vmem>>[vector<16xi32>, vector<16xi32>], vector<16xf32>,
      %broadcast_in_dim3A_1273 = arith.constant 112 : i32
      %broadcast_in_dim3A_1274 = vector.broadcast %broadcast_in_dim3A_1273 : i32 to vector<16xi32>
      %get3A_1275 = arith.constant 112 : i32
      %get3A_1276 = arith.index_cast %get3A_1275 : i32 to index
      %get3A_1277 = arith.constant 0 : index
      %get3A_1278 = tpu.vector_load %arg7[%get3A_1276, %get3A_1277] {strides = array<i32>} : memref<128x32xf32, #tpu.memory_space<vmem>>, vector<16xf32>,
      %get3A_1279 = arith.constant 112 : i32
      %get3A_1280 = arith.index_cast %get3A_1279 : i32 to index
      %get3A_1281 = arith.constant 16 : index
      %get3A_1282 = tpu.vector_load %arg7[%get3A_1280, %get3A_1281] {strides = array<i32>} : memref<128x32xf32, #tpu.memory_space<vmem>>, vector<16xf32>,
      tpu.vector_store_idx %arg9[%iota3A, %broadcast_in_dim3A_1274], %get3A_1278 : memref<32x129xf32, #tpu.memory_space<vmem>>[vector<16xi32>, vector<16xi32>], vector<16xf32>,
      tpu.vector_store_idx %arg9[%add3A_3, %broadcast_in_dim3A_1274], %get3A_1282 : memref<32x129xf32, #tpu.memory_space<vmem>>[vector<16xi32>, vector<16xi32>], vector<16xf32>,
      %broadcast_in_dim3A_1283 = arith.constant 113 : i32
      %broadcast_in_dim3A_1284 = vector.broadcast %broadcast_in_dim3A_1283 : i32 to vector<16xi32>
      %get3A_1285 = arith.constant 113 : i32
      %get3A_1286 = arith.index_cast %get3A_1285 : i32 to index
      %get3A_1287 = arith.constant 0 : index
      %get3A_1288 = tpu.vector_load %arg7[%get3A_1286, %get3A_1287] {strides = array<i32>} : memref<128x32xf32, #tpu.memory_space<vmem>>, vector<16xf32>,
      %get3A_1289 = arith.constant 113 : i32
      %get3A_1290 = arith.index_cast %get3A_1289 : i32 to index
      %get3A_1291 = arith.constant 16 : index
      %get3A_1292 = tpu.vector_load %arg7[%get3A_1290, %get3A_1291] {strides = array<i32>} : memref<128x32xf32, #tpu.memory_space<vmem>>, vector<16xf32>,
      tpu.vector_store_idx %arg9[%iota3A, %broadcast_in_dim3A_1284], %get3A_1288 : memref<32x129xf32, #tpu.memory_space<vmem>>[vector<16xi32>, vector<16xi32>], vector<16xf32>,
      tpu.vector_store_idx %arg9[%add3A_3, %broadcast_in_dim3A_1284], %get3A_1292 : memref<32x129xf32, #tpu.memory_space<vmem>>[vector<16xi32>, vector<16xi32>], vector<16xf32>,
      %broadcast_in_dim3A_1293 = arith.constant 114 : i32
      %broadcast_in_dim3A_1294 = vector.broadcast %broadcast_in_dim3A_1293 : i32 to vector<16xi32>
      %get3A_1295 = arith.constant 114 : i32
      %get3A_1296 = arith.index_cast %get3A_1295 : i32 to index
      %get3A_1297 = arith.constant 0 : index
      %get3A_1298 = tpu.vector_load %arg7[%get3A_1296, %get3A_1297] {strides = array<i32>} : memref<128x32xf32, #tpu.memory_space<vmem>>, vector<16xf32>,
      %get3A_1299 = arith.constant 114 : i32
      %get3A_1300 = arith.index_cast %get3A_1299 : i32 to index
      %get3A_1301 = arith.constant 16 : index
      %get3A_1302 = tpu.vector_load %arg7[%get3A_1300, %get3A_1301] {strides = array<i32>} : memref<128x32xf32, #tpu.memory_space<vmem>>, vector<16xf32>,
      tpu.vector_store_idx %arg9[%iota3A, %broadcast_in_dim3A_1294], %get3A_1298 : memref<32x129xf32, #tpu.memory_space<vmem>>[vector<16xi32>, vector<16xi32>], vector<16xf32>,
      tpu.vector_store_idx %arg9[%add3A_3, %broadcast_in_dim3A_1294], %get3A_1302 : memref<32x129xf32, #tpu.memory_space<vmem>>[vector<16xi32>, vector<16xi32>], vector<16xf32>,
      %broadcast_in_dim3A_1303 = arith.constant 115 : i32
      %broadcast_in_dim3A_1304 = vector.broadcast %broadcast_in_dim3A_1303 : i32 to vector<16xi32>
      %get3A_1305 = arith.constant 115 : i32
      %get3A_1306 = arith.index_cast %get3A_1305 : i32 to index
      %get3A_1307 = arith.constant 0 : index
      %get3A_1308 = tpu.vector_load %arg7[%get3A_1306, %get3A_1307] {strides = array<i32>} : memref<128x32xf32, #tpu.memory_space<vmem>>, vector<16xf32>,
      %get3A_1309 = arith.constant 115 : i32
      %get3A_1310 = arith.index_cast %get3A_1309 : i32 to index
      %get3A_1311 = arith.constant 16 : index
      %get3A_1312 = tpu.vector_load %arg7[%get3A_1310, %get3A_1311] {strides = array<i32>} : memref<128x32xf32, #tpu.memory_space<vmem>>, vector<16xf32>,
      tpu.vector_store_idx %arg9[%iota3A, %broadcast_in_dim3A_1304], %get3A_1308 : memref<32x129xf32, #tpu.memory_space<vmem>>[vector<16xi32>, vector<16xi32>], vector<16xf32>,
      tpu.vector_store_idx %arg9[%add3A_3, %broadcast_in_dim3A_1304], %get3A_1312 : memref<32x129xf32, #tpu.memory_space<vmem>>[vector<16xi32>, vector<16xi32>], vector<16xf32>,
      %broadcast_in_dim3A_1313 = arith.constant 116 : i32
      %broadcast_in_dim3A_1314 = vector.broadcast %broadcast_in_dim3A_1313 : i32 to vector<16xi32>
      %get3A_1315 = arith.constant 116 : i32
      %get3A_1316 = arith.index_cast %get3A_1315 : i32 to index
      %get3A_1317 = arith.constant 0 : index
      %get3A_1318 = tpu.vector_load %arg7[%get3A_1316, %get3A_1317] {strides = array<i32>} : memref<128x32xf32, #tpu.memory_space<vmem>>, vector<16xf32>,
      %get3A_1319 = arith.constant 116 : i32
      %get3A_1320 = arith.index_cast %get3A_1319 : i32 to index
      %get3A_1321 = arith.constant 16 : index
      %get3A_1322 = tpu.vector_load %arg7[%get3A_1320, %get3A_1321] {strides = array<i32>} : memref<128x32xf32, #tpu.memory_space<vmem>>, vector<16xf32>,
      tpu.vector_store_idx %arg9[%iota3A, %broadcast_in_dim3A_1314], %get3A_1318 : memref<32x129xf32, #tpu.memory_space<vmem>>[vector<16xi32>, vector<16xi32>], vector<16xf32>,
      tpu.vector_store_idx %arg9[%add3A_3, %broadcast_in_dim3A_1314], %get3A_1322 : memref<32x129xf32, #tpu.memory_space<vmem>>[vector<16xi32>, vector<16xi32>], vector<16xf32>,
      %broadcast_in_dim3A_1323 = arith.constant 117 : i32
      %broadcast_in_dim3A_1324 = vector.broadcast %broadcast_in_dim3A_1323 : i32 to vector<16xi32>
      %get3A_1325 = arith.constant 117 : i32
      %get3A_1326 = arith.index_cast %get3A_1325 : i32 to index
      %get3A_1327 = arith.constant 0 : index
      %get3A_1328 = tpu.vector_load %arg7[%get3A_1326, %get3A_1327] {strides = array<i32>} : memref<128x32xf32, #tpu.memory_space<vmem>>, vector<16xf32>,
      %get3A_1329 = arith.constant 117 : i32
      %get3A_1330 = arith.index_cast %get3A_1329 : i32 to index
      %get3A_1331 = arith.constant 16 : index
      %get3A_1332 = tpu.vector_load %arg7[%get3A_1330, %get3A_1331] {strides = array<i32>} : memref<128x32xf32, #tpu.memory_space<vmem>>, vector<16xf32>,
      tpu.vector_store_idx %arg9[%iota3A, %broadcast_in_dim3A_1324], %get3A_1328 : memref<32x129xf32, #tpu.memory_space<vmem>>[vector<16xi32>, vector<16xi32>], vector<16xf32>,
      tpu.vector_store_idx %arg9[%add3A_3, %broadcast_in_dim3A_1324], %get3A_1332 : memref<32x129xf32, #tpu.memory_space<vmem>>[vector<16xi32>, vector<16xi32>], vector<16xf32>,
      %broadcast_in_dim3A_1333 = arith.constant 118 : i32
      %broadcast_in_dim3A_1334 = vector.broadcast %broadcast_in_dim3A_1333 : i32 to vector<16xi32>
      %get3A_1335 = arith.constant 118 : i32
      %get3A_1336 = arith.index_cast %get3A_1335 : i32 to index
      %get3A_1337 = arith.constant 0 : index
      %get3A_1338 = tpu.vector_load %arg7[%get3A_1336, %get3A_1337] {strides = array<i32>} : memref<128x32xf32, #tpu.memory_space<vmem>>, vector<16xf32>,
      %get3A_1339 = arith.constant 118 : i32
      %get3A_1340 = arith.index_cast %get3A_1339 : i32 to index
      %get3A_1341 = arith.constant 16 : index
      %get3A_1342 = tpu.vector_load %arg7[%get3A_1340, %get3A_1341] {strides = array<i32>} : memref<128x32xf32, #tpu.memory_space<vmem>>, vector<16xf32>,
      tpu.vector_store_idx %arg9[%iota3A, %broadcast_in_dim3A_1334], %get3A_1338 : memref<32x129xf32, #tpu.memory_space<vmem>>[vector<16xi32>, vector<16xi32>], vector<16xf32>,
      tpu.vector_store_idx %arg9[%add3A_3, %broadcast_in_dim3A_1334], %get3A_1342 : memref<32x129xf32, #tpu.memory_space<vmem>>[vector<16xi32>, vector<16xi32>], vector<16xf32>,
      %broadcast_in_dim3A_1343 = arith.constant 119 : i32
      %broadcast_in_dim3A_1344 = vector.broadcast %broadcast_in_dim3A_1343 : i32 to vector<16xi32>
      %get3A_1345 = arith.constant 119 : i32
      %get3A_1346 = arith.index_cast %get3A_1345 : i32 to index
      %get3A_1347 = arith.constant 0 : index
      %get3A_1348 = tpu.vector_load %arg7[%get3A_1346, %get3A_1347] {strides = array<i32>} : memref<128x32xf32, #tpu.memory_space<vmem>>, vector<16xf32>,
      %get3A_1349 = arith.constant 119 : i32
      %get3A_1350 = arith.index_cast %get3A_1349 : i32 to index
      %get3A_1351 = arith.constant 16 : index
      %get3A_1352 = tpu.vector_load %arg7[%get3A_1350, %get3A_1351] {strides = array<i32>} : memref<128x32xf32, #tpu.memory_space<vmem>>, vector<16xf32>,
      tpu.vector_store_idx %arg9[%iota3A, %broadcast_in_dim3A_1344], %get3A_1348 : memref<32x129xf32, #tpu.memory_space<vmem>>[vector<16xi32>, vector<16xi32>], vector<16xf32>,
      tpu.vector_store_idx %arg9[%add3A_3, %broadcast_in_dim3A_1344], %get3A_1352 : memref<32x129xf32, #tpu.memory_space<vmem>>[vector<16xi32>, vector<16xi32>], vector<16xf32>,
      %broadcast_in_dim3A_1353 = arith.constant 120 : i32
      %broadcast_in_dim3A_1354 = vector.broadcast %broadcast_in_dim3A_1353 : i32 to vector<16xi32>
      %get3A_1355 = arith.constant 120 : i32
      %get3A_1356 = arith.index_cast %get3A_1355 : i32 to index
      %get3A_1357 = arith.constant 0 : index
      %get3A_1358 = tpu.vector_load %arg7[%get3A_1356, %get3A_1357] {strides = array<i32>} : memref<128x32xf32, #tpu.memory_space<vmem>>, vector<16xf32>,
      %get3A_1359 = arith.constant 120 : i32
      %get3A_1360 = arith.index_cast %get3A_1359 : i32 to index
      %get3A_1361 = arith.constant 16 : index
      %get3A_1362 = tpu.vector_load %arg7[%get3A_1360, %get3A_1361] {strides = array<i32>} : memref<128x32xf32, #tpu.memory_space<vmem>>, vector<16xf32>,
      tpu.vector_store_idx %arg9[%iota3A, %broadcast_in_dim3A_1354], %get3A_1358 : memref<32x129xf32, #tpu.memory_space<vmem>>[vector<16xi32>, vector<16xi32>], vector<16xf32>,
      tpu.vector_store_idx %arg9[%add3A_3, %broadcast_in_dim3A_1354], %get3A_1362 : memref<32x129xf32, #tpu.memory_space<vmem>>[vector<16xi32>, vector<16xi32>], vector<16xf32>,
      %broadcast_in_dim3A_1363 = arith.constant 121 : i32
      %broadcast_in_dim3A_1364 = vector.broadcast %broadcast_in_dim3A_1363 : i32 to vector<16xi32>
      %get3A_1365 = arith.constant 121 : i32
      %get3A_1366 = arith.index_cast %get3A_1365 : i32 to index
      %get3A_1367 = arith.constant 0 : index
      %get3A_1368 = tpu.vector_load %arg7[%get3A_1366, %get3A_1367] {strides = array<i32>} : memref<128x32xf32, #tpu.memory_space<vmem>>, vector<16xf32>,
      %get3A_1369 = arith.constant 121 : i32
      %get3A_1370 = arith.index_cast %get3A_1369 : i32 to index
      %get3A_1371 = arith.constant 16 : index
      %get3A_1372 = tpu.vector_load %arg7[%get3A_1370, %get3A_1371] {strides = array<i32>} : memref<128x32xf32, #tpu.memory_space<vmem>>, vector<16xf32>,
      tpu.vector_store_idx %arg9[%iota3A, %broadcast_in_dim3A_1364], %get3A_1368 : memref<32x129xf32, #tpu.memory_space<vmem>>[vector<16xi32>, vector<16xi32>], vector<16xf32>,
      tpu.vector_store_idx %arg9[%add3A_3, %broadcast_in_dim3A_1364], %get3A_1372 : memref<32x129xf32, #tpu.memory_space<vmem>>[vector<16xi32>, vector<16xi32>], vector<16xf32>,
      %broadcast_in_dim3A_1373 = arith.constant 122 : i32
      %broadcast_in_dim3A_1374 = vector.broadcast %broadcast_in_dim3A_1373 : i32 to vector<16xi32>
      %get3A_1375 = arith.constant 122 : i32
      %get3A_1376 = arith.index_cast %get3A_1375 : i32 to index
      %get3A_1377 = arith.constant 0 : index
      %get3A_1378 = tpu.vector_load %arg7[%get3A_1376, %get3A_1377] {strides = array<i32>} : memref<128x32xf32, #tpu.memory_space<vmem>>, vector<16xf32>,
      %get3A_1379 = arith.constant 122 : i32
      %get3A_1380 = arith.index_cast %get3A_1379 : i32 to index
      %get3A_1381 = arith.constant 16 : index
      %get3A_1382 = tpu.vector_load %arg7[%get3A_1380, %get3A_1381] {strides = array<i32>} : memref<128x32xf32, #tpu.memory_space<vmem>>, vector<16xf32>,
      tpu.vector_store_idx %arg9[%iota3A, %broadcast_in_dim3A_1374], %get3A_1378 : memref<32x129xf32, #tpu.memory_space<vmem>>[vector<16xi32>, vector<16xi32>], vector<16xf32>,
      tpu.vector_store_idx %arg9[%add3A_3, %broadcast_in_dim3A_1374], %get3A_1382 : memref<32x129xf32, #tpu.memory_space<vmem>>[vector<16xi32>, vector<16xi32>], vector<16xf32>,
      %broadcast_in_dim3A_1383 = arith.constant 123 : i32
      %broadcast_in_dim3A_1384 = vector.broadcast %broadcast_in_dim3A_1383 : i32 to vector<16xi32>
      %get3A_1385 = arith.constant 123 : i32
      %get3A_1386 = arith.index_cast %get3A_1385 : i32 to index
      %get3A_1387 = arith.constant 0 : index
      %get3A_1388 = tpu.vector_load %arg7[%get3A_1386, %get3A_1387] {strides = array<i32>} : memref<128x32xf32, #tpu.memory_space<vmem>>, vector<16xf32>,
      %get3A_1389 = arith.constant 123 : i32
      %get3A_1390 = arith.index_cast %get3A_1389 : i32 to index
      %get3A_1391 = arith.constant 16 : index
      %get3A_1392 = tpu.vector_load %arg7[%get3A_1390, %get3A_1391] {strides = array<i32>} : memref<128x32xf32, #tpu.memory_space<vmem>>, vector<16xf32>,
      tpu.vector_store_idx %arg9[%iota3A, %broadcast_in_dim3A_1384], %get3A_1388 : memref<32x129xf32, #tpu.memory_space<vmem>>[vector<16xi32>, vector<16xi32>], vector<16xf32>,
      tpu.vector_store_idx %arg9[%add3A_3, %broadcast_in_dim3A_1384], %get3A_1392 : memref<32x129xf32, #tpu.memory_space<vmem>>[vector<16xi32>, vector<16xi32>], vector<16xf32>,
      %broadcast_in_dim3A_1393 = arith.constant 124 : i32
      %broadcast_in_dim3A_1394 = vector.broadcast %broadcast_in_dim3A_1393 : i32 to vector<16xi32>
      %get3A_1395 = arith.constant 124 : i32
      %get3A_1396 = arith.index_cast %get3A_1395 : i32 to index
      %get3A_1397 = arith.constant 0 : index
      %get3A_1398 = tpu.vector_load %arg7[%get3A_1396, %get3A_1397] {strides = array<i32>} : memref<128x32xf32, #tpu.memory_space<vmem>>, vector<16xf32>,
      %get3A_1399 = arith.constant 124 : i32
      %get3A_1400 = arith.index_cast %get3A_1399 : i32 to index
      %get3A_1401 = arith.constant 16 : index
      %get3A_1402 = tpu.vector_load %arg7[%get3A_1400, %get3A_1401] {strides = array<i32>} : memref<128x32xf32, #tpu.memory_space<vmem>>, vector<16xf32>,
      tpu.vector_store_idx %arg9[%iota3A, %broadcast_in_dim3A_1394], %get3A_1398 : memref<32x129xf32, #tpu.memory_space<vmem>>[vector<16xi32>, vector<16xi32>], vector<16xf32>,
      tpu.vector_store_idx %arg9[%add3A_3, %broadcast_in_dim3A_1394], %get3A_1402 : memref<32x129xf32, #tpu.memory_space<vmem>>[vector<16xi32>, vector<16xi32>], vector<16xf32>,
      %broadcast_in_dim3A_1403 = arith.constant 125 : i32
      %broadcast_in_dim3A_1404 = vector.broadcast %broadcast_in_dim3A_1403 : i32 to vector<16xi32>
      %get3A_1405 = arith.constant 125 : i32
      %get3A_1406 = arith.index_cast %get3A_1405 : i32 to index
      %get3A_1407 = arith.constant 0 : index
      %get3A_1408 = tpu.vector_load %arg7[%get3A_1406, %get3A_1407] {strides = array<i32>} : memref<128x32xf32, #tpu.memory_space<vmem>>, vector<16xf32>,
      %get3A_1409 = arith.constant 125 : i32
      %get3A_1410 = arith.index_cast %get3A_1409 : i32 to index
      %get3A_1411 = arith.constant 16 : index
      %get3A_1412 = tpu.vector_load %arg7[%get3A_1410, %get3A_1411] {strides = array<i32>} : memref<128x32xf32, #tpu.memory_space<vmem>>, vector<16xf32>,
      tpu.vector_store_idx %arg9[%iota3A, %broadcast_in_dim3A_1404], %get3A_1408 : memref<32x129xf32, #tpu.memory_space<vmem>>[vector<16xi32>, vector<16xi32>], vector<16xf32>,
      tpu.vector_store_idx %arg9[%add3A_3, %broadcast_in_dim3A_1404], %get3A_1412 : memref<32x129xf32, #tpu.memory_space<vmem>>[vector<16xi32>, vector<16xi32>], vector<16xf32>,
      %broadcast_in_dim3A_1413 = arith.constant 126 : i32
      %broadcast_in_dim3A_1414 = vector.broadcast %broadcast_in_dim3A_1413 : i32 to vector<16xi32>
      %get3A_1415 = arith.constant 126 : i32
      %get3A_1416 = arith.index_cast %get3A_1415 : i32 to index
      %get3A_1417 = arith.constant 0 : index
      %get3A_1418 = tpu.vector_load %arg7[%get3A_1416, %get3A_1417] {strides = array<i32>} : memref<128x32xf32, #tpu.memory_space<vmem>>, vector<16xf32>,
      %get3A_1419 = arith.constant 126 : i32
      %get3A_1420 = arith.index_cast %get3A_1419 : i32 to index
      %get3A_1421 = arith.constant 16 : index
      %get3A_1422 = tpu.vector_load %arg7[%get3A_1420, %get3A_1421] {strides = array<i32>} : memref<128x32xf32, #tpu.memory_space<vmem>>, vector<16xf32>,
      tpu.vector_store_idx %arg9[%iota3A, %broadcast_in_dim3A_1414], %get3A_1418 : memref<32x129xf32, #tpu.memory_space<vmem>>[vector<16xi32>, vector<16xi32>], vector<16xf32>,
      tpu.vector_store_idx %arg9[%add3A_3, %broadcast_in_dim3A_1414], %get3A_1422 : memref<32x129xf32, #tpu.memory_space<vmem>>[vector<16xi32>, vector<16xi32>], vector<16xf32>,
      %broadcast_in_dim3A_1423 = arith.constant 127 : i32
      %broadcast_in_dim3A_1424 = vector.broadcast %broadcast_in_dim3A_1423 : i32 to vector<16xi32>
      %get3A_1425 = arith.constant 127 : i32
      %get3A_1426 = arith.index_cast %get3A_1425 : i32 to index
      %get3A_1427 = arith.constant 0 : index
      %get3A_1428 = tpu.vector_load %arg7[%get3A_1426, %get3A_1427] {strides = array<i32>} : memref<128x32xf32, #tpu.memory_space<vmem>>, vector<16xf32>,
      %get3A_1429 = arith.constant 127 : i32
      %get3A_1430 = arith.index_cast %get3A_1429 : i32 to index
      %get3A_1431 = arith.constant 16 : index
      %get3A_1432 = tpu.vector_load %arg7[%get3A_1430, %get3A_1431] {strides = array<i32>} : memref<128x32xf32, #tpu.memory_space<vmem>>, vector<16xf32>,
      tpu.vector_store_idx %arg9[%iota3A, %broadcast_in_dim3A_1424], %get3A_1428 : memref<32x129xf32, #tpu.memory_space<vmem>>[vector<16xi32>, vector<16xi32>], vector<16xf32>,
      tpu.vector_store_idx %arg9[%add3A_3, %broadcast_in_dim3A_1424], %get3A_1432 : memref<32x129xf32, #tpu.memory_space<vmem>>[vector<16xi32>, vector<16xi32>], vector<16xf32>,
      %mul3A_1433 = arith.constant 32 : i32
      %mul3A_1434 = arith.muli %mul3A_1433, %add3A_133 : i32
      %add3A_1435 = arith.addi %add3A, %mul3A_1434 : i32
      %jit3A = arith.constant 128 : i32
      %div3A = arith.divsi %add3A_1435, %jit3A : i32
      %sign3A = arith.constant 0 : i32
      %sign3A_1436 = arith.cmpi sgt, %add3A_1435, %sign3A : i32
      %sign3A_1437 = arith.extui %sign3A_1436 : i1 to i32
      %sign3A_1438 = arith.constant 0 : i32
      %sign3A_1439 = arith.cmpi slt, %add3A_1435, %sign3A_1438 : i32
      %sign3A_1440 = arith.extui %sign3A_1439 : i1 to i32
      %sign3A_1441 = arith.subi %sign3A_1437, %sign3A_1440 : i32
      %sign3A_1442 = arith.constant 0 : i32
      %sign3A_1443 = arith.cmpi sgt, %jit3A, %sign3A_1442 : i32
      %sign3A_1444 = arith.extui %sign3A_1443 : i1 to i32
      %sign3A_1445 = arith.constant 0 : i32
      %sign3A_1446 = arith.cmpi slt, %jit3A, %sign3A_1445 : i32
      %sign3A_1447 = arith.extui %sign3A_1446 : i1 to i32
      %sign3A_1448 = arith.subi %sign3A_1444, %sign3A_1447 : i32
      %ne3A = arith.cmpi ne, %sign3A_1441, %sign3A_1448 : i32
      %rem3A = arith.remsi %add3A_1435, %jit3A : i32
      %ne3A_1449 = arith.constant 0 : i32
      %ne3A_1450 = arith.cmpi ne, %rem3A, %ne3A_1449 : i32
      %and3A = arith.andi %ne3A, %ne3A_1450 : i1
      %sub3A = arith.constant 1 : i32
      %sub3A_1451 = arith.subi %div3A, %sub3A : i32
      %select_n3A = arith.select %and3A, %sub3A_1451, %div3A : i32
      %rem3A_1452 = arith.constant 128 : i32
      %rem3A_1453 = arith.remsi %add3A_1435, %rem3A_1452 : i32
      %mul3A_1454 = arith.constant 4 : i32
      %mul3A_1455 = arith.muli %select_n3A, %mul3A_1454 : i32
      %add3A_1456 = arith.constant 0 : i32
      %add3A_1457 = arith.addi %mul3A_1455, %add3A_1456 : i32
      %mul3A_1458 = arith.constant 128 : i32
      %mul3A_1459 = arith.muli %add3A_1457, %mul3A_1458 : i32
      %add3A_1460 = arith.addi %mul3A_1459, %rem3A_1453 : i32
      %mul3A_1461 = arith.constant 8 : i32
      %mul3A_1462 = arith.muli %add3A_1460, %mul3A_1461 : i32
      %dma_start3A_1463 = arith.constant 0 : i32
      %dma_start3A_1464 = arith.constant 0 : i32
      %dma_start3A_1465 = tpu.memref_slice %arg9[%dma_start3A_1463, %dma_start3A_1464] : memref<32x129xf32, #tpu.memory_space<vmem>> -> memref<8x128xf32, #tpu.memory_space<vmem>>
      %dma_start3A_1466 = arith.constant 0 : i32
      %dma_start3A_1467 = tpu.memref_slice %arg4[%mul3A_1462, %dma_start3A_1466] : memref<204800x128xf32, #tpu.memory_space<hbm>> -> memref<8x128xf32, #tpu.memory_space<hbm>>
      %dma_start3A_1468 = arith.constant 0 : i32
      %dma_start3A_1469 = tpu.memref_slice %arg4[%mul3A_1462, %dma_start3A_1468] : memref<204800x128xf32, #tpu.memory_space<hbm>> -> memref<8x128xf32, #tpu.memory_space<hbm>>
      %dma_start3A_1470 = arith.constant 0 : i32
      %dma_start3A_1471 = arith.constant 0 : i32
      %dma_start3A_1472 = tpu.memref_slice %arg9[%dma_start3A_1470, %dma_start3A_1471] : memref<32x129xf32, #tpu.memory_space<vmem>> -> memref<8x128xf32, #tpu.memory_space<vmem>>
      tpu.enqueue_dma source(%dma_start3A_1472 : memref<8x128xf32, #tpu.memory_space<vmem>>) target(%dma_start3A_1469 : memref<8x128xf32, #tpu.memory_space<hbm>>) target_semaphore(%arg15 : memref<!tpu.dma_semaphore, #tpu.memory_space<semaphore_mem>>)
      %mul3A_1473 = arith.constant 4 : i32
      %mul3A_1474 = arith.muli %select_n3A, %mul3A_1473 : i32
      %add3A_1475 = arith.constant 1 : i32
      %add3A_1476 = arith.addi %mul3A_1474, %add3A_1475 : i32
      %mul3A_1477 = arith.constant 128 : i32
      %mul3A_1478 = arith.muli %add3A_1476, %mul3A_1477 : i32
      %add3A_1479 = arith.addi %mul3A_1478, %rem3A_1453 : i32
      %mul3A_1480 = arith.constant 8 : i32
      %mul3A_1481 = arith.muli %add3A_1479, %mul3A_1480 : i32
      %dma_start3A_1482 = arith.constant 8 : i32
      %dma_start3A_1483 = arith.constant 0 : i32
      %dma_start3A_1484 = tpu.memref_slice %arg9[%dma_start3A_1482, %dma_start3A_1483] : memref<32x129xf32, #tpu.memory_space<vmem>> -> memref<8x128xf32, #tpu.memory_space<vmem>>
      %dma_start3A_1485 = arith.constant 0 : i32
      %dma_start3A_1486 = tpu.memref_slice %arg4[%mul3A_1481, %dma_start3A_1485] : memref<204800x128xf32, #tpu.memory_space<hbm>> -> memref<8x128xf32, #tpu.memory_space<hbm>>
      %dma_start3A_1487 = arith.constant 0 : i32
      %dma_start3A_1488 = tpu.memref_slice %arg4[%mul3A_1481, %dma_start3A_1487] : memref<204800x128xf32, #tpu.memory_space<hbm>> -> memref<8x128xf32, #tpu.memory_space<hbm>>
      %dma_start3A_1489 = arith.constant 8 : i32
      %dma_start3A_1490 = arith.constant 0 : i32
      %dma_start3A_1491 = tpu.memref_slice %arg9[%dma_start3A_1489, %dma_start3A_1490] : memref<32x129xf32, #tpu.memory_space<vmem>> -> memref<8x128xf32, #tpu.memory_space<vmem>>
      tpu.enqueue_dma source(%dma_start3A_1491 : memref<8x128xf32, #tpu.memory_space<vmem>>) target(%dma_start3A_1488 : memref<8x128xf32, #tpu.memory_space<hbm>>) target_semaphore(%arg15 : memref<!tpu.dma_semaphore, #tpu.memory_space<semaphore_mem>>)
      %mul3A_1492 = arith.constant 4 : i32
      %mul3A_1493 = arith.muli %select_n3A, %mul3A_1492 : i32
      %add3A_1494 = arith.constant 2 : i32
      %add3A_1495 = arith.addi %mul3A_1493, %add3A_1494 : i32
      %mul3A_1496 = arith.constant 128 : i32
      %mul3A_1497 = arith.muli %add3A_1495, %mul3A_1496 : i32
      %add3A_1498 = arith.addi %mul3A_1497, %rem3A_1453 : i32
      %mul3A_1499 = arith.constant 8 : i32
      %mul3A_1500 = arith.muli %add3A_1498, %mul3A_1499 : i32
      %dma_start3A_1501 = arith.constant 16 : i32
      %dma_start3A_1502 = arith.constant 0 : i32
      %dma_start3A_1503 = tpu.memref_slice %arg9[%dma_start3A_1501, %dma_start3A_1502] : memref<32x129xf32, #tpu.memory_space<vmem>> -> memref<8x128xf32, #tpu.memory_space<vmem>>
      %dma_start3A_1504 = arith.constant 0 : i32
      %dma_start3A_1505 = tpu.memref_slice %arg4[%mul3A_1500, %dma_start3A_1504] : memref<204800x128xf32, #tpu.memory_space<hbm>> -> memref<8x128xf32, #tpu.memory_space<hbm>>
      %dma_start3A_1506 = arith.constant 0 : i32
      %dma_start3A_1507 = tpu.memref_slice %arg4[%mul3A_1500, %dma_start3A_1506] : memref<204800x128xf32, #tpu.memory_space<hbm>> -> memref<8x128xf32, #tpu.memory_space<hbm>>
      %dma_start3A_1508 = arith.constant 16 : i32
      %dma_start3A_1509 = arith.constant 0 : i32
      %dma_start3A_1510 = tpu.memref_slice %arg9[%dma_start3A_1508, %dma_start3A_1509] : memref<32x129xf32, #tpu.memory_space<vmem>> -> memref<8x128xf32, #tpu.memory_space<vmem>>
      tpu.enqueue_dma source(%dma_start3A_1510 : memref<8x128xf32, #tpu.memory_space<vmem>>) target(%dma_start3A_1507 : memref<8x128xf32, #tpu.memory_space<hbm>>) target_semaphore(%arg15 : memref<!tpu.dma_semaphore, #tpu.memory_space<semaphore_mem>>)
      %mul3A_1511 = arith.constant 4 : i32
      %mul3A_1512 = arith.muli %select_n3A, %mul3A_1511 : i32
      %add3A_1513 = arith.constant 3 : i32
      %add3A_1514 = arith.addi %mul3A_1512, %add3A_1513 : i32
      %mul3A_1515 = arith.constant 128 : i32
      %mul3A_1516 = arith.muli %add3A_1514, %mul3A_1515 : i32
      %add3A_1517 = arith.addi %mul3A_1516, %rem3A_1453 : i32
      %mul3A_1518 = arith.constant 8 : i32
      %mul3A_1519 = arith.muli %add3A_1517, %mul3A_1518 : i32
      %dma_start3A_1520 = arith.constant 24 : i32
      %dma_start3A_1521 = arith.constant 0 : i32
      %dma_start3A_1522 = tpu.memref_slice %arg9[%dma_start3A_1520, %dma_start3A_1521] : memref<32x129xf32, #tpu.memory_space<vmem>> -> memref<8x128xf32, #tpu.memory_space<vmem>>
      %dma_start3A_1523 = arith.constant 0 : i32
      %dma_start3A_1524 = tpu.memref_slice %arg4[%mul3A_1519, %dma_start3A_1523] : memref<204800x128xf32, #tpu.memory_space<hbm>> -> memref<8x128xf32, #tpu.memory_space<hbm>>
      %dma_start3A_1525 = arith.constant 0 : i32
      %dma_start3A_1526 = tpu.memref_slice %arg4[%mul3A_1519, %dma_start3A_1525] : memref<204800x128xf32, #tpu.memory_space<hbm>> -> memref<8x128xf32, #tpu.memory_space<hbm>>
      %dma_start3A_1527 = arith.constant 24 : i32
      %dma_start3A_1528 = arith.constant 0 : i32
      %dma_start3A_1529 = tpu.memref_slice %arg9[%dma_start3A_1527, %dma_start3A_1528] : memref<32x129xf32, #tpu.memory_space<vmem>> -> memref<8x128xf32, #tpu.memory_space<vmem>>
      tpu.enqueue_dma source(%dma_start3A_1529 : memref<8x128xf32, #tpu.memory_space<vmem>>) target(%dma_start3A_1526 : memref<8x128xf32, #tpu.memory_space<hbm>>) target_semaphore(%arg15 : memref<!tpu.dma_semaphore, #tpu.memory_space<semaphore_mem>>)
      %mul3A_1530 = arith.constant 2 : i32
      %mul3A_1531 = arith.muli %mul3A_1530, %scan3A_129 : i32
      %add3A_1532 = arith.constant 1 : i32
      %add3A_1533 = arith.addi %mul3A_1531, %add3A_1532 : i32
      %dma_wait3A_1534 = arith.constant 0 : i32
      %dma_wait3A_1535 = arith.constant 0 : i32
      %dma_wait3A_1536 = tpu.memref_slice %arg2[%dma_wait3A_1534, %dma_wait3A_1535] : memref<1000000x32xf32, #tpu.memory_space<hbm>> -> memref<128x32xf32, #tpu.memory_space<hbm>>
      %dma_wait3A_1537 = arith.constant 0 : i32
      %dma_wait3A_1538 = arith.constant 0 : i32
      %dma_wait3A_1539 = tpu.memref_slice %arg2[%dma_wait3A_1537, %dma_wait3A_1538] : memref<1000000x32xf32, #tpu.memory_space<hbm>> -> memref<128x32xf32, #tpu.memory_space<hbm>>
      tpu.wait_dma2 semaphore(%arg14 : memref<!tpu.dma_semaphore, #tpu.memory_space<semaphore_mem>>) src(%dma_wait3A_1539 : memref<128x32xf32, #tpu.memory_space<hbm>>) dst(%arg8 : memref<128x32xf32, #tpu.memory_space<vmem>>)
      %add3A_1540 = arith.constant 1 : i32
      %add3A_1541 = arith.addi %add3A_1533, %add3A_1540 : i32
      %lt3A_1542 = arith.constant 200 : i32
      %lt3A_1543 = arith.cmpi slt, %add3A_1541, %lt3A_1542 : i32
      %convert_element_type3A_1544 = arith.extui %lt3A_1543 : i1 to i32
      %cond3A_1545 = arith.constant 0 : i32
      %cond3A_1546 = arith.cmpi ne, %convert_element_type3A_1544, %cond3A_1545 : i32
      scf.if %cond3A_1546 {
        %dma_wait3A_2944 = arith.constant 0 : i32
        %dma_wait3A_2945 = arith.constant 0 : i32
        %dma_wait3A_2946 = tpu.memref_slice %arg3[%dma_wait3A_2944, %dma_wait3A_2945] : memref<6400x128xi32, #tpu.memory_space<hbm>> -> memref<1x128xi32, #tpu.memory_space<hbm>>
        %dma_wait3A_2947 = tpu.memref_squeeze %dma_wait3A_2946 : memref<1x128xi32, #tpu.memory_space<hbm>> -> memref<128xi32, #tpu.memory_space<hbm>>
        %dma_wait3A_2948 = arith.constant 0 : i32
        %dma_wait3A_2949 = tpu.memref_slice %arg3[%dma_wait3A_2944, %dma_wait3A_2948] : memref<6400x128xi32, #tpu.memory_space<hbm>> -> memref<1x128xi32, #tpu.memory_space<hbm>>
        %dma_wait3A_2950 = tpu.memref_squeeze %dma_wait3A_2949 : memref<1x128xi32, #tpu.memory_space<hbm>> -> memref<128xi32, #tpu.memory_space<hbm>>
        tpu.wait_dma2 semaphore(%arg11 : memref<!tpu.dma_semaphore, #tpu.memory_space<semaphore_mem>>) src(%dma_wait3A_2950 : memref<128xi32, #tpu.memory_space<hbm>>) dst(%arg5 : memref<128xi32, #tpu.memory_space<vmem>>)
        %dma_start3A_2951 = arith.constant 0 : i32
        %dma_start3A_2952 = arith.constant 0 : i32
        %dma_start3A_2953 = tpu.memref_slice %arg2[%dma_start3A_2951, %dma_start3A_2952] : memref<1000000x32xf32, #tpu.memory_space<hbm>> -> memref<1000000x32xf32, #tpu.memory_space<hbm>>
        tpu.enqueue_indirect_dma source(%dma_start3A_2953 : memref<1000000x32xf32, #tpu.memory_space<hbm>>) target(%arg7 : memref<128x32xf32, #tpu.memory_space<vmem>>) offsets(%arg5 : memref<128xi32, #tpu.memory_space<vmem>>) semaphore(%arg13 : memref<!tpu.dma_semaphore, #tpu.memory_space<semaphore_mem>>)
      } else {
      }
      %add3A_1547 = arith.constant 2 : i32
      %add3A_1548 = arith.addi %add3A_1533, %add3A_1547 : i32
      %lt3A_1549 = arith.constant 200 : i32
      %lt3A_1550 = arith.cmpi slt, %add3A_1548, %lt3A_1549 : i32
      %convert_element_type3A_1551 = arith.extui %lt3A_1550 : i1 to i32
      %cond3A_1552 = arith.constant 0 : i32
      %cond3A_1553 = arith.cmpi ne, %convert_element_type3A_1551, %cond3A_1552 : i32
      scf.if %cond3A_1553 {
        %add3A_2944 = arith.constant 2 : i32
        %add3A_2945 = arith.addi %add3A_1533, %add3A_2944 : i32
        %mul3A_2946 = arith.constant 32 : i32
        %mul3A_2947 = arith.muli %mul3A_2946, %add3A_2945 : i32
        %add3A_2948 = arith.addi %add3A, %mul3A_2947 : i32
        %dma_start3A_2949 = arith.constant 0 : i32
        %dma_start3A_2950 = tpu.memref_slice %arg3[%add3A_2948, %dma_start3A_2949] : memref<6400x128xi32, #tpu.memory_space<hbm>> -> memref<1x128xi32, #tpu.memory_space<hbm>>
        %dma_start3A_2951 = tpu.memref_squeeze %dma_start3A_2950 : memref<1x128xi32, #tpu.memory_space<hbm>> -> memref<128xi32, #tpu.memory_space<hbm>>
        %dma_start3A_2952 = arith.constant 0 : i32
        %dma_start3A_2953 = tpu.memref_slice %arg3[%add3A_2948, %dma_start3A_2952] : memref<6400x128xi32, #tpu.memory_space<hbm>> -> memref<1x128xi32, #tpu.memory_space<hbm>>
        %dma_start3A_2954 = tpu.memref_squeeze %dma_start3A_2953 : memref<1x128xi32, #tpu.memory_space<hbm>> -> memref<128xi32, #tpu.memory_space<hbm>>
        tpu.enqueue_dma source(%dma_start3A_2954 : memref<128xi32, #tpu.memory_space<hbm>>) target(%arg6 : memref<128xi32, #tpu.memory_space<vmem>>) target_semaphore(%arg12 : memref<!tpu.dma_semaphore, #tpu.memory_space<semaphore_mem>>)
      } else {
      }
      %ge3A_1554 = arith.constant 2 : i32
      %ge3A_1555 = arith.cmpi sge, %add3A_1533, %ge3A_1554 : i32
      %convert_element_type3A_1556 = arith.extui %ge3A_1555 : i1 to i32
      %cond3A_1557 = arith.constant 0 : i32
      %cond3A_1558 = arith.cmpi ne, %convert_element_type3A_1556, %cond3A_1557 : i32
      scf.if %cond3A_1558 {
        %dma_wait3A_2944 = arith.constant 0 : i32
        %dma_wait3A_2945 = arith.constant 0 : i32
        %dma_wait3A_2946 = tpu.memref_slice %arg10[%dma_wait3A_2944, %dma_wait3A_2945] : memref<32x129xf32, #tpu.memory_space<vmem>> -> memref<8x128xf32, #tpu.memory_space<vmem>>
        %dma_wait3A_2947 = arith.constant 0 : i32
        %dma_wait3A_2948 = arith.constant 0 : i32
        %dma_wait3A_2949 = tpu.memref_slice %arg4[%dma_wait3A_2947, %dma_wait3A_2948] : memref<204800x128xf32, #tpu.memory_space<hbm>> -> memref<8x128xf32, #tpu.memory_space<hbm>>
        %dma_wait3A_2950 = arith.constant 0 : i32
        %dma_wait3A_2951 = arith.constant 0 : i32
        %dma_wait3A_2952 = tpu.memref_slice %arg4[%dma_wait3A_2950, %dma_wait3A_2951] : memref<204800x128xf32, #tpu.memory_space<hbm>> -> memref<8x128xf32, #tpu.memory_space<hbm>>
        %dma_wait3A_2953 = arith.constant 0 : i32
        %dma_wait3A_2954 = arith.constant 0 : i32
        %dma_wait3A_2955 = tpu.memref_slice %arg10[%dma_wait3A_2953, %dma_wait3A_2954] : memref<32x129xf32, #tpu.memory_space<vmem>> -> memref<8x128xf32, #tpu.memory_space<vmem>>
        tpu.wait_dma2 semaphore(%arg16 : memref<!tpu.dma_semaphore, #tpu.memory_space<semaphore_mem>>) src(%dma_wait3A_2955 : memref<8x128xf32, #tpu.memory_space<vmem>>) dst(%dma_wait3A_2952 : memref<8x128xf32, #tpu.memory_space<hbm>>)
        %dma_wait3A_2956 = arith.constant 0 : i32
        %dma_wait3A_2957 = arith.constant 0 : i32
        %dma_wait3A_2958 = tpu.memref_slice %arg10[%dma_wait3A_2956, %dma_wait3A_2957] : memref<32x129xf32, #tpu.memory_space<vmem>> -> memref<8x128xf32, #tpu.memory_space<vmem>>
        %dma_wait3A_2959 = arith.constant 0 : i32
        %dma_wait3A_2960 = arith.constant 0 : i32
        %dma_wait3A_2961 = tpu.memref_slice %arg4[%dma_wait3A_2959, %dma_wait3A_2960] : memref<204800x128xf32, #tpu.memory_space<hbm>> -> memref<8x128xf32, #tpu.memory_space<hbm>>
        %dma_wait3A_2962 = arith.constant 0 : i32
        %dma_wait3A_2963 = arith.constant 0 : i32
        %dma_wait3A_2964 = tpu.memref_slice %arg4[%dma_wait3A_2962, %dma_wait3A_2963] : memref<204800x128xf32, #tpu.memory_space<hbm>> -> memref<8x128xf32, #tpu.memory_space<hbm>>
        %dma_wait3A_2965 = arith.constant 0 : i32
        %dma_wait3A_2966 = arith.constant 0 : i32
        %dma_wait3A_2967 = tpu.memref_slice %arg10[%dma_wait3A_2965, %dma_wait3A_2966] : memref<32x129xf32, #tpu.memory_space<vmem>> -> memref<8x128xf32, #tpu.memory_space<vmem>>
        tpu.wait_dma2 semaphore(%arg16 : memref<!tpu.dma_semaphore, #tpu.memory_space<semaphore_mem>>) src(%dma_wait3A_2967 : memref<8x128xf32, #tpu.memory_space<vmem>>) dst(%dma_wait3A_2964 : memref<8x128xf32, #tpu.memory_space<hbm>>)
        %dma_wait3A_2968 = arith.constant 0 : i32
        %dma_wait3A_2969 = arith.constant 0 : i32
        %dma_wait3A_2970 = tpu.memref_slice %arg10[%dma_wait3A_2968, %dma_wait3A_2969] : memref<32x129xf32, #tpu.memory_space<vmem>> -> memref<8x128xf32, #tpu.memory_space<vmem>>
        %dma_wait3A_2971 = arith.constant 0 : i32
        %dma_wait3A_2972 = arith.constant 0 : i32
        %dma_wait3A_2973 = tpu.memref_slice %arg4[%dma_wait3A_2971, %dma_wait3A_2972] : memref<204800x128xf32, #tpu.memory_space<hbm>> -> memref<8x128xf32, #tpu.memory_space<hbm>>
        %dma_wait3A_2974 = arith.constant 0 : i32
        %dma_wait3A_2975 = arith.constant 0 : i32
        %dma_wait3A_2976 = tpu.memref_slice %arg4[%dma_wait3A_2974, %dma_wait3A_2975] : memref<204800x128xf32, #tpu.memory_space<hbm>> -> memref<8x128xf32, #tpu.memory_space<hbm>>
        %dma_wait3A_2977 = arith.constant 0 : i32
        %dma_wait3A_2978 = arith.constant 0 : i32
        %dma_wait3A_2979 = tpu.memref_slice %arg10[%dma_wait3A_2977, %dma_wait3A_2978] : memref<32x129xf32, #tpu.memory_space<vmem>> -> memref<8x128xf32, #tpu.memory_space<vmem>>
        tpu.wait_dma2 semaphore(%arg16 : memref<!tpu.dma_semaphore, #tpu.memory_space<semaphore_mem>>) src(%dma_wait3A_2979 : memref<8x128xf32, #tpu.memory_space<vmem>>) dst(%dma_wait3A_2976 : memref<8x128xf32, #tpu.memory_space<hbm>>)
        %dma_wait3A_2980 = arith.constant 0 : i32
        %dma_wait3A_2981 = arith.constant 0 : i32
        %dma_wait3A_2982 = tpu.memref_slice %arg10[%dma_wait3A_2980, %dma_wait3A_2981] : memref<32x129xf32, #tpu.memory_space<vmem>> -> memref<8x128xf32, #tpu.memory_space<vmem>>
        %dma_wait3A_2983 = arith.constant 0 : i32
        %dma_wait3A_2984 = arith.constant 0 : i32
        %dma_wait3A_2985 = tpu.memref_slice %arg4[%dma_wait3A_2983, %dma_wait3A_2984] : memref<204800x128xf32, #tpu.memory_space<hbm>> -> memref<8x128xf32, #tpu.memory_space<hbm>>
        %dma_wait3A_2986 = arith.constant 0 : i32
        %dma_wait3A_2987 = arith.constant 0 : i32
        %dma_wait3A_2988 = tpu.memref_slice %arg4[%dma_wait3A_2986, %dma_wait3A_2987] : memref<204800x128xf32, #tpu.memory_space<hbm>> -> memref<8x128xf32, #tpu.memory_space<hbm>>
        %dma_wait3A_2989 = arith.constant 0 : i32
        %dma_wait3A_2990 = arith.constant 0 : i32
        %dma_wait3A_2991 = tpu.memref_slice %arg10[%dma_wait3A_2989, %dma_wait3A_2990] : memref<32x129xf32, #tpu.memory_space<vmem>> -> memref<8x128xf32, #tpu.memory_space<vmem>>
        tpu.wait_dma2 semaphore(%arg16 : memref<!tpu.dma_semaphore, #tpu.memory_space<semaphore_mem>>) src(%dma_wait3A_2991 : memref<8x128xf32, #tpu.memory_space<vmem>>) dst(%dma_wait3A_2988 : memref<8x128xf32, #tpu.memory_space<hbm>>)
      } else {
      }
      %broadcast_in_dim3A_1559 = arith.constant 0 : i32
      %broadcast_in_dim3A_1560 = vector.broadcast %broadcast_in_dim3A_1559 : i32 to vector<16xi32>
      %get3A_1561 = arith.constant 0 : i32
      %get3A_1562 = arith.index_cast %get3A_1561 : i32 to index
      %get3A_1563 = arith.constant 0 : index
      %get3A_1564 = tpu.vector_load %arg8[%get3A_1562, %get3A_1563] {strides = array<i32>} : memref<128x32xf32, #tpu.memory_space<vmem>>, vector<16xf32>,
      %get3A_1565 = arith.constant 0 : i32
      %get3A_1566 = arith.index_cast %get3A_1565 : i32 to index
      %get3A_1567 = arith.constant 16 : index
      %get3A_1568 = tpu.vector_load %arg8[%get3A_1566, %get3A_1567] {strides = array<i32>} : memref<128x32xf32, #tpu.memory_space<vmem>>, vector<16xf32>,
      tpu.vector_store_idx %arg10[%iota3A, %broadcast_in_dim3A_1560], %get3A_1564 : memref<32x129xf32, #tpu.memory_space<vmem>>[vector<16xi32>, vector<16xi32>], vector<16xf32>,
      tpu.vector_store_idx %arg10[%add3A_3, %broadcast_in_dim3A_1560], %get3A_1568 : memref<32x129xf32, #tpu.memory_space<vmem>>[vector<16xi32>, vector<16xi32>], vector<16xf32>,
      %broadcast_in_dim3A_1569 = arith.constant 1 : i32
      %broadcast_in_dim3A_1570 = vector.broadcast %broadcast_in_dim3A_1569 : i32 to vector<16xi32>
      %get3A_1571 = arith.constant 1 : i32
      %get3A_1572 = arith.index_cast %get3A_1571 : i32 to index
      %get3A_1573 = arith.constant 0 : index
      %get3A_1574 = tpu.vector_load %arg8[%get3A_1572, %get3A_1573] {strides = array<i32>} : memref<128x32xf32, #tpu.memory_space<vmem>>, vector<16xf32>,
      %get3A_1575 = arith.constant 1 : i32
      %get3A_1576 = arith.index_cast %get3A_1575 : i32 to index
      %get3A_1577 = arith.constant 16 : index
      %get3A_1578 = tpu.vector_load %arg8[%get3A_1576, %get3A_1577] {strides = array<i32>} : memref<128x32xf32, #tpu.memory_space<vmem>>, vector<16xf32>,
      tpu.vector_store_idx %arg10[%iota3A, %broadcast_in_dim3A_1570], %get3A_1574 : memref<32x129xf32, #tpu.memory_space<vmem>>[vector<16xi32>, vector<16xi32>], vector<16xf32>,
      tpu.vector_store_idx %arg10[%add3A_3, %broadcast_in_dim3A_1570], %get3A_1578 : memref<32x129xf32, #tpu.memory_space<vmem>>[vector<16xi32>, vector<16xi32>], vector<16xf32>,
      %broadcast_in_dim3A_1579 = arith.constant 2 : i32
      %broadcast_in_dim3A_1580 = vector.broadcast %broadcast_in_dim3A_1579 : i32 to vector<16xi32>
      %get3A_1581 = arith.constant 2 : i32
      %get3A_1582 = arith.index_cast %get3A_1581 : i32 to index
      %get3A_1583 = arith.constant 0 : index
      %get3A_1584 = tpu.vector_load %arg8[%get3A_1582, %get3A_1583] {strides = array<i32>} : memref<128x32xf32, #tpu.memory_space<vmem>>, vector<16xf32>,
      %get3A_1585 = arith.constant 2 : i32
      %get3A_1586 = arith.index_cast %get3A_1585 : i32 to index
      %get3A_1587 = arith.constant 16 : index
      %get3A_1588 = tpu.vector_load %arg8[%get3A_1586, %get3A_1587] {strides = array<i32>} : memref<128x32xf32, #tpu.memory_space<vmem>>, vector<16xf32>,
      tpu.vector_store_idx %arg10[%iota3A, %broadcast_in_dim3A_1580], %get3A_1584 : memref<32x129xf32, #tpu.memory_space<vmem>>[vector<16xi32>, vector<16xi32>], vector<16xf32>,
      tpu.vector_store_idx %arg10[%add3A_3, %broadcast_in_dim3A_1580], %get3A_1588 : memref<32x129xf32, #tpu.memory_space<vmem>>[vector<16xi32>, vector<16xi32>], vector<16xf32>,
      %broadcast_in_dim3A_1589 = arith.constant 3 : i32
      %broadcast_in_dim3A_1590 = vector.broadcast %broadcast_in_dim3A_1589 : i32 to vector<16xi32>
      %get3A_1591 = arith.constant 3 : i32
      %get3A_1592 = arith.index_cast %get3A_1591 : i32 to index
      %get3A_1593 = arith.constant 0 : index
      %get3A_1594 = tpu.vector_load %arg8[%get3A_1592, %get3A_1593] {strides = array<i32>} : memref<128x32xf32, #tpu.memory_space<vmem>>, vector<16xf32>,
      %get3A_1595 = arith.constant 3 : i32
      %get3A_1596 = arith.index_cast %get3A_1595 : i32 to index
      %get3A_1597 = arith.constant 16 : index
      %get3A_1598 = tpu.vector_load %arg8[%get3A_1596, %get3A_1597] {strides = array<i32>} : memref<128x32xf32, #tpu.memory_space<vmem>>, vector<16xf32>,
      tpu.vector_store_idx %arg10[%iota3A, %broadcast_in_dim3A_1590], %get3A_1594 : memref<32x129xf32, #tpu.memory_space<vmem>>[vector<16xi32>, vector<16xi32>], vector<16xf32>,
      tpu.vector_store_idx %arg10[%add3A_3, %broadcast_in_dim3A_1590], %get3A_1598 : memref<32x129xf32, #tpu.memory_space<vmem>>[vector<16xi32>, vector<16xi32>], vector<16xf32>,
      %broadcast_in_dim3A_1599 = arith.constant 4 : i32
      %broadcast_in_dim3A_1600 = vector.broadcast %broadcast_in_dim3A_1599 : i32 to vector<16xi32>
      %get3A_1601 = arith.constant 4 : i32
      %get3A_1602 = arith.index_cast %get3A_1601 : i32 to index
      %get3A_1603 = arith.constant 0 : index
      %get3A_1604 = tpu.vector_load %arg8[%get3A_1602, %get3A_1603] {strides = array<i32>} : memref<128x32xf32, #tpu.memory_space<vmem>>, vector<16xf32>,
      %get3A_1605 = arith.constant 4 : i32
      %get3A_1606 = arith.index_cast %get3A_1605 : i32 to index
      %get3A_1607 = arith.constant 16 : index
      %get3A_1608 = tpu.vector_load %arg8[%get3A_1606, %get3A_1607] {strides = array<i32>} : memref<128x32xf32, #tpu.memory_space<vmem>>, vector<16xf32>,
      tpu.vector_store_idx %arg10[%iota3A, %broadcast_in_dim3A_1600], %get3A_1604 : memref<32x129xf32, #tpu.memory_space<vmem>>[vector<16xi32>, vector<16xi32>], vector<16xf32>,
      tpu.vector_store_idx %arg10[%add3A_3, %broadcast_in_dim3A_1600], %get3A_1608 : memref<32x129xf32, #tpu.memory_space<vmem>>[vector<16xi32>, vector<16xi32>], vector<16xf32>,
      %broadcast_in_dim3A_1609 = arith.constant 5 : i32
      %broadcast_in_dim3A_1610 = vector.broadcast %broadcast_in_dim3A_1609 : i32 to vector<16xi32>
      %get3A_1611 = arith.constant 5 : i32
      %get3A_1612 = arith.index_cast %get3A_1611 : i32 to index
      %get3A_1613 = arith.constant 0 : index
      %get3A_1614 = tpu.vector_load %arg8[%get3A_1612, %get3A_1613] {strides = array<i32>} : memref<128x32xf32, #tpu.memory_space<vmem>>, vector<16xf32>,
      %get3A_1615 = arith.constant 5 : i32
      %get3A_1616 = arith.index_cast %get3A_1615 : i32 to index
      %get3A_1617 = arith.constant 16 : index
      %get3A_1618 = tpu.vector_load %arg8[%get3A_1616, %get3A_1617] {strides = array<i32>} : memref<128x32xf32, #tpu.memory_space<vmem>>, vector<16xf32>,
      tpu.vector_store_idx %arg10[%iota3A, %broadcast_in_dim3A_1610], %get3A_1614 : memref<32x129xf32, #tpu.memory_space<vmem>>[vector<16xi32>, vector<16xi32>], vector<16xf32>,
      tpu.vector_store_idx %arg10[%add3A_3, %broadcast_in_dim3A_1610], %get3A_1618 : memref<32x129xf32, #tpu.memory_space<vmem>>[vector<16xi32>, vector<16xi32>], vector<16xf32>,
      %broadcast_in_dim3A_1619 = arith.constant 6 : i32
      %broadcast_in_dim3A_1620 = vector.broadcast %broadcast_in_dim3A_1619 : i32 to vector<16xi32>
      %get3A_1621 = arith.constant 6 : i32
      %get3A_1622 = arith.index_cast %get3A_1621 : i32 to index
      %get3A_1623 = arith.constant 0 : index
      %get3A_1624 = tpu.vector_load %arg8[%get3A_1622, %get3A_1623] {strides = array<i32>} : memref<128x32xf32, #tpu.memory_space<vmem>>, vector<16xf32>,
      %get3A_1625 = arith.constant 6 : i32
      %get3A_1626 = arith.index_cast %get3A_1625 : i32 to index
      %get3A_1627 = arith.constant 16 : index
      %get3A_1628 = tpu.vector_load %arg8[%get3A_1626, %get3A_1627] {strides = array<i32>} : memref<128x32xf32, #tpu.memory_space<vmem>>, vector<16xf32>,
      tpu.vector_store_idx %arg10[%iota3A, %broadcast_in_dim3A_1620], %get3A_1624 : memref<32x129xf32, #tpu.memory_space<vmem>>[vector<16xi32>, vector<16xi32>], vector<16xf32>,
      tpu.vector_store_idx %arg10[%add3A_3, %broadcast_in_dim3A_1620], %get3A_1628 : memref<32x129xf32, #tpu.memory_space<vmem>>[vector<16xi32>, vector<16xi32>], vector<16xf32>,
      %broadcast_in_dim3A_1629 = arith.constant 7 : i32
      %broadcast_in_dim3A_1630 = vector.broadcast %broadcast_in_dim3A_1629 : i32 to vector<16xi32>
      %get3A_1631 = arith.constant 7 : i32
      %get3A_1632 = arith.index_cast %get3A_1631 : i32 to index
      %get3A_1633 = arith.constant 0 : index
      %get3A_1634 = tpu.vector_load %arg8[%get3A_1632, %get3A_1633] {strides = array<i32>} : memref<128x32xf32, #tpu.memory_space<vmem>>, vector<16xf32>,
      %get3A_1635 = arith.constant 7 : i32
      %get3A_1636 = arith.index_cast %get3A_1635 : i32 to index
      %get3A_1637 = arith.constant 16 : index
      %get3A_1638 = tpu.vector_load %arg8[%get3A_1636, %get3A_1637] {strides = array<i32>} : memref<128x32xf32, #tpu.memory_space<vmem>>, vector<16xf32>,
      tpu.vector_store_idx %arg10[%iota3A, %broadcast_in_dim3A_1630], %get3A_1634 : memref<32x129xf32, #tpu.memory_space<vmem>>[vector<16xi32>, vector<16xi32>], vector<16xf32>,
      tpu.vector_store_idx %arg10[%add3A_3, %broadcast_in_dim3A_1630], %get3A_1638 : memref<32x129xf32, #tpu.memory_space<vmem>>[vector<16xi32>, vector<16xi32>], vector<16xf32>,
      %broadcast_in_dim3A_1639 = arith.constant 8 : i32
      %broadcast_in_dim3A_1640 = vector.broadcast %broadcast_in_dim3A_1639 : i32 to vector<16xi32>
      %get3A_1641 = arith.constant 8 : i32
      %get3A_1642 = arith.index_cast %get3A_1641 : i32 to index
      %get3A_1643 = arith.constant 0 : index
      %get3A_1644 = tpu.vector_load %arg8[%get3A_1642, %get3A_1643] {strides = array<i32>} : memref<128x32xf32, #tpu.memory_space<vmem>>, vector<16xf32>,
      %get3A_1645 = arith.constant 8 : i32
      %get3A_1646 = arith.index_cast %get3A_1645 : i32 to index
      %get3A_1647 = arith.constant 16 : index
      %get3A_1648 = tpu.vector_load %arg8[%get3A_1646, %get3A_1647] {strides = array<i32>} : memref<128x32xf32, #tpu.memory_space<vmem>>, vector<16xf32>,
      tpu.vector_store_idx %arg10[%iota3A, %broadcast_in_dim3A_1640], %get3A_1644 : memref<32x129xf32, #tpu.memory_space<vmem>>[vector<16xi32>, vector<16xi32>], vector<16xf32>,
      tpu.vector_store_idx %arg10[%add3A_3, %broadcast_in_dim3A_1640], %get3A_1648 : memref<32x129xf32, #tpu.memory_space<vmem>>[vector<16xi32>, vector<16xi32>], vector<16xf32>,
      %broadcast_in_dim3A_1649 = arith.constant 9 : i32
      %broadcast_in_dim3A_1650 = vector.broadcast %broadcast_in_dim3A_1649 : i32 to vector<16xi32>
      %get3A_1651 = arith.constant 9 : i32
      %get3A_1652 = arith.index_cast %get3A_1651 : i32 to index
      %get3A_1653 = arith.constant 0 : index
      %get3A_1654 = tpu.vector_load %arg8[%get3A_1652, %get3A_1653] {strides = array<i32>} : memref<128x32xf32, #tpu.memory_space<vmem>>, vector<16xf32>,
      %get3A_1655 = arith.constant 9 : i32
      %get3A_1656 = arith.index_cast %get3A_1655 : i32 to index
      %get3A_1657 = arith.constant 16 : index
      %get3A_1658 = tpu.vector_load %arg8[%get3A_1656, %get3A_1657] {strides = array<i32>} : memref<128x32xf32, #tpu.memory_space<vmem>>, vector<16xf32>,
      tpu.vector_store_idx %arg10[%iota3A, %broadcast_in_dim3A_1650], %get3A_1654 : memref<32x129xf32, #tpu.memory_space<vmem>>[vector<16xi32>, vector<16xi32>], vector<16xf32>,
      tpu.vector_store_idx %arg10[%add3A_3, %broadcast_in_dim3A_1650], %get3A_1658 : memref<32x129xf32, #tpu.memory_space<vmem>>[vector<16xi32>, vector<16xi32>], vector<16xf32>,
      %broadcast_in_dim3A_1659 = arith.constant 10 : i32
      %broadcast_in_dim3A_1660 = vector.broadcast %broadcast_in_dim3A_1659 : i32 to vector<16xi32>
      %get3A_1661 = arith.constant 10 : i32
      %get3A_1662 = arith.index_cast %get3A_1661 : i32 to index
      %get3A_1663 = arith.constant 0 : index
      %get3A_1664 = tpu.vector_load %arg8[%get3A_1662, %get3A_1663] {strides = array<i32>} : memref<128x32xf32, #tpu.memory_space<vmem>>, vector<16xf32>,
      %get3A_1665 = arith.constant 10 : i32
      %get3A_1666 = arith.index_cast %get3A_1665 : i32 to index
      %get3A_1667 = arith.constant 16 : index
      %get3A_1668 = tpu.vector_load %arg8[%get3A_1666, %get3A_1667] {strides = array<i32>} : memref<128x32xf32, #tpu.memory_space<vmem>>, vector<16xf32>,
      tpu.vector_store_idx %arg10[%iota3A, %broadcast_in_dim3A_1660], %get3A_1664 : memref<32x129xf32, #tpu.memory_space<vmem>>[vector<16xi32>, vector<16xi32>], vector<16xf32>,
      tpu.vector_store_idx %arg10[%add3A_3, %broadcast_in_dim3A_1660], %get3A_1668 : memref<32x129xf32, #tpu.memory_space<vmem>>[vector<16xi32>, vector<16xi32>], vector<16xf32>,
      %broadcast_in_dim3A_1669 = arith.constant 11 : i32
      %broadcast_in_dim3A_1670 = vector.broadcast %broadcast_in_dim3A_1669 : i32 to vector<16xi32>
      %get3A_1671 = arith.constant 11 : i32
      %get3A_1672 = arith.index_cast %get3A_1671 : i32 to index
      %get3A_1673 = arith.constant 0 : index
      %get3A_1674 = tpu.vector_load %arg8[%get3A_1672, %get3A_1673] {strides = array<i32>} : memref<128x32xf32, #tpu.memory_space<vmem>>, vector<16xf32>,
      %get3A_1675 = arith.constant 11 : i32
      %get3A_1676 = arith.index_cast %get3A_1675 : i32 to index
      %get3A_1677 = arith.constant 16 : index
      %get3A_1678 = tpu.vector_load %arg8[%get3A_1676, %get3A_1677] {strides = array<i32>} : memref<128x32xf32, #tpu.memory_space<vmem>>, vector<16xf32>,
      tpu.vector_store_idx %arg10[%iota3A, %broadcast_in_dim3A_1670], %get3A_1674 : memref<32x129xf32, #tpu.memory_space<vmem>>[vector<16xi32>, vector<16xi32>], vector<16xf32>,
      tpu.vector_store_idx %arg10[%add3A_3, %broadcast_in_dim3A_1670], %get3A_1678 : memref<32x129xf32, #tpu.memory_space<vmem>>[vector<16xi32>, vector<16xi32>], vector<16xf32>,
      %broadcast_in_dim3A_1679 = arith.constant 12 : i32
      %broadcast_in_dim3A_1680 = vector.broadcast %broadcast_in_dim3A_1679 : i32 to vector<16xi32>
      %get3A_1681 = arith.constant 12 : i32
      %get3A_1682 = arith.index_cast %get3A_1681 : i32 to index
      %get3A_1683 = arith.constant 0 : index
      %get3A_1684 = tpu.vector_load %arg8[%get3A_1682, %get3A_1683] {strides = array<i32>} : memref<128x32xf32, #tpu.memory_space<vmem>>, vector<16xf32>,
      %get3A_1685 = arith.constant 12 : i32
      %get3A_1686 = arith.index_cast %get3A_1685 : i32 to index
      %get3A_1687 = arith.constant 16 : index
      %get3A_1688 = tpu.vector_load %arg8[%get3A_1686, %get3A_1687] {strides = array<i32>} : memref<128x32xf32, #tpu.memory_space<vmem>>, vector<16xf32>,
      tpu.vector_store_idx %arg10[%iota3A, %broadcast_in_dim3A_1680], %get3A_1684 : memref<32x129xf32, #tpu.memory_space<vmem>>[vector<16xi32>, vector<16xi32>], vector<16xf32>,
      tpu.vector_store_idx %arg10[%add3A_3, %broadcast_in_dim3A_1680], %get3A_1688 : memref<32x129xf32, #tpu.memory_space<vmem>>[vector<16xi32>, vector<16xi32>], vector<16xf32>,
      %broadcast_in_dim3A_1689 = arith.constant 13 : i32
      %broadcast_in_dim3A_1690 = vector.broadcast %broadcast_in_dim3A_1689 : i32 to vector<16xi32>
      %get3A_1691 = arith.constant 13 : i32
      %get3A_1692 = arith.index_cast %get3A_1691 : i32 to index
      %get3A_1693 = arith.constant 0 : index
      %get3A_1694 = tpu.vector_load %arg8[%get3A_1692, %get3A_1693] {strides = array<i32>} : memref<128x32xf32, #tpu.memory_space<vmem>>, vector<16xf32>,
      %get3A_1695 = arith.constant 13 : i32
      %get3A_1696 = arith.index_cast %get3A_1695 : i32 to index
      %get3A_1697 = arith.constant 16 : index
      %get3A_1698 = tpu.vector_load %arg8[%get3A_1696, %get3A_1697] {strides = array<i32>} : memref<128x32xf32, #tpu.memory_space<vmem>>, vector<16xf32>,
      tpu.vector_store_idx %arg10[%iota3A, %broadcast_in_dim3A_1690], %get3A_1694 : memref<32x129xf32, #tpu.memory_space<vmem>>[vector<16xi32>, vector<16xi32>], vector<16xf32>,
      tpu.vector_store_idx %arg10[%add3A_3, %broadcast_in_dim3A_1690], %get3A_1698 : memref<32x129xf32, #tpu.memory_space<vmem>>[vector<16xi32>, vector<16xi32>], vector<16xf32>,
      %broadcast_in_dim3A_1699 = arith.constant 14 : i32
      %broadcast_in_dim3A_1700 = vector.broadcast %broadcast_in_dim3A_1699 : i32 to vector<16xi32>
      %get3A_1701 = arith.constant 14 : i32
      %get3A_1702 = arith.index_cast %get3A_1701 : i32 to index
      %get3A_1703 = arith.constant 0 : index
      %get3A_1704 = tpu.vector_load %arg8[%get3A_1702, %get3A_1703] {strides = array<i32>} : memref<128x32xf32, #tpu.memory_space<vmem>>, vector<16xf32>,
      %get3A_1705 = arith.constant 14 : i32
      %get3A_1706 = arith.index_cast %get3A_1705 : i32 to index
      %get3A_1707 = arith.constant 16 : index
      %get3A_1708 = tpu.vector_load %arg8[%get3A_1706, %get3A_1707] {strides = array<i32>} : memref<128x32xf32, #tpu.memory_space<vmem>>, vector<16xf32>,
      tpu.vector_store_idx %arg10[%iota3A, %broadcast_in_dim3A_1700], %get3A_1704 : memref<32x129xf32, #tpu.memory_space<vmem>>[vector<16xi32>, vector<16xi32>], vector<16xf32>,
      tpu.vector_store_idx %arg10[%add3A_3, %broadcast_in_dim3A_1700], %get3A_1708 : memref<32x129xf32, #tpu.memory_space<vmem>>[vector<16xi32>, vector<16xi32>], vector<16xf32>,
      %broadcast_in_dim3A_1709 = arith.constant 15 : i32
      %broadcast_in_dim3A_1710 = vector.broadcast %broadcast_in_dim3A_1709 : i32 to vector<16xi32>
      %get3A_1711 = arith.constant 15 : i32
      %get3A_1712 = arith.index_cast %get3A_1711 : i32 to index
      %get3A_1713 = arith.constant 0 : index
      %get3A_1714 = tpu.vector_load %arg8[%get3A_1712, %get3A_1713] {strides = array<i32>} : memref<128x32xf32, #tpu.memory_space<vmem>>, vector<16xf32>,
      %get3A_1715 = arith.constant 15 : i32
      %get3A_1716 = arith.index_cast %get3A_1715 : i32 to index
      %get3A_1717 = arith.constant 16 : index
      %get3A_1718 = tpu.vector_load %arg8[%get3A_1716, %get3A_1717] {strides = array<i32>} : memref<128x32xf32, #tpu.memory_space<vmem>>, vector<16xf32>,
      tpu.vector_store_idx %arg10[%iota3A, %broadcast_in_dim3A_1710], %get3A_1714 : memref<32x129xf32, #tpu.memory_space<vmem>>[vector<16xi32>, vector<16xi32>], vector<16xf32>,
      tpu.vector_store_idx %arg10[%add3A_3, %broadcast_in_dim3A_1710], %get3A_1718 : memref<32x129xf32, #tpu.memory_space<vmem>>[vector<16xi32>, vector<16xi32>], vector<16xf32>,
      %broadcast_in_dim3A_1719 = arith.constant 16 : i32
      %broadcast_in_dim3A_1720 = vector.broadcast %broadcast_in_dim3A_1719 : i32 to vector<16xi32>
      %get3A_1721 = arith.constant 16 : i32
      %get3A_1722 = arith.index_cast %get3A_1721 : i32 to index
      %get3A_1723 = arith.constant 0 : index
      %get3A_1724 = tpu.vector_load %arg8[%get3A_1722, %get3A_1723] {strides = array<i32>} : memref<128x32xf32, #tpu.memory_space<vmem>>, vector<16xf32>,
      %get3A_1725 = arith.constant 16 : i32
      %get3A_1726 = arith.index_cast %get3A_1725 : i32 to index
      %get3A_1727 = arith.constant 16 : index
      %get3A_1728 = tpu.vector_load %arg8[%get3A_1726, %get3A_1727] {strides = array<i32>} : memref<128x32xf32, #tpu.memory_space<vmem>>, vector<16xf32>,
      tpu.vector_store_idx %arg10[%iota3A, %broadcast_in_dim3A_1720], %get3A_1724 : memref<32x129xf32, #tpu.memory_space<vmem>>[vector<16xi32>, vector<16xi32>], vector<16xf32>,
      tpu.vector_store_idx %arg10[%add3A_3, %broadcast_in_dim3A_1720], %get3A_1728 : memref<32x129xf32, #tpu.memory_space<vmem>>[vector<16xi32>, vector<16xi32>], vector<16xf32>,
      %broadcast_in_dim3A_1729 = arith.constant 17 : i32
      %broadcast_in_dim3A_1730 = vector.broadcast %broadcast_in_dim3A_1729 : i32 to vector<16xi32>
      %get3A_1731 = arith.constant 17 : i32
      %get3A_1732 = arith.index_cast %get3A_1731 : i32 to index
      %get3A_1733 = arith.constant 0 : index
      %get3A_1734 = tpu.vector_load %arg8[%get3A_1732, %get3A_1733] {strides = array<i32>} : memref<128x32xf32, #tpu.memory_space<vmem>>, vector<16xf32>,
      %get3A_1735 = arith.constant 17 : i32
      %get3A_1736 = arith.index_cast %get3A_1735 : i32 to index
      %get3A_1737 = arith.constant 16 : index
      %get3A_1738 = tpu.vector_load %arg8[%get3A_1736, %get3A_1737] {strides = array<i32>} : memref<128x32xf32, #tpu.memory_space<vmem>>, vector<16xf32>,
      tpu.vector_store_idx %arg10[%iota3A, %broadcast_in_dim3A_1730], %get3A_1734 : memref<32x129xf32, #tpu.memory_space<vmem>>[vector<16xi32>, vector<16xi32>], vector<16xf32>,
      tpu.vector_store_idx %arg10[%add3A_3, %broadcast_in_dim3A_1730], %get3A_1738 : memref<32x129xf32, #tpu.memory_space<vmem>>[vector<16xi32>, vector<16xi32>], vector<16xf32>,
      %broadcast_in_dim3A_1739 = arith.constant 18 : i32
      %broadcast_in_dim3A_1740 = vector.broadcast %broadcast_in_dim3A_1739 : i32 to vector<16xi32>
      %get3A_1741 = arith.constant 18 : i32
      %get3A_1742 = arith.index_cast %get3A_1741 : i32 to index
      %get3A_1743 = arith.constant 0 : index
      %get3A_1744 = tpu.vector_load %arg8[%get3A_1742, %get3A_1743] {strides = array<i32>} : memref<128x32xf32, #tpu.memory_space<vmem>>, vector<16xf32>,
      %get3A_1745 = arith.constant 18 : i32
      %get3A_1746 = arith.index_cast %get3A_1745 : i32 to index
      %get3A_1747 = arith.constant 16 : index
      %get3A_1748 = tpu.vector_load %arg8[%get3A_1746, %get3A_1747] {strides = array<i32>} : memref<128x32xf32, #tpu.memory_space<vmem>>, vector<16xf32>,
      tpu.vector_store_idx %arg10[%iota3A, %broadcast_in_dim3A_1740], %get3A_1744 : memref<32x129xf32, #tpu.memory_space<vmem>>[vector<16xi32>, vector<16xi32>], vector<16xf32>,
      tpu.vector_store_idx %arg10[%add3A_3, %broadcast_in_dim3A_1740], %get3A_1748 : memref<32x129xf32, #tpu.memory_space<vmem>>[vector<16xi32>, vector<16xi32>], vector<16xf32>,
      %broadcast_in_dim3A_1749 = arith.constant 19 : i32
      %broadcast_in_dim3A_1750 = vector.broadcast %broadcast_in_dim3A_1749 : i32 to vector<16xi32>
      %get3A_1751 = arith.constant 19 : i32
      %get3A_1752 = arith.index_cast %get3A_1751 : i32 to index
      %get3A_1753 = arith.constant 0 : index
      %get3A_1754 = tpu.vector_load %arg8[%get3A_1752, %get3A_1753] {strides = array<i32>} : memref<128x32xf32, #tpu.memory_space<vmem>>, vector<16xf32>,
      %get3A_1755 = arith.constant 19 : i32
      %get3A_1756 = arith.index_cast %get3A_1755 : i32 to index
      %get3A_1757 = arith.constant 16 : index
      %get3A_1758 = tpu.vector_load %arg8[%get3A_1756, %get3A_1757] {strides = array<i32>} : memref<128x32xf32, #tpu.memory_space<vmem>>, vector<16xf32>,
      tpu.vector_store_idx %arg10[%iota3A, %broadcast_in_dim3A_1750], %get3A_1754 : memref<32x129xf32, #tpu.memory_space<vmem>>[vector<16xi32>, vector<16xi32>], vector<16xf32>,
      tpu.vector_store_idx %arg10[%add3A_3, %broadcast_in_dim3A_1750], %get3A_1758 : memref<32x129xf32, #tpu.memory_space<vmem>>[vector<16xi32>, vector<16xi32>], vector<16xf32>,
      %broadcast_in_dim3A_1759 = arith.constant 20 : i32
      %broadcast_in_dim3A_1760 = vector.broadcast %broadcast_in_dim3A_1759 : i32 to vector<16xi32>
      %get3A_1761 = arith.constant 20 : i32
      %get3A_1762 = arith.index_cast %get3A_1761 : i32 to index
      %get3A_1763 = arith.constant 0 : index
      %get3A_1764 = tpu.vector_load %arg8[%get3A_1762, %get3A_1763] {strides = array<i32>} : memref<128x32xf32, #tpu.memory_space<vmem>>, vector<16xf32>,
      %get3A_1765 = arith.constant 20 : i32
      %get3A_1766 = arith.index_cast %get3A_1765 : i32 to index
      %get3A_1767 = arith.constant 16 : index
      %get3A_1768 = tpu.vector_load %arg8[%get3A_1766, %get3A_1767] {strides = array<i32>} : memref<128x32xf32, #tpu.memory_space<vmem>>, vector<16xf32>,
      tpu.vector_store_idx %arg10[%iota3A, %broadcast_in_dim3A_1760], %get3A_1764 : memref<32x129xf32, #tpu.memory_space<vmem>>[vector<16xi32>, vector<16xi32>], vector<16xf32>,
      tpu.vector_store_idx %arg10[%add3A_3, %broadcast_in_dim3A_1760], %get3A_1768 : memref<32x129xf32, #tpu.memory_space<vmem>>[vector<16xi32>, vector<16xi32>], vector<16xf32>,
      %broadcast_in_dim3A_1769 = arith.constant 21 : i32
      %broadcast_in_dim3A_1770 = vector.broadcast %broadcast_in_dim3A_1769 : i32 to vector<16xi32>
      %get3A_1771 = arith.constant 21 : i32
      %get3A_1772 = arith.index_cast %get3A_1771 : i32 to index
      %get3A_1773 = arith.constant 0 : index
      %get3A_1774 = tpu.vector_load %arg8[%get3A_1772, %get3A_1773] {strides = array<i32>} : memref<128x32xf32, #tpu.memory_space<vmem>>, vector<16xf32>,
      %get3A_1775 = arith.constant 21 : i32
      %get3A_1776 = arith.index_cast %get3A_1775 : i32 to index
      %get3A_1777 = arith.constant 16 : index
      %get3A_1778 = tpu.vector_load %arg8[%get3A_1776, %get3A_1777] {strides = array<i32>} : memref<128x32xf32, #tpu.memory_space<vmem>>, vector<16xf32>,
      tpu.vector_store_idx %arg10[%iota3A, %broadcast_in_dim3A_1770], %get3A_1774 : memref<32x129xf32, #tpu.memory_space<vmem>>[vector<16xi32>, vector<16xi32>], vector<16xf32>,
      tpu.vector_store_idx %arg10[%add3A_3, %broadcast_in_dim3A_1770], %get3A_1778 : memref<32x129xf32, #tpu.memory_space<vmem>>[vector<16xi32>, vector<16xi32>], vector<16xf32>,
      %broadcast_in_dim3A_1779 = arith.constant 22 : i32
      %broadcast_in_dim3A_1780 = vector.broadcast %broadcast_in_dim3A_1779 : i32 to vector<16xi32>
      %get3A_1781 = arith.constant 22 : i32
      %get3A_1782 = arith.index_cast %get3A_1781 : i32 to index
      %get3A_1783 = arith.constant 0 : index
      %get3A_1784 = tpu.vector_load %arg8[%get3A_1782, %get3A_1783] {strides = array<i32>} : memref<128x32xf32, #tpu.memory_space<vmem>>, vector<16xf32>,
      %get3A_1785 = arith.constant 22 : i32
      %get3A_1786 = arith.index_cast %get3A_1785 : i32 to index
      %get3A_1787 = arith.constant 16 : index
      %get3A_1788 = tpu.vector_load %arg8[%get3A_1786, %get3A_1787] {strides = array<i32>} : memref<128x32xf32, #tpu.memory_space<vmem>>, vector<16xf32>,
      tpu.vector_store_idx %arg10[%iota3A, %broadcast_in_dim3A_1780], %get3A_1784 : memref<32x129xf32, #tpu.memory_space<vmem>>[vector<16xi32>, vector<16xi32>], vector<16xf32>,
      tpu.vector_store_idx %arg10[%add3A_3, %broadcast_in_dim3A_1780], %get3A_1788 : memref<32x129xf32, #tpu.memory_space<vmem>>[vector<16xi32>, vector<16xi32>], vector<16xf32>,
      %broadcast_in_dim3A_1789 = arith.constant 23 : i32
      %broadcast_in_dim3A_1790 = vector.broadcast %broadcast_in_dim3A_1789 : i32 to vector<16xi32>
      %get3A_1791 = arith.constant 23 : i32
      %get3A_1792 = arith.index_cast %get3A_1791 : i32 to index
      %get3A_1793 = arith.constant 0 : index
      %get3A_1794 = tpu.vector_load %arg8[%get3A_1792, %get3A_1793] {strides = array<i32>} : memref<128x32xf32, #tpu.memory_space<vmem>>, vector<16xf32>,
      %get3A_1795 = arith.constant 23 : i32
      %get3A_1796 = arith.index_cast %get3A_1795 : i32 to index
      %get3A_1797 = arith.constant 16 : index
      %get3A_1798 = tpu.vector_load %arg8[%get3A_1796, %get3A_1797] {strides = array<i32>} : memref<128x32xf32, #tpu.memory_space<vmem>>, vector<16xf32>,
      tpu.vector_store_idx %arg10[%iota3A, %broadcast_in_dim3A_1790], %get3A_1794 : memref<32x129xf32, #tpu.memory_space<vmem>>[vector<16xi32>, vector<16xi32>], vector<16xf32>,
      tpu.vector_store_idx %arg10[%add3A_3, %broadcast_in_dim3A_1790], %get3A_1798 : memref<32x129xf32, #tpu.memory_space<vmem>>[vector<16xi32>, vector<16xi32>], vector<16xf32>,
      %broadcast_in_dim3A_1799 = arith.constant 24 : i32
      %broadcast_in_dim3A_1800 = vector.broadcast %broadcast_in_dim3A_1799 : i32 to vector<16xi32>
      %get3A_1801 = arith.constant 24 : i32
      %get3A_1802 = arith.index_cast %get3A_1801 : i32 to index
      %get3A_1803 = arith.constant 0 : index
      %get3A_1804 = tpu.vector_load %arg8[%get3A_1802, %get3A_1803] {strides = array<i32>} : memref<128x32xf32, #tpu.memory_space<vmem>>, vector<16xf32>,
      %get3A_1805 = arith.constant 24 : i32
      %get3A_1806 = arith.index_cast %get3A_1805 : i32 to index
      %get3A_1807 = arith.constant 16 : index
      %get3A_1808 = tpu.vector_load %arg8[%get3A_1806, %get3A_1807] {strides = array<i32>} : memref<128x32xf32, #tpu.memory_space<vmem>>, vector<16xf32>,
      tpu.vector_store_idx %arg10[%iota3A, %broadcast_in_dim3A_1800], %get3A_1804 : memref<32x129xf32, #tpu.memory_space<vmem>>[vector<16xi32>, vector<16xi32>], vector<16xf32>,
      tpu.vector_store_idx %arg10[%add3A_3, %broadcast_in_dim3A_1800], %get3A_1808 : memref<32x129xf32, #tpu.memory_space<vmem>>[vector<16xi32>, vector<16xi32>], vector<16xf32>,
      %broadcast_in_dim3A_1809 = arith.constant 25 : i32
      %broadcast_in_dim3A_1810 = vector.broadcast %broadcast_in_dim3A_1809 : i32 to vector<16xi32>
      %get3A_1811 = arith.constant 25 : i32
      %get3A_1812 = arith.index_cast %get3A_1811 : i32 to index
      %get3A_1813 = arith.constant 0 : index
      %get3A_1814 = tpu.vector_load %arg8[%get3A_1812, %get3A_1813] {strides = array<i32>} : memref<128x32xf32, #tpu.memory_space<vmem>>, vector<16xf32>,
      %get3A_1815 = arith.constant 25 : i32
      %get3A_1816 = arith.index_cast %get3A_1815 : i32 to index
      %get3A_1817 = arith.constant 16 : index
      %get3A_1818 = tpu.vector_load %arg8[%get3A_1816, %get3A_1817] {strides = array<i32>} : memref<128x32xf32, #tpu.memory_space<vmem>>, vector<16xf32>,
      tpu.vector_store_idx %arg10[%iota3A, %broadcast_in_dim3A_1810], %get3A_1814 : memref<32x129xf32, #tpu.memory_space<vmem>>[vector<16xi32>, vector<16xi32>], vector<16xf32>,
      tpu.vector_store_idx %arg10[%add3A_3, %broadcast_in_dim3A_1810], %get3A_1818 : memref<32x129xf32, #tpu.memory_space<vmem>>[vector<16xi32>, vector<16xi32>], vector<16xf32>,
      %broadcast_in_dim3A_1819 = arith.constant 26 : i32
      %broadcast_in_dim3A_1820 = vector.broadcast %broadcast_in_dim3A_1819 : i32 to vector<16xi32>
      %get3A_1821 = arith.constant 26 : i32
      %get3A_1822 = arith.index_cast %get3A_1821 : i32 to index
      %get3A_1823 = arith.constant 0 : index
      %get3A_1824 = tpu.vector_load %arg8[%get3A_1822, %get3A_1823] {strides = array<i32>} : memref<128x32xf32, #tpu.memory_space<vmem>>, vector<16xf32>,
      %get3A_1825 = arith.constant 26 : i32
      %get3A_1826 = arith.index_cast %get3A_1825 : i32 to index
      %get3A_1827 = arith.constant 16 : index
      %get3A_1828 = tpu.vector_load %arg8[%get3A_1826, %get3A_1827] {strides = array<i32>} : memref<128x32xf32, #tpu.memory_space<vmem>>, vector<16xf32>,
      tpu.vector_store_idx %arg10[%iota3A, %broadcast_in_dim3A_1820], %get3A_1824 : memref<32x129xf32, #tpu.memory_space<vmem>>[vector<16xi32>, vector<16xi32>], vector<16xf32>,
      tpu.vector_store_idx %arg10[%add3A_3, %broadcast_in_dim3A_1820], %get3A_1828 : memref<32x129xf32, #tpu.memory_space<vmem>>[vector<16xi32>, vector<16xi32>], vector<16xf32>,
      %broadcast_in_dim3A_1829 = arith.constant 27 : i32
      %broadcast_in_dim3A_1830 = vector.broadcast %broadcast_in_dim3A_1829 : i32 to vector<16xi32>
      %get3A_1831 = arith.constant 27 : i32
      %get3A_1832 = arith.index_cast %get3A_1831 : i32 to index
      %get3A_1833 = arith.constant 0 : index
      %get3A_1834 = tpu.vector_load %arg8[%get3A_1832, %get3A_1833] {strides = array<i32>} : memref<128x32xf32, #tpu.memory_space<vmem>>, vector<16xf32>,
      %get3A_1835 = arith.constant 27 : i32
      %get3A_1836 = arith.index_cast %get3A_1835 : i32 to index
      %get3A_1837 = arith.constant 16 : index
      %get3A_1838 = tpu.vector_load %arg8[%get3A_1836, %get3A_1837] {strides = array<i32>} : memref<128x32xf32, #tpu.memory_space<vmem>>, vector<16xf32>,
      tpu.vector_store_idx %arg10[%iota3A, %broadcast_in_dim3A_1830], %get3A_1834 : memref<32x129xf32, #tpu.memory_space<vmem>>[vector<16xi32>, vector<16xi32>], vector<16xf32>,
      tpu.vector_store_idx %arg10[%add3A_3, %broadcast_in_dim3A_1830], %get3A_1838 : memref<32x129xf32, #tpu.memory_space<vmem>>[vector<16xi32>, vector<16xi32>], vector<16xf32>,
      %broadcast_in_dim3A_1839 = arith.constant 28 : i32
      %broadcast_in_dim3A_1840 = vector.broadcast %broadcast_in_dim3A_1839 : i32 to vector<16xi32>
      %get3A_1841 = arith.constant 28 : i32
      %get3A_1842 = arith.index_cast %get3A_1841 : i32 to index
      %get3A_1843 = arith.constant 0 : index
      %get3A_1844 = tpu.vector_load %arg8[%get3A_1842, %get3A_1843] {strides = array<i32>} : memref<128x32xf32, #tpu.memory_space<vmem>>, vector<16xf32>,
      %get3A_1845 = arith.constant 28 : i32
      %get3A_1846 = arith.index_cast %get3A_1845 : i32 to index
      %get3A_1847 = arith.constant 16 : index
      %get3A_1848 = tpu.vector_load %arg8[%get3A_1846, %get3A_1847] {strides = array<i32>} : memref<128x32xf32, #tpu.memory_space<vmem>>, vector<16xf32>,
      tpu.vector_store_idx %arg10[%iota3A, %broadcast_in_dim3A_1840], %get3A_1844 : memref<32x129xf32, #tpu.memory_space<vmem>>[vector<16xi32>, vector<16xi32>], vector<16xf32>,
      tpu.vector_store_idx %arg10[%add3A_3, %broadcast_in_dim3A_1840], %get3A_1848 : memref<32x129xf32, #tpu.memory_space<vmem>>[vector<16xi32>, vector<16xi32>], vector<16xf32>,
      %broadcast_in_dim3A_1849 = arith.constant 29 : i32
      %broadcast_in_dim3A_1850 = vector.broadcast %broadcast_in_dim3A_1849 : i32 to vector<16xi32>
      %get3A_1851 = arith.constant 29 : i32
      %get3A_1852 = arith.index_cast %get3A_1851 : i32 to index
      %get3A_1853 = arith.constant 0 : index
      %get3A_1854 = tpu.vector_load %arg8[%get3A_1852, %get3A_1853] {strides = array<i32>} : memref<128x32xf32, #tpu.memory_space<vmem>>, vector<16xf32>,
      %get3A_1855 = arith.constant 29 : i32
      %get3A_1856 = arith.index_cast %get3A_1855 : i32 to index
      %get3A_1857 = arith.constant 16 : index
      %get3A_1858 = tpu.vector_load %arg8[%get3A_1856, %get3A_1857] {strides = array<i32>} : memref<128x32xf32, #tpu.memory_space<vmem>>, vector<16xf32>,
      tpu.vector_store_idx %arg10[%iota3A, %broadcast_in_dim3A_1850], %get3A_1854 : memref<32x129xf32, #tpu.memory_space<vmem>>[vector<16xi32>, vector<16xi32>], vector<16xf32>,
      tpu.vector_store_idx %arg10[%add3A_3, %broadcast_in_dim3A_1850], %get3A_1858 : memref<32x129xf32, #tpu.memory_space<vmem>>[vector<16xi32>, vector<16xi32>], vector<16xf32>,
      %broadcast_in_dim3A_1859 = arith.constant 30 : i32
      %broadcast_in_dim3A_1860 = vector.broadcast %broadcast_in_dim3A_1859 : i32 to vector<16xi32>
      %get3A_1861 = arith.constant 30 : i32
      %get3A_1862 = arith.index_cast %get3A_1861 : i32 to index
      %get3A_1863 = arith.constant 0 : index
      %get3A_1864 = tpu.vector_load %arg8[%get3A_1862, %get3A_1863] {strides = array<i32>} : memref<128x32xf32, #tpu.memory_space<vmem>>, vector<16xf32>,
      %get3A_1865 = arith.constant 30 : i32
      %get3A_1866 = arith.index_cast %get3A_1865 : i32 to index
      %get3A_1867 = arith.constant 16 : index
      %get3A_1868 = tpu.vector_load %arg8[%get3A_1866, %get3A_1867] {strides = array<i32>} : memref<128x32xf32, #tpu.memory_space<vmem>>, vector<16xf32>,
      tpu.vector_store_idx %arg10[%iota3A, %broadcast_in_dim3A_1860], %get3A_1864 : memref<32x129xf32, #tpu.memory_space<vmem>>[vector<16xi32>, vector<16xi32>], vector<16xf32>,
      tpu.vector_store_idx %arg10[%add3A_3, %broadcast_in_dim3A_1860], %get3A_1868 : memref<32x129xf32, #tpu.memory_space<vmem>>[vector<16xi32>, vector<16xi32>], vector<16xf32>,
      %broadcast_in_dim3A_1869 = arith.constant 31 : i32
      %broadcast_in_dim3A_1870 = vector.broadcast %broadcast_in_dim3A_1869 : i32 to vector<16xi32>
      %get3A_1871 = arith.constant 31 : i32
      %get3A_1872 = arith.index_cast %get3A_1871 : i32 to index
      %get3A_1873 = arith.constant 0 : index
      %get3A_1874 = tpu.vector_load %arg8[%get3A_1872, %get3A_1873] {strides = array<i32>} : memref<128x32xf32, #tpu.memory_space<vmem>>, vector<16xf32>,
      %get3A_1875 = arith.constant 31 : i32
      %get3A_1876 = arith.index_cast %get3A_1875 : i32 to index
      %get3A_1877 = arith.constant 16 : index
      %get3A_1878 = tpu.vector_load %arg8[%get3A_1876, %get3A_1877] {strides = array<i32>} : memref<128x32xf32, #tpu.memory_space<vmem>>, vector<16xf32>,
      tpu.vector_store_idx %arg10[%iota3A, %broadcast_in_dim3A_1870], %get3A_1874 : memref<32x129xf32, #tpu.memory_space<vmem>>[vector<16xi32>, vector<16xi32>], vector<16xf32>,
      tpu.vector_store_idx %arg10[%add3A_3, %broadcast_in_dim3A_1870], %get3A_1878 : memref<32x129xf32, #tpu.memory_space<vmem>>[vector<16xi32>, vector<16xi32>], vector<16xf32>,
      %broadcast_in_dim3A_1879 = arith.constant 32 : i32
      %broadcast_in_dim3A_1880 = vector.broadcast %broadcast_in_dim3A_1879 : i32 to vector<16xi32>
      %get3A_1881 = arith.constant 32 : i32
      %get3A_1882 = arith.index_cast %get3A_1881 : i32 to index
      %get3A_1883 = arith.constant 0 : index
      %get3A_1884 = tpu.vector_load %arg8[%get3A_1882, %get3A_1883] {strides = array<i32>} : memref<128x32xf32, #tpu.memory_space<vmem>>, vector<16xf32>,
      %get3A_1885 = arith.constant 32 : i32
      %get3A_1886 = arith.index_cast %get3A_1885 : i32 to index
      %get3A_1887 = arith.constant 16 : index
      %get3A_1888 = tpu.vector_load %arg8[%get3A_1886, %get3A_1887] {strides = array<i32>} : memref<128x32xf32, #tpu.memory_space<vmem>>, vector<16xf32>,
      tpu.vector_store_idx %arg10[%iota3A, %broadcast_in_dim3A_1880], %get3A_1884 : memref<32x129xf32, #tpu.memory_space<vmem>>[vector<16xi32>, vector<16xi32>], vector<16xf32>,
      tpu.vector_store_idx %arg10[%add3A_3, %broadcast_in_dim3A_1880], %get3A_1888 : memref<32x129xf32, #tpu.memory_space<vmem>>[vector<16xi32>, vector<16xi32>], vector<16xf32>,
      %broadcast_in_dim3A_1889 = arith.constant 33 : i32
      %broadcast_in_dim3A_1890 = vector.broadcast %broadcast_in_dim3A_1889 : i32 to vector<16xi32>
      %get3A_1891 = arith.constant 33 : i32
      %get3A_1892 = arith.index_cast %get3A_1891 : i32 to index
      %get3A_1893 = arith.constant 0 : index
      %get3A_1894 = tpu.vector_load %arg8[%get3A_1892, %get3A_1893] {strides = array<i32>} : memref<128x32xf32, #tpu.memory_space<vmem>>, vector<16xf32>,
      %get3A_1895 = arith.constant 33 : i32
      %get3A_1896 = arith.index_cast %get3A_1895 : i32 to index
      %get3A_1897 = arith.constant 16 : index
      %get3A_1898 = tpu.vector_load %arg8[%get3A_1896, %get3A_1897] {strides = array<i32>} : memref<128x32xf32, #tpu.memory_space<vmem>>, vector<16xf32>,
      tpu.vector_store_idx %arg10[%iota3A, %broadcast_in_dim3A_1890], %get3A_1894 : memref<32x129xf32, #tpu.memory_space<vmem>>[vector<16xi32>, vector<16xi32>], vector<16xf32>,
      tpu.vector_store_idx %arg10[%add3A_3, %broadcast_in_dim3A_1890], %get3A_1898 : memref<32x129xf32, #tpu.memory_space<vmem>>[vector<16xi32>, vector<16xi32>], vector<16xf32>,
      %broadcast_in_dim3A_1899 = arith.constant 34 : i32
      %broadcast_in_dim3A_1900 = vector.broadcast %broadcast_in_dim3A_1899 : i32 to vector<16xi32>
      %get3A_1901 = arith.constant 34 : i32
      %get3A_1902 = arith.index_cast %get3A_1901 : i32 to index
      %get3A_1903 = arith.constant 0 : index
      %get3A_1904 = tpu.vector_load %arg8[%get3A_1902, %get3A_1903] {strides = array<i32>} : memref<128x32xf32, #tpu.memory_space<vmem>>, vector<16xf32>,
      %get3A_1905 = arith.constant 34 : i32
      %get3A_1906 = arith.index_cast %get3A_1905 : i32 to index
      %get3A_1907 = arith.constant 16 : index
      %get3A_1908 = tpu.vector_load %arg8[%get3A_1906, %get3A_1907] {strides = array<i32>} : memref<128x32xf32, #tpu.memory_space<vmem>>, vector<16xf32>,
      tpu.vector_store_idx %arg10[%iota3A, %broadcast_in_dim3A_1900], %get3A_1904 : memref<32x129xf32, #tpu.memory_space<vmem>>[vector<16xi32>, vector<16xi32>], vector<16xf32>,
      tpu.vector_store_idx %arg10[%add3A_3, %broadcast_in_dim3A_1900], %get3A_1908 : memref<32x129xf32, #tpu.memory_space<vmem>>[vector<16xi32>, vector<16xi32>], vector<16xf32>,
      %broadcast_in_dim3A_1909 = arith.constant 35 : i32
      %broadcast_in_dim3A_1910 = vector.broadcast %broadcast_in_dim3A_1909 : i32 to vector<16xi32>
      %get3A_1911 = arith.constant 35 : i32
      %get3A_1912 = arith.index_cast %get3A_1911 : i32 to index
      %get3A_1913 = arith.constant 0 : index
      %get3A_1914 = tpu.vector_load %arg8[%get3A_1912, %get3A_1913] {strides = array<i32>} : memref<128x32xf32, #tpu.memory_space<vmem>>, vector<16xf32>,
      %get3A_1915 = arith.constant 35 : i32
      %get3A_1916 = arith.index_cast %get3A_1915 : i32 to index
      %get3A_1917 = arith.constant 16 : index
      %get3A_1918 = tpu.vector_load %arg8[%get3A_1916, %get3A_1917] {strides = array<i32>} : memref<128x32xf32, #tpu.memory_space<vmem>>, vector<16xf32>,
      tpu.vector_store_idx %arg10[%iota3A, %broadcast_in_dim3A_1910], %get3A_1914 : memref<32x129xf32, #tpu.memory_space<vmem>>[vector<16xi32>, vector<16xi32>], vector<16xf32>,
      tpu.vector_store_idx %arg10[%add3A_3, %broadcast_in_dim3A_1910], %get3A_1918 : memref<32x129xf32, #tpu.memory_space<vmem>>[vector<16xi32>, vector<16xi32>], vector<16xf32>,
      %broadcast_in_dim3A_1919 = arith.constant 36 : i32
      %broadcast_in_dim3A_1920 = vector.broadcast %broadcast_in_dim3A_1919 : i32 to vector<16xi32>
      %get3A_1921 = arith.constant 36 : i32
      %get3A_1922 = arith.index_cast %get3A_1921 : i32 to index
      %get3A_1923 = arith.constant 0 : index
      %get3A_1924 = tpu.vector_load %arg8[%get3A_1922, %get3A_1923] {strides = array<i32>} : memref<128x32xf32, #tpu.memory_space<vmem>>, vector<16xf32>,
      %get3A_1925 = arith.constant 36 : i32
      %get3A_1926 = arith.index_cast %get3A_1925 : i32 to index
      %get3A_1927 = arith.constant 16 : index
      %get3A_1928 = tpu.vector_load %arg8[%get3A_1926, %get3A_1927] {strides = array<i32>} : memref<128x32xf32, #tpu.memory_space<vmem>>, vector<16xf32>,
      tpu.vector_store_idx %arg10[%iota3A, %broadcast_in_dim3A_1920], %get3A_1924 : memref<32x129xf32, #tpu.memory_space<vmem>>[vector<16xi32>, vector<16xi32>], vector<16xf32>,
      tpu.vector_store_idx %arg10[%add3A_3, %broadcast_in_dim3A_1920], %get3A_1928 : memref<32x129xf32, #tpu.memory_space<vmem>>[vector<16xi32>, vector<16xi32>], vector<16xf32>,
      %broadcast_in_dim3A_1929 = arith.constant 37 : i32
      %broadcast_in_dim3A_1930 = vector.broadcast %broadcast_in_dim3A_1929 : i32 to vector<16xi32>
      %get3A_1931 = arith.constant 37 : i32
      %get3A_1932 = arith.index_cast %get3A_1931 : i32 to index
      %get3A_1933 = arith.constant 0 : index
      %get3A_1934 = tpu.vector_load %arg8[%get3A_1932, %get3A_1933] {strides = array<i32>} : memref<128x32xf32, #tpu.memory_space<vmem>>, vector<16xf32>,
      %get3A_1935 = arith.constant 37 : i32
      %get3A_1936 = arith.index_cast %get3A_1935 : i32 to index
      %get3A_1937 = arith.constant 16 : index
      %get3A_1938 = tpu.vector_load %arg8[%get3A_1936, %get3A_1937] {strides = array<i32>} : memref<128x32xf32, #tpu.memory_space<vmem>>, vector<16xf32>,
      tpu.vector_store_idx %arg10[%iota3A, %broadcast_in_dim3A_1930], %get3A_1934 : memref<32x129xf32, #tpu.memory_space<vmem>>[vector<16xi32>, vector<16xi32>], vector<16xf32>,
      tpu.vector_store_idx %arg10[%add3A_3, %broadcast_in_dim3A_1930], %get3A_1938 : memref<32x129xf32, #tpu.memory_space<vmem>>[vector<16xi32>, vector<16xi32>], vector<16xf32>,
      %broadcast_in_dim3A_1939 = arith.constant 38 : i32
      %broadcast_in_dim3A_1940 = vector.broadcast %broadcast_in_dim3A_1939 : i32 to vector<16xi32>
      %get3A_1941 = arith.constant 38 : i32
      %get3A_1942 = arith.index_cast %get3A_1941 : i32 to index
      %get3A_1943 = arith.constant 0 : index
      %get3A_1944 = tpu.vector_load %arg8[%get3A_1942, %get3A_1943] {strides = array<i32>} : memref<128x32xf32, #tpu.memory_space<vmem>>, vector<16xf32>,
      %get3A_1945 = arith.constant 38 : i32
      %get3A_1946 = arith.index_cast %get3A_1945 : i32 to index
      %get3A_1947 = arith.constant 16 : index
      %get3A_1948 = tpu.vector_load %arg8[%get3A_1946, %get3A_1947] {strides = array<i32>} : memref<128x32xf32, #tpu.memory_space<vmem>>, vector<16xf32>,
      tpu.vector_store_idx %arg10[%iota3A, %broadcast_in_dim3A_1940], %get3A_1944 : memref<32x129xf32, #tpu.memory_space<vmem>>[vector<16xi32>, vector<16xi32>], vector<16xf32>,
      tpu.vector_store_idx %arg10[%add3A_3, %broadcast_in_dim3A_1940], %get3A_1948 : memref<32x129xf32, #tpu.memory_space<vmem>>[vector<16xi32>, vector<16xi32>], vector<16xf32>,
      %broadcast_in_dim3A_1949 = arith.constant 39 : i32
      %broadcast_in_dim3A_1950 = vector.broadcast %broadcast_in_dim3A_1949 : i32 to vector<16xi32>
      %get3A_1951 = arith.constant 39 : i32
      %get3A_1952 = arith.index_cast %get3A_1951 : i32 to index
      %get3A_1953 = arith.constant 0 : index
      %get3A_1954 = tpu.vector_load %arg8[%get3A_1952, %get3A_1953] {strides = array<i32>} : memref<128x32xf32, #tpu.memory_space<vmem>>, vector<16xf32>,
      %get3A_1955 = arith.constant 39 : i32
      %get3A_1956 = arith.index_cast %get3A_1955 : i32 to index
      %get3A_1957 = arith.constant 16 : index
      %get3A_1958 = tpu.vector_load %arg8[%get3A_1956, %get3A_1957] {strides = array<i32>} : memref<128x32xf32, #tpu.memory_space<vmem>>, vector<16xf32>,
      tpu.vector_store_idx %arg10[%iota3A, %broadcast_in_dim3A_1950], %get3A_1954 : memref<32x129xf32, #tpu.memory_space<vmem>>[vector<16xi32>, vector<16xi32>], vector<16xf32>,
      tpu.vector_store_idx %arg10[%add3A_3, %broadcast_in_dim3A_1950], %get3A_1958 : memref<32x129xf32, #tpu.memory_space<vmem>>[vector<16xi32>, vector<16xi32>], vector<16xf32>,
      %broadcast_in_dim3A_1959 = arith.constant 40 : i32
      %broadcast_in_dim3A_1960 = vector.broadcast %broadcast_in_dim3A_1959 : i32 to vector<16xi32>
      %get3A_1961 = arith.constant 40 : i32
      %get3A_1962 = arith.index_cast %get3A_1961 : i32 to index
      %get3A_1963 = arith.constant 0 : index
      %get3A_1964 = tpu.vector_load %arg8[%get3A_1962, %get3A_1963] {strides = array<i32>} : memref<128x32xf32, #tpu.memory_space<vmem>>, vector<16xf32>,
      %get3A_1965 = arith.constant 40 : i32
      %get3A_1966 = arith.index_cast %get3A_1965 : i32 to index
      %get3A_1967 = arith.constant 16 : index
      %get3A_1968 = tpu.vector_load %arg8[%get3A_1966, %get3A_1967] {strides = array<i32>} : memref<128x32xf32, #tpu.memory_space<vmem>>, vector<16xf32>,
      tpu.vector_store_idx %arg10[%iota3A, %broadcast_in_dim3A_1960], %get3A_1964 : memref<32x129xf32, #tpu.memory_space<vmem>>[vector<16xi32>, vector<16xi32>], vector<16xf32>,
      tpu.vector_store_idx %arg10[%add3A_3, %broadcast_in_dim3A_1960], %get3A_1968 : memref<32x129xf32, #tpu.memory_space<vmem>>[vector<16xi32>, vector<16xi32>], vector<16xf32>,
      %broadcast_in_dim3A_1969 = arith.constant 41 : i32
      %broadcast_in_dim3A_1970 = vector.broadcast %broadcast_in_dim3A_1969 : i32 to vector<16xi32>
      %get3A_1971 = arith.constant 41 : i32
      %get3A_1972 = arith.index_cast %get3A_1971 : i32 to index
      %get3A_1973 = arith.constant 0 : index
      %get3A_1974 = tpu.vector_load %arg8[%get3A_1972, %get3A_1973] {strides = array<i32>} : memref<128x32xf32, #tpu.memory_space<vmem>>, vector<16xf32>,
      %get3A_1975 = arith.constant 41 : i32
      %get3A_1976 = arith.index_cast %get3A_1975 : i32 to index
      %get3A_1977 = arith.constant 16 : index
      %get3A_1978 = tpu.vector_load %arg8[%get3A_1976, %get3A_1977] {strides = array<i32>} : memref<128x32xf32, #tpu.memory_space<vmem>>, vector<16xf32>,
      tpu.vector_store_idx %arg10[%iota3A, %broadcast_in_dim3A_1970], %get3A_1974 : memref<32x129xf32, #tpu.memory_space<vmem>>[vector<16xi32>, vector<16xi32>], vector<16xf32>,
      tpu.vector_store_idx %arg10[%add3A_3, %broadcast_in_dim3A_1970], %get3A_1978 : memref<32x129xf32, #tpu.memory_space<vmem>>[vector<16xi32>, vector<16xi32>], vector<16xf32>,
      %broadcast_in_dim3A_1979 = arith.constant 42 : i32
      %broadcast_in_dim3A_1980 = vector.broadcast %broadcast_in_dim3A_1979 : i32 to vector<16xi32>
      %get3A_1981 = arith.constant 42 : i32
      %get3A_1982 = arith.index_cast %get3A_1981 : i32 to index
      %get3A_1983 = arith.constant 0 : index
      %get3A_1984 = tpu.vector_load %arg8[%get3A_1982, %get3A_1983] {strides = array<i32>} : memref<128x32xf32, #tpu.memory_space<vmem>>, vector<16xf32>,
      %get3A_1985 = arith.constant 42 : i32
      %get3A_1986 = arith.index_cast %get3A_1985 : i32 to index
      %get3A_1987 = arith.constant 16 : index
      %get3A_1988 = tpu.vector_load %arg8[%get3A_1986, %get3A_1987] {strides = array<i32>} : memref<128x32xf32, #tpu.memory_space<vmem>>, vector<16xf32>,
      tpu.vector_store_idx %arg10[%iota3A, %broadcast_in_dim3A_1980], %get3A_1984 : memref<32x129xf32, #tpu.memory_space<vmem>>[vector<16xi32>, vector<16xi32>], vector<16xf32>,
      tpu.vector_store_idx %arg10[%add3A_3, %broadcast_in_dim3A_1980], %get3A_1988 : memref<32x129xf32, #tpu.memory_space<vmem>>[vector<16xi32>, vector<16xi32>], vector<16xf32>,
      %broadcast_in_dim3A_1989 = arith.constant 43 : i32
      %broadcast_in_dim3A_1990 = vector.broadcast %broadcast_in_dim3A_1989 : i32 to vector<16xi32>
      %get3A_1991 = arith.constant 43 : i32
      %get3A_1992 = arith.index_cast %get3A_1991 : i32 to index
      %get3A_1993 = arith.constant 0 : index
      %get3A_1994 = tpu.vector_load %arg8[%get3A_1992, %get3A_1993] {strides = array<i32>} : memref<128x32xf32, #tpu.memory_space<vmem>>, vector<16xf32>,
      %get3A_1995 = arith.constant 43 : i32
      %get3A_1996 = arith.index_cast %get3A_1995 : i32 to index
      %get3A_1997 = arith.constant 16 : index
      %get3A_1998 = tpu.vector_load %arg8[%get3A_1996, %get3A_1997] {strides = array<i32>} : memref<128x32xf32, #tpu.memory_space<vmem>>, vector<16xf32>,
      tpu.vector_store_idx %arg10[%iota3A, %broadcast_in_dim3A_1990], %get3A_1994 : memref<32x129xf32, #tpu.memory_space<vmem>>[vector<16xi32>, vector<16xi32>], vector<16xf32>,
      tpu.vector_store_idx %arg10[%add3A_3, %broadcast_in_dim3A_1990], %get3A_1998 : memref<32x129xf32, #tpu.memory_space<vmem>>[vector<16xi32>, vector<16xi32>], vector<16xf32>,
      %broadcast_in_dim3A_1999 = arith.constant 44 : i32
      %broadcast_in_dim3A_2000 = vector.broadcast %broadcast_in_dim3A_1999 : i32 to vector<16xi32>
      %get3A_2001 = arith.constant 44 : i32
      %get3A_2002 = arith.index_cast %get3A_2001 : i32 to index
      %get3A_2003 = arith.constant 0 : index
      %get3A_2004 = tpu.vector_load %arg8[%get3A_2002, %get3A_2003] {strides = array<i32>} : memref<128x32xf32, #tpu.memory_space<vmem>>, vector<16xf32>,
      %get3A_2005 = arith.constant 44 : i32
      %get3A_2006 = arith.index_cast %get3A_2005 : i32 to index
      %get3A_2007 = arith.constant 16 : index
      %get3A_2008 = tpu.vector_load %arg8[%get3A_2006, %get3A_2007] {strides = array<i32>} : memref<128x32xf32, #tpu.memory_space<vmem>>, vector<16xf32>,
      tpu.vector_store_idx %arg10[%iota3A, %broadcast_in_dim3A_2000], %get3A_2004 : memref<32x129xf32, #tpu.memory_space<vmem>>[vector<16xi32>, vector<16xi32>], vector<16xf32>,
      tpu.vector_store_idx %arg10[%add3A_3, %broadcast_in_dim3A_2000], %get3A_2008 : memref<32x129xf32, #tpu.memory_space<vmem>>[vector<16xi32>, vector<16xi32>], vector<16xf32>,
      %broadcast_in_dim3A_2009 = arith.constant 45 : i32
      %broadcast_in_dim3A_2010 = vector.broadcast %broadcast_in_dim3A_2009 : i32 to vector<16xi32>
      %get3A_2011 = arith.constant 45 : i32
      %get3A_2012 = arith.index_cast %get3A_2011 : i32 to index
      %get3A_2013 = arith.constant 0 : index
      %get3A_2014 = tpu.vector_load %arg8[%get3A_2012, %get3A_2013] {strides = array<i32>} : memref<128x32xf32, #tpu.memory_space<vmem>>, vector<16xf32>,
      %get3A_2015 = arith.constant 45 : i32
      %get3A_2016 = arith.index_cast %get3A_2015 : i32 to index
      %get3A_2017 = arith.constant 16 : index
      %get3A_2018 = tpu.vector_load %arg8[%get3A_2016, %get3A_2017] {strides = array<i32>} : memref<128x32xf32, #tpu.memory_space<vmem>>, vector<16xf32>,
      tpu.vector_store_idx %arg10[%iota3A, %broadcast_in_dim3A_2010], %get3A_2014 : memref<32x129xf32, #tpu.memory_space<vmem>>[vector<16xi32>, vector<16xi32>], vector<16xf32>,
      tpu.vector_store_idx %arg10[%add3A_3, %broadcast_in_dim3A_2010], %get3A_2018 : memref<32x129xf32, #tpu.memory_space<vmem>>[vector<16xi32>, vector<16xi32>], vector<16xf32>,
      %broadcast_in_dim3A_2019 = arith.constant 46 : i32
      %broadcast_in_dim3A_2020 = vector.broadcast %broadcast_in_dim3A_2019 : i32 to vector<16xi32>
      %get3A_2021 = arith.constant 46 : i32
      %get3A_2022 = arith.index_cast %get3A_2021 : i32 to index
      %get3A_2023 = arith.constant 0 : index
      %get3A_2024 = tpu.vector_load %arg8[%get3A_2022, %get3A_2023] {strides = array<i32>} : memref<128x32xf32, #tpu.memory_space<vmem>>, vector<16xf32>,
      %get3A_2025 = arith.constant 46 : i32
      %get3A_2026 = arith.index_cast %get3A_2025 : i32 to index
      %get3A_2027 = arith.constant 16 : index
      %get3A_2028 = tpu.vector_load %arg8[%get3A_2026, %get3A_2027] {strides = array<i32>} : memref<128x32xf32, #tpu.memory_space<vmem>>, vector<16xf32>,
      tpu.vector_store_idx %arg10[%iota3A, %broadcast_in_dim3A_2020], %get3A_2024 : memref<32x129xf32, #tpu.memory_space<vmem>>[vector<16xi32>, vector<16xi32>], vector<16xf32>,
      tpu.vector_store_idx %arg10[%add3A_3, %broadcast_in_dim3A_2020], %get3A_2028 : memref<32x129xf32, #tpu.memory_space<vmem>>[vector<16xi32>, vector<16xi32>], vector<16xf32>,
      %broadcast_in_dim3A_2029 = arith.constant 47 : i32
      %broadcast_in_dim3A_2030 = vector.broadcast %broadcast_in_dim3A_2029 : i32 to vector<16xi32>
      %get3A_2031 = arith.constant 47 : i32
      %get3A_2032 = arith.index_cast %get3A_2031 : i32 to index
      %get3A_2033 = arith.constant 0 : index
      %get3A_2034 = tpu.vector_load %arg8[%get3A_2032, %get3A_2033] {strides = array<i32>} : memref<128x32xf32, #tpu.memory_space<vmem>>, vector<16xf32>,
      %get3A_2035 = arith.constant 47 : i32
      %get3A_2036 = arith.index_cast %get3A_2035 : i32 to index
      %get3A_2037 = arith.constant 16 : index
      %get3A_2038 = tpu.vector_load %arg8[%get3A_2036, %get3A_2037] {strides = array<i32>} : memref<128x32xf32, #tpu.memory_space<vmem>>, vector<16xf32>,
      tpu.vector_store_idx %arg10[%iota3A, %broadcast_in_dim3A_2030], %get3A_2034 : memref<32x129xf32, #tpu.memory_space<vmem>>[vector<16xi32>, vector<16xi32>], vector<16xf32>,
      tpu.vector_store_idx %arg10[%add3A_3, %broadcast_in_dim3A_2030], %get3A_2038 : memref<32x129xf32, #tpu.memory_space<vmem>>[vector<16xi32>, vector<16xi32>], vector<16xf32>,
      %broadcast_in_dim3A_2039 = arith.constant 48 : i32
      %broadcast_in_dim3A_2040 = vector.broadcast %broadcast_in_dim3A_2039 : i32 to vector<16xi32>
      %get3A_2041 = arith.constant 48 : i32
      %get3A_2042 = arith.index_cast %get3A_2041 : i32 to index
      %get3A_2043 = arith.constant 0 : index
      %get3A_2044 = tpu.vector_load %arg8[%get3A_2042, %get3A_2043] {strides = array<i32>} : memref<128x32xf32, #tpu.memory_space<vmem>>, vector<16xf32>,
      %get3A_2045 = arith.constant 48 : i32
      %get3A_2046 = arith.index_cast %get3A_2045 : i32 to index
      %get3A_2047 = arith.constant 16 : index
      %get3A_2048 = tpu.vector_load %arg8[%get3A_2046, %get3A_2047] {strides = array<i32>} : memref<128x32xf32, #tpu.memory_space<vmem>>, vector<16xf32>,
      tpu.vector_store_idx %arg10[%iota3A, %broadcast_in_dim3A_2040], %get3A_2044 : memref<32x129xf32, #tpu.memory_space<vmem>>[vector<16xi32>, vector<16xi32>], vector<16xf32>,
      tpu.vector_store_idx %arg10[%add3A_3, %broadcast_in_dim3A_2040], %get3A_2048 : memref<32x129xf32, #tpu.memory_space<vmem>>[vector<16xi32>, vector<16xi32>], vector<16xf32>,
      %broadcast_in_dim3A_2049 = arith.constant 49 : i32
      %broadcast_in_dim3A_2050 = vector.broadcast %broadcast_in_dim3A_2049 : i32 to vector<16xi32>
      %get3A_2051 = arith.constant 49 : i32
      %get3A_2052 = arith.index_cast %get3A_2051 : i32 to index
      %get3A_2053 = arith.constant 0 : index
      %get3A_2054 = tpu.vector_load %arg8[%get3A_2052, %get3A_2053] {strides = array<i32>} : memref<128x32xf32, #tpu.memory_space<vmem>>, vector<16xf32>,
      %get3A_2055 = arith.constant 49 : i32
      %get3A_2056 = arith.index_cast %get3A_2055 : i32 to index
      %get3A_2057 = arith.constant 16 : index
      %get3A_2058 = tpu.vector_load %arg8[%get3A_2056, %get3A_2057] {strides = array<i32>} : memref<128x32xf32, #tpu.memory_space<vmem>>, vector<16xf32>,
      tpu.vector_store_idx %arg10[%iota3A, %broadcast_in_dim3A_2050], %get3A_2054 : memref<32x129xf32, #tpu.memory_space<vmem>>[vector<16xi32>, vector<16xi32>], vector<16xf32>,
      tpu.vector_store_idx %arg10[%add3A_3, %broadcast_in_dim3A_2050], %get3A_2058 : memref<32x129xf32, #tpu.memory_space<vmem>>[vector<16xi32>, vector<16xi32>], vector<16xf32>,
      %broadcast_in_dim3A_2059 = arith.constant 50 : i32
      %broadcast_in_dim3A_2060 = vector.broadcast %broadcast_in_dim3A_2059 : i32 to vector<16xi32>
      %get3A_2061 = arith.constant 50 : i32
      %get3A_2062 = arith.index_cast %get3A_2061 : i32 to index
      %get3A_2063 = arith.constant 0 : index
      %get3A_2064 = tpu.vector_load %arg8[%get3A_2062, %get3A_2063] {strides = array<i32>} : memref<128x32xf32, #tpu.memory_space<vmem>>, vector<16xf32>,
      %get3A_2065 = arith.constant 50 : i32
      %get3A_2066 = arith.index_cast %get3A_2065 : i32 to index
      %get3A_2067 = arith.constant 16 : index
      %get3A_2068 = tpu.vector_load %arg8[%get3A_2066, %get3A_2067] {strides = array<i32>} : memref<128x32xf32, #tpu.memory_space<vmem>>, vector<16xf32>,
      tpu.vector_store_idx %arg10[%iota3A, %broadcast_in_dim3A_2060], %get3A_2064 : memref<32x129xf32, #tpu.memory_space<vmem>>[vector<16xi32>, vector<16xi32>], vector<16xf32>,
      tpu.vector_store_idx %arg10[%add3A_3, %broadcast_in_dim3A_2060], %get3A_2068 : memref<32x129xf32, #tpu.memory_space<vmem>>[vector<16xi32>, vector<16xi32>], vector<16xf32>,
      %broadcast_in_dim3A_2069 = arith.constant 51 : i32
      %broadcast_in_dim3A_2070 = vector.broadcast %broadcast_in_dim3A_2069 : i32 to vector<16xi32>
      %get3A_2071 = arith.constant 51 : i32
      %get3A_2072 = arith.index_cast %get3A_2071 : i32 to index
      %get3A_2073 = arith.constant 0 : index
      %get3A_2074 = tpu.vector_load %arg8[%get3A_2072, %get3A_2073] {strides = array<i32>} : memref<128x32xf32, #tpu.memory_space<vmem>>, vector<16xf32>,
      %get3A_2075 = arith.constant 51 : i32
      %get3A_2076 = arith.index_cast %get3A_2075 : i32 to index
      %get3A_2077 = arith.constant 16 : index
      %get3A_2078 = tpu.vector_load %arg8[%get3A_2076, %get3A_2077] {strides = array<i32>} : memref<128x32xf32, #tpu.memory_space<vmem>>, vector<16xf32>,
      tpu.vector_store_idx %arg10[%iota3A, %broadcast_in_dim3A_2070], %get3A_2074 : memref<32x129xf32, #tpu.memory_space<vmem>>[vector<16xi32>, vector<16xi32>], vector<16xf32>,
      tpu.vector_store_idx %arg10[%add3A_3, %broadcast_in_dim3A_2070], %get3A_2078 : memref<32x129xf32, #tpu.memory_space<vmem>>[vector<16xi32>, vector<16xi32>], vector<16xf32>,
      %broadcast_in_dim3A_2079 = arith.constant 52 : i32
      %broadcast_in_dim3A_2080 = vector.broadcast %broadcast_in_dim3A_2079 : i32 to vector<16xi32>
      %get3A_2081 = arith.constant 52 : i32
      %get3A_2082 = arith.index_cast %get3A_2081 : i32 to index
      %get3A_2083 = arith.constant 0 : index
      %get3A_2084 = tpu.vector_load %arg8[%get3A_2082, %get3A_2083] {strides = array<i32>} : memref<128x32xf32, #tpu.memory_space<vmem>>, vector<16xf32>,
      %get3A_2085 = arith.constant 52 : i32
      %get3A_2086 = arith.index_cast %get3A_2085 : i32 to index
      %get3A_2087 = arith.constant 16 : index
      %get3A_2088 = tpu.vector_load %arg8[%get3A_2086, %get3A_2087] {strides = array<i32>} : memref<128x32xf32, #tpu.memory_space<vmem>>, vector<16xf32>,
      tpu.vector_store_idx %arg10[%iota3A, %broadcast_in_dim3A_2080], %get3A_2084 : memref<32x129xf32, #tpu.memory_space<vmem>>[vector<16xi32>, vector<16xi32>], vector<16xf32>,
      tpu.vector_store_idx %arg10[%add3A_3, %broadcast_in_dim3A_2080], %get3A_2088 : memref<32x129xf32, #tpu.memory_space<vmem>>[vector<16xi32>, vector<16xi32>], vector<16xf32>,
      %broadcast_in_dim3A_2089 = arith.constant 53 : i32
      %broadcast_in_dim3A_2090 = vector.broadcast %broadcast_in_dim3A_2089 : i32 to vector<16xi32>
      %get3A_2091 = arith.constant 53 : i32
      %get3A_2092 = arith.index_cast %get3A_2091 : i32 to index
      %get3A_2093 = arith.constant 0 : index
      %get3A_2094 = tpu.vector_load %arg8[%get3A_2092, %get3A_2093] {strides = array<i32>} : memref<128x32xf32, #tpu.memory_space<vmem>>, vector<16xf32>,
      %get3A_2095 = arith.constant 53 : i32
      %get3A_2096 = arith.index_cast %get3A_2095 : i32 to index
      %get3A_2097 = arith.constant 16 : index
      %get3A_2098 = tpu.vector_load %arg8[%get3A_2096, %get3A_2097] {strides = array<i32>} : memref<128x32xf32, #tpu.memory_space<vmem>>, vector<16xf32>,
      tpu.vector_store_idx %arg10[%iota3A, %broadcast_in_dim3A_2090], %get3A_2094 : memref<32x129xf32, #tpu.memory_space<vmem>>[vector<16xi32>, vector<16xi32>], vector<16xf32>,
      tpu.vector_store_idx %arg10[%add3A_3, %broadcast_in_dim3A_2090], %get3A_2098 : memref<32x129xf32, #tpu.memory_space<vmem>>[vector<16xi32>, vector<16xi32>], vector<16xf32>,
      %broadcast_in_dim3A_2099 = arith.constant 54 : i32
      %broadcast_in_dim3A_2100 = vector.broadcast %broadcast_in_dim3A_2099 : i32 to vector<16xi32>
      %get3A_2101 = arith.constant 54 : i32
      %get3A_2102 = arith.index_cast %get3A_2101 : i32 to index
      %get3A_2103 = arith.constant 0 : index
      %get3A_2104 = tpu.vector_load %arg8[%get3A_2102, %get3A_2103] {strides = array<i32>} : memref<128x32xf32, #tpu.memory_space<vmem>>, vector<16xf32>,
      %get3A_2105 = arith.constant 54 : i32
      %get3A_2106 = arith.index_cast %get3A_2105 : i32 to index
      %get3A_2107 = arith.constant 16 : index
      %get3A_2108 = tpu.vector_load %arg8[%get3A_2106, %get3A_2107] {strides = array<i32>} : memref<128x32xf32, #tpu.memory_space<vmem>>, vector<16xf32>,
      tpu.vector_store_idx %arg10[%iota3A, %broadcast_in_dim3A_2100], %get3A_2104 : memref<32x129xf32, #tpu.memory_space<vmem>>[vector<16xi32>, vector<16xi32>], vector<16xf32>,
      tpu.vector_store_idx %arg10[%add3A_3, %broadcast_in_dim3A_2100], %get3A_2108 : memref<32x129xf32, #tpu.memory_space<vmem>>[vector<16xi32>, vector<16xi32>], vector<16xf32>,
      %broadcast_in_dim3A_2109 = arith.constant 55 : i32
      %broadcast_in_dim3A_2110 = vector.broadcast %broadcast_in_dim3A_2109 : i32 to vector<16xi32>
      %get3A_2111 = arith.constant 55 : i32
      %get3A_2112 = arith.index_cast %get3A_2111 : i32 to index
      %get3A_2113 = arith.constant 0 : index
      %get3A_2114 = tpu.vector_load %arg8[%get3A_2112, %get3A_2113] {strides = array<i32>} : memref<128x32xf32, #tpu.memory_space<vmem>>, vector<16xf32>,
      %get3A_2115 = arith.constant 55 : i32
      %get3A_2116 = arith.index_cast %get3A_2115 : i32 to index
      %get3A_2117 = arith.constant 16 : index
      %get3A_2118 = tpu.vector_load %arg8[%get3A_2116, %get3A_2117] {strides = array<i32>} : memref<128x32xf32, #tpu.memory_space<vmem>>, vector<16xf32>,
      tpu.vector_store_idx %arg10[%iota3A, %broadcast_in_dim3A_2110], %get3A_2114 : memref<32x129xf32, #tpu.memory_space<vmem>>[vector<16xi32>, vector<16xi32>], vector<16xf32>,
      tpu.vector_store_idx %arg10[%add3A_3, %broadcast_in_dim3A_2110], %get3A_2118 : memref<32x129xf32, #tpu.memory_space<vmem>>[vector<16xi32>, vector<16xi32>], vector<16xf32>,
      %broadcast_in_dim3A_2119 = arith.constant 56 : i32
      %broadcast_in_dim3A_2120 = vector.broadcast %broadcast_in_dim3A_2119 : i32 to vector<16xi32>
      %get3A_2121 = arith.constant 56 : i32
      %get3A_2122 = arith.index_cast %get3A_2121 : i32 to index
      %get3A_2123 = arith.constant 0 : index
      %get3A_2124 = tpu.vector_load %arg8[%get3A_2122, %get3A_2123] {strides = array<i32>} : memref<128x32xf32, #tpu.memory_space<vmem>>, vector<16xf32>,
      %get3A_2125 = arith.constant 56 : i32
      %get3A_2126 = arith.index_cast %get3A_2125 : i32 to index
      %get3A_2127 = arith.constant 16 : index
      %get3A_2128 = tpu.vector_load %arg8[%get3A_2126, %get3A_2127] {strides = array<i32>} : memref<128x32xf32, #tpu.memory_space<vmem>>, vector<16xf32>,
      tpu.vector_store_idx %arg10[%iota3A, %broadcast_in_dim3A_2120], %get3A_2124 : memref<32x129xf32, #tpu.memory_space<vmem>>[vector<16xi32>, vector<16xi32>], vector<16xf32>,
      tpu.vector_store_idx %arg10[%add3A_3, %broadcast_in_dim3A_2120], %get3A_2128 : memref<32x129xf32, #tpu.memory_space<vmem>>[vector<16xi32>, vector<16xi32>], vector<16xf32>,
      %broadcast_in_dim3A_2129 = arith.constant 57 : i32
      %broadcast_in_dim3A_2130 = vector.broadcast %broadcast_in_dim3A_2129 : i32 to vector<16xi32>
      %get3A_2131 = arith.constant 57 : i32
      %get3A_2132 = arith.index_cast %get3A_2131 : i32 to index
      %get3A_2133 = arith.constant 0 : index
      %get3A_2134 = tpu.vector_load %arg8[%get3A_2132, %get3A_2133] {strides = array<i32>} : memref<128x32xf32, #tpu.memory_space<vmem>>, vector<16xf32>,
      %get3A_2135 = arith.constant 57 : i32
      %get3A_2136 = arith.index_cast %get3A_2135 : i32 to index
      %get3A_2137 = arith.constant 16 : index
      %get3A_2138 = tpu.vector_load %arg8[%get3A_2136, %get3A_2137] {strides = array<i32>} : memref<128x32xf32, #tpu.memory_space<vmem>>, vector<16xf32>,
      tpu.vector_store_idx %arg10[%iota3A, %broadcast_in_dim3A_2130], %get3A_2134 : memref<32x129xf32, #tpu.memory_space<vmem>>[vector<16xi32>, vector<16xi32>], vector<16xf32>,
      tpu.vector_store_idx %arg10[%add3A_3, %broadcast_in_dim3A_2130], %get3A_2138 : memref<32x129xf32, #tpu.memory_space<vmem>>[vector<16xi32>, vector<16xi32>], vector<16xf32>,
      %broadcast_in_dim3A_2139 = arith.constant 58 : i32
      %broadcast_in_dim3A_2140 = vector.broadcast %broadcast_in_dim3A_2139 : i32 to vector<16xi32>
      %get3A_2141 = arith.constant 58 : i32
      %get3A_2142 = arith.index_cast %get3A_2141 : i32 to index
      %get3A_2143 = arith.constant 0 : index
      %get3A_2144 = tpu.vector_load %arg8[%get3A_2142, %get3A_2143] {strides = array<i32>} : memref<128x32xf32, #tpu.memory_space<vmem>>, vector<16xf32>,
      %get3A_2145 = arith.constant 58 : i32
      %get3A_2146 = arith.index_cast %get3A_2145 : i32 to index
      %get3A_2147 = arith.constant 16 : index
      %get3A_2148 = tpu.vector_load %arg8[%get3A_2146, %get3A_2147] {strides = array<i32>} : memref<128x32xf32, #tpu.memory_space<vmem>>, vector<16xf32>,
      tpu.vector_store_idx %arg10[%iota3A, %broadcast_in_dim3A_2140], %get3A_2144 : memref<32x129xf32, #tpu.memory_space<vmem>>[vector<16xi32>, vector<16xi32>], vector<16xf32>,
      tpu.vector_store_idx %arg10[%add3A_3, %broadcast_in_dim3A_2140], %get3A_2148 : memref<32x129xf32, #tpu.memory_space<vmem>>[vector<16xi32>, vector<16xi32>], vector<16xf32>,
      %broadcast_in_dim3A_2149 = arith.constant 59 : i32
      %broadcast_in_dim3A_2150 = vector.broadcast %broadcast_in_dim3A_2149 : i32 to vector<16xi32>
      %get3A_2151 = arith.constant 59 : i32
      %get3A_2152 = arith.index_cast %get3A_2151 : i32 to index
      %get3A_2153 = arith.constant 0 : index
      %get3A_2154 = tpu.vector_load %arg8[%get3A_2152, %get3A_2153] {strides = array<i32>} : memref<128x32xf32, #tpu.memory_space<vmem>>, vector<16xf32>,
      %get3A_2155 = arith.constant 59 : i32
      %get3A_2156 = arith.index_cast %get3A_2155 : i32 to index
      %get3A_2157 = arith.constant 16 : index
      %get3A_2158 = tpu.vector_load %arg8[%get3A_2156, %get3A_2157] {strides = array<i32>} : memref<128x32xf32, #tpu.memory_space<vmem>>, vector<16xf32>,
      tpu.vector_store_idx %arg10[%iota3A, %broadcast_in_dim3A_2150], %get3A_2154 : memref<32x129xf32, #tpu.memory_space<vmem>>[vector<16xi32>, vector<16xi32>], vector<16xf32>,
      tpu.vector_store_idx %arg10[%add3A_3, %broadcast_in_dim3A_2150], %get3A_2158 : memref<32x129xf32, #tpu.memory_space<vmem>>[vector<16xi32>, vector<16xi32>], vector<16xf32>,
      %broadcast_in_dim3A_2159 = arith.constant 60 : i32
      %broadcast_in_dim3A_2160 = vector.broadcast %broadcast_in_dim3A_2159 : i32 to vector<16xi32>
      %get3A_2161 = arith.constant 60 : i32
      %get3A_2162 = arith.index_cast %get3A_2161 : i32 to index
      %get3A_2163 = arith.constant 0 : index
      %get3A_2164 = tpu.vector_load %arg8[%get3A_2162, %get3A_2163] {strides = array<i32>} : memref<128x32xf32, #tpu.memory_space<vmem>>, vector<16xf32>,
      %get3A_2165 = arith.constant 60 : i32
      %get3A_2166 = arith.index_cast %get3A_2165 : i32 to index
      %get3A_2167 = arith.constant 16 : index
      %get3A_2168 = tpu.vector_load %arg8[%get3A_2166, %get3A_2167] {strides = array<i32>} : memref<128x32xf32, #tpu.memory_space<vmem>>, vector<16xf32>,
      tpu.vector_store_idx %arg10[%iota3A, %broadcast_in_dim3A_2160], %get3A_2164 : memref<32x129xf32, #tpu.memory_space<vmem>>[vector<16xi32>, vector<16xi32>], vector<16xf32>,
      tpu.vector_store_idx %arg10[%add3A_3, %broadcast_in_dim3A_2160], %get3A_2168 : memref<32x129xf32, #tpu.memory_space<vmem>>[vector<16xi32>, vector<16xi32>], vector<16xf32>,
      %broadcast_in_dim3A_2169 = arith.constant 61 : i32
      %broadcast_in_dim3A_2170 = vector.broadcast %broadcast_in_dim3A_2169 : i32 to vector<16xi32>
      %get3A_2171 = arith.constant 61 : i32
      %get3A_2172 = arith.index_cast %get3A_2171 : i32 to index
      %get3A_2173 = arith.constant 0 : index
      %get3A_2174 = tpu.vector_load %arg8[%get3A_2172, %get3A_2173] {strides = array<i32>} : memref<128x32xf32, #tpu.memory_space<vmem>>, vector<16xf32>,
      %get3A_2175 = arith.constant 61 : i32
      %get3A_2176 = arith.index_cast %get3A_2175 : i32 to index
      %get3A_2177 = arith.constant 16 : index
      %get3A_2178 = tpu.vector_load %arg8[%get3A_2176, %get3A_2177] {strides = array<i32>} : memref<128x32xf32, #tpu.memory_space<vmem>>, vector<16xf32>,
      tpu.vector_store_idx %arg10[%iota3A, %broadcast_in_dim3A_2170], %get3A_2174 : memref<32x129xf32, #tpu.memory_space<vmem>>[vector<16xi32>, vector<16xi32>], vector<16xf32>,
      tpu.vector_store_idx %arg10[%add3A_3, %broadcast_in_dim3A_2170], %get3A_2178 : memref<32x129xf32, #tpu.memory_space<vmem>>[vector<16xi32>, vector<16xi32>], vector<16xf32>,
      %broadcast_in_dim3A_2179 = arith.constant 62 : i32
      %broadcast_in_dim3A_2180 = vector.broadcast %broadcast_in_dim3A_2179 : i32 to vector<16xi32>
      %get3A_2181 = arith.constant 62 : i32
      %get3A_2182 = arith.index_cast %get3A_2181 : i32 to index
      %get3A_2183 = arith.constant 0 : index
      %get3A_2184 = tpu.vector_load %arg8[%get3A_2182, %get3A_2183] {strides = array<i32>} : memref<128x32xf32, #tpu.memory_space<vmem>>, vector<16xf32>,
      %get3A_2185 = arith.constant 62 : i32
      %get3A_2186 = arith.index_cast %get3A_2185 : i32 to index
      %get3A_2187 = arith.constant 16 : index
      %get3A_2188 = tpu.vector_load %arg8[%get3A_2186, %get3A_2187] {strides = array<i32>} : memref<128x32xf32, #tpu.memory_space<vmem>>, vector<16xf32>,
      tpu.vector_store_idx %arg10[%iota3A, %broadcast_in_dim3A_2180], %get3A_2184 : memref<32x129xf32, #tpu.memory_space<vmem>>[vector<16xi32>, vector<16xi32>], vector<16xf32>,
      tpu.vector_store_idx %arg10[%add3A_3, %broadcast_in_dim3A_2180], %get3A_2188 : memref<32x129xf32, #tpu.memory_space<vmem>>[vector<16xi32>, vector<16xi32>], vector<16xf32>,
      %broadcast_in_dim3A_2189 = arith.constant 63 : i32
      %broadcast_in_dim3A_2190 = vector.broadcast %broadcast_in_dim3A_2189 : i32 to vector<16xi32>
      %get3A_2191 = arith.constant 63 : i32
      %get3A_2192 = arith.index_cast %get3A_2191 : i32 to index
      %get3A_2193 = arith.constant 0 : index
      %get3A_2194 = tpu.vector_load %arg8[%get3A_2192, %get3A_2193] {strides = array<i32>} : memref<128x32xf32, #tpu.memory_space<vmem>>, vector<16xf32>,
      %get3A_2195 = arith.constant 63 : i32
      %get3A_2196 = arith.index_cast %get3A_2195 : i32 to index
      %get3A_2197 = arith.constant 16 : index
      %get3A_2198 = tpu.vector_load %arg8[%get3A_2196, %get3A_2197] {strides = array<i32>} : memref<128x32xf32, #tpu.memory_space<vmem>>, vector<16xf32>,
      tpu.vector_store_idx %arg10[%iota3A, %broadcast_in_dim3A_2190], %get3A_2194 : memref<32x129xf32, #tpu.memory_space<vmem>>[vector<16xi32>, vector<16xi32>], vector<16xf32>,
      tpu.vector_store_idx %arg10[%add3A_3, %broadcast_in_dim3A_2190], %get3A_2198 : memref<32x129xf32, #tpu.memory_space<vmem>>[vector<16xi32>, vector<16xi32>], vector<16xf32>,
      %broadcast_in_dim3A_2199 = arith.constant 64 : i32
      %broadcast_in_dim3A_2200 = vector.broadcast %broadcast_in_dim3A_2199 : i32 to vector<16xi32>
      %get3A_2201 = arith.constant 64 : i32
      %get3A_2202 = arith.index_cast %get3A_2201 : i32 to index
      %get3A_2203 = arith.constant 0 : index
      %get3A_2204 = tpu.vector_load %arg8[%get3A_2202, %get3A_2203] {strides = array<i32>} : memref<128x32xf32, #tpu.memory_space<vmem>>, vector<16xf32>,
      %get3A_2205 = arith.constant 64 : i32
      %get3A_2206 = arith.index_cast %get3A_2205 : i32 to index
      %get3A_2207 = arith.constant 16 : index
      %get3A_2208 = tpu.vector_load %arg8[%get3A_2206, %get3A_2207] {strides = array<i32>} : memref<128x32xf32, #tpu.memory_space<vmem>>, vector<16xf32>,
      tpu.vector_store_idx %arg10[%iota3A, %broadcast_in_dim3A_2200], %get3A_2204 : memref<32x129xf32, #tpu.memory_space<vmem>>[vector<16xi32>, vector<16xi32>], vector<16xf32>,
      tpu.vector_store_idx %arg10[%add3A_3, %broadcast_in_dim3A_2200], %get3A_2208 : memref<32x129xf32, #tpu.memory_space<vmem>>[vector<16xi32>, vector<16xi32>], vector<16xf32>,
      %broadcast_in_dim3A_2209 = arith.constant 65 : i32
      %broadcast_in_dim3A_2210 = vector.broadcast %broadcast_in_dim3A_2209 : i32 to vector<16xi32>
      %get3A_2211 = arith.constant 65 : i32
      %get3A_2212 = arith.index_cast %get3A_2211 : i32 to index
      %get3A_2213 = arith.constant 0 : index
      %get3A_2214 = tpu.vector_load %arg8[%get3A_2212, %get3A_2213] {strides = array<i32>} : memref<128x32xf32, #tpu.memory_space<vmem>>, vector<16xf32>,
      %get3A_2215 = arith.constant 65 : i32
      %get3A_2216 = arith.index_cast %get3A_2215 : i32 to index
      %get3A_2217 = arith.constant 16 : index
      %get3A_2218 = tpu.vector_load %arg8[%get3A_2216, %get3A_2217] {strides = array<i32>} : memref<128x32xf32, #tpu.memory_space<vmem>>, vector<16xf32>,
      tpu.vector_store_idx %arg10[%iota3A, %broadcast_in_dim3A_2210], %get3A_2214 : memref<32x129xf32, #tpu.memory_space<vmem>>[vector<16xi32>, vector<16xi32>], vector<16xf32>,
      tpu.vector_store_idx %arg10[%add3A_3, %broadcast_in_dim3A_2210], %get3A_2218 : memref<32x129xf32, #tpu.memory_space<vmem>>[vector<16xi32>, vector<16xi32>], vector<16xf32>,
      %broadcast_in_dim3A_2219 = arith.constant 66 : i32
      %broadcast_in_dim3A_2220 = vector.broadcast %broadcast_in_dim3A_2219 : i32 to vector<16xi32>
      %get3A_2221 = arith.constant 66 : i32
      %get3A_2222 = arith.index_cast %get3A_2221 : i32 to index
      %get3A_2223 = arith.constant 0 : index
      %get3A_2224 = tpu.vector_load %arg8[%get3A_2222, %get3A_2223] {strides = array<i32>} : memref<128x32xf32, #tpu.memory_space<vmem>>, vector<16xf32>,
      %get3A_2225 = arith.constant 66 : i32
      %get3A_2226 = arith.index_cast %get3A_2225 : i32 to index
      %get3A_2227 = arith.constant 16 : index
      %get3A_2228 = tpu.vector_load %arg8[%get3A_2226, %get3A_2227] {strides = array<i32>} : memref<128x32xf32, #tpu.memory_space<vmem>>, vector<16xf32>,
      tpu.vector_store_idx %arg10[%iota3A, %broadcast_in_dim3A_2220], %get3A_2224 : memref<32x129xf32, #tpu.memory_space<vmem>>[vector<16xi32>, vector<16xi32>], vector<16xf32>,
      tpu.vector_store_idx %arg10[%add3A_3, %broadcast_in_dim3A_2220], %get3A_2228 : memref<32x129xf32, #tpu.memory_space<vmem>>[vector<16xi32>, vector<16xi32>], vector<16xf32>,
      %broadcast_in_dim3A_2229 = arith.constant 67 : i32
      %broadcast_in_dim3A_2230 = vector.broadcast %broadcast_in_dim3A_2229 : i32 to vector<16xi32>
      %get3A_2231 = arith.constant 67 : i32
      %get3A_2232 = arith.index_cast %get3A_2231 : i32 to index
      %get3A_2233 = arith.constant 0 : index
      %get3A_2234 = tpu.vector_load %arg8[%get3A_2232, %get3A_2233] {strides = array<i32>} : memref<128x32xf32, #tpu.memory_space<vmem>>, vector<16xf32>,
      %get3A_2235 = arith.constant 67 : i32
      %get3A_2236 = arith.index_cast %get3A_2235 : i32 to index
      %get3A_2237 = arith.constant 16 : index
      %get3A_2238 = tpu.vector_load %arg8[%get3A_2236, %get3A_2237] {strides = array<i32>} : memref<128x32xf32, #tpu.memory_space<vmem>>, vector<16xf32>,
      tpu.vector_store_idx %arg10[%iota3A, %broadcast_in_dim3A_2230], %get3A_2234 : memref<32x129xf32, #tpu.memory_space<vmem>>[vector<16xi32>, vector<16xi32>], vector<16xf32>,
      tpu.vector_store_idx %arg10[%add3A_3, %broadcast_in_dim3A_2230], %get3A_2238 : memref<32x129xf32, #tpu.memory_space<vmem>>[vector<16xi32>, vector<16xi32>], vector<16xf32>,
      %broadcast_in_dim3A_2239 = arith.constant 68 : i32
      %broadcast_in_dim3A_2240 = vector.broadcast %broadcast_in_dim3A_2239 : i32 to vector<16xi32>
      %get3A_2241 = arith.constant 68 : i32
      %get3A_2242 = arith.index_cast %get3A_2241 : i32 to index
      %get3A_2243 = arith.constant 0 : index
      %get3A_2244 = tpu.vector_load %arg8[%get3A_2242, %get3A_2243] {strides = array<i32>} : memref<128x32xf32, #tpu.memory_space<vmem>>, vector<16xf32>,
      %get3A_2245 = arith.constant 68 : i32
      %get3A_2246 = arith.index_cast %get3A_2245 : i32 to index
      %get3A_2247 = arith.constant 16 : index
      %get3A_2248 = tpu.vector_load %arg8[%get3A_2246, %get3A_2247] {strides = array<i32>} : memref<128x32xf32, #tpu.memory_space<vmem>>, vector<16xf32>,
      tpu.vector_store_idx %arg10[%iota3A, %broadcast_in_dim3A_2240], %get3A_2244 : memref<32x129xf32, #tpu.memory_space<vmem>>[vector<16xi32>, vector<16xi32>], vector<16xf32>,
      tpu.vector_store_idx %arg10[%add3A_3, %broadcast_in_dim3A_2240], %get3A_2248 : memref<32x129xf32, #tpu.memory_space<vmem>>[vector<16xi32>, vector<16xi32>], vector<16xf32>,
      %broadcast_in_dim3A_2249 = arith.constant 69 : i32
      %broadcast_in_dim3A_2250 = vector.broadcast %broadcast_in_dim3A_2249 : i32 to vector<16xi32>
      %get3A_2251 = arith.constant 69 : i32
      %get3A_2252 = arith.index_cast %get3A_2251 : i32 to index
      %get3A_2253 = arith.constant 0 : index
      %get3A_2254 = tpu.vector_load %arg8[%get3A_2252, %get3A_2253] {strides = array<i32>} : memref<128x32xf32, #tpu.memory_space<vmem>>, vector<16xf32>,
      %get3A_2255 = arith.constant 69 : i32
      %get3A_2256 = arith.index_cast %get3A_2255 : i32 to index
      %get3A_2257 = arith.constant 16 : index
      %get3A_2258 = tpu.vector_load %arg8[%get3A_2256, %get3A_2257] {strides = array<i32>} : memref<128x32xf32, #tpu.memory_space<vmem>>, vector<16xf32>,
      tpu.vector_store_idx %arg10[%iota3A, %broadcast_in_dim3A_2250], %get3A_2254 : memref<32x129xf32, #tpu.memory_space<vmem>>[vector<16xi32>, vector<16xi32>], vector<16xf32>,
      tpu.vector_store_idx %arg10[%add3A_3, %broadcast_in_dim3A_2250], %get3A_2258 : memref<32x129xf32, #tpu.memory_space<vmem>>[vector<16xi32>, vector<16xi32>], vector<16xf32>,
      %broadcast_in_dim3A_2259 = arith.constant 70 : i32
      %broadcast_in_dim3A_2260 = vector.broadcast %broadcast_in_dim3A_2259 : i32 to vector<16xi32>
      %get3A_2261 = arith.constant 70 : i32
      %get3A_2262 = arith.index_cast %get3A_2261 : i32 to index
      %get3A_2263 = arith.constant 0 : index
      %get3A_2264 = tpu.vector_load %arg8[%get3A_2262, %get3A_2263] {strides = array<i32>} : memref<128x32xf32, #tpu.memory_space<vmem>>, vector<16xf32>,
      %get3A_2265 = arith.constant 70 : i32
      %get3A_2266 = arith.index_cast %get3A_2265 : i32 to index
      %get3A_2267 = arith.constant 16 : index
      %get3A_2268 = tpu.vector_load %arg8[%get3A_2266, %get3A_2267] {strides = array<i32>} : memref<128x32xf32, #tpu.memory_space<vmem>>, vector<16xf32>,
      tpu.vector_store_idx %arg10[%iota3A, %broadcast_in_dim3A_2260], %get3A_2264 : memref<32x129xf32, #tpu.memory_space<vmem>>[vector<16xi32>, vector<16xi32>], vector<16xf32>,
      tpu.vector_store_idx %arg10[%add3A_3, %broadcast_in_dim3A_2260], %get3A_2268 : memref<32x129xf32, #tpu.memory_space<vmem>>[vector<16xi32>, vector<16xi32>], vector<16xf32>,
      %broadcast_in_dim3A_2269 = arith.constant 71 : i32
      %broadcast_in_dim3A_2270 = vector.broadcast %broadcast_in_dim3A_2269 : i32 to vector<16xi32>
      %get3A_2271 = arith.constant 71 : i32
      %get3A_2272 = arith.index_cast %get3A_2271 : i32 to index
      %get3A_2273 = arith.constant 0 : index
      %get3A_2274 = tpu.vector_load %arg8[%get3A_2272, %get3A_2273] {strides = array<i32>} : memref<128x32xf32, #tpu.memory_space<vmem>>, vector<16xf32>,
      %get3A_2275 = arith.constant 71 : i32
      %get3A_2276 = arith.index_cast %get3A_2275 : i32 to index
      %get3A_2277 = arith.constant 16 : index
      %get3A_2278 = tpu.vector_load %arg8[%get3A_2276, %get3A_2277] {strides = array<i32>} : memref<128x32xf32, #tpu.memory_space<vmem>>, vector<16xf32>,
      tpu.vector_store_idx %arg10[%iota3A, %broadcast_in_dim3A_2270], %get3A_2274 : memref<32x129xf32, #tpu.memory_space<vmem>>[vector<16xi32>, vector<16xi32>], vector<16xf32>,
      tpu.vector_store_idx %arg10[%add3A_3, %broadcast_in_dim3A_2270], %get3A_2278 : memref<32x129xf32, #tpu.memory_space<vmem>>[vector<16xi32>, vector<16xi32>], vector<16xf32>,
      %broadcast_in_dim3A_2279 = arith.constant 72 : i32
      %broadcast_in_dim3A_2280 = vector.broadcast %broadcast_in_dim3A_2279 : i32 to vector<16xi32>
      %get3A_2281 = arith.constant 72 : i32
      %get3A_2282 = arith.index_cast %get3A_2281 : i32 to index
      %get3A_2283 = arith.constant 0 : index
      %get3A_2284 = tpu.vector_load %arg8[%get3A_2282, %get3A_2283] {strides = array<i32>} : memref<128x32xf32, #tpu.memory_space<vmem>>, vector<16xf32>,
      %get3A_2285 = arith.constant 72 : i32
      %get3A_2286 = arith.index_cast %get3A_2285 : i32 to index
      %get3A_2287 = arith.constant 16 : index
      %get3A_2288 = tpu.vector_load %arg8[%get3A_2286, %get3A_2287] {strides = array<i32>} : memref<128x32xf32, #tpu.memory_space<vmem>>, vector<16xf32>,
      tpu.vector_store_idx %arg10[%iota3A, %broadcast_in_dim3A_2280], %get3A_2284 : memref<32x129xf32, #tpu.memory_space<vmem>>[vector<16xi32>, vector<16xi32>], vector<16xf32>,
      tpu.vector_store_idx %arg10[%add3A_3, %broadcast_in_dim3A_2280], %get3A_2288 : memref<32x129xf32, #tpu.memory_space<vmem>>[vector<16xi32>, vector<16xi32>], vector<16xf32>,
      %broadcast_in_dim3A_2289 = arith.constant 73 : i32
      %broadcast_in_dim3A_2290 = vector.broadcast %broadcast_in_dim3A_2289 : i32 to vector<16xi32>
      %get3A_2291 = arith.constant 73 : i32
      %get3A_2292 = arith.index_cast %get3A_2291 : i32 to index
      %get3A_2293 = arith.constant 0 : index
      %get3A_2294 = tpu.vector_load %arg8[%get3A_2292, %get3A_2293] {strides = array<i32>} : memref<128x32xf32, #tpu.memory_space<vmem>>, vector<16xf32>,
      %get3A_2295 = arith.constant 73 : i32
      %get3A_2296 = arith.index_cast %get3A_2295 : i32 to index
      %get3A_2297 = arith.constant 16 : index
      %get3A_2298 = tpu.vector_load %arg8[%get3A_2296, %get3A_2297] {strides = array<i32>} : memref<128x32xf32, #tpu.memory_space<vmem>>, vector<16xf32>,
      tpu.vector_store_idx %arg10[%iota3A, %broadcast_in_dim3A_2290], %get3A_2294 : memref<32x129xf32, #tpu.memory_space<vmem>>[vector<16xi32>, vector<16xi32>], vector<16xf32>,
      tpu.vector_store_idx %arg10[%add3A_3, %broadcast_in_dim3A_2290], %get3A_2298 : memref<32x129xf32, #tpu.memory_space<vmem>>[vector<16xi32>, vector<16xi32>], vector<16xf32>,
      %broadcast_in_dim3A_2299 = arith.constant 74 : i32
      %broadcast_in_dim3A_2300 = vector.broadcast %broadcast_in_dim3A_2299 : i32 to vector<16xi32>
      %get3A_2301 = arith.constant 74 : i32
      %get3A_2302 = arith.index_cast %get3A_2301 : i32 to index
      %get3A_2303 = arith.constant 0 : index
      %get3A_2304 = tpu.vector_load %arg8[%get3A_2302, %get3A_2303] {strides = array<i32>} : memref<128x32xf32, #tpu.memory_space<vmem>>, vector<16xf32>,
      %get3A_2305 = arith.constant 74 : i32
      %get3A_2306 = arith.index_cast %get3A_2305 : i32 to index
      %get3A_2307 = arith.constant 16 : index
      %get3A_2308 = tpu.vector_load %arg8[%get3A_2306, %get3A_2307] {strides = array<i32>} : memref<128x32xf32, #tpu.memory_space<vmem>>, vector<16xf32>,
      tpu.vector_store_idx %arg10[%iota3A, %broadcast_in_dim3A_2300], %get3A_2304 : memref<32x129xf32, #tpu.memory_space<vmem>>[vector<16xi32>, vector<16xi32>], vector<16xf32>,
      tpu.vector_store_idx %arg10[%add3A_3, %broadcast_in_dim3A_2300], %get3A_2308 : memref<32x129xf32, #tpu.memory_space<vmem>>[vector<16xi32>, vector<16xi32>], vector<16xf32>,
      %broadcast_in_dim3A_2309 = arith.constant 75 : i32
      %broadcast_in_dim3A_2310 = vector.broadcast %broadcast_in_dim3A_2309 : i32 to vector<16xi32>
      %get3A_2311 = arith.constant 75 : i32
      %get3A_2312 = arith.index_cast %get3A_2311 : i32 to index
      %get3A_2313 = arith.constant 0 : index
      %get3A_2314 = tpu.vector_load %arg8[%get3A_2312, %get3A_2313] {strides = array<i32>} : memref<128x32xf32, #tpu.memory_space<vmem>>, vector<16xf32>,
      %get3A_2315 = arith.constant 75 : i32
      %get3A_2316 = arith.index_cast %get3A_2315 : i32 to index
      %get3A_2317 = arith.constant 16 : index
      %get3A_2318 = tpu.vector_load %arg8[%get3A_2316, %get3A_2317] {strides = array<i32>} : memref<128x32xf32, #tpu.memory_space<vmem>>, vector<16xf32>,
      tpu.vector_store_idx %arg10[%iota3A, %broadcast_in_dim3A_2310], %get3A_2314 : memref<32x129xf32, #tpu.memory_space<vmem>>[vector<16xi32>, vector<16xi32>], vector<16xf32>,
      tpu.vector_store_idx %arg10[%add3A_3, %broadcast_in_dim3A_2310], %get3A_2318 : memref<32x129xf32, #tpu.memory_space<vmem>>[vector<16xi32>, vector<16xi32>], vector<16xf32>,
      %broadcast_in_dim3A_2319 = arith.constant 76 : i32
      %broadcast_in_dim3A_2320 = vector.broadcast %broadcast_in_dim3A_2319 : i32 to vector<16xi32>
      %get3A_2321 = arith.constant 76 : i32
      %get3A_2322 = arith.index_cast %get3A_2321 : i32 to index
      %get3A_2323 = arith.constant 0 : index
      %get3A_2324 = tpu.vector_load %arg8[%get3A_2322, %get3A_2323] {strides = array<i32>} : memref<128x32xf32, #tpu.memory_space<vmem>>, vector<16xf32>,
      %get3A_2325 = arith.constant 76 : i32
      %get3A_2326 = arith.index_cast %get3A_2325 : i32 to index
      %get3A_2327 = arith.constant 16 : index
      %get3A_2328 = tpu.vector_load %arg8[%get3A_2326, %get3A_2327] {strides = array<i32>} : memref<128x32xf32, #tpu.memory_space<vmem>>, vector<16xf32>,
      tpu.vector_store_idx %arg10[%iota3A, %broadcast_in_dim3A_2320], %get3A_2324 : memref<32x129xf32, #tpu.memory_space<vmem>>[vector<16xi32>, vector<16xi32>], vector<16xf32>,
      tpu.vector_store_idx %arg10[%add3A_3, %broadcast_in_dim3A_2320], %get3A_2328 : memref<32x129xf32, #tpu.memory_space<vmem>>[vector<16xi32>, vector<16xi32>], vector<16xf32>,
      %broadcast_in_dim3A_2329 = arith.constant 77 : i32
      %broadcast_in_dim3A_2330 = vector.broadcast %broadcast_in_dim3A_2329 : i32 to vector<16xi32>
      %get3A_2331 = arith.constant 77 : i32
      %get3A_2332 = arith.index_cast %get3A_2331 : i32 to index
      %get3A_2333 = arith.constant 0 : index
      %get3A_2334 = tpu.vector_load %arg8[%get3A_2332, %get3A_2333] {strides = array<i32>} : memref<128x32xf32, #tpu.memory_space<vmem>>, vector<16xf32>,
      %get3A_2335 = arith.constant 77 : i32
      %get3A_2336 = arith.index_cast %get3A_2335 : i32 to index
      %get3A_2337 = arith.constant 16 : index
      %get3A_2338 = tpu.vector_load %arg8[%get3A_2336, %get3A_2337] {strides = array<i32>} : memref<128x32xf32, #tpu.memory_space<vmem>>, vector<16xf32>,
      tpu.vector_store_idx %arg10[%iota3A, %broadcast_in_dim3A_2330], %get3A_2334 : memref<32x129xf32, #tpu.memory_space<vmem>>[vector<16xi32>, vector<16xi32>], vector<16xf32>,
      tpu.vector_store_idx %arg10[%add3A_3, %broadcast_in_dim3A_2330], %get3A_2338 : memref<32x129xf32, #tpu.memory_space<vmem>>[vector<16xi32>, vector<16xi32>], vector<16xf32>,
      %broadcast_in_dim3A_2339 = arith.constant 78 : i32
      %broadcast_in_dim3A_2340 = vector.broadcast %broadcast_in_dim3A_2339 : i32 to vector<16xi32>
      %get3A_2341 = arith.constant 78 : i32
      %get3A_2342 = arith.index_cast %get3A_2341 : i32 to index
      %get3A_2343 = arith.constant 0 : index
      %get3A_2344 = tpu.vector_load %arg8[%get3A_2342, %get3A_2343] {strides = array<i32>} : memref<128x32xf32, #tpu.memory_space<vmem>>, vector<16xf32>,
      %get3A_2345 = arith.constant 78 : i32
      %get3A_2346 = arith.index_cast %get3A_2345 : i32 to index
      %get3A_2347 = arith.constant 16 : index
      %get3A_2348 = tpu.vector_load %arg8[%get3A_2346, %get3A_2347] {strides = array<i32>} : memref<128x32xf32, #tpu.memory_space<vmem>>, vector<16xf32>,
      tpu.vector_store_idx %arg10[%iota3A, %broadcast_in_dim3A_2340], %get3A_2344 : memref<32x129xf32, #tpu.memory_space<vmem>>[vector<16xi32>, vector<16xi32>], vector<16xf32>,
      tpu.vector_store_idx %arg10[%add3A_3, %broadcast_in_dim3A_2340], %get3A_2348 : memref<32x129xf32, #tpu.memory_space<vmem>>[vector<16xi32>, vector<16xi32>], vector<16xf32>,
      %broadcast_in_dim3A_2349 = arith.constant 79 : i32
      %broadcast_in_dim3A_2350 = vector.broadcast %broadcast_in_dim3A_2349 : i32 to vector<16xi32>
      %get3A_2351 = arith.constant 79 : i32
      %get3A_2352 = arith.index_cast %get3A_2351 : i32 to index
      %get3A_2353 = arith.constant 0 : index
      %get3A_2354 = tpu.vector_load %arg8[%get3A_2352, %get3A_2353] {strides = array<i32>} : memref<128x32xf32, #tpu.memory_space<vmem>>, vector<16xf32>,
      %get3A_2355 = arith.constant 79 : i32
      %get3A_2356 = arith.index_cast %get3A_2355 : i32 to index
      %get3A_2357 = arith.constant 16 : index
      %get3A_2358 = tpu.vector_load %arg8[%get3A_2356, %get3A_2357] {strides = array<i32>} : memref<128x32xf32, #tpu.memory_space<vmem>>, vector<16xf32>,
      tpu.vector_store_idx %arg10[%iota3A, %broadcast_in_dim3A_2350], %get3A_2354 : memref<32x129xf32, #tpu.memory_space<vmem>>[vector<16xi32>, vector<16xi32>], vector<16xf32>,
      tpu.vector_store_idx %arg10[%add3A_3, %broadcast_in_dim3A_2350], %get3A_2358 : memref<32x129xf32, #tpu.memory_space<vmem>>[vector<16xi32>, vector<16xi32>], vector<16xf32>,
      %broadcast_in_dim3A_2359 = arith.constant 80 : i32
      %broadcast_in_dim3A_2360 = vector.broadcast %broadcast_in_dim3A_2359 : i32 to vector<16xi32>
      %get3A_2361 = arith.constant 80 : i32
      %get3A_2362 = arith.index_cast %get3A_2361 : i32 to index
      %get3A_2363 = arith.constant 0 : index
      %get3A_2364 = tpu.vector_load %arg8[%get3A_2362, %get3A_2363] {strides = array<i32>} : memref<128x32xf32, #tpu.memory_space<vmem>>, vector<16xf32>,
      %get3A_2365 = arith.constant 80 : i32
      %get3A_2366 = arith.index_cast %get3A_2365 : i32 to index
      %get3A_2367 = arith.constant 16 : index
      %get3A_2368 = tpu.vector_load %arg8[%get3A_2366, %get3A_2367] {strides = array<i32>} : memref<128x32xf32, #tpu.memory_space<vmem>>, vector<16xf32>,
      tpu.vector_store_idx %arg10[%iota3A, %broadcast_in_dim3A_2360], %get3A_2364 : memref<32x129xf32, #tpu.memory_space<vmem>>[vector<16xi32>, vector<16xi32>], vector<16xf32>,
      tpu.vector_store_idx %arg10[%add3A_3, %broadcast_in_dim3A_2360], %get3A_2368 : memref<32x129xf32, #tpu.memory_space<vmem>>[vector<16xi32>, vector<16xi32>], vector<16xf32>,
      %broadcast_in_dim3A_2369 = arith.constant 81 : i32
      %broadcast_in_dim3A_2370 = vector.broadcast %broadcast_in_dim3A_2369 : i32 to vector<16xi32>
      %get3A_2371 = arith.constant 81 : i32
      %get3A_2372 = arith.index_cast %get3A_2371 : i32 to index
      %get3A_2373 = arith.constant 0 : index
      %get3A_2374 = tpu.vector_load %arg8[%get3A_2372, %get3A_2373] {strides = array<i32>} : memref<128x32xf32, #tpu.memory_space<vmem>>, vector<16xf32>,
      %get3A_2375 = arith.constant 81 : i32
      %get3A_2376 = arith.index_cast %get3A_2375 : i32 to index
      %get3A_2377 = arith.constant 16 : index
      %get3A_2378 = tpu.vector_load %arg8[%get3A_2376, %get3A_2377] {strides = array<i32>} : memref<128x32xf32, #tpu.memory_space<vmem>>, vector<16xf32>,
      tpu.vector_store_idx %arg10[%iota3A, %broadcast_in_dim3A_2370], %get3A_2374 : memref<32x129xf32, #tpu.memory_space<vmem>>[vector<16xi32>, vector<16xi32>], vector<16xf32>,
      tpu.vector_store_idx %arg10[%add3A_3, %broadcast_in_dim3A_2370], %get3A_2378 : memref<32x129xf32, #tpu.memory_space<vmem>>[vector<16xi32>, vector<16xi32>], vector<16xf32>,
      %broadcast_in_dim3A_2379 = arith.constant 82 : i32
      %broadcast_in_dim3A_2380 = vector.broadcast %broadcast_in_dim3A_2379 : i32 to vector<16xi32>
      %get3A_2381 = arith.constant 82 : i32
      %get3A_2382 = arith.index_cast %get3A_2381 : i32 to index
      %get3A_2383 = arith.constant 0 : index
      %get3A_2384 = tpu.vector_load %arg8[%get3A_2382, %get3A_2383] {strides = array<i32>} : memref<128x32xf32, #tpu.memory_space<vmem>>, vector<16xf32>,
      %get3A_2385 = arith.constant 82 : i32
      %get3A_2386 = arith.index_cast %get3A_2385 : i32 to index
      %get3A_2387 = arith.constant 16 : index
      %get3A_2388 = tpu.vector_load %arg8[%get3A_2386, %get3A_2387] {strides = array<i32>} : memref<128x32xf32, #tpu.memory_space<vmem>>, vector<16xf32>,
      tpu.vector_store_idx %arg10[%iota3A, %broadcast_in_dim3A_2380], %get3A_2384 : memref<32x129xf32, #tpu.memory_space<vmem>>[vector<16xi32>, vector<16xi32>], vector<16xf32>,
      tpu.vector_store_idx %arg10[%add3A_3, %broadcast_in_dim3A_2380], %get3A_2388 : memref<32x129xf32, #tpu.memory_space<vmem>>[vector<16xi32>, vector<16xi32>], vector<16xf32>,
      %broadcast_in_dim3A_2389 = arith.constant 83 : i32
      %broadcast_in_dim3A_2390 = vector.broadcast %broadcast_in_dim3A_2389 : i32 to vector<16xi32>
      %get3A_2391 = arith.constant 83 : i32
      %get3A_2392 = arith.index_cast %get3A_2391 : i32 to index
      %get3A_2393 = arith.constant 0 : index
      %get3A_2394 = tpu.vector_load %arg8[%get3A_2392, %get3A_2393] {strides = array<i32>} : memref<128x32xf32, #tpu.memory_space<vmem>>, vector<16xf32>,
      %get3A_2395 = arith.constant 83 : i32
      %get3A_2396 = arith.index_cast %get3A_2395 : i32 to index
      %get3A_2397 = arith.constant 16 : index
      %get3A_2398 = tpu.vector_load %arg8[%get3A_2396, %get3A_2397] {strides = array<i32>} : memref<128x32xf32, #tpu.memory_space<vmem>>, vector<16xf32>,
      tpu.vector_store_idx %arg10[%iota3A, %broadcast_in_dim3A_2390], %get3A_2394 : memref<32x129xf32, #tpu.memory_space<vmem>>[vector<16xi32>, vector<16xi32>], vector<16xf32>,
      tpu.vector_store_idx %arg10[%add3A_3, %broadcast_in_dim3A_2390], %get3A_2398 : memref<32x129xf32, #tpu.memory_space<vmem>>[vector<16xi32>, vector<16xi32>], vector<16xf32>,
      %broadcast_in_dim3A_2399 = arith.constant 84 : i32
      %broadcast_in_dim3A_2400 = vector.broadcast %broadcast_in_dim3A_2399 : i32 to vector<16xi32>
      %get3A_2401 = arith.constant 84 : i32
      %get3A_2402 = arith.index_cast %get3A_2401 : i32 to index
      %get3A_2403 = arith.constant 0 : index
      %get3A_2404 = tpu.vector_load %arg8[%get3A_2402, %get3A_2403] {strides = array<i32>} : memref<128x32xf32, #tpu.memory_space<vmem>>, vector<16xf32>,
      %get3A_2405 = arith.constant 84 : i32
      %get3A_2406 = arith.index_cast %get3A_2405 : i32 to index
      %get3A_2407 = arith.constant 16 : index
      %get3A_2408 = tpu.vector_load %arg8[%get3A_2406, %get3A_2407] {strides = array<i32>} : memref<128x32xf32, #tpu.memory_space<vmem>>, vector<16xf32>,
      tpu.vector_store_idx %arg10[%iota3A, %broadcast_in_dim3A_2400], %get3A_2404 : memref<32x129xf32, #tpu.memory_space<vmem>>[vector<16xi32>, vector<16xi32>], vector<16xf32>,
      tpu.vector_store_idx %arg10[%add3A_3, %broadcast_in_dim3A_2400], %get3A_2408 : memref<32x129xf32, #tpu.memory_space<vmem>>[vector<16xi32>, vector<16xi32>], vector<16xf32>,
      %broadcast_in_dim3A_2409 = arith.constant 85 : i32
      %broadcast_in_dim3A_2410 = vector.broadcast %broadcast_in_dim3A_2409 : i32 to vector<16xi32>
      %get3A_2411 = arith.constant 85 : i32
      %get3A_2412 = arith.index_cast %get3A_2411 : i32 to index
      %get3A_2413 = arith.constant 0 : index
      %get3A_2414 = tpu.vector_load %arg8[%get3A_2412, %get3A_2413] {strides = array<i32>} : memref<128x32xf32, #tpu.memory_space<vmem>>, vector<16xf32>,
      %get3A_2415 = arith.constant 85 : i32
      %get3A_2416 = arith.index_cast %get3A_2415 : i32 to index
      %get3A_2417 = arith.constant 16 : index
      %get3A_2418 = tpu.vector_load %arg8[%get3A_2416, %get3A_2417] {strides = array<i32>} : memref<128x32xf32, #tpu.memory_space<vmem>>, vector<16xf32>,
      tpu.vector_store_idx %arg10[%iota3A, %broadcast_in_dim3A_2410], %get3A_2414 : memref<32x129xf32, #tpu.memory_space<vmem>>[vector<16xi32>, vector<16xi32>], vector<16xf32>,
      tpu.vector_store_idx %arg10[%add3A_3, %broadcast_in_dim3A_2410], %get3A_2418 : memref<32x129xf32, #tpu.memory_space<vmem>>[vector<16xi32>, vector<16xi32>], vector<16xf32>,
      %broadcast_in_dim3A_2419 = arith.constant 86 : i32
      %broadcast_in_dim3A_2420 = vector.broadcast %broadcast_in_dim3A_2419 : i32 to vector<16xi32>
      %get3A_2421 = arith.constant 86 : i32
      %get3A_2422 = arith.index_cast %get3A_2421 : i32 to index
      %get3A_2423 = arith.constant 0 : index
      %get3A_2424 = tpu.vector_load %arg8[%get3A_2422, %get3A_2423] {strides = array<i32>} : memref<128x32xf32, #tpu.memory_space<vmem>>, vector<16xf32>,
      %get3A_2425 = arith.constant 86 : i32
      %get3A_2426 = arith.index_cast %get3A_2425 : i32 to index
      %get3A_2427 = arith.constant 16 : index
      %get3A_2428 = tpu.vector_load %arg8[%get3A_2426, %get3A_2427] {strides = array<i32>} : memref<128x32xf32, #tpu.memory_space<vmem>>, vector<16xf32>,
      tpu.vector_store_idx %arg10[%iota3A, %broadcast_in_dim3A_2420], %get3A_2424 : memref<32x129xf32, #tpu.memory_space<vmem>>[vector<16xi32>, vector<16xi32>], vector<16xf32>,
      tpu.vector_store_idx %arg10[%add3A_3, %broadcast_in_dim3A_2420], %get3A_2428 : memref<32x129xf32, #tpu.memory_space<vmem>>[vector<16xi32>, vector<16xi32>], vector<16xf32>,
      %broadcast_in_dim3A_2429 = arith.constant 87 : i32
      %broadcast_in_dim3A_2430 = vector.broadcast %broadcast_in_dim3A_2429 : i32 to vector<16xi32>
      %get3A_2431 = arith.constant 87 : i32
      %get3A_2432 = arith.index_cast %get3A_2431 : i32 to index
      %get3A_2433 = arith.constant 0 : index
      %get3A_2434 = tpu.vector_load %arg8[%get3A_2432, %get3A_2433] {strides = array<i32>} : memref<128x32xf32, #tpu.memory_space<vmem>>, vector<16xf32>,
      %get3A_2435 = arith.constant 87 : i32
      %get3A_2436 = arith.index_cast %get3A_2435 : i32 to index
      %get3A_2437 = arith.constant 16 : index
      %get3A_2438 = tpu.vector_load %arg8[%get3A_2436, %get3A_2437] {strides = array<i32>} : memref<128x32xf32, #tpu.memory_space<vmem>>, vector<16xf32>,
      tpu.vector_store_idx %arg10[%iota3A, %broadcast_in_dim3A_2430], %get3A_2434 : memref<32x129xf32, #tpu.memory_space<vmem>>[vector<16xi32>, vector<16xi32>], vector<16xf32>,
      tpu.vector_store_idx %arg10[%add3A_3, %broadcast_in_dim3A_2430], %get3A_2438 : memref<32x129xf32, #tpu.memory_space<vmem>>[vector<16xi32>, vector<16xi32>], vector<16xf32>,
      %broadcast_in_dim3A_2439 = arith.constant 88 : i32
      %broadcast_in_dim3A_2440 = vector.broadcast %broadcast_in_dim3A_2439 : i32 to vector<16xi32>
      %get3A_2441 = arith.constant 88 : i32
      %get3A_2442 = arith.index_cast %get3A_2441 : i32 to index
      %get3A_2443 = arith.constant 0 : index
      %get3A_2444 = tpu.vector_load %arg8[%get3A_2442, %get3A_2443] {strides = array<i32>} : memref<128x32xf32, #tpu.memory_space<vmem>>, vector<16xf32>,
      %get3A_2445 = arith.constant 88 : i32
      %get3A_2446 = arith.index_cast %get3A_2445 : i32 to index
      %get3A_2447 = arith.constant 16 : index
      %get3A_2448 = tpu.vector_load %arg8[%get3A_2446, %get3A_2447] {strides = array<i32>} : memref<128x32xf32, #tpu.memory_space<vmem>>, vector<16xf32>,
      tpu.vector_store_idx %arg10[%iota3A, %broadcast_in_dim3A_2440], %get3A_2444 : memref<32x129xf32, #tpu.memory_space<vmem>>[vector<16xi32>, vector<16xi32>], vector<16xf32>,
      tpu.vector_store_idx %arg10[%add3A_3, %broadcast_in_dim3A_2440], %get3A_2448 : memref<32x129xf32, #tpu.memory_space<vmem>>[vector<16xi32>, vector<16xi32>], vector<16xf32>,
      %broadcast_in_dim3A_2449 = arith.constant 89 : i32
      %broadcast_in_dim3A_2450 = vector.broadcast %broadcast_in_dim3A_2449 : i32 to vector<16xi32>
      %get3A_2451 = arith.constant 89 : i32
      %get3A_2452 = arith.index_cast %get3A_2451 : i32 to index
      %get3A_2453 = arith.constant 0 : index
      %get3A_2454 = tpu.vector_load %arg8[%get3A_2452, %get3A_2453] {strides = array<i32>} : memref<128x32xf32, #tpu.memory_space<vmem>>, vector<16xf32>,
      %get3A_2455 = arith.constant 89 : i32
      %get3A_2456 = arith.index_cast %get3A_2455 : i32 to index
      %get3A_2457 = arith.constant 16 : index
      %get3A_2458 = tpu.vector_load %arg8[%get3A_2456, %get3A_2457] {strides = array<i32>} : memref<128x32xf32, #tpu.memory_space<vmem>>, vector<16xf32>,
      tpu.vector_store_idx %arg10[%iota3A, %broadcast_in_dim3A_2450], %get3A_2454 : memref<32x129xf32, #tpu.memory_space<vmem>>[vector<16xi32>, vector<16xi32>], vector<16xf32>,
      tpu.vector_store_idx %arg10[%add3A_3, %broadcast_in_dim3A_2450], %get3A_2458 : memref<32x129xf32, #tpu.memory_space<vmem>>[vector<16xi32>, vector<16xi32>], vector<16xf32>,
      %broadcast_in_dim3A_2459 = arith.constant 90 : i32
      %broadcast_in_dim3A_2460 = vector.broadcast %broadcast_in_dim3A_2459 : i32 to vector<16xi32>
      %get3A_2461 = arith.constant 90 : i32
      %get3A_2462 = arith.index_cast %get3A_2461 : i32 to index
      %get3A_2463 = arith.constant 0 : index
      %get3A_2464 = tpu.vector_load %arg8[%get3A_2462, %get3A_2463] {strides = array<i32>} : memref<128x32xf32, #tpu.memory_space<vmem>>, vector<16xf32>,
      %get3A_2465 = arith.constant 90 : i32
      %get3A_2466 = arith.index_cast %get3A_2465 : i32 to index
      %get3A_2467 = arith.constant 16 : index
      %get3A_2468 = tpu.vector_load %arg8[%get3A_2466, %get3A_2467] {strides = array<i32>} : memref<128x32xf32, #tpu.memory_space<vmem>>, vector<16xf32>,
      tpu.vector_store_idx %arg10[%iota3A, %broadcast_in_dim3A_2460], %get3A_2464 : memref<32x129xf32, #tpu.memory_space<vmem>>[vector<16xi32>, vector<16xi32>], vector<16xf32>,
      tpu.vector_store_idx %arg10[%add3A_3, %broadcast_in_dim3A_2460], %get3A_2468 : memref<32x129xf32, #tpu.memory_space<vmem>>[vector<16xi32>, vector<16xi32>], vector<16xf32>,
      %broadcast_in_dim3A_2469 = arith.constant 91 : i32
      %broadcast_in_dim3A_2470 = vector.broadcast %broadcast_in_dim3A_2469 : i32 to vector<16xi32>
      %get3A_2471 = arith.constant 91 : i32
      %get3A_2472 = arith.index_cast %get3A_2471 : i32 to index
      %get3A_2473 = arith.constant 0 : index
      %get3A_2474 = tpu.vector_load %arg8[%get3A_2472, %get3A_2473] {strides = array<i32>} : memref<128x32xf32, #tpu.memory_space<vmem>>, vector<16xf32>,
      %get3A_2475 = arith.constant 91 : i32
      %get3A_2476 = arith.index_cast %get3A_2475 : i32 to index
      %get3A_2477 = arith.constant 16 : index
      %get3A_2478 = tpu.vector_load %arg8[%get3A_2476, %get3A_2477] {strides = array<i32>} : memref<128x32xf32, #tpu.memory_space<vmem>>, vector<16xf32>,
      tpu.vector_store_idx %arg10[%iota3A, %broadcast_in_dim3A_2470], %get3A_2474 : memref<32x129xf32, #tpu.memory_space<vmem>>[vector<16xi32>, vector<16xi32>], vector<16xf32>,
      tpu.vector_store_idx %arg10[%add3A_3, %broadcast_in_dim3A_2470], %get3A_2478 : memref<32x129xf32, #tpu.memory_space<vmem>>[vector<16xi32>, vector<16xi32>], vector<16xf32>,
      %broadcast_in_dim3A_2479 = arith.constant 92 : i32
      %broadcast_in_dim3A_2480 = vector.broadcast %broadcast_in_dim3A_2479 : i32 to vector<16xi32>
      %get3A_2481 = arith.constant 92 : i32
      %get3A_2482 = arith.index_cast %get3A_2481 : i32 to index
      %get3A_2483 = arith.constant 0 : index
      %get3A_2484 = tpu.vector_load %arg8[%get3A_2482, %get3A_2483] {strides = array<i32>} : memref<128x32xf32, #tpu.memory_space<vmem>>, vector<16xf32>,
      %get3A_2485 = arith.constant 92 : i32
      %get3A_2486 = arith.index_cast %get3A_2485 : i32 to index
      %get3A_2487 = arith.constant 16 : index
      %get3A_2488 = tpu.vector_load %arg8[%get3A_2486, %get3A_2487] {strides = array<i32>} : memref<128x32xf32, #tpu.memory_space<vmem>>, vector<16xf32>,
      tpu.vector_store_idx %arg10[%iota3A, %broadcast_in_dim3A_2480], %get3A_2484 : memref<32x129xf32, #tpu.memory_space<vmem>>[vector<16xi32>, vector<16xi32>], vector<16xf32>,
      tpu.vector_store_idx %arg10[%add3A_3, %broadcast_in_dim3A_2480], %get3A_2488 : memref<32x129xf32, #tpu.memory_space<vmem>>[vector<16xi32>, vector<16xi32>], vector<16xf32>,
      %broadcast_in_dim3A_2489 = arith.constant 93 : i32
      %broadcast_in_dim3A_2490 = vector.broadcast %broadcast_in_dim3A_2489 : i32 to vector<16xi32>
      %get3A_2491 = arith.constant 93 : i32
      %get3A_2492 = arith.index_cast %get3A_2491 : i32 to index
      %get3A_2493 = arith.constant 0 : index
      %get3A_2494 = tpu.vector_load %arg8[%get3A_2492, %get3A_2493] {strides = array<i32>} : memref<128x32xf32, #tpu.memory_space<vmem>>, vector<16xf32>,
      %get3A_2495 = arith.constant 93 : i32
      %get3A_2496 = arith.index_cast %get3A_2495 : i32 to index
      %get3A_2497 = arith.constant 16 : index
      %get3A_2498 = tpu.vector_load %arg8[%get3A_2496, %get3A_2497] {strides = array<i32>} : memref<128x32xf32, #tpu.memory_space<vmem>>, vector<16xf32>,
      tpu.vector_store_idx %arg10[%iota3A, %broadcast_in_dim3A_2490], %get3A_2494 : memref<32x129xf32, #tpu.memory_space<vmem>>[vector<16xi32>, vector<16xi32>], vector<16xf32>,
      tpu.vector_store_idx %arg10[%add3A_3, %broadcast_in_dim3A_2490], %get3A_2498 : memref<32x129xf32, #tpu.memory_space<vmem>>[vector<16xi32>, vector<16xi32>], vector<16xf32>,
      %broadcast_in_dim3A_2499 = arith.constant 94 : i32
      %broadcast_in_dim3A_2500 = vector.broadcast %broadcast_in_dim3A_2499 : i32 to vector<16xi32>
      %get3A_2501 = arith.constant 94 : i32
      %get3A_2502 = arith.index_cast %get3A_2501 : i32 to index
      %get3A_2503 = arith.constant 0 : index
      %get3A_2504 = tpu.vector_load %arg8[%get3A_2502, %get3A_2503] {strides = array<i32>} : memref<128x32xf32, #tpu.memory_space<vmem>>, vector<16xf32>,
      %get3A_2505 = arith.constant 94 : i32
      %get3A_2506 = arith.index_cast %get3A_2505 : i32 to index
      %get3A_2507 = arith.constant 16 : index
      %get3A_2508 = tpu.vector_load %arg8[%get3A_2506, %get3A_2507] {strides = array<i32>} : memref<128x32xf32, #tpu.memory_space<vmem>>, vector<16xf32>,
      tpu.vector_store_idx %arg10[%iota3A, %broadcast_in_dim3A_2500], %get3A_2504 : memref<32x129xf32, #tpu.memory_space<vmem>>[vector<16xi32>, vector<16xi32>], vector<16xf32>,
      tpu.vector_store_idx %arg10[%add3A_3, %broadcast_in_dim3A_2500], %get3A_2508 : memref<32x129xf32, #tpu.memory_space<vmem>>[vector<16xi32>, vector<16xi32>], vector<16xf32>,
      %broadcast_in_dim3A_2509 = arith.constant 95 : i32
      %broadcast_in_dim3A_2510 = vector.broadcast %broadcast_in_dim3A_2509 : i32 to vector<16xi32>
      %get3A_2511 = arith.constant 95 : i32
      %get3A_2512 = arith.index_cast %get3A_2511 : i32 to index
      %get3A_2513 = arith.constant 0 : index
      %get3A_2514 = tpu.vector_load %arg8[%get3A_2512, %get3A_2513] {strides = array<i32>} : memref<128x32xf32, #tpu.memory_space<vmem>>, vector<16xf32>,
      %get3A_2515 = arith.constant 95 : i32
      %get3A_2516 = arith.index_cast %get3A_2515 : i32 to index
      %get3A_2517 = arith.constant 16 : index
      %get3A_2518 = tpu.vector_load %arg8[%get3A_2516, %get3A_2517] {strides = array<i32>} : memref<128x32xf32, #tpu.memory_space<vmem>>, vector<16xf32>,
      tpu.vector_store_idx %arg10[%iota3A, %broadcast_in_dim3A_2510], %get3A_2514 : memref<32x129xf32, #tpu.memory_space<vmem>>[vector<16xi32>, vector<16xi32>], vector<16xf32>,
      tpu.vector_store_idx %arg10[%add3A_3, %broadcast_in_dim3A_2510], %get3A_2518 : memref<32x129xf32, #tpu.memory_space<vmem>>[vector<16xi32>, vector<16xi32>], vector<16xf32>,
      %broadcast_in_dim3A_2519 = arith.constant 96 : i32
      %broadcast_in_dim3A_2520 = vector.broadcast %broadcast_in_dim3A_2519 : i32 to vector<16xi32>
      %get3A_2521 = arith.constant 96 : i32
      %get3A_2522 = arith.index_cast %get3A_2521 : i32 to index
      %get3A_2523 = arith.constant 0 : index
      %get3A_2524 = tpu.vector_load %arg8[%get3A_2522, %get3A_2523] {strides = array<i32>} : memref<128x32xf32, #tpu.memory_space<vmem>>, vector<16xf32>,
      %get3A_2525 = arith.constant 96 : i32
      %get3A_2526 = arith.index_cast %get3A_2525 : i32 to index
      %get3A_2527 = arith.constant 16 : index
      %get3A_2528 = tpu.vector_load %arg8[%get3A_2526, %get3A_2527] {strides = array<i32>} : memref<128x32xf32, #tpu.memory_space<vmem>>, vector<16xf32>,
      tpu.vector_store_idx %arg10[%iota3A, %broadcast_in_dim3A_2520], %get3A_2524 : memref<32x129xf32, #tpu.memory_space<vmem>>[vector<16xi32>, vector<16xi32>], vector<16xf32>,
      tpu.vector_store_idx %arg10[%add3A_3, %broadcast_in_dim3A_2520], %get3A_2528 : memref<32x129xf32, #tpu.memory_space<vmem>>[vector<16xi32>, vector<16xi32>], vector<16xf32>,
      %broadcast_in_dim3A_2529 = arith.constant 97 : i32
      %broadcast_in_dim3A_2530 = vector.broadcast %broadcast_in_dim3A_2529 : i32 to vector<16xi32>
      %get3A_2531 = arith.constant 97 : i32
      %get3A_2532 = arith.index_cast %get3A_2531 : i32 to index
      %get3A_2533 = arith.constant 0 : index
      %get3A_2534 = tpu.vector_load %arg8[%get3A_2532, %get3A_2533] {strides = array<i32>} : memref<128x32xf32, #tpu.memory_space<vmem>>, vector<16xf32>,
      %get3A_2535 = arith.constant 97 : i32
      %get3A_2536 = arith.index_cast %get3A_2535 : i32 to index
      %get3A_2537 = arith.constant 16 : index
      %get3A_2538 = tpu.vector_load %arg8[%get3A_2536, %get3A_2537] {strides = array<i32>} : memref<128x32xf32, #tpu.memory_space<vmem>>, vector<16xf32>,
      tpu.vector_store_idx %arg10[%iota3A, %broadcast_in_dim3A_2530], %get3A_2534 : memref<32x129xf32, #tpu.memory_space<vmem>>[vector<16xi32>, vector<16xi32>], vector<16xf32>,
      tpu.vector_store_idx %arg10[%add3A_3, %broadcast_in_dim3A_2530], %get3A_2538 : memref<32x129xf32, #tpu.memory_space<vmem>>[vector<16xi32>, vector<16xi32>], vector<16xf32>,
      %broadcast_in_dim3A_2539 = arith.constant 98 : i32
      %broadcast_in_dim3A_2540 = vector.broadcast %broadcast_in_dim3A_2539 : i32 to vector<16xi32>
      %get3A_2541 = arith.constant 98 : i32
      %get3A_2542 = arith.index_cast %get3A_2541 : i32 to index
      %get3A_2543 = arith.constant 0 : index
      %get3A_2544 = tpu.vector_load %arg8[%get3A_2542, %get3A_2543] {strides = array<i32>} : memref<128x32xf32, #tpu.memory_space<vmem>>, vector<16xf32>,
      %get3A_2545 = arith.constant 98 : i32
      %get3A_2546 = arith.index_cast %get3A_2545 : i32 to index
      %get3A_2547 = arith.constant 16 : index
      %get3A_2548 = tpu.vector_load %arg8[%get3A_2546, %get3A_2547] {strides = array<i32>} : memref<128x32xf32, #tpu.memory_space<vmem>>, vector<16xf32>,
      tpu.vector_store_idx %arg10[%iota3A, %broadcast_in_dim3A_2540], %get3A_2544 : memref<32x129xf32, #tpu.memory_space<vmem>>[vector<16xi32>, vector<16xi32>], vector<16xf32>,
      tpu.vector_store_idx %arg10[%add3A_3, %broadcast_in_dim3A_2540], %get3A_2548 : memref<32x129xf32, #tpu.memory_space<vmem>>[vector<16xi32>, vector<16xi32>], vector<16xf32>,
      %broadcast_in_dim3A_2549 = arith.constant 99 : i32
      %broadcast_in_dim3A_2550 = vector.broadcast %broadcast_in_dim3A_2549 : i32 to vector<16xi32>
      %get3A_2551 = arith.constant 99 : i32
      %get3A_2552 = arith.index_cast %get3A_2551 : i32 to index
      %get3A_2553 = arith.constant 0 : index
      %get3A_2554 = tpu.vector_load %arg8[%get3A_2552, %get3A_2553] {strides = array<i32>} : memref<128x32xf32, #tpu.memory_space<vmem>>, vector<16xf32>,
      %get3A_2555 = arith.constant 99 : i32
      %get3A_2556 = arith.index_cast %get3A_2555 : i32 to index
      %get3A_2557 = arith.constant 16 : index
      %get3A_2558 = tpu.vector_load %arg8[%get3A_2556, %get3A_2557] {strides = array<i32>} : memref<128x32xf32, #tpu.memory_space<vmem>>, vector<16xf32>,
      tpu.vector_store_idx %arg10[%iota3A, %broadcast_in_dim3A_2550], %get3A_2554 : memref<32x129xf32, #tpu.memory_space<vmem>>[vector<16xi32>, vector<16xi32>], vector<16xf32>,
      tpu.vector_store_idx %arg10[%add3A_3, %broadcast_in_dim3A_2550], %get3A_2558 : memref<32x129xf32, #tpu.memory_space<vmem>>[vector<16xi32>, vector<16xi32>], vector<16xf32>,
      %broadcast_in_dim3A_2559 = arith.constant 100 : i32
      %broadcast_in_dim3A_2560 = vector.broadcast %broadcast_in_dim3A_2559 : i32 to vector<16xi32>
      %get3A_2561 = arith.constant 100 : i32
      %get3A_2562 = arith.index_cast %get3A_2561 : i32 to index
      %get3A_2563 = arith.constant 0 : index
      %get3A_2564 = tpu.vector_load %arg8[%get3A_2562, %get3A_2563] {strides = array<i32>} : memref<128x32xf32, #tpu.memory_space<vmem>>, vector<16xf32>,
      %get3A_2565 = arith.constant 100 : i32
      %get3A_2566 = arith.index_cast %get3A_2565 : i32 to index
      %get3A_2567 = arith.constant 16 : index
      %get3A_2568 = tpu.vector_load %arg8[%get3A_2566, %get3A_2567] {strides = array<i32>} : memref<128x32xf32, #tpu.memory_space<vmem>>, vector<16xf32>,
      tpu.vector_store_idx %arg10[%iota3A, %broadcast_in_dim3A_2560], %get3A_2564 : memref<32x129xf32, #tpu.memory_space<vmem>>[vector<16xi32>, vector<16xi32>], vector<16xf32>,
      tpu.vector_store_idx %arg10[%add3A_3, %broadcast_in_dim3A_2560], %get3A_2568 : memref<32x129xf32, #tpu.memory_space<vmem>>[vector<16xi32>, vector<16xi32>], vector<16xf32>,
      %broadcast_in_dim3A_2569 = arith.constant 101 : i32
      %broadcast_in_dim3A_2570 = vector.broadcast %broadcast_in_dim3A_2569 : i32 to vector<16xi32>
      %get3A_2571 = arith.constant 101 : i32
      %get3A_2572 = arith.index_cast %get3A_2571 : i32 to index
      %get3A_2573 = arith.constant 0 : index
      %get3A_2574 = tpu.vector_load %arg8[%get3A_2572, %get3A_2573] {strides = array<i32>} : memref<128x32xf32, #tpu.memory_space<vmem>>, vector<16xf32>,
      %get3A_2575 = arith.constant 101 : i32
      %get3A_2576 = arith.index_cast %get3A_2575 : i32 to index
      %get3A_2577 = arith.constant 16 : index
      %get3A_2578 = tpu.vector_load %arg8[%get3A_2576, %get3A_2577] {strides = array<i32>} : memref<128x32xf32, #tpu.memory_space<vmem>>, vector<16xf32>,
      tpu.vector_store_idx %arg10[%iota3A, %broadcast_in_dim3A_2570], %get3A_2574 : memref<32x129xf32, #tpu.memory_space<vmem>>[vector<16xi32>, vector<16xi32>], vector<16xf32>,
      tpu.vector_store_idx %arg10[%add3A_3, %broadcast_in_dim3A_2570], %get3A_2578 : memref<32x129xf32, #tpu.memory_space<vmem>>[vector<16xi32>, vector<16xi32>], vector<16xf32>,
      %broadcast_in_dim3A_2579 = arith.constant 102 : i32
      %broadcast_in_dim3A_2580 = vector.broadcast %broadcast_in_dim3A_2579 : i32 to vector<16xi32>
      %get3A_2581 = arith.constant 102 : i32
      %get3A_2582 = arith.index_cast %get3A_2581 : i32 to index
      %get3A_2583 = arith.constant 0 : index
      %get3A_2584 = tpu.vector_load %arg8[%get3A_2582, %get3A_2583] {strides = array<i32>} : memref<128x32xf32, #tpu.memory_space<vmem>>, vector<16xf32>,
      %get3A_2585 = arith.constant 102 : i32
      %get3A_2586 = arith.index_cast %get3A_2585 : i32 to index
      %get3A_2587 = arith.constant 16 : index
      %get3A_2588 = tpu.vector_load %arg8[%get3A_2586, %get3A_2587] {strides = array<i32>} : memref<128x32xf32, #tpu.memory_space<vmem>>, vector<16xf32>,
      tpu.vector_store_idx %arg10[%iota3A, %broadcast_in_dim3A_2580], %get3A_2584 : memref<32x129xf32, #tpu.memory_space<vmem>>[vector<16xi32>, vector<16xi32>], vector<16xf32>,
      tpu.vector_store_idx %arg10[%add3A_3, %broadcast_in_dim3A_2580], %get3A_2588 : memref<32x129xf32, #tpu.memory_space<vmem>>[vector<16xi32>, vector<16xi32>], vector<16xf32>,
      %broadcast_in_dim3A_2589 = arith.constant 103 : i32
      %broadcast_in_dim3A_2590 = vector.broadcast %broadcast_in_dim3A_2589 : i32 to vector<16xi32>
      %get3A_2591 = arith.constant 103 : i32
      %get3A_2592 = arith.index_cast %get3A_2591 : i32 to index
      %get3A_2593 = arith.constant 0 : index
      %get3A_2594 = tpu.vector_load %arg8[%get3A_2592, %get3A_2593] {strides = array<i32>} : memref<128x32xf32, #tpu.memory_space<vmem>>, vector<16xf32>,
      %get3A_2595 = arith.constant 103 : i32
      %get3A_2596 = arith.index_cast %get3A_2595 : i32 to index
      %get3A_2597 = arith.constant 16 : index
      %get3A_2598 = tpu.vector_load %arg8[%get3A_2596, %get3A_2597] {strides = array<i32>} : memref<128x32xf32, #tpu.memory_space<vmem>>, vector<16xf32>,
      tpu.vector_store_idx %arg10[%iota3A, %broadcast_in_dim3A_2590], %get3A_2594 : memref<32x129xf32, #tpu.memory_space<vmem>>[vector<16xi32>, vector<16xi32>], vector<16xf32>,
      tpu.vector_store_idx %arg10[%add3A_3, %broadcast_in_dim3A_2590], %get3A_2598 : memref<32x129xf32, #tpu.memory_space<vmem>>[vector<16xi32>, vector<16xi32>], vector<16xf32>,
      %broadcast_in_dim3A_2599 = arith.constant 104 : i32
      %broadcast_in_dim3A_2600 = vector.broadcast %broadcast_in_dim3A_2599 : i32 to vector<16xi32>
      %get3A_2601 = arith.constant 104 : i32
      %get3A_2602 = arith.index_cast %get3A_2601 : i32 to index
      %get3A_2603 = arith.constant 0 : index
      %get3A_2604 = tpu.vector_load %arg8[%get3A_2602, %get3A_2603] {strides = array<i32>} : memref<128x32xf32, #tpu.memory_space<vmem>>, vector<16xf32>,
      %get3A_2605 = arith.constant 104 : i32
      %get3A_2606 = arith.index_cast %get3A_2605 : i32 to index
      %get3A_2607 = arith.constant 16 : index
      %get3A_2608 = tpu.vector_load %arg8[%get3A_2606, %get3A_2607] {strides = array<i32>} : memref<128x32xf32, #tpu.memory_space<vmem>>, vector<16xf32>,
      tpu.vector_store_idx %arg10[%iota3A, %broadcast_in_dim3A_2600], %get3A_2604 : memref<32x129xf32, #tpu.memory_space<vmem>>[vector<16xi32>, vector<16xi32>], vector<16xf32>,
      tpu.vector_store_idx %arg10[%add3A_3, %broadcast_in_dim3A_2600], %get3A_2608 : memref<32x129xf32, #tpu.memory_space<vmem>>[vector<16xi32>, vector<16xi32>], vector<16xf32>,
      %broadcast_in_dim3A_2609 = arith.constant 105 : i32
      %broadcast_in_dim3A_2610 = vector.broadcast %broadcast_in_dim3A_2609 : i32 to vector<16xi32>
      %get3A_2611 = arith.constant 105 : i32
      %get3A_2612 = arith.index_cast %get3A_2611 : i32 to index
      %get3A_2613 = arith.constant 0 : index
      %get3A_2614 = tpu.vector_load %arg8[%get3A_2612, %get3A_2613] {strides = array<i32>} : memref<128x32xf32, #tpu.memory_space<vmem>>, vector<16xf32>,
      %get3A_2615 = arith.constant 105 : i32
      %get3A_2616 = arith.index_cast %get3A_2615 : i32 to index
      %get3A_2617 = arith.constant 16 : index
      %get3A_2618 = tpu.vector_load %arg8[%get3A_2616, %get3A_2617] {strides = array<i32>} : memref<128x32xf32, #tpu.memory_space<vmem>>, vector<16xf32>,
      tpu.vector_store_idx %arg10[%iota3A, %broadcast_in_dim3A_2610], %get3A_2614 : memref<32x129xf32, #tpu.memory_space<vmem>>[vector<16xi32>, vector<16xi32>], vector<16xf32>,
      tpu.vector_store_idx %arg10[%add3A_3, %broadcast_in_dim3A_2610], %get3A_2618 : memref<32x129xf32, #tpu.memory_space<vmem>>[vector<16xi32>, vector<16xi32>], vector<16xf32>,
      %broadcast_in_dim3A_2619 = arith.constant 106 : i32
      %broadcast_in_dim3A_2620 = vector.broadcast %broadcast_in_dim3A_2619 : i32 to vector<16xi32>
      %get3A_2621 = arith.constant 106 : i32
      %get3A_2622 = arith.index_cast %get3A_2621 : i32 to index
      %get3A_2623 = arith.constant 0 : index
      %get3A_2624 = tpu.vector_load %arg8[%get3A_2622, %get3A_2623] {strides = array<i32>} : memref<128x32xf32, #tpu.memory_space<vmem>>, vector<16xf32>,
      %get3A_2625 = arith.constant 106 : i32
      %get3A_2626 = arith.index_cast %get3A_2625 : i32 to index
      %get3A_2627 = arith.constant 16 : index
      %get3A_2628 = tpu.vector_load %arg8[%get3A_2626, %get3A_2627] {strides = array<i32>} : memref<128x32xf32, #tpu.memory_space<vmem>>, vector<16xf32>,
      tpu.vector_store_idx %arg10[%iota3A, %broadcast_in_dim3A_2620], %get3A_2624 : memref<32x129xf32, #tpu.memory_space<vmem>>[vector<16xi32>, vector<16xi32>], vector<16xf32>,
      tpu.vector_store_idx %arg10[%add3A_3, %broadcast_in_dim3A_2620], %get3A_2628 : memref<32x129xf32, #tpu.memory_space<vmem>>[vector<16xi32>, vector<16xi32>], vector<16xf32>,
      %broadcast_in_dim3A_2629 = arith.constant 107 : i32
      %broadcast_in_dim3A_2630 = vector.broadcast %broadcast_in_dim3A_2629 : i32 to vector<16xi32>
      %get3A_2631 = arith.constant 107 : i32
      %get3A_2632 = arith.index_cast %get3A_2631 : i32 to index
      %get3A_2633 = arith.constant 0 : index
      %get3A_2634 = tpu.vector_load %arg8[%get3A_2632, %get3A_2633] {strides = array<i32>} : memref<128x32xf32, #tpu.memory_space<vmem>>, vector<16xf32>,
      %get3A_2635 = arith.constant 107 : i32
      %get3A_2636 = arith.index_cast %get3A_2635 : i32 to index
      %get3A_2637 = arith.constant 16 : index
      %get3A_2638 = tpu.vector_load %arg8[%get3A_2636, %get3A_2637] {strides = array<i32>} : memref<128x32xf32, #tpu.memory_space<vmem>>, vector<16xf32>,
      tpu.vector_store_idx %arg10[%iota3A, %broadcast_in_dim3A_2630], %get3A_2634 : memref<32x129xf32, #tpu.memory_space<vmem>>[vector<16xi32>, vector<16xi32>], vector<16xf32>,
      tpu.vector_store_idx %arg10[%add3A_3, %broadcast_in_dim3A_2630], %get3A_2638 : memref<32x129xf32, #tpu.memory_space<vmem>>[vector<16xi32>, vector<16xi32>], vector<16xf32>,
      %broadcast_in_dim3A_2639 = arith.constant 108 : i32
      %broadcast_in_dim3A_2640 = vector.broadcast %broadcast_in_dim3A_2639 : i32 to vector<16xi32>
      %get3A_2641 = arith.constant 108 : i32
      %get3A_2642 = arith.index_cast %get3A_2641 : i32 to index
      %get3A_2643 = arith.constant 0 : index
      %get3A_2644 = tpu.vector_load %arg8[%get3A_2642, %get3A_2643] {strides = array<i32>} : memref<128x32xf32, #tpu.memory_space<vmem>>, vector<16xf32>,
      %get3A_2645 = arith.constant 108 : i32
      %get3A_2646 = arith.index_cast %get3A_2645 : i32 to index
      %get3A_2647 = arith.constant 16 : index
      %get3A_2648 = tpu.vector_load %arg8[%get3A_2646, %get3A_2647] {strides = array<i32>} : memref<128x32xf32, #tpu.memory_space<vmem>>, vector<16xf32>,
      tpu.vector_store_idx %arg10[%iota3A, %broadcast_in_dim3A_2640], %get3A_2644 : memref<32x129xf32, #tpu.memory_space<vmem>>[vector<16xi32>, vector<16xi32>], vector<16xf32>,
      tpu.vector_store_idx %arg10[%add3A_3, %broadcast_in_dim3A_2640], %get3A_2648 : memref<32x129xf32, #tpu.memory_space<vmem>>[vector<16xi32>, vector<16xi32>], vector<16xf32>,
      %broadcast_in_dim3A_2649 = arith.constant 109 : i32
      %broadcast_in_dim3A_2650 = vector.broadcast %broadcast_in_dim3A_2649 : i32 to vector<16xi32>
      %get3A_2651 = arith.constant 109 : i32
      %get3A_2652 = arith.index_cast %get3A_2651 : i32 to index
      %get3A_2653 = arith.constant 0 : index
      %get3A_2654 = tpu.vector_load %arg8[%get3A_2652, %get3A_2653] {strides = array<i32>} : memref<128x32xf32, #tpu.memory_space<vmem>>, vector<16xf32>,
      %get3A_2655 = arith.constant 109 : i32
      %get3A_2656 = arith.index_cast %get3A_2655 : i32 to index
      %get3A_2657 = arith.constant 16 : index
      %get3A_2658 = tpu.vector_load %arg8[%get3A_2656, %get3A_2657] {strides = array<i32>} : memref<128x32xf32, #tpu.memory_space<vmem>>, vector<16xf32>,
      tpu.vector_store_idx %arg10[%iota3A, %broadcast_in_dim3A_2650], %get3A_2654 : memref<32x129xf32, #tpu.memory_space<vmem>>[vector<16xi32>, vector<16xi32>], vector<16xf32>,
      tpu.vector_store_idx %arg10[%add3A_3, %broadcast_in_dim3A_2650], %get3A_2658 : memref<32x129xf32, #tpu.memory_space<vmem>>[vector<16xi32>, vector<16xi32>], vector<16xf32>,
      %broadcast_in_dim3A_2659 = arith.constant 110 : i32
      %broadcast_in_dim3A_2660 = vector.broadcast %broadcast_in_dim3A_2659 : i32 to vector<16xi32>
      %get3A_2661 = arith.constant 110 : i32
      %get3A_2662 = arith.index_cast %get3A_2661 : i32 to index
      %get3A_2663 = arith.constant 0 : index
      %get3A_2664 = tpu.vector_load %arg8[%get3A_2662, %get3A_2663] {strides = array<i32>} : memref<128x32xf32, #tpu.memory_space<vmem>>, vector<16xf32>,
      %get3A_2665 = arith.constant 110 : i32
      %get3A_2666 = arith.index_cast %get3A_2665 : i32 to index
      %get3A_2667 = arith.constant 16 : index
      %get3A_2668 = tpu.vector_load %arg8[%get3A_2666, %get3A_2667] {strides = array<i32>} : memref<128x32xf32, #tpu.memory_space<vmem>>, vector<16xf32>,
      tpu.vector_store_idx %arg10[%iota3A, %broadcast_in_dim3A_2660], %get3A_2664 : memref<32x129xf32, #tpu.memory_space<vmem>>[vector<16xi32>, vector<16xi32>], vector<16xf32>,
      tpu.vector_store_idx %arg10[%add3A_3, %broadcast_in_dim3A_2660], %get3A_2668 : memref<32x129xf32, #tpu.memory_space<vmem>>[vector<16xi32>, vector<16xi32>], vector<16xf32>,
      %broadcast_in_dim3A_2669 = arith.constant 111 : i32
      %broadcast_in_dim3A_2670 = vector.broadcast %broadcast_in_dim3A_2669 : i32 to vector<16xi32>
      %get3A_2671 = arith.constant 111 : i32
      %get3A_2672 = arith.index_cast %get3A_2671 : i32 to index
      %get3A_2673 = arith.constant 0 : index
      %get3A_2674 = tpu.vector_load %arg8[%get3A_2672, %get3A_2673] {strides = array<i32>} : memref<128x32xf32, #tpu.memory_space<vmem>>, vector<16xf32>,
      %get3A_2675 = arith.constant 111 : i32
      %get3A_2676 = arith.index_cast %get3A_2675 : i32 to index
      %get3A_2677 = arith.constant 16 : index
      %get3A_2678 = tpu.vector_load %arg8[%get3A_2676, %get3A_2677] {strides = array<i32>} : memref<128x32xf32, #tpu.memory_space<vmem>>, vector<16xf32>,
      tpu.vector_store_idx %arg10[%iota3A, %broadcast_in_dim3A_2670], %get3A_2674 : memref<32x129xf32, #tpu.memory_space<vmem>>[vector<16xi32>, vector<16xi32>], vector<16xf32>,
      tpu.vector_store_idx %arg10[%add3A_3, %broadcast_in_dim3A_2670], %get3A_2678 : memref<32x129xf32, #tpu.memory_space<vmem>>[vector<16xi32>, vector<16xi32>], vector<16xf32>,
      %broadcast_in_dim3A_2679 = arith.constant 112 : i32
      %broadcast_in_dim3A_2680 = vector.broadcast %broadcast_in_dim3A_2679 : i32 to vector<16xi32>
      %get3A_2681 = arith.constant 112 : i32
      %get3A_2682 = arith.index_cast %get3A_2681 : i32 to index
      %get3A_2683 = arith.constant 0 : index
      %get3A_2684 = tpu.vector_load %arg8[%get3A_2682, %get3A_2683] {strides = array<i32>} : memref<128x32xf32, #tpu.memory_space<vmem>>, vector<16xf32>,
      %get3A_2685 = arith.constant 112 : i32
      %get3A_2686 = arith.index_cast %get3A_2685 : i32 to index
      %get3A_2687 = arith.constant 16 : index
      %get3A_2688 = tpu.vector_load %arg8[%get3A_2686, %get3A_2687] {strides = array<i32>} : memref<128x32xf32, #tpu.memory_space<vmem>>, vector<16xf32>,
      tpu.vector_store_idx %arg10[%iota3A, %broadcast_in_dim3A_2680], %get3A_2684 : memref<32x129xf32, #tpu.memory_space<vmem>>[vector<16xi32>, vector<16xi32>], vector<16xf32>,
      tpu.vector_store_idx %arg10[%add3A_3, %broadcast_in_dim3A_2680], %get3A_2688 : memref<32x129xf32, #tpu.memory_space<vmem>>[vector<16xi32>, vector<16xi32>], vector<16xf32>,
      %broadcast_in_dim3A_2689 = arith.constant 113 : i32
      %broadcast_in_dim3A_2690 = vector.broadcast %broadcast_in_dim3A_2689 : i32 to vector<16xi32>
      %get3A_2691 = arith.constant 113 : i32
      %get3A_2692 = arith.index_cast %get3A_2691 : i32 to index
      %get3A_2693 = arith.constant 0 : index
      %get3A_2694 = tpu.vector_load %arg8[%get3A_2692, %get3A_2693] {strides = array<i32>} : memref<128x32xf32, #tpu.memory_space<vmem>>, vector<16xf32>,
      %get3A_2695 = arith.constant 113 : i32
      %get3A_2696 = arith.index_cast %get3A_2695 : i32 to index
      %get3A_2697 = arith.constant 16 : index
      %get3A_2698 = tpu.vector_load %arg8[%get3A_2696, %get3A_2697] {strides = array<i32>} : memref<128x32xf32, #tpu.memory_space<vmem>>, vector<16xf32>,
      tpu.vector_store_idx %arg10[%iota3A, %broadcast_in_dim3A_2690], %get3A_2694 : memref<32x129xf32, #tpu.memory_space<vmem>>[vector<16xi32>, vector<16xi32>], vector<16xf32>,
      tpu.vector_store_idx %arg10[%add3A_3, %broadcast_in_dim3A_2690], %get3A_2698 : memref<32x129xf32, #tpu.memory_space<vmem>>[vector<16xi32>, vector<16xi32>], vector<16xf32>,
      %broadcast_in_dim3A_2699 = arith.constant 114 : i32
      %broadcast_in_dim3A_2700 = vector.broadcast %broadcast_in_dim3A_2699 : i32 to vector<16xi32>
      %get3A_2701 = arith.constant 114 : i32
      %get3A_2702 = arith.index_cast %get3A_2701 : i32 to index
      %get3A_2703 = arith.constant 0 : index
      %get3A_2704 = tpu.vector_load %arg8[%get3A_2702, %get3A_2703] {strides = array<i32>} : memref<128x32xf32, #tpu.memory_space<vmem>>, vector<16xf32>,
      %get3A_2705 = arith.constant 114 : i32
      %get3A_2706 = arith.index_cast %get3A_2705 : i32 to index
      %get3A_2707 = arith.constant 16 : index
      %get3A_2708 = tpu.vector_load %arg8[%get3A_2706, %get3A_2707] {strides = array<i32>} : memref<128x32xf32, #tpu.memory_space<vmem>>, vector<16xf32>,
      tpu.vector_store_idx %arg10[%iota3A, %broadcast_in_dim3A_2700], %get3A_2704 : memref<32x129xf32, #tpu.memory_space<vmem>>[vector<16xi32>, vector<16xi32>], vector<16xf32>,
      tpu.vector_store_idx %arg10[%add3A_3, %broadcast_in_dim3A_2700], %get3A_2708 : memref<32x129xf32, #tpu.memory_space<vmem>>[vector<16xi32>, vector<16xi32>], vector<16xf32>,
      %broadcast_in_dim3A_2709 = arith.constant 115 : i32
      %broadcast_in_dim3A_2710 = vector.broadcast %broadcast_in_dim3A_2709 : i32 to vector<16xi32>
      %get3A_2711 = arith.constant 115 : i32
      %get3A_2712 = arith.index_cast %get3A_2711 : i32 to index
      %get3A_2713 = arith.constant 0 : index
      %get3A_2714 = tpu.vector_load %arg8[%get3A_2712, %get3A_2713] {strides = array<i32>} : memref<128x32xf32, #tpu.memory_space<vmem>>, vector<16xf32>,
      %get3A_2715 = arith.constant 115 : i32
      %get3A_2716 = arith.index_cast %get3A_2715 : i32 to index
      %get3A_2717 = arith.constant 16 : index
      %get3A_2718 = tpu.vector_load %arg8[%get3A_2716, %get3A_2717] {strides = array<i32>} : memref<128x32xf32, #tpu.memory_space<vmem>>, vector<16xf32>,
      tpu.vector_store_idx %arg10[%iota3A, %broadcast_in_dim3A_2710], %get3A_2714 : memref<32x129xf32, #tpu.memory_space<vmem>>[vector<16xi32>, vector<16xi32>], vector<16xf32>,
      tpu.vector_store_idx %arg10[%add3A_3, %broadcast_in_dim3A_2710], %get3A_2718 : memref<32x129xf32, #tpu.memory_space<vmem>>[vector<16xi32>, vector<16xi32>], vector<16xf32>,
      %broadcast_in_dim3A_2719 = arith.constant 116 : i32
      %broadcast_in_dim3A_2720 = vector.broadcast %broadcast_in_dim3A_2719 : i32 to vector<16xi32>
      %get3A_2721 = arith.constant 116 : i32
      %get3A_2722 = arith.index_cast %get3A_2721 : i32 to index
      %get3A_2723 = arith.constant 0 : index
      %get3A_2724 = tpu.vector_load %arg8[%get3A_2722, %get3A_2723] {strides = array<i32>} : memref<128x32xf32, #tpu.memory_space<vmem>>, vector<16xf32>,
      %get3A_2725 = arith.constant 116 : i32
      %get3A_2726 = arith.index_cast %get3A_2725 : i32 to index
      %get3A_2727 = arith.constant 16 : index
      %get3A_2728 = tpu.vector_load %arg8[%get3A_2726, %get3A_2727] {strides = array<i32>} : memref<128x32xf32, #tpu.memory_space<vmem>>, vector<16xf32>,
      tpu.vector_store_idx %arg10[%iota3A, %broadcast_in_dim3A_2720], %get3A_2724 : memref<32x129xf32, #tpu.memory_space<vmem>>[vector<16xi32>, vector<16xi32>], vector<16xf32>,
      tpu.vector_store_idx %arg10[%add3A_3, %broadcast_in_dim3A_2720], %get3A_2728 : memref<32x129xf32, #tpu.memory_space<vmem>>[vector<16xi32>, vector<16xi32>], vector<16xf32>,
      %broadcast_in_dim3A_2729 = arith.constant 117 : i32
      %broadcast_in_dim3A_2730 = vector.broadcast %broadcast_in_dim3A_2729 : i32 to vector<16xi32>
      %get3A_2731 = arith.constant 117 : i32
      %get3A_2732 = arith.index_cast %get3A_2731 : i32 to index
      %get3A_2733 = arith.constant 0 : index
      %get3A_2734 = tpu.vector_load %arg8[%get3A_2732, %get3A_2733] {strides = array<i32>} : memref<128x32xf32, #tpu.memory_space<vmem>>, vector<16xf32>,
      %get3A_2735 = arith.constant 117 : i32
      %get3A_2736 = arith.index_cast %get3A_2735 : i32 to index
      %get3A_2737 = arith.constant 16 : index
      %get3A_2738 = tpu.vector_load %arg8[%get3A_2736, %get3A_2737] {strides = array<i32>} : memref<128x32xf32, #tpu.memory_space<vmem>>, vector<16xf32>,
      tpu.vector_store_idx %arg10[%iota3A, %broadcast_in_dim3A_2730], %get3A_2734 : memref<32x129xf32, #tpu.memory_space<vmem>>[vector<16xi32>, vector<16xi32>], vector<16xf32>,
      tpu.vector_store_idx %arg10[%add3A_3, %broadcast_in_dim3A_2730], %get3A_2738 : memref<32x129xf32, #tpu.memory_space<vmem>>[vector<16xi32>, vector<16xi32>], vector<16xf32>,
      %broadcast_in_dim3A_2739 = arith.constant 118 : i32
      %broadcast_in_dim3A_2740 = vector.broadcast %broadcast_in_dim3A_2739 : i32 to vector<16xi32>
      %get3A_2741 = arith.constant 118 : i32
      %get3A_2742 = arith.index_cast %get3A_2741 : i32 to index
      %get3A_2743 = arith.constant 0 : index
      %get3A_2744 = tpu.vector_load %arg8[%get3A_2742, %get3A_2743] {strides = array<i32>} : memref<128x32xf32, #tpu.memory_space<vmem>>, vector<16xf32>,
      %get3A_2745 = arith.constant 118 : i32
      %get3A_2746 = arith.index_cast %get3A_2745 : i32 to index
      %get3A_2747 = arith.constant 16 : index
      %get3A_2748 = tpu.vector_load %arg8[%get3A_2746, %get3A_2747] {strides = array<i32>} : memref<128x32xf32, #tpu.memory_space<vmem>>, vector<16xf32>,
      tpu.vector_store_idx %arg10[%iota3A, %broadcast_in_dim3A_2740], %get3A_2744 : memref<32x129xf32, #tpu.memory_space<vmem>>[vector<16xi32>, vector<16xi32>], vector<16xf32>,
      tpu.vector_store_idx %arg10[%add3A_3, %broadcast_in_dim3A_2740], %get3A_2748 : memref<32x129xf32, #tpu.memory_space<vmem>>[vector<16xi32>, vector<16xi32>], vector<16xf32>,
      %broadcast_in_dim3A_2749 = arith.constant 119 : i32
      %broadcast_in_dim3A_2750 = vector.broadcast %broadcast_in_dim3A_2749 : i32 to vector<16xi32>
      %get3A_2751 = arith.constant 119 : i32
      %get3A_2752 = arith.index_cast %get3A_2751 : i32 to index
      %get3A_2753 = arith.constant 0 : index
      %get3A_2754 = tpu.vector_load %arg8[%get3A_2752, %get3A_2753] {strides = array<i32>} : memref<128x32xf32, #tpu.memory_space<vmem>>, vector<16xf32>,
      %get3A_2755 = arith.constant 119 : i32
      %get3A_2756 = arith.index_cast %get3A_2755 : i32 to index
      %get3A_2757 = arith.constant 16 : index
      %get3A_2758 = tpu.vector_load %arg8[%get3A_2756, %get3A_2757] {strides = array<i32>} : memref<128x32xf32, #tpu.memory_space<vmem>>, vector<16xf32>,
      tpu.vector_store_idx %arg10[%iota3A, %broadcast_in_dim3A_2750], %get3A_2754 : memref<32x129xf32, #tpu.memory_space<vmem>>[vector<16xi32>, vector<16xi32>], vector<16xf32>,
      tpu.vector_store_idx %arg10[%add3A_3, %broadcast_in_dim3A_2750], %get3A_2758 : memref<32x129xf32, #tpu.memory_space<vmem>>[vector<16xi32>, vector<16xi32>], vector<16xf32>,
      %broadcast_in_dim3A_2759 = arith.constant 120 : i32
      %broadcast_in_dim3A_2760 = vector.broadcast %broadcast_in_dim3A_2759 : i32 to vector<16xi32>
      %get3A_2761 = arith.constant 120 : i32
      %get3A_2762 = arith.index_cast %get3A_2761 : i32 to index
      %get3A_2763 = arith.constant 0 : index
      %get3A_2764 = tpu.vector_load %arg8[%get3A_2762, %get3A_2763] {strides = array<i32>} : memref<128x32xf32, #tpu.memory_space<vmem>>, vector<16xf32>,
      %get3A_2765 = arith.constant 120 : i32
      %get3A_2766 = arith.index_cast %get3A_2765 : i32 to index
      %get3A_2767 = arith.constant 16 : index
      %get3A_2768 = tpu.vector_load %arg8[%get3A_2766, %get3A_2767] {strides = array<i32>} : memref<128x32xf32, #tpu.memory_space<vmem>>, vector<16xf32>,
      tpu.vector_store_idx %arg10[%iota3A, %broadcast_in_dim3A_2760], %get3A_2764 : memref<32x129xf32, #tpu.memory_space<vmem>>[vector<16xi32>, vector<16xi32>], vector<16xf32>,
      tpu.vector_store_idx %arg10[%add3A_3, %broadcast_in_dim3A_2760], %get3A_2768 : memref<32x129xf32, #tpu.memory_space<vmem>>[vector<16xi32>, vector<16xi32>], vector<16xf32>,
      %broadcast_in_dim3A_2769 = arith.constant 121 : i32
      %broadcast_in_dim3A_2770 = vector.broadcast %broadcast_in_dim3A_2769 : i32 to vector<16xi32>
      %get3A_2771 = arith.constant 121 : i32
      %get3A_2772 = arith.index_cast %get3A_2771 : i32 to index
      %get3A_2773 = arith.constant 0 : index
      %get3A_2774 = tpu.vector_load %arg8[%get3A_2772, %get3A_2773] {strides = array<i32>} : memref<128x32xf32, #tpu.memory_space<vmem>>, vector<16xf32>,
      %get3A_2775 = arith.constant 121 : i32
      %get3A_2776 = arith.index_cast %get3A_2775 : i32 to index
      %get3A_2777 = arith.constant 16 : index
      %get3A_2778 = tpu.vector_load %arg8[%get3A_2776, %get3A_2777] {strides = array<i32>} : memref<128x32xf32, #tpu.memory_space<vmem>>, vector<16xf32>,
      tpu.vector_store_idx %arg10[%iota3A, %broadcast_in_dim3A_2770], %get3A_2774 : memref<32x129xf32, #tpu.memory_space<vmem>>[vector<16xi32>, vector<16xi32>], vector<16xf32>,
      tpu.vector_store_idx %arg10[%add3A_3, %broadcast_in_dim3A_2770], %get3A_2778 : memref<32x129xf32, #tpu.memory_space<vmem>>[vector<16xi32>, vector<16xi32>], vector<16xf32>,
      %broadcast_in_dim3A_2779 = arith.constant 122 : i32
      %broadcast_in_dim3A_2780 = vector.broadcast %broadcast_in_dim3A_2779 : i32 to vector<16xi32>
      %get3A_2781 = arith.constant 122 : i32
      %get3A_2782 = arith.index_cast %get3A_2781 : i32 to index
      %get3A_2783 = arith.constant 0 : index
      %get3A_2784 = tpu.vector_load %arg8[%get3A_2782, %get3A_2783] {strides = array<i32>} : memref<128x32xf32, #tpu.memory_space<vmem>>, vector<16xf32>,
      %get3A_2785 = arith.constant 122 : i32
      %get3A_2786 = arith.index_cast %get3A_2785 : i32 to index
      %get3A_2787 = arith.constant 16 : index
      %get3A_2788 = tpu.vector_load %arg8[%get3A_2786, %get3A_2787] {strides = array<i32>} : memref<128x32xf32, #tpu.memory_space<vmem>>, vector<16xf32>,
      tpu.vector_store_idx %arg10[%iota3A, %broadcast_in_dim3A_2780], %get3A_2784 : memref<32x129xf32, #tpu.memory_space<vmem>>[vector<16xi32>, vector<16xi32>], vector<16xf32>,
      tpu.vector_store_idx %arg10[%add3A_3, %broadcast_in_dim3A_2780], %get3A_2788 : memref<32x129xf32, #tpu.memory_space<vmem>>[vector<16xi32>, vector<16xi32>], vector<16xf32>,
      %broadcast_in_dim3A_2789 = arith.constant 123 : i32
      %broadcast_in_dim3A_2790 = vector.broadcast %broadcast_in_dim3A_2789 : i32 to vector<16xi32>
      %get3A_2791 = arith.constant 123 : i32
      %get3A_2792 = arith.index_cast %get3A_2791 : i32 to index
      %get3A_2793 = arith.constant 0 : index
      %get3A_2794 = tpu.vector_load %arg8[%get3A_2792, %get3A_2793] {strides = array<i32>} : memref<128x32xf32, #tpu.memory_space<vmem>>, vector<16xf32>,
      %get3A_2795 = arith.constant 123 : i32
      %get3A_2796 = arith.index_cast %get3A_2795 : i32 to index
      %get3A_2797 = arith.constant 16 : index
      %get3A_2798 = tpu.vector_load %arg8[%get3A_2796, %get3A_2797] {strides = array<i32>} : memref<128x32xf32, #tpu.memory_space<vmem>>, vector<16xf32>,
      tpu.vector_store_idx %arg10[%iota3A, %broadcast_in_dim3A_2790], %get3A_2794 : memref<32x129xf32, #tpu.memory_space<vmem>>[vector<16xi32>, vector<16xi32>], vector<16xf32>,
      tpu.vector_store_idx %arg10[%add3A_3, %broadcast_in_dim3A_2790], %get3A_2798 : memref<32x129xf32, #tpu.memory_space<vmem>>[vector<16xi32>, vector<16xi32>], vector<16xf32>,
      %broadcast_in_dim3A_2799 = arith.constant 124 : i32
      %broadcast_in_dim3A_2800 = vector.broadcast %broadcast_in_dim3A_2799 : i32 to vector<16xi32>
      %get3A_2801 = arith.constant 124 : i32
      %get3A_2802 = arith.index_cast %get3A_2801 : i32 to index
      %get3A_2803 = arith.constant 0 : index
      %get3A_2804 = tpu.vector_load %arg8[%get3A_2802, %get3A_2803] {strides = array<i32>} : memref<128x32xf32, #tpu.memory_space<vmem>>, vector<16xf32>,
      %get3A_2805 = arith.constant 124 : i32
      %get3A_2806 = arith.index_cast %get3A_2805 : i32 to index
      %get3A_2807 = arith.constant 16 : index
      %get3A_2808 = tpu.vector_load %arg8[%get3A_2806, %get3A_2807] {strides = array<i32>} : memref<128x32xf32, #tpu.memory_space<vmem>>, vector<16xf32>,
      tpu.vector_store_idx %arg10[%iota3A, %broadcast_in_dim3A_2800], %get3A_2804 : memref<32x129xf32, #tpu.memory_space<vmem>>[vector<16xi32>, vector<16xi32>], vector<16xf32>,
      tpu.vector_store_idx %arg10[%add3A_3, %broadcast_in_dim3A_2800], %get3A_2808 : memref<32x129xf32, #tpu.memory_space<vmem>>[vector<16xi32>, vector<16xi32>], vector<16xf32>,
      %broadcast_in_dim3A_2809 = arith.constant 125 : i32
      %broadcast_in_dim3A_2810 = vector.broadcast %broadcast_in_dim3A_2809 : i32 to vector<16xi32>
      %get3A_2811 = arith.constant 125 : i32
      %get3A_2812 = arith.index_cast %get3A_2811 : i32 to index
      %get3A_2813 = arith.constant 0 : index
      %get3A_2814 = tpu.vector_load %arg8[%get3A_2812, %get3A_2813] {strides = array<i32>} : memref<128x32xf32, #tpu.memory_space<vmem>>, vector<16xf32>,
      %get3A_2815 = arith.constant 125 : i32
      %get3A_2816 = arith.index_cast %get3A_2815 : i32 to index
      %get3A_2817 = arith.constant 16 : index
      %get3A_2818 = tpu.vector_load %arg8[%get3A_2816, %get3A_2817] {strides = array<i32>} : memref<128x32xf32, #tpu.memory_space<vmem>>, vector<16xf32>,
      tpu.vector_store_idx %arg10[%iota3A, %broadcast_in_dim3A_2810], %get3A_2814 : memref<32x129xf32, #tpu.memory_space<vmem>>[vector<16xi32>, vector<16xi32>], vector<16xf32>,
      tpu.vector_store_idx %arg10[%add3A_3, %broadcast_in_dim3A_2810], %get3A_2818 : memref<32x129xf32, #tpu.memory_space<vmem>>[vector<16xi32>, vector<16xi32>], vector<16xf32>,
      %broadcast_in_dim3A_2819 = arith.constant 126 : i32
      %broadcast_in_dim3A_2820 = vector.broadcast %broadcast_in_dim3A_2819 : i32 to vector<16xi32>
      %get3A_2821 = arith.constant 126 : i32
      %get3A_2822 = arith.index_cast %get3A_2821 : i32 to index
      %get3A_2823 = arith.constant 0 : index
      %get3A_2824 = tpu.vector_load %arg8[%get3A_2822, %get3A_2823] {strides = array<i32>} : memref<128x32xf32, #tpu.memory_space<vmem>>, vector<16xf32>,
      %get3A_2825 = arith.constant 126 : i32
      %get3A_2826 = arith.index_cast %get3A_2825 : i32 to index
      %get3A_2827 = arith.constant 16 : index
      %get3A_2828 = tpu.vector_load %arg8[%get3A_2826, %get3A_2827] {strides = array<i32>} : memref<128x32xf32, #tpu.memory_space<vmem>>, vector<16xf32>,
      tpu.vector_store_idx %arg10[%iota3A, %broadcast_in_dim3A_2820], %get3A_2824 : memref<32x129xf32, #tpu.memory_space<vmem>>[vector<16xi32>, vector<16xi32>], vector<16xf32>,
      tpu.vector_store_idx %arg10[%add3A_3, %broadcast_in_dim3A_2820], %get3A_2828 : memref<32x129xf32, #tpu.memory_space<vmem>>[vector<16xi32>, vector<16xi32>], vector<16xf32>,
      %broadcast_in_dim3A_2829 = arith.constant 127 : i32
      %broadcast_in_dim3A_2830 = vector.broadcast %broadcast_in_dim3A_2829 : i32 to vector<16xi32>
      %get3A_2831 = arith.constant 127 : i32
      %get3A_2832 = arith.index_cast %get3A_2831 : i32 to index
      %get3A_2833 = arith.constant 0 : index
      %get3A_2834 = tpu.vector_load %arg8[%get3A_2832, %get3A_2833] {strides = array<i32>} : memref<128x32xf32, #tpu.memory_space<vmem>>, vector<16xf32>,
      %get3A_2835 = arith.constant 127 : i32
      %get3A_2836 = arith.index_cast %get3A_2835 : i32 to index
      %get3A_2837 = arith.constant 16 : index
      %get3A_2838 = tpu.vector_load %arg8[%get3A_2836, %get3A_2837] {strides = array<i32>} : memref<128x32xf32, #tpu.memory_space<vmem>>, vector<16xf32>,
      tpu.vector_store_idx %arg10[%iota3A, %broadcast_in_dim3A_2830], %get3A_2834 : memref<32x129xf32, #tpu.memory_space<vmem>>[vector<16xi32>, vector<16xi32>], vector<16xf32>,
      tpu.vector_store_idx %arg10[%add3A_3, %broadcast_in_dim3A_2830], %get3A_2838 : memref<32x129xf32, #tpu.memory_space<vmem>>[vector<16xi32>, vector<16xi32>], vector<16xf32>,
      %mul3A_2839 = arith.constant 32 : i32
      %mul3A_2840 = arith.muli %mul3A_2839, %add3A_1533 : i32
      %add3A_2841 = arith.addi %add3A, %mul3A_2840 : i32
      %jit3A_2842 = arith.constant 128 : i32
      %div3A_2843 = arith.divsi %add3A_2841, %jit3A_2842 : i32
      %sign3A_2844 = arith.constant 0 : i32
      %sign3A_2845 = arith.cmpi sgt, %add3A_2841, %sign3A_2844 : i32
      %sign3A_2846 = arith.extui %sign3A_2845 : i1 to i32
      %sign3A_2847 = arith.constant 0 : i32
      %sign3A_2848 = arith.cmpi slt, %add3A_2841, %sign3A_2847 : i32
      %sign3A_2849 = arith.extui %sign3A_2848 : i1 to i32
      %sign3A_2850 = arith.subi %sign3A_2846, %sign3A_2849 : i32
      %sign3A_2851 = arith.constant 0 : i32
      %sign3A_2852 = arith.cmpi sgt, %jit3A_2842, %sign3A_2851 : i32
      %sign3A_2853 = arith.extui %sign3A_2852 : i1 to i32
      %sign3A_2854 = arith.constant 0 : i32
      %sign3A_2855 = arith.cmpi slt, %jit3A_2842, %sign3A_2854 : i32
      %sign3A_2856 = arith.extui %sign3A_2855 : i1 to i32
      %sign3A_2857 = arith.subi %sign3A_2853, %sign3A_2856 : i32
      %ne3A_2858 = arith.cmpi ne, %sign3A_2850, %sign3A_2857 : i32
      %rem3A_2859 = arith.remsi %add3A_2841, %jit3A_2842 : i32
      %ne3A_2860 = arith.constant 0 : i32
      %ne3A_2861 = arith.cmpi ne, %rem3A_2859, %ne3A_2860 : i32
      %and3A_2862 = arith.andi %ne3A_2858, %ne3A_2861 : i1
      %sub3A_2863 = arith.constant 1 : i32
      %sub3A_2864 = arith.subi %div3A_2843, %sub3A_2863 : i32
      %select_n3A_2865 = arith.select %and3A_2862, %sub3A_2864, %div3A_2843 : i32
      %rem3A_2866 = arith.constant 128 : i32
      %rem3A_2867 = arith.remsi %add3A_2841, %rem3A_2866 : i32
      %mul3A_2868 = arith.constant 4 : i32
      %mul3A_2869 = arith.muli %select_n3A_2865, %mul3A_2868 : i32
      %add3A_2870 = arith.constant 0 : i32
      %add3A_2871 = arith.addi %mul3A_2869, %add3A_2870 : i32
      %mul3A_2872 = arith.constant 128 : i32
      %mul3A_2873 = arith.muli %add3A_2871, %mul3A_2872 : i32
      %add3A_2874 = arith.addi %mul3A_2873, %rem3A_2867 : i32
      %mul3A_2875 = arith.constant 8 : i32
      %mul3A_2876 = arith.muli %add3A_2874, %mul3A_2875 : i32
      %dma_start3A_2877 = arith.constant 0 : i32
      %dma_start3A_2878 = arith.constant 0 : i32
      %dma_start3A_2879 = tpu.memref_slice %arg10[%dma_start3A_2877, %dma_start3A_2878] : memref<32x129xf32, #tpu.memory_space<vmem>> -> memref<8x128xf32, #tpu.memory_space<vmem>>
      %dma_start3A_2880 = arith.constant 0 : i32
      %dma_start3A_2881 = tpu.memref_slice %arg4[%mul3A_2876, %dma_start3A_2880] : memref<204800x128xf32, #tpu.memory_space<hbm>> -> memref<8x128xf32, #tpu.memory_space<hbm>>
      %dma_start3A_2882 = arith.constant 0 : i32
      %dma_start3A_2883 = tpu.memref_slice %arg4[%mul3A_2876, %dma_start3A_2882] : memref<204800x128xf32, #tpu.memory_space<hbm>> -> memref<8x128xf32, #tpu.memory_space<hbm>>
      %dma_start3A_2884 = arith.constant 0 : i32
      %dma_start3A_2885 = arith.constant 0 : i32
      %dma_start3A_2886 = tpu.memref_slice %arg10[%dma_start3A_2884, %dma_start3A_2885] : memref<32x129xf32, #tpu.memory_space<vmem>> -> memref<8x128xf32, #tpu.memory_space<vmem>>
      tpu.enqueue_dma source(%dma_start3A_2886 : memref<8x128xf32, #tpu.memory_space<vmem>>) target(%dma_start3A_2883 : memref<8x128xf32, #tpu.memory_space<hbm>>) target_semaphore(%arg16 : memref<!tpu.dma_semaphore, #tpu.memory_space<semaphore_mem>>)
      %mul3A_2887 = arith.constant 4 : i32
      %mul3A_2888 = arith.muli %select_n3A_2865, %mul3A_2887 : i32
      %add3A_2889 = arith.constant 1 : i32
      %add3A_2890 = arith.addi %mul3A_2888, %add3A_2889 : i32
      %mul3A_2891 = arith.constant 128 : i32
      %mul3A_2892 = arith.muli %add3A_2890, %mul3A_2891 : i32
      %add3A_2893 = arith.addi %mul3A_2892, %rem3A_2867 : i32
      %mul3A_2894 = arith.constant 8 : i32
      %mul3A_2895 = arith.muli %add3A_2893, %mul3A_2894 : i32
      %dma_start3A_2896 = arith.constant 8 : i32
      %dma_start3A_2897 = arith.constant 0 : i32
      %dma_start3A_2898 = tpu.memref_slice %arg10[%dma_start3A_2896, %dma_start3A_2897] : memref<32x129xf32, #tpu.memory_space<vmem>> -> memref<8x128xf32, #tpu.memory_space<vmem>>
      %dma_start3A_2899 = arith.constant 0 : i32
      %dma_start3A_2900 = tpu.memref_slice %arg4[%mul3A_2895, %dma_start3A_2899] : memref<204800x128xf32, #tpu.memory_space<hbm>> -> memref<8x128xf32, #tpu.memory_space<hbm>>
      %dma_start3A_2901 = arith.constant 0 : i32
      %dma_start3A_2902 = tpu.memref_slice %arg4[%mul3A_2895, %dma_start3A_2901] : memref<204800x128xf32, #tpu.memory_space<hbm>> -> memref<8x128xf32, #tpu.memory_space<hbm>>
      %dma_start3A_2903 = arith.constant 8 : i32
      %dma_start3A_2904 = arith.constant 0 : i32
      %dma_start3A_2905 = tpu.memref_slice %arg10[%dma_start3A_2903, %dma_start3A_2904] : memref<32x129xf32, #tpu.memory_space<vmem>> -> memref<8x128xf32, #tpu.memory_space<vmem>>
      tpu.enqueue_dma source(%dma_start3A_2905 : memref<8x128xf32, #tpu.memory_space<vmem>>) target(%dma_start3A_2902 : memref<8x128xf32, #tpu.memory_space<hbm>>) target_semaphore(%arg16 : memref<!tpu.dma_semaphore, #tpu.memory_space<semaphore_mem>>)
      %mul3A_2906 = arith.constant 4 : i32
      %mul3A_2907 = arith.muli %select_n3A_2865, %mul3A_2906 : i32
      %add3A_2908 = arith.constant 2 : i32
      %add3A_2909 = arith.addi %mul3A_2907, %add3A_2908 : i32
      %mul3A_2910 = arith.constant 128 : i32
      %mul3A_2911 = arith.muli %add3A_2909, %mul3A_2910 : i32
      %add3A_2912 = arith.addi %mul3A_2911, %rem3A_2867 : i32
      %mul3A_2913 = arith.constant 8 : i32
      %mul3A_2914 = arith.muli %add3A_2912, %mul3A_2913 : i32
      %dma_start3A_2915 = arith.constant 16 : i32
      %dma_start3A_2916 = arith.constant 0 : i32
      %dma_start3A_2917 = tpu.memref_slice %arg10[%dma_start3A_2915, %dma_start3A_2916] : memref<32x129xf32, #tpu.memory_space<vmem>> -> memref<8x128xf32, #tpu.memory_space<vmem>>
      %dma_start3A_2918 = arith.constant 0 : i32
      %dma_start3A_2919 = tpu.memref_slice %arg4[%mul3A_2914, %dma_start3A_2918] : memref<204800x128xf32, #tpu.memory_space<hbm>> -> memref<8x128xf32, #tpu.memory_space<hbm>>
      %dma_start3A_2920 = arith.constant 0 : i32
      %dma_start3A_2921 = tpu.memref_slice %arg4[%mul3A_2914, %dma_start3A_2920] : memref<204800x128xf32, #tpu.memory_space<hbm>> -> memref<8x128xf32, #tpu.memory_space<hbm>>
      %dma_start3A_2922 = arith.constant 16 : i32
      %dma_start3A_2923 = arith.constant 0 : i32
      %dma_start3A_2924 = tpu.memref_slice %arg10[%dma_start3A_2922, %dma_start3A_2923] : memref<32x129xf32, #tpu.memory_space<vmem>> -> memref<8x128xf32, #tpu.memory_space<vmem>>
      tpu.enqueue_dma source(%dma_start3A_2924 : memref<8x128xf32, #tpu.memory_space<vmem>>) target(%dma_start3A_2921 : memref<8x128xf32, #tpu.memory_space<hbm>>) target_semaphore(%arg16 : memref<!tpu.dma_semaphore, #tpu.memory_space<semaphore_mem>>)
      %mul3A_2925 = arith.constant 4 : i32
      %mul3A_2926 = arith.muli %select_n3A_2865, %mul3A_2925 : i32
      %add3A_2927 = arith.constant 3 : i32
      %add3A_2928 = arith.addi %mul3A_2926, %add3A_2927 : i32
      %mul3A_2929 = arith.constant 128 : i32
      %mul3A_2930 = arith.muli %add3A_2928, %mul3A_2929 : i32
      %add3A_2931 = arith.addi %mul3A_2930, %rem3A_2867 : i32
      %mul3A_2932 = arith.constant 8 : i32
      %mul3A_2933 = arith.muli %add3A_2931, %mul3A_2932 : i32
      %dma_start3A_2934 = arith.constant 24 : i32
      %dma_start3A_2935 = arith.constant 0 : i32
      %dma_start3A_2936 = tpu.memref_slice %arg10[%dma_start3A_2934, %dma_start3A_2935] : memref<32x129xf32, #tpu.memory_space<vmem>> -> memref<8x128xf32, #tpu.memory_space<vmem>>
      %dma_start3A_2937 = arith.constant 0 : i32
      %dma_start3A_2938 = tpu.memref_slice %arg4[%mul3A_2933, %dma_start3A_2937] : memref<204800x128xf32, #tpu.memory_space<hbm>> -> memref<8x128xf32, #tpu.memory_space<hbm>>
      %dma_start3A_2939 = arith.constant 0 : i32
      %dma_start3A_2940 = tpu.memref_slice %arg4[%mul3A_2933, %dma_start3A_2939] : memref<204800x128xf32, #tpu.memory_space<hbm>> -> memref<8x128xf32, #tpu.memory_space<hbm>>
      %dma_start3A_2941 = arith.constant 24 : i32
      %dma_start3A_2942 = arith.constant 0 : i32
      %dma_start3A_2943 = tpu.memref_slice %arg10[%dma_start3A_2941, %dma_start3A_2942] : memref<32x129xf32, #tpu.memory_space<vmem>> -> memref<8x128xf32, #tpu.memory_space<vmem>>
      tpu.enqueue_dma source(%dma_start3A_2943 : memref<8x128xf32, #tpu.memory_space<vmem>>) target(%dma_start3A_2940 : memref<8x128xf32, #tpu.memory_space<hbm>>) target_semaphore(%arg16 : memref<!tpu.dma_semaphore, #tpu.memory_space<semaphore_mem>>)
    }
    %scan3A_32 = arith.constant 100 : i32
    %dma_wait3A_33 = arith.constant 0 : i32
    %dma_wait3A_34 = arith.constant 0 : i32
    %dma_wait3A_35 = tpu.memref_slice %arg9[%dma_wait3A_33, %dma_wait3A_34] : memref<32x129xf32, #tpu.memory_space<vmem>> -> memref<8x128xf32, #tpu.memory_space<vmem>>
    %dma_wait3A_36 = arith.constant 0 : i32
    %dma_wait3A_37 = arith.constant 0 : i32
    %dma_wait3A_38 = tpu.memref_slice %arg4[%dma_wait3A_36, %dma_wait3A_37] : memref<204800x128xf32, #tpu.memory_space<hbm>> -> memref<8x128xf32, #tpu.memory_space<hbm>>
    %dma_wait3A_39 = arith.constant 0 : i32
    %dma_wait3A_40 = arith.constant 0 : i32
    %dma_wait3A_41 = tpu.memref_slice %arg4[%dma_wait3A_39, %dma_wait3A_40] : memref<204800x128xf32, #tpu.memory_space<hbm>> -> memref<8x128xf32, #tpu.memory_space<hbm>>
    %dma_wait3A_42 = arith.constant 0 : i32
    %dma_wait3A_43 = arith.constant 0 : i32
    %dma_wait3A_44 = tpu.memref_slice %arg9[%dma_wait3A_42, %dma_wait3A_43] : memref<32x129xf32, #tpu.memory_space<vmem>> -> memref<8x128xf32, #tpu.memory_space<vmem>>
    tpu.wait_dma2 semaphore(%arg15 : memref<!tpu.dma_semaphore, #tpu.memory_space<semaphore_mem>>) src(%dma_wait3A_44 : memref<8x128xf32, #tpu.memory_space<vmem>>) dst(%dma_wait3A_41 : memref<8x128xf32, #tpu.memory_space<hbm>>)
    %dma_wait3A_45 = arith.constant 0 : i32
    %dma_wait3A_46 = arith.constant 0 : i32
    %dma_wait3A_47 = tpu.memref_slice %arg9[%dma_wait3A_45, %dma_wait3A_46] : memref<32x129xf32, #tpu.memory_space<vmem>> -> memref<8x128xf32, #tpu.memory_space<vmem>>
    %dma_wait3A_48 = arith.constant 0 : i32
    %dma_wait3A_49 = arith.constant 0 : i32
    %dma_wait3A_50 = tpu.memref_slice %arg4[%dma_wait3A_48, %dma_wait3A_49] : memref<204800x128xf32, #tpu.memory_space<hbm>> -> memref<8x128xf32, #tpu.memory_space<hbm>>
    %dma_wait3A_51 = arith.constant 0 : i32
    %dma_wait3A_52 = arith.constant 0 : i32
    %dma_wait3A_53 = tpu.memref_slice %arg4[%dma_wait3A_51, %dma_wait3A_52] : memref<204800x128xf32, #tpu.memory_space<hbm>> -> memref<8x128xf32, #tpu.memory_space<hbm>>
    %dma_wait3A_54 = arith.constant 0 : i32
    %dma_wait3A_55 = arith.constant 0 : i32
    %dma_wait3A_56 = tpu.memref_slice %arg9[%dma_wait3A_54, %dma_wait3A_55] : memref<32x129xf32, #tpu.memory_space<vmem>> -> memref<8x128xf32, #tpu.memory_space<vmem>>
    tpu.wait_dma2 semaphore(%arg15 : memref<!tpu.dma_semaphore, #tpu.memory_space<semaphore_mem>>) src(%dma_wait3A_56 : memref<8x128xf32, #tpu.memory_space<vmem>>) dst(%dma_wait3A_53 : memref<8x128xf32, #tpu.memory_space<hbm>>)
    %dma_wait3A_57 = arith.constant 0 : i32
    %dma_wait3A_58 = arith.constant 0 : i32
    %dma_wait3A_59 = tpu.memref_slice %arg9[%dma_wait3A_57, %dma_wait3A_58] : memref<32x129xf32, #tpu.memory_space<vmem>> -> memref<8x128xf32, #tpu.memory_space<vmem>>
    %dma_wait3A_60 = arith.constant 0 : i32
    %dma_wait3A_61 = arith.constant 0 : i32
    %dma_wait3A_62 = tpu.memref_slice %arg4[%dma_wait3A_60, %dma_wait3A_61] : memref<204800x128xf32, #tpu.memory_space<hbm>> -> memref<8x128xf32, #tpu.memory_space<hbm>>
    %dma_wait3A_63 = arith.constant 0 : i32
    %dma_wait3A_64 = arith.constant 0 : i32
    %dma_wait3A_65 = tpu.memref_slice %arg4[%dma_wait3A_63, %dma_wait3A_64] : memref<204800x128xf32, #tpu.memory_space<hbm>> -> memref<8x128xf32, #tpu.memory_space<hbm>>
    %dma_wait3A_66 = arith.constant 0 : i32
    %dma_wait3A_67 = arith.constant 0 : i32
    %dma_wait3A_68 = tpu.memref_slice %arg9[%dma_wait3A_66, %dma_wait3A_67] : memref<32x129xf32, #tpu.memory_space<vmem>> -> memref<8x128xf32, #tpu.memory_space<vmem>>
    tpu.wait_dma2 semaphore(%arg15 : memref<!tpu.dma_semaphore, #tpu.memory_space<semaphore_mem>>) src(%dma_wait3A_68 : memref<8x128xf32, #tpu.memory_space<vmem>>) dst(%dma_wait3A_65 : memref<8x128xf32, #tpu.memory_space<hbm>>)
    %dma_wait3A_69 = arith.constant 0 : i32
    %dma_wait3A_70 = arith.constant 0 : i32
    %dma_wait3A_71 = tpu.memref_slice %arg9[%dma_wait3A_69, %dma_wait3A_70] : memref<32x129xf32, #tpu.memory_space<vmem>> -> memref<8x128xf32, #tpu.memory_space<vmem>>
    %dma_wait3A_72 = arith.constant 0 : i32
    %dma_wait3A_73 = arith.constant 0 : i32
    %dma_wait3A_74 = tpu.memref_slice %arg4[%dma_wait3A_72, %dma_wait3A_73] : memref<204800x128xf32, #tpu.memory_space<hbm>> -> memref<8x128xf32, #tpu.memory_space<hbm>>
    %dma_wait3A_75 = arith.constant 0 : i32
    %dma_wait3A_76 = arith.constant 0 : i32
    %dma_wait3A_77 = tpu.memref_slice %arg4[%dma_wait3A_75, %dma_wait3A_76] : memref<204800x128xf32, #tpu.memory_space<hbm>> -> memref<8x128xf32, #tpu.memory_space<hbm>>
    %dma_wait3A_78 = arith.constant 0 : i32
    %dma_wait3A_79 = arith.constant 0 : i32
    %dma_wait3A_80 = tpu.memref_slice %arg9[%dma_wait3A_78, %dma_wait3A_79] : memref<32x129xf32, #tpu.memory_space<vmem>> -> memref<8x128xf32, #tpu.memory_space<vmem>>
    tpu.wait_dma2 semaphore(%arg15 : memref<!tpu.dma_semaphore, #tpu.memory_space<semaphore_mem>>) src(%dma_wait3A_80 : memref<8x128xf32, #tpu.memory_space<vmem>>) dst(%dma_wait3A_77 : memref<8x128xf32, #tpu.memory_space<hbm>>)
    %dma_wait3A_81 = arith.constant 0 : i32
    %dma_wait3A_82 = arith.constant 0 : i32
    %dma_wait3A_83 = tpu.memref_slice %arg10[%dma_wait3A_81, %dma_wait3A_82] : memref<32x129xf32, #tpu.memory_space<vmem>> -> memref<8x128xf32, #tpu.memory_space<vmem>>
    %dma_wait3A_84 = arith.constant 0 : i32
    %dma_wait3A_85 = arith.constant 0 : i32
    %dma_wait3A_86 = tpu.memref_slice %arg4[%dma_wait3A_84, %dma_wait3A_85] : memref<204800x128xf32, #tpu.memory_space<hbm>> -> memref<8x128xf32, #tpu.memory_space<hbm>>
    %dma_wait3A_87 = arith.constant 0 : i32
    %dma_wait3A_88 = arith.constant 0 : i32
    %dma_wait3A_89 = tpu.memref_slice %arg4[%dma_wait3A_87, %dma_wait3A_88] : memref<204800x128xf32, #tpu.memory_space<hbm>> -> memref<8x128xf32, #tpu.memory_space<hbm>>
    %dma_wait3A_90 = arith.constant 0 : i32
    %dma_wait3A_91 = arith.constant 0 : i32
    %dma_wait3A_92 = tpu.memref_slice %arg10[%dma_wait3A_90, %dma_wait3A_91] : memref<32x129xf32, #tpu.memory_space<vmem>> -> memref<8x128xf32, #tpu.memory_space<vmem>>
    tpu.wait_dma2 semaphore(%arg16 : memref<!tpu.dma_semaphore, #tpu.memory_space<semaphore_mem>>) src(%dma_wait3A_92 : memref<8x128xf32, #tpu.memory_space<vmem>>) dst(%dma_wait3A_89 : memref<8x128xf32, #tpu.memory_space<hbm>>)
    %dma_wait3A_93 = arith.constant 0 : i32
    %dma_wait3A_94 = arith.constant 0 : i32
    %dma_wait3A_95 = tpu.memref_slice %arg10[%dma_wait3A_93, %dma_wait3A_94] : memref<32x129xf32, #tpu.memory_space<vmem>> -> memref<8x128xf32, #tpu.memory_space<vmem>>
    %dma_wait3A_96 = arith.constant 0 : i32
    %dma_wait3A_97 = arith.constant 0 : i32
    %dma_wait3A_98 = tpu.memref_slice %arg4[%dma_wait3A_96, %dma_wait3A_97] : memref<204800x128xf32, #tpu.memory_space<hbm>> -> memref<8x128xf32, #tpu.memory_space<hbm>>
    %dma_wait3A_99 = arith.constant 0 : i32
    %dma_wait3A_100 = arith.constant 0 : i32
    %dma_wait3A_101 = tpu.memref_slice %arg4[%dma_wait3A_99, %dma_wait3A_100] : memref<204800x128xf32, #tpu.memory_space<hbm>> -> memref<8x128xf32, #tpu.memory_space<hbm>>
    %dma_wait3A_102 = arith.constant 0 : i32
    %dma_wait3A_103 = arith.constant 0 : i32
    %dma_wait3A_104 = tpu.memref_slice %arg10[%dma_wait3A_102, %dma_wait3A_103] : memref<32x129xf32, #tpu.memory_space<vmem>> -> memref<8x128xf32, #tpu.memory_space<vmem>>
    tpu.wait_dma2 semaphore(%arg16 : memref<!tpu.dma_semaphore, #tpu.memory_space<semaphore_mem>>) src(%dma_wait3A_104 : memref<8x128xf32, #tpu.memory_space<vmem>>) dst(%dma_wait3A_101 : memref<8x128xf32, #tpu.memory_space<hbm>>)
    %dma_wait3A_105 = arith.constant 0 : i32
    %dma_wait3A_106 = arith.constant 0 : i32
    %dma_wait3A_107 = tpu.memref_slice %arg10[%dma_wait3A_105, %dma_wait3A_106] : memref<32x129xf32, #tpu.memory_space<vmem>> -> memref<8x128xf32, #tpu.memory_space<vmem>>
    %dma_wait3A_108 = arith.constant 0 : i32
    %dma_wait3A_109 = arith.constant 0 : i32
    %dma_wait3A_110 = tpu.memref_slice %arg4[%dma_wait3A_108, %dma_wait3A_109] : memref<204800x128xf32, #tpu.memory_space<hbm>> -> memref<8x128xf32, #tpu.memory_space<hbm>>
    %dma_wait3A_111 = arith.constant 0 : i32
    %dma_wait3A_112 = arith.constant 0 : i32
    %dma_wait3A_113 = tpu.memref_slice %arg4[%dma_wait3A_111, %dma_wait3A_112] : memref<204800x128xf32, #tpu.memory_space<hbm>> -> memref<8x128xf32, #tpu.memory_space<hbm>>
    %dma_wait3A_114 = arith.constant 0 : i32
    %dma_wait3A_115 = arith.constant 0 : i32
    %dma_wait3A_116 = tpu.memref_slice %arg10[%dma_wait3A_114, %dma_wait3A_115] : memref<32x129xf32, #tpu.memory_space<vmem>> -> memref<8x128xf32, #tpu.memory_space<vmem>>
    tpu.wait_dma2 semaphore(%arg16 : memref<!tpu.dma_semaphore, #tpu.memory_space<semaphore_mem>>) src(%dma_wait3A_116 : memref<8x128xf32, #tpu.memory_space<vmem>>) dst(%dma_wait3A_113 : memref<8x128xf32, #tpu.memory_space<hbm>>)
    %dma_wait3A_117 = arith.constant 0 : i32
    %dma_wait3A_118 = arith.constant 0 : i32
    %dma_wait3A_119 = tpu.memref_slice %arg10[%dma_wait3A_117, %dma_wait3A_118] : memref<32x129xf32, #tpu.memory_space<vmem>> -> memref<8x128xf32, #tpu.memory_space<vmem>>
    %dma_wait3A_120 = arith.constant 0 : i32
    %dma_wait3A_121 = arith.constant 0 : i32
    %dma_wait3A_122 = tpu.memref_slice %arg4[%dma_wait3A_120, %dma_wait3A_121] : memref<204800x128xf32, #tpu.memory_space<hbm>> -> memref<8x128xf32, #tpu.memory_space<hbm>>
    %dma_wait3A_123 = arith.constant 0 : i32
    %dma_wait3A_124 = arith.constant 0 : i32
    %dma_wait3A_125 = tpu.memref_slice %arg4[%dma_wait3A_123, %dma_wait3A_124] : memref<204800x128xf32, #tpu.memory_space<hbm>> -> memref<8x128xf32, #tpu.memory_space<hbm>>
    %dma_wait3A_126 = arith.constant 0 : i32
    %dma_wait3A_127 = arith.constant 0 : i32
    %dma_wait3A_128 = tpu.memref_slice %arg10[%dma_wait3A_126, %dma_wait3A_127] : memref<32x129xf32, #tpu.memory_space<vmem>> -> memref<8x128xf32, #tpu.memory_space<vmem>>
    tpu.wait_dma2 semaphore(%arg16 : memref<!tpu.dma_semaphore, #tpu.memory_space<semaphore_mem>>) src(%dma_wait3A_128 : memref<8x128xf32, #tpu.memory_space<vmem>>) dst(%dma_wait3A_125 : memref<8x128xf32, #tpu.memory_space<hbm>>)
    return
  }
}

</mosaic_0001>

<sc_bundles>
// kernel: kernel.4.cloned.1.call-start
scs
__scs_entry_jumppad:
0x0: {  	(pc) =	sbr.rel $0x88, $3  }
0x1: {  	(tag) =	ssettag $0x0;
	lr =	simm.s32 $0x1  }
0x2: {  	[smem:$0x3F9F] =	sst lr;
	_ =	strace $0xD0000000  }
0x3: {  	_ = 	snop  }
0x4: {  	_ = 	snop  }
0x5: {  	_ = 	snop  }
0x6: {  	_ = 	snop  }
0x7: {  	_ = 	snop  }
__scs_overlays_trampoline_lowered:
0x8: {  	[smem:$0x3FAE] =	sst s0  }
0x9: {  	[smem:$0x3FAF] =	sst s1  }
0xa: {  	[smem:$0x3FB0] =	sst s2  }
0xb: {  	[smem:$0x3FB1] =	sst s3  }
0xc: {  	[smem:$0x3FB2] =	sst s4  }
0xd: {  	[smem:$0x3FB3] =	sst s5  }
0xe: {  	[smem:$0x3FB4] =	sst s6  }
0xf: {  	[smem:$0x3FB5] =	sst s7  }
0x10: {  	[smem:$0x3FB6] =	sst s8  }
0x11: {  	[smem:$0x3FB7] =	sst s9;
	s0 =	simm.s32 @!p0 $0x0  }
0x12: {  	s1 =	sld [smem:$0x3F9D];
	s0 =	simm.s32 @p0 $0x1  }
0x13: {  	[smem:$0x3FB8] =	sst s0;
	s0 =	simm.s32 @!p1 $0x0  }
0x14: {  	s2 =	sld [smem:$0x3F9C];
	s0 =	simm.s32 @p1 $0x1  }
0x15: {  	[smem:$0x3FB9] =	sst s0;
	s0 =	simm.s32 @!p2 $0x0  }
0x16: {  	s3 =	sld [smem:$0x3FDB];
	s0 =	simm.s32 @p2 $0x1  }
0x17: {  	s4 =	simm.s32 $0x1BF5;
	[smem:$0x3FBB] =	sst s0  }
0x18: {  	s0 =	sld [smem:$0x3F9E];
	_ =	swait.ge [sflag:s4], $0x0  }
0x19: {  	s7 =	sld [smem:$0x3F9F]  }
0x1a: {  	s8 =	sadd.s32 $0xFFFFE003, lr  }
0x1b: {  	s9 =	sadd.s32 $0xFFFFFEF7, lr;
	s5 =	simm.s32 $0xFFFFFFFF;
	p2 =	slt.u32 s8, $0xFFFFF086  }
0x1c: {  	p1 =	slt.u32 s9, $0xF7A;
	s5 =	simm.s32 @!p2 $0x0  }
0x1d: {  	s5 =	simm.s32 @p1 $0x1;
	p0 =	seq.s32 s7, s2  }
0x1e: {  	s7 =	smul.u32 @!p0 $0xF7A, s2;
	p2 =	seq.s32 @!p0 s5, $0x0  }
0x1f: {  	s9 =	smul.u32 $0xF7A, s1;
	s8 =	simm.s32 @!p0 $0x1BF5;
	p2 =	por !p2, p0  }
0x20: {  	[sflag:s8] =	ssyncset.s32 @!p0 $0xFFFFF086;
	s6 =	sadd.s32 @!p0 s3, s7;
	s7 =	simm.s32 @!p0 $0x108  }
0x21: {  	s3 =	sadd.s32 s3, s9;
	s6 =	sadd.s32 @!p0 $0x88, s6;
	s7 =	simm.s32 @p2 $0x1082  }
0x22: {  	[simem:s7], [sflag:s8] =	dma.local @!p0 [hbm:s6], $0xF7A  }
0x23: {  	s9 =	sor.u32 $0xD0000000, s2;
	s6 =	simm.s32 $0x108;
	_ =	swait.ge @!p0 [sflag:s8], $0x0  }
0x24: {  	s3 =	sadd.s32 $0x88, s3;
	s6 =	simm.s32 @!p1 $0x1082;
	[sflag:s4] =	ssyncset.s32 $0xFFFFF086  }
0x25: {  	[simem:s6], [sflag:s4] =	dma.local [hbm:s3], $0xF7A  }
0x26: {  	[smem:$0x3F9F] =	sst s1;
	(tag) =	ssettag s2;
	_ =	strace s9  }
0x27: {  	s1 =	sld [smem:$0x3FAF]  }
0x28: {  	s2 =	sld [smem:$0x3FB0]  }
0x29: {  	s4 =	sld [smem:$0x3FB2]  }
0x2a: {  	p0 =	seq.s32 s5, $0x0;
	s5 =	sld [smem:$0x3FB3]  }
0x2b: {  	s6 =	sld [smem:$0x3FB4]  }
0x2c: {  	s7 =	sld [smem:$0x3FB5]  }
0x2d: {  	s3 =	simm.s32 $0x108;
	s8 =	sld [smem:$0x3FB6]  }
0x2e: {  	s3 =	simm.s32 @!p0 $0x1082;
	s9 =	sld [smem:$0x3FB7]  }
0x2f: {  	lr =	sadd.s32 s0, s3;
	s0 =	sld [smem:$0x3FAE]  }
0x30: {  	s3 =	sld [smem:$0x3FB1]  }
0x31: {  	[smem:$0x3FBA] =	sst s10  }
0x32: {  	s10 =	sld [smem:$0x3FB8];
	_ =	sdelay $0x3  }
0x33: {  	p0 =	seq.s32 s10, $0x1;
	s10 =	sld [smem:$0x3FBA];
	_ =	sdelay $0x3  }
0x34: {  	[smem:$0x3FBA] =	sst s10  }
0x35: {  	s10 =	sld [smem:$0x3FB9];
	_ =	sdelay $0x3  }
0x36: {  	p1 =	seq.s32 s10, $0x1;
	s10 =	sld [smem:$0x3FBA];
	_ =	sdelay $0x3  }
0x37: {  	[smem:$0x3FBA] =	sst s10  }
0x38: {  	s10 =	sld [smem:$0x3FBB]  }
0x39: {  	_ = 	snop;
	(pc) =	sbr.ind lr, $3  }
0x3a: {  	_ = 	snop  }
0x3b: {  	_ = 	snop  }
0x3c: {  	p2 =	seq.s32 s10, $0x1;
	s10 =	sld [smem:$0x3FBA]  }
0x3d: {  	_ =	shalt  }
0x3e: {  	_ =	shalt  }
0x3f: {  	_ =	shalt  }
0x40: {  	_ =	shalt  }
0x41: {  	_ =	shalt  }
0x42: {  	_ =	shalt  }
0x43: {  	_ =	shalt  }
0x44: {  	_ =	shalt  }
0x45: {  	_ =	shalt  }
0x46: {  	_ =	shalt  }
0x47: {  	_ =	shalt  }
0x48: {  	_ =	shalt  }
0x49: {  	_ =	shalt  }
0x4a: {  	_ =	shalt  }
0x4b: {  	_ =	shalt  }
0x4c: {  	_ =	shalt  }
0x4d: {  	_ =	shalt  }
0x4e: {  	_ =	shalt  }
0x4f: {  	_ =	shalt  }
0x50: {  	_ =	shalt  }
0x51: {  	_ =	shalt  }
0x52: {  	_ =	shalt  }
0x53: {  	_ =	shalt  }
0x54: {  	_ =	shalt  }
0x55: {  	_ =	shalt  }
0x56: {  	_ =	shalt  }
0x57: {  	_ =	shalt  }
0x58: {  	_ =	shalt  }
0x59: {  	_ =	shalt  }
0x5a: {  	_ =	shalt  }
0x5b: {  	_ =	shalt  }
0x5c: {  	_ =	shalt  }
0x5d: {  	_ =	shalt  }
0x5e: {  	_ =	shalt  }
0x5f: {  	_ =	shalt  }
0x60: {  	_ =	shalt  }
0x61: {  	_ =	shalt  }
0x62: {  	_ =	shalt  }
0x63: {  	_ =	shalt  }
0x64: {  	_ =	shalt  }
0x65: {  	_ =	shalt  }
0x66: {  	_ =	shalt  }
0x67: {  	_ =	shalt  }
0x68: {  	_ =	shalt  }
0x69: {  	_ =	shalt  }
0x6a: {  	_ =	shalt  }
0x6b: {  	_ =	shalt  }
0x6c: {  	_ =	shalt  }
0x6d: {  	_ =	shalt  }
0x6e: {  	_ =	shalt  }
0x6f: {  	_ =	shalt  }
0x70: {  	_ =	shalt  }
0x71: {  	_ =	shalt  }
0x72: {  	_ =	shalt  }
0x73: {  	_ =	shalt  }
0x74: {  	_ =	shalt  }
0x75: {  	_ =	shalt  }
0x76: {  	_ =	shalt  }
0x77: {  	_ =	shalt  }
0x78: {  	_ =	shalt  }
0x79: {  	_ =	shalt  }
0x7a: {  	_ =	shalt  }
0x7b: {  	_ =	shalt  }
0x7c: {  	_ =	shalt  }
0x7d: {  	_ =	shalt  }
0x7e: {  	_ =	shalt  }
0x7f: {  	_ =	shalt  }
0x80: {  	_ =	shalt  }
0x81: {  	_ =	shalt  }
0x82: {  	_ =	shalt  }
0x83: {  	_ =	shalt  }
0x84: {  	_ =	shalt  }
0x85: {  	_ =	shalt  }
0x86: {  	_ =	shalt  }
0x87: {  	_ =	shalt  }
.Lfunc_end0:
.L_simem_size_0:
called_computation_lowered:
.L_overlay_start_0:
0x88: {  	s2 =	sld [smem:$0x3FD9]  }
0x89: {  	s3 =	sld [smem:$0x3FFE];
	_ =	sdelay $0x1  }
0x8a: {  	s1 =	srdreg.scid  }
0x8b: {  	s0 =	sand.u32 $0x1, s1  }
0x8c: {  	s17 =	sshll.u32 s0, $0xA;
	s2 =	sadd.s32 s3, s2  }
0x8d: {  	s2 =	sadd.s32 s2, s17  }
0x8e: {  	[smem:$0x3FC6] =	sst s2  }
0x8f: {  	_ = 	snop  }
0x90: {  	s2 =	sld [smem:$0x3FC9];
	(tm) =	ssettm $0x1  }
0x91: {  	s18 =	sld [smem:$0x3FFB];
	_ =	sdelay $0x3  }
0x92: {  	_ =	strace s18  }
0x93: {  	s3 =	sld [smem:$0x3FFC];
	_ =	sdelay $0x3  }
0x94: {  	_ =	strace s3  }
0x95: {  	s3 =	sld [smem:$0x3FFD];
	_ =	sdelay $0x3  }
0x96: {  	_ =	strace s3  }
0x97: {  	_ =	strace $0x8FFFFFFF  }
0x98: {  	s19 =	sld [smem:$0x3FDB];
	_ =	sdelay $0x1  }
0x99: {  	s4 =	simm.s32 $_scs_section_size  }
0x9a: {  	s5 =	simm.s32 $_size__tile_overlayer_lowered;
	s6 =	simm.s32 $_tile_overlayer_lowered  }
0x9b: {  	s22 =	simm.s32 $0x1BFF;
	s21 =	sshll.u32 s6, $0x1;
	s3 =	sadd.s32 s4, s19  }
0x9c: {  	s7 =	simm.s32 $0x0;
	s20 =	sshll.u32 s5, $0x1;
	s5 =	sadd.s32 s21, s3  }
0x9d: {  	[timem:s7], [sflag:s22] =	dma.local [hbm:s5], s20  }
0x9e: {  	_ =	swait.ge [sflag:s22], s20  }
0x9f: {  	s4 =	ssub.s32 $0x0, s20;
	[sflag:s22] =	ssyncset.done $0x0  }
0xa0: {  	[sflag:s22] =	ssyncadd.s32 s4;
	_ =	sdelay $0x1  }
0xa1: {  	s23 =	simm.s32 $0x1B8B  }
0xa2: {  	_ =	swait.ge [sflag:s23], $0x1  }
0xa3: {  	[sflag:s23] =	ssyncset.done $0x0  }
0xa4: {  	s25 =	simm.s32 $0x1B8E;
	s24 =	sld [smem:$0x3FFE];
	[sflag:s23] =	ssyncadd.s32 $0xFFFFFFFF  }
0xa5: {  	s26 =	simm.s32 $execute0_lowered;
	[smem:$0x3FD2] =	sst s25  }
0xa6: {  	s5 =	sshll.u32 s26, $0x1;
	_ =	strace $0x80000046;
	[dreg:$0x1] =	wrdreg $0xFFFFFFFF  }
0xa7: {  	s28 =	simm.s32 $_size_execute0_lowered;
	s3 =	sadd.s32 s3, s5;
	[dreg:$0x0] =	wrdreg $0x0  }
0xa8: {  	s5 =	sshll.u32 s28, $0x1;
	[dreg:$0x2] =	wrdreg s3  }
0xa9: {  	[dreg:$0x3] =	wrdreg s5  }
0xaa: {  	[dreg:$0x4] =	wrdreg $0xC0  }
0xab: {  	_ =	task [dreg:s7], $0x5FFFF  }
0xac: {  	[dreg:$0x1] =	wrdreg $0xFFFFFFFF  }
0xad: {  	[dreg:$0x0] =	wrdreg $0x60  }
0xae: {  	[dreg:$0x2] =	wrdreg s2  }
0xaf: {  	[dreg:$0x3] =	wrdreg s24  }
0xb0: {  	[dreg:$0x4] =	wrdreg $0x9  }
0xb1: {  	_ =	task.clear_ibuf [dreg:s7], $0x5FFFF;
	_ =	strace $0x90000046  }
0xb2: {  	s29 =	simm.s32 $0x9;
	_ =	strace $0x80000048  }
0xb3: {  	_ =	swait.ge [sflag:s29], $0x1  }
0xb4: {  	[sflag:s29] =	ssyncadd.s32 $0xFFFFFFFF  }
0xb5: {  	_ =	strace $0x90000048  }
0xb6: {  	_ =	sfence  }
0xb7: {  	s30 =	sld [smem:$0x0];
	_ =	sdelay $0x2  }
0xb8: {  	s31 =	sshll.u32 s1, $0xD;
	s1 =	sshrl.u32 s1, $0x2  }
0xb9: {  	s3 =	sand.u32 $0x4000, s31;
	s1 =	sadd.s32 s1, s30  }
0xba: {  	s0 =	sor.u32 s3, s0;
	s1 =	sshll.u32 s1, $0x11  }
0xbb: {  	s0 =	sor.u32 s1, s0  }
0xbc: {  	s0 =	sadd.s32 $0x8F2B, s0  }
0xbd: {  	[sflag:s0] =	ssyncadd.remote.s32 $0x1  }
0xbe: {  	_ =	sfence.sel $0xFFFF  }
0xbf: {  	[dreg:$0x0] =	wrdreg $0xFFFFFFFF;
	(pc) =	sbr.abs _section_cstart, $3  }
0xc0: {  	[dreg:$0x1] =	wrdreg $0xFFFFFFFF  }
0xc1: {  	_ =	task.clear_ibuf [dreg:s7], $0x2FFFF;
	_ =	strace $0x9FFFFFFF  }
0xc2: {  	(tm) =	ssettm $0x7FFFFFFF  }
0xc3: {  	_ =	shalt  }
tec
execute0_lowered:
.L_overlay_start_1:
0x0: {  	(tag) =	ssettag $0x1  }
0x1: {  	s8 =	rddreg [dreg:$0x0];
	s1 =	srdreg.scid  }
0x2: {  	s0 =	stileid.u32;
	s3 =	rddreg [dreg:$0x1];
	s6 =	simm.s32 $0x1  }
0x3: {  	s4 =	sand.u32 $0x1, s1;
	s2 =	sshll.u32 s0, $0x1;
	s1 =	rddreg [dreg:$0x2]  }
0x4: {  	s5 =	sshll.u32 s0, $0xF;
	s13 =	sadd.s32 $0x800, s3;
	p0 =	sgt.u32 s0, $0x8  }
0x5: {  	s7 =	sor.u32 s4, s2;
	s2 =	simm.s32 $0x0;
	s15 =	ssub.s32 $0x2, s4  }
0x6: {  	s4 =	simm.s32 $0x80;
	s11 =	simm.s32 @!p0 $0x80;
	s9 =	sshll.u32 s7, $0x7  }
0x7: {  	s12 =	simm.s32 @!p0 $0x400;
	[smem:$0x7FF] =	sst s2;
	s5 =	sor.u32 s5, s9  }
0x8: {  	s14 =	sor.u32 $0x20, s7;
	s16 =	sshrl.u32 s15, $0x1;
	s5 =	sand.u32 $0x60380, s5  }
0x9: {  	s7 =	sshll.u32 s7, $0xB;
	_ =	strace $0x80000047;
	s31 =	sshrl.u32 s5, $0x3  }
0xa: {  	s10 =	sshll.u32 s14, $0xE;
	s5 =	simm.s32 $0x400;
	s3 =	sadd.s32 s8, s31  }
0xb: {  	[tilespmem:s2], [sflag:$0x1] =	stream.strided.gather [hbm4b:s3+s4], $0x4000, s5, s4, $0x38;
	[tilespmem:$0x4000] =	vst v63  }
0xc: {  	s7 =	sadd.s32 s13, s7;
	s15 =	ssub.s32 s15, s16;
	_ =	swait.ge [sflag:s6], $0x4000  }
0xd: {  	s14 =	sshll.u32 s14, $0xB;
	s9 =	sor.u32 s9, s10;
	[sflag:s6] =	ssyncset.done $0x0  }
0xe: {  	s10 =	simm.s32 @!p0 $0x0;
	s15 =	smax.u32 s15, $0x1;
	[sflag:s6] =	ssyncadd.s32 $0xFFFFC000  }
0xf: {  	[hbm4b:s7+s2] =	stream.linear.scatter [tilespmem:s2], [sflag:$0x1], $0x4000, $0x38;
	[tilespmem:$0x4000] =	vst v63  }
0x10: {  	s13 =	sadd.s32 s13, s14;
	s9 =	sand.u32 $0xE0380, s9;
	_ =	swait.ge [sflag:s6], $0x4000  }
0x11: {  	s14 =	sadd.s32 $0xFFFFFFFF, s15;
	s9 =	sshrl.u32 s9, $0x3;
	[sflag:s6] =	ssyncset.done $0x0  }
0x12: {  	s8 =	sadd.s32 s8, s9;
	s9 =	simm.s32 @!p0 $0x1;
	[sflag:s6] =	ssyncadd.s32 $0xFFFFC000  }
0x13: {  	[tilespmem:s10], [sflag:$0x1] =	stream.strided.gather @!p0 [hbm4b:s8+s11], $0x4000, s12, s11, $0x38;
	[tilespmem:$0x4000] =	vst v63  }
0x14: {  	p1 =	sne.s32 s14, $0x0;
	_ =	swait.ge @!p0 [sflag:s9], $0x4000  }
.Ltmp0:
0x15: {  	[sflag:s9] =	ssyncset.done @!p0 $0x0;
	(pc) =	sbr.rel @!p1 .LBB2_2-.Ltmp0, $4  }
0x16: {  	[sflag:s9] =	ssyncadd.s32 @!p0 $0xFFFFC000  }
0x17: {  	[hbm4b:s13+s10] =	stream.linear.scatter @!p0 [tilespmem:s10], [sflag:$0x1], $0x4000, $0x38;
	[tilespmem:$0x4000] =	vst v63  }
0x18: {  	_ =	swait.ge @!p0 [sflag:s9], $0x4000  }
0x19: {  	[sflag:s9] =	ssyncset.done @!p0 $0x0  }
.LBB2_1:
0x1a: {  	s14 =	sadd.s32 $0xFFFFFFFF, s14;
	[sflag:s9] =	ssyncadd.s32 @!p0 $0xFFFFC000  }
0x1b: {  	[tilespmem:s2], [sflag:$0x1] =	stream.strided.gather [hbm4b:s3+s4], $0x4000, s5, s4, $0x38;
	[tilespmem:$0x4000] =	vst v63  }
0x1c: {  	p1 =	sne.s32 s14, $0x0;
	_ =	swait.ge [sflag:s6], $0x4000  }
0x1d: {  	[sflag:s6] =	ssyncset.done $0x0  }
0x1e: {  	[sflag:s6] =	ssyncadd.s32 $0xFFFFC000  }
0x1f: {  	[hbm4b:s7+s2] =	stream.linear.scatter [tilespmem:s2], [sflag:$0x1], $0x4000, $0x38;
	[tilespmem:$0x4000] =	vst v63  }
0x20: {  	_ =	swait.ge [sflag:s6], $0x4000  }
0x21: {  	[sflag:s6] =	ssyncset.done $0x0  }
0x22: {  	[sflag:s6] =	ssyncadd.s32 $0xFFFFC000  }
0x23: {  	[tilespmem:s10], [sflag:$0x1] =	stream.strided.gather @!p0 [hbm4b:s8+s11], $0x4000, s12, s11, $0x38;
	[tilespmem:$0x4000] =	vst v63  }
0x24: {  	_ =	swait.ge @!p0 [sflag:s9], $0x4000  }
.Ltmp1:
0x25: {  	[sflag:s9] =	ssyncset.done @!p0 $0x0;
	(pc) =	sbr.rel @p1 .LBB2_1-.Ltmp1, $4  }
0x26: {  	[sflag:s9] =	ssyncadd.s32 @!p0 $0xFFFFC000  }
0x27: {  	[hbm4b:s13+s10] =	stream.linear.scatter @!p0 [tilespmem:s10], [sflag:$0x1], $0x4000, $0x38;
	[tilespmem:$0x4000] =	vst v63  }
0x28: {  	_ =	swait.ge @!p0 [sflag:s9], $0x4000  }
0x29: {  	[sflag:s9] =	ssyncset.done @!p0 $0x0  }
.LBB2_2:
0x2a: {  	[sflag:s9] =	ssyncadd.s32 @!p0 $0xFFFFC000  }
0x2b: {  	_ =	sfence.sel $0x180000  }
0x2c: {  	[bflag:$0x0] =	sbarrier.arrive $0xFFFF  }
0x2d: {  	p0 =	sne.s32 s0, $0x0;
	_ =	strace $0x90000047  }
0x2e: {  	s0 =	sadd.s32 @!p0 $0x100000, s1;
	[bflag:$0x2] =	sbarrier.arrive $0xFFFF  }
0x2f: {  	[sflag:s0] =	ssyncadd.tile.s32 @!p0 $0x1;
	_ =	shalt  }
.Lfunc_end2:
_tile_overlayer_lowered:
.L_overlay_start_2:
0x30: {  	(tag) =	ssettag $0x2  }
0x31: {  	s0 =	rddreg [dreg:$0x0];
	s2 =	stileid.u32  }
0x32: {  	s1 =	rddreg [dreg:$0x1];
	p0 =	sne.s32 s2, $0x0  }
0x33: {  	s3 =	rddreg [dreg:$0x2];
	[bflag:$0x3] =	sbarrier.arrive $0xFFFF;
	s2 =	simm.s32 @!p0 $0x1C01  }
0x34: {  	[timem:s3], [sflag:s2] =	dma.local @!p0 [hbm:s0], s1  }
0x35: {  	s0 =	simm.s32 @!p0 $0x1  }
0x36: {  	_ =	swait.ge @!p0 [sflag:s0], s1  }
0x37: {  	s1 =	ssub.s32 @!p0 $0x0, s1;
	[sflag:s0] =	ssyncset.done @!p0 $0x0  }
0x38: {  	[sflag:s0] =	ssyncadd.s32 @!p0 s1  }
0x39: {  	[bflag:$0x3] =	sbarrier.arrive $0xFFFF  }
0x3a: {  	_ =	shalt  }

// kernel: kernel.7.cloned.1.call-start
scs
__scs_entry_jumppad:
0x0: {  	(pc) =	sbr.rel $0x88, $3  }
0x1: {  	(tag) =	ssettag $0x0;
	lr =	simm.s32 $0x1  }
0x2: {  	[smem:$0x3F9F] =	sst lr;
	_ =	strace $0xD0000000  }
0x3: {  	_ = 	snop  }
0x4: {  	_ = 	snop  }
0x5: {  	_ = 	snop  }
0x6: {  	_ = 	snop  }
0x7: {  	_ = 	snop  }
__scs_overlays_trampoline_lowered:
0x8: {  	[smem:$0x3FAE] =	sst s0  }
0x9: {  	[smem:$0x3FAF] =	sst s1  }
0xa: {  	[smem:$0x3FB0] =	sst s2  }
0xb: {  	[smem:$0x3FB1] =	sst s3  }
0xc: {  	[smem:$0x3FB2] =	sst s4  }
0xd: {  	[smem:$0x3FB3] =	sst s5  }
0xe: {  	[smem:$0x3FB4] =	sst s6  }
0xf: {  	[smem:$0x3FB5] =	sst s7  }
0x10: {  	[smem:$0x3FB6] =	sst s8  }
0x11: {  	[smem:$0x3FB7] =	sst s9;
	s0 =	simm.s32 @!p0 $0x0  }
0x12: {  	s1 =	sld [smem:$0x3F9D];
	s0 =	simm.s32 @p0 $0x1  }
0x13: {  	[smem:$0x3FB8] =	sst s0;
	s0 =	simm.s32 @!p1 $0x0  }
0x14: {  	s2 =	sld [smem:$0x3F9C];
	s0 =	simm.s32 @p1 $0x1  }
0x15: {  	[smem:$0x3FB9] =	sst s0;
	s0 =	simm.s32 @!p2 $0x0  }
0x16: {  	s3 =	sld [smem:$0x3FDB];
	s0 =	simm.s32 @p2 $0x1  }
0x17: {  	s4 =	simm.s32 $0x1BF5;
	[smem:$0x3FBB] =	sst s0  }
0x18: {  	s0 =	sld [smem:$0x3F9E];
	_ =	swait.ge [sflag:s4], $0x0  }
0x19: {  	s7 =	sld [smem:$0x3F9F]  }
0x1a: {  	s8 =	sadd.s32 $0xFFFFE003, lr  }
0x1b: {  	s9 =	sadd.s32 $0xFFFFFEF7, lr;
	s5 =	simm.s32 $0xFFFFFFFF;
	p2 =	slt.u32 s8, $0xFFFFF086  }
0x1c: {  	p1 =	slt.u32 s9, $0xF7A;
	s5 =	simm.s32 @!p2 $0x0  }
0x1d: {  	s5 =	simm.s32 @p1 $0x1;
	p0 =	seq.s32 s7, s2  }
0x1e: {  	s7 =	smul.u32 @!p0 $0xF7A, s2;
	p2 =	seq.s32 @!p0 s5, $0x0  }
0x1f: {  	s9 =	smul.u32 $0xF7A, s1;
	s8 =	simm.s32 @!p0 $0x1BF5;
	p2 =	por !p2, p0  }
0x20: {  	[sflag:s8] =	ssyncset.s32 @!p0 $0xFFFFF086;
	s6 =	sadd.s32 @!p0 s3, s7;
	s7 =	simm.s32 @!p0 $0x108  }
0x21: {  	s3 =	sadd.s32 s3, s9;
	s6 =	sadd.s32 @!p0 $0x88, s6;
	s7 =	simm.s32 @p2 $0x1082  }
0x22: {  	[simem:s7], [sflag:s8] =	dma.local @!p0 [hbm:s6], $0xF7A  }
0x23: {  	s9 =	sor.u32 $0xD0000000, s2;
	s6 =	simm.s32 $0x108;
	_ =	swait.ge @!p0 [sflag:s8], $0x0  }
0x24: {  	s3 =	sadd.s32 $0x88, s3;
	s6 =	simm.s32 @!p1 $0x1082;
	[sflag:s4] =	ssyncset.s32 $0xFFFFF086  }
0x25: {  	[simem:s6], [sflag:s4] =	dma.local [hbm:s3], $0xF7A  }
0x26: {  	[smem:$0x3F9F] =	sst s1;
	(tag) =	ssettag s2;
	_ =	strace s9  }
0x27: {  	s1 =	sld [smem:$0x3FAF]  }
0x28: {  	s2 =	sld [smem:$0x3FB0]  }
0x29: {  	s4 =	sld [smem:$0x3FB2]  }
0x2a: {  	p0 =	seq.s32 s5, $0x0;
	s5 =	sld [smem:$0x3FB3]  }
0x2b: {  	s6 =	sld [smem:$0x3FB4]  }
0x2c: {  	s7 =	sld [smem:$0x3FB5]  }
0x2d: {  	s3 =	simm.s32 $0x108;
	s8 =	sld [smem:$0x3FB6]  }
0x2e: {  	s3 =	simm.s32 @!p0 $0x1082;
	s9 =	sld [smem:$0x3FB7]  }
0x2f: {  	lr =	sadd.s32 s0, s3;
	s0 =	sld [smem:$0x3FAE]  }
0x30: {  	s3 =	sld [smem:$0x3FB1]  }
0x31: {  	[smem:$0x3FBA] =	sst s10  }
0x32: {  	s10 =	sld [smem:$0x3FB8];
	_ =	sdelay $0x3  }
0x33: {  	p0 =	seq.s32 s10, $0x1;
	s10 =	sld [smem:$0x3FBA];
	_ =	sdelay $0x3  }
0x34: {  	[smem:$0x3FBA] =	sst s10  }
0x35: {  	s10 =	sld [smem:$0x3FB9];
	_ =	sdelay $0x3  }
0x36: {  	p1 =	seq.s32 s10, $0x1;
	s10 =	sld [smem:$0x3FBA];
	_ =	sdelay $0x3  }
0x37: {  	[smem:$0x3FBA] =	sst s10  }
0x38: {  	s10 =	sld [smem:$0x3FBB]  }
0x39: {  	_ = 	snop;
	(pc) =	sbr.ind lr, $3  }
0x3a: {  	_ = 	snop  }
0x3b: {  	_ = 	snop  }
0x3c: {  	p2 =	seq.s32 s10, $0x1;
	s10 =	sld [smem:$0x3FBA]  }
0x3d: {  	_ =	shalt  }
0x3e: {  	_ =	shalt  }
0x3f: {  	_ =	shalt  }
0x40: {  	_ =	shalt  }
0x41: {  	_ =	shalt  }
0x42: {  	_ =	shalt  }
0x43: {  	_ =	shalt  }
0x44: {  	_ =	shalt  }
0x45: {  	_ =	shalt  }
0x46: {  	_ =	shalt  }
0x47: {  	_ =	shalt  }
0x48: {  	_ =	shalt  }
0x49: {  	_ =	shalt  }
0x4a: {  	_ =	shalt  }
0x4b: {  	_ =	shalt  }
0x4c: {  	_ =	shalt  }
0x4d: {  	_ =	shalt  }
0x4e: {  	_ =	shalt  }
0x4f: {  	_ =	shalt  }
0x50: {  	_ =	shalt  }
0x51: {  	_ =	shalt  }
0x52: {  	_ =	shalt  }
0x53: {  	_ =	shalt  }
0x54: {  	_ =	shalt  }
0x55: {  	_ =	shalt  }
0x56: {  	_ =	shalt  }
0x57: {  	_ =	shalt  }
0x58: {  	_ =	shalt  }
0x59: {  	_ =	shalt  }
0x5a: {  	_ =	shalt  }
0x5b: {  	_ =	shalt  }
0x5c: {  	_ =	shalt  }
0x5d: {  	_ =	shalt  }
0x5e: {  	_ =	shalt  }
0x5f: {  	_ =	shalt  }
0x60: {  	_ =	shalt  }
0x61: {  	_ =	shalt  }
0x62: {  	_ =	shalt  }
0x63: {  	_ =	shalt  }
0x64: {  	_ =	shalt  }
0x65: {  	_ =	shalt  }
0x66: {  	_ =	shalt  }
0x67: {  	_ =	shalt  }
0x68: {  	_ =	shalt  }
0x69: {  	_ =	shalt  }
0x6a: {  	_ =	shalt  }
0x6b: {  	_ =	shalt  }
0x6c: {  	_ =	shalt  }
0x6d: {  	_ =	shalt  }
0x6e: {  	_ =	shalt  }
0x6f: {  	_ =	shalt  }
0x70: {  	_ =	shalt  }
0x71: {  	_ =	shalt  }
0x72: {  	_ =	shalt  }
0x73: {  	_ =	shalt  }
0x74: {  	_ =	shalt  }
0x75: {  	_ =	shalt  }
0x76: {  	_ =	shalt  }
0x77: {  	_ =	shalt  }
0x78: {  	_ =	shalt  }
0x79: {  	_ =	shalt  }
0x7a: {  	_ =	shalt  }
0x7b: {  	_ =	shalt  }
0x7c: {  	_ =	shalt  }
0x7d: {  	_ =	shalt  }
0x7e: {  	_ =	shalt  }
0x7f: {  	_ =	shalt  }
0x80: {  	_ =	shalt  }
0x81: {  	_ =	shalt  }
0x82: {  	_ =	shalt  }
0x83: {  	_ =	shalt  }
0x84: {  	_ =	shalt  }
0x85: {  	_ =	shalt  }
0x86: {  	_ =	shalt  }
0x87: {  	_ =	shalt  }
.Lfunc_end0:
.L_simem_size_0:
called_computation.1_lowered:
.L_overlay_start_0:
0x88: {  	s2 =	sld [smem:$0x3FD9]  }
0x89: {  	s3 =	sld [smem:$0x3FFE];
	_ =	sdelay $0x1  }
0x8a: {  	s1 =	srdreg.scid  }
0x8b: {  	s0 =	sand.u32 $0x1, s1  }
0x8c: {  	s17 =	sshll.u32 s0, $0xA;
	s2 =	sadd.s32 s3, s2  }
0x8d: {  	s2 =	sadd.s32 s2, s17  }
0x8e: {  	[smem:$0x3FC6] =	sst s2  }
0x8f: {  	_ = 	snop  }
0x90: {  	s2 =	sld [smem:$0x3FD0];
	(tm) =	ssettm $0x1  }
0x91: {  	s18 =	sld [smem:$0x3FFB];
	_ =	sdelay $0x3  }
0x92: {  	_ =	strace s18  }
0x93: {  	s3 =	sld [smem:$0x3FFC];
	_ =	sdelay $0x3  }
0x94: {  	_ =	strace s3  }
0x95: {  	s3 =	sld [smem:$0x3FFD];
	_ =	sdelay $0x3  }
0x96: {  	_ =	strace s3  }
0x97: {  	_ =	strace $0x8FFFFFFF  }
0x98: {  	s19 =	sld [smem:$0x3FDB];
	_ =	sdelay $0x1  }
0x99: {  	s4 =	simm.s32 $_scs_section_size  }
0x9a: {  	s5 =	simm.s32 $_size__tile_overlayer_lowered;
	s6 =	simm.s32 $_tile_overlayer_lowered  }
0x9b: {  	s22 =	simm.s32 $0x1BFF;
	s21 =	sshll.u32 s6, $0x1;
	s3 =	sadd.s32 s4, s19  }
0x9c: {  	s7 =	simm.s32 $0x0;
	s20 =	sshll.u32 s5, $0x1;
	s5 =	sadd.s32 s21, s3  }
0x9d: {  	[timem:s7], [sflag:s22] =	dma.local [hbm:s5], s20  }
0x9e: {  	_ =	swait.ge [sflag:s22], s20  }
0x9f: {  	s4 =	ssub.s32 $0x0, s20;
	[sflag:s22] =	ssyncset.done $0x0  }
0xa0: {  	[sflag:s22] =	ssyncadd.s32 s4;
	_ =	sdelay $0x1  }
0xa1: {  	s23 =	simm.s32 $0x1B8B  }
0xa2: {  	_ =	swait.ge [sflag:s23], $0x1  }
0xa3: {  	[sflag:s23] =	ssyncset.done $0x0  }
0xa4: {  	s25 =	simm.s32 $0x1B8E;
	s24 =	sld [smem:$0x3FFE];
	[sflag:s23] =	ssyncadd.s32 $0xFFFFFFFF  }
0xa5: {  	s26 =	simm.s32 $execute0_lowered;
	[smem:$0x3FD2] =	sst s25  }
0xa6: {  	s5 =	sshll.u32 s26, $0x1;
	_ =	strace $0x80000049;
	[dreg:$0x1] =	wrdreg $0xFFFFFFFF  }
0xa7: {  	s28 =	simm.s32 $_size_execute0_lowered;
	s3 =	sadd.s32 s3, s5;
	[dreg:$0x0] =	wrdreg $0x0  }
0xa8: {  	s5 =	sshll.u32 s28, $0x1;
	[dreg:$0x2] =	wrdreg s3  }
0xa9: {  	[dreg:$0x3] =	wrdreg s5  }
0xaa: {  	[dreg:$0x4] =	wrdreg $0xC0  }
0xab: {  	_ =	task [dreg:s7], $0x5FFFF  }
0xac: {  	[dreg:$0x1] =	wrdreg $0xFFFFFFFF  }
0xad: {  	[dreg:$0x0] =	wrdreg $0x60  }
0xae: {  	[dreg:$0x2] =	wrdreg s24  }
0xaf: {  	[dreg:$0x3] =	wrdreg s2  }
0xb0: {  	[dreg:$0x4] =	wrdreg $0x9  }
0xb1: {  	_ =	task.clear_ibuf [dreg:s7], $0x5FFFF;
	_ =	strace $0x90000049  }
0xb2: {  	s29 =	simm.s32 $0x9;
	_ =	strace $0x8000004B  }
0xb3: {  	_ =	swait.ge [sflag:s29], $0x1  }
0xb4: {  	[sflag:s29] =	ssyncadd.s32 $0xFFFFFFFF  }
0xb5: {  	_ =	strace $0x9000004B  }
0xb6: {  	_ =	sfence  }
0xb7: {  	s30 =	sld [smem:$0x0];
	_ =	sdelay $0x2  }
0xb8: {  	s31 =	sshll.u32 s1, $0xD;
	s1 =	sshrl.u32 s1, $0x2  }
0xb9: {  	s3 =	sand.u32 $0x4000, s31;
	s1 =	sadd.s32 s1, s30  }
0xba: {  	s0 =	sor.u32 s3, s0;
	s1 =	sshll.u32 s1, $0x11  }
0xbb: {  	s0 =	sor.u32 s1, s0  }
0xbc: {  	s0 =	sadd.s32 $0x8F2B, s0  }
0xbd: {  	[sflag:s0] =	ssyncadd.remote.s32 $0x1  }
0xbe: {  	_ =	sfence.sel $0xFFFF  }
0xbf: {  	[dreg:$0x0] =	wrdreg $0xFFFFFFFF;
	(pc) =	sbr.abs _section_cstart, $3  }
0xc0: {  	[dreg:$0x1] =	wrdreg $0xFFFFFFFF  }
0xc1: {  	_ =	task.clear_ibuf [dreg:s7], $0x2FFFF;
	_ =	strace $0x9FFFFFFF  }
0xc2: {  	(tm) =	ssettm $0x7FFFFFFF  }
0xc3: {  	_ =	shalt  }
tec
execute0_lowered:
.L_overlay_start_1:
0x0: {  	(tag) =	ssettag $0x1  }
0x1: {  	v0 =	vlaneseq.u32  }
0x2: {  	v0 =	vmul.u32 $0x88, v0  }
0x3: {  	s0 =	rddreg [dreg:$0x0];
	s3 =	simm.s32 $0x0  }
0x4: {  	[smem:$0x7FF] =	sst s3;
	v1 =	vadd.s32 $0x880, v0  }
0x5: {  	s2 =	rddreg [dreg:$0x1];
	_ =	strace $0x8000004A;
	v6 =	vadd.s32 $0x881, v0;
	[tilespmem:$0x1FC10] =	vst v1  }
0x6: {  	v7 =	vadd.s32 $0x882, v0;
	[tilespmem:$0x1FE10] =	vst v6  }
0x7: {  	v8 =	vadd.s32 $0x883, v0;
	[tilespmem:$0x1FE20] =	vst v7  }
0x8: {  	v9 =	vadd.s32 $0x884, v0;
	[tilespmem:$0x1FE30] =	vst v8  }
0x9: {  	v10 =	vadd.s32 $0x885, v0;
	[tilespmem:$0x1FE40] =	vst v9  }
0xa: {  	v11 =	vadd.s32 $0x886, v0;
	[tilespmem:$0x1FE50] =	vst v10  }
0xb: {  	v12 =	vadd.s32 $0x887, v0;
	[tilespmem:$0x1FE60] =	vst v11  }
0xc: {  	v13 =	vadd.s32 $0x888, v0;
	[tilespmem:$0x1FE70] =	vst v12  }
0xd: {  	v14 =	vadd.s32 $0x889, v0;
	[tilespmem:$0x1FE80] =	vst v13  }
0xe: {  	v15 =	vadd.s32 $0x88A, v0;
	[tilespmem:$0x1FE90] =	vst v14  }
0xf: {  	v16 =	vadd.s32 $0x88B, v0;
	[tilespmem:$0x1FEA0] =	vst v15  }
0x10: {  	v17 =	vadd.s32 $0x88C, v0;
	[tilespmem:$0x1FEB0] =	vst v16  }
0x11: {  	v18 =	vadd.s32 $0x88D, v0;
	[tilespmem:$0x1FEC0] =	vst v17  }
0x12: {  	v19 =	vadd.s32 $0x88E, v0;
	[tilespmem:$0x1FED0] =	vst v18  }
0x13: {  	v20 =	vadd.s32 $0x88F, v0;
	[tilespmem:$0x1FEE0] =	vst v19  }
0x14: {  	v21 =	vadd.s32 $0x890, v0;
	[tilespmem:$0x1FEF0] =	vst v20  }
0x15: {  	v22 =	vadd.s32 $0x891, v0;
	[tilespmem:$0x1FF00] =	vst v21  }
0x16: {  	v23 =	vadd.s32 $0x892, v0;
	[tilespmem:$0x1FF10] =	vst v22  }
0x17: {  	v24 =	vadd.s32 $0x893, v0;
	[tilespmem:$0x1FF20] =	vst v23  }
0x18: {  	v25 =	vadd.s32 $0x894, v0;
	[tilespmem:$0x1FF30] =	vst v24  }
0x19: {  	v26 =	vadd.s32 $0x895, v0;
	[tilespmem:$0x1FF40] =	vst v25  }
0x1a: {  	v27 =	vadd.s32 $0x896, v0;
	[tilespmem:$0x1FF50] =	vst v26  }
0x1b: {  	v28 =	vadd.s32 $0x897, v0;
	[tilespmem:$0x1FF60] =	vst v27  }
0x1c: {  	v29 =	vadd.s32 $0x898, v0;
	[tilespmem:$0x1FF70] =	vst v28  }
0x1d: {  	v30 =	vadd.s32 $0x899, v0;
	[tilespmem:$0x1FF80] =	vst v29  }
0x1e: {  	v31 =	vadd.s32 $0x89A, v0;
	[tilespmem:$0x1FF90] =	vst v30  }
0x1f: {  	v32 =	vadd.s32 $0x89B, v0;
	[tilespmem:$0x1FFA0] =	vst v31  }
0x20: {  	v33 =	vadd.s32 $0x89C, v0;
	[tilespmem:$0x1FFB0] =	vst v32  }
0x21: {  	v34 =	vadd.s32 $0x89D, v0;
	[tilespmem:$0x1FFC0] =	vst v33  }
0x22: {  	v35 =	vadd.s32 $0x89E, v0;
	[tilespmem:$0x1FFD0] =	vst v34  }
0x23: {  	v36 =	vadd.s32 $0x89F, v0;
	[tilespmem:$0x1FFE0] =	vst v35  }
0x24: {  	v1 =	vor.u32 $0x1, v0;
	[tilespmem:$0x1FFF0] =	vst v36  }
0x25: {  	[tilespmem:$0x1FC20] =	vst v1;
	v1 =	vor.u32 $0x2, v0  }
0x26: {  	[tilespmem:$0x1FC30] =	vst v1;
	v1 =	vor.u32 $0x3, v0  }
0x27: {  	[tilespmem:$0x1FC40] =	vst v1;
	v1 =	vor.u32 $0x4, v0  }
0x28: {  	[tilespmem:$0x1FC50] =	vst v1;
	v1 =	vor.u32 $0x5, v0  }
0x29: {  	[tilespmem:$0x1FC60] =	vst v1;
	v1 =	vor.u32 $0x6, v0  }
0x2a: {  	[tilespmem:$0x1FC70] =	vst v1;
	v1 =	vor.u32 $0x7, v0  }
0x2b: {  	[tilespmem:$0x1FC80] =	vst v1;
	v1 =	vadd.s32 $0x8, v0  }
0x2c: {  	[tilespmem:$0x1FC90] =	vst v1;
	v1 =	vadd.s32 $0x9, v0  }
0x2d: {  	[tilespmem:$0x1FCA0] =	vst v1;
	v1 =	vadd.s32 $0xA, v0  }
0x2e: {  	[tilespmem:$0x1FCB0] =	vst v1;
	v1 =	vadd.s32 $0xB, v0  }
0x2f: {  	[tilespmem:$0x1FCC0] =	vst v1;
	v1 =	vadd.s32 $0xC, v0  }
0x30: {  	[tilespmem:$0x1FCD0] =	vst v1;
	v1 =	vadd.s32 $0xD, v0  }
0x31: {  	[tilespmem:$0x1FCE0] =	vst v1;
	v1 =	vadd.s32 $0xE, v0  }
0x32: {  	[tilespmem:$0x1FCF0] =	vst v1;
	v1 =	vadd.s32 $0xF, v0  }
0x33: {  	[tilespmem:$0x1FD00] =	vst v1;
	v1 =	vadd.s32 $0x10, v0  }
0x34: {  	[tilespmem:$0x1FD10] =	vst v1;
	v1 =	vadd.s32 $0x11, v0  }
0x35: {  	[tilespmem:$0x1FD20] =	vst v1;
	v1 =	vadd.s32 $0x12, v0  }
0x36: {  	s1 =	srdreg.scid;
	[tilespmem:$0x1FD30] =	vst v1;
	v1 =	vadd.s32 $0x13, v0  }
0x37: {  	s11 =	stileid.u32;
	s16 =	simm.s32 $0x3;
	s17 =	simm.s32 $0x2;
	[tilespmem:$0x1FD40] =	vst v1;
	v1 =	vadd.s32 $0x14, v0  }
0x38: {  	s19 =	simm.s32 $0x2100;
	s15 =	simm.s32 $0x3200;
	s23 =	simm.s32 $0x3FD0;
	[tilespmem:$0x1FD50] =	vst v1;
	v1 =	vadd.s32 $0x15, v0  }
0x39: {  	s28 =	simm.s32 $0x41F0;
	s14 =	simm.s32 $0x4278;
	s29 =	simm.s32 $0x5;
	[tilespmem:$0x1FD60] =	vst v1;
	v1 =	vadd.s32 $0x16, v0  }
0x3a: {  	s30 =	simm.s32 $0x6;
	s21 =	simm.s32 $0x80;
	s1 =	sand.u32 $0x1, s1;
	[tilespmem:$0x1FD70] =	vst v1;
	v1 =	vadd.s32 $0x17, v0  }
0x3b: {  	s4 =	sshll.u32 s11, $0x1;
	s6 =	sadd.s32 $0x800, s0;
	s5 =	sadd.s32 $0xF5BC00, s0;
	[tilespmem:$0x1FD80] =	vst v1;
	v1 =	vadd.s32 $0x18, v0  }
0x3c: {  	s9 =	sadd.s32 $0x8000, s2;
	s10 =	sadd.s32 $0xC000, s2;
	s26 =	sshll.u32 s11, $0x5;
	[tilespmem:$0x1FD90] =	vst v1;
	v1 =	vadd.s32 $0x19, v0  }
0x3d: {  	s4 =	sor.u32 s1, s4;
	s7 =	ssub.s32 $0x2, s1;
	s31 =	sadd.s32 s26, s6;
	[tilespmem:$0x1FDA0] =	vst v1;
	v1 =	vadd.s32 $0x1A, v0  }
0x3e: {  	s1 =	sshll.u32 s1, $0x4;
	s26 =	simm.s32 $0x4168;
	s8 =	sshll.u32 s4, $0x4;
	[tilespmem:$0x1FDB0] =	vst v1;
	v1 =	vadd.s32 $0x1B, v0  }
.Ltmp0:
0x3f: {  	s24 =	sshrl.u32 s7, $0x1;
	s12 =	sadd.s32 s1, s31;
	[tilespmem:$0x1FDC0] =	vst v1;
	v1 =	vadd.s32 $0x1C, v0;
	(pc) =	sbr.rel .LBB2_1-.Ltmp0, $4  }
0x40: {  	s1 =	simm.s32 $0x4;
	s8 =	sadd.s32 s6, s8;
	s0 =	ssub.s32 s7, s24;
	[tilespmem:$0x1FDD0] =	vst v1;
	v1 =	vadd.s32 $0x1D, v0  }
0x41: {  	s24 =	simm.s32 $0x4058;
	[dreg:$0x3] =	wrdreg s8;
	s25 =	sadd.s32 $0x200, s8;
	[tilespmem:$0x1FDE0] =	vst v1;
	v1 =	vadd.s32 $0x1E, v0  }
0x42: {  	s6 =	simm.s32 $0x0;
	s0 =	smax.u32 s0, $0x1;
	[dreg:$0x4] =	wrdreg s25;
	[tilespmem:$0x1FDF0] =	vst v1;
	v1 =	vadd.s32 $0x1F, v0  }
0x43: {  	s8 =	sadd.s32 $0x4000, s2;
	[dreg:$0x5] =	wrdreg s0;
	s25 =	simm.s32 $0x40E0;
	[tilespmem:$0x1FE00] =	vst v1  }
.LBB2_6:
0x44: {  	_ =	swait.ge [sflag:s29], $0x400  }
0x45: {  	[sflag:s29] =	ssyncset.done $0x0  }
0x46: {  	[sflag:s29] =	ssyncadd.s32 $0xFFFFFC00  }
0x47: {  	_ =	swait.ge [sflag:s29], $0x400  }
0x48: {  	[sflag:s29] =	ssyncset.done $0x0  }
0x49: {  	[sflag:s29] =	ssyncadd.s32 $0xFFFFFC00  }
0x4a: {  	_ =	swait.ge [sflag:s29], $0x400  }
0x4b: {  	[sflag:s29] =	ssyncset.done $0x0  }
0x4c: {  	[sflag:s29] =	ssyncadd.s32 $0xFFFFFC00  }
0x4d: {  	_ =	swait.ge [sflag:s29], $0x400  }
0x4e: {  	[sflag:s29] =	ssyncset.done $0x0  }
0x4f: {  	[sflag:s29] =	ssyncadd.s32 $0xFFFFFC00  }
0x50: {  	_ =	swait.ge [sflag:s30], $0x400  }
0x51: {  	[sflag:s30] =	ssyncset.done $0x0  }
0x52: {  	[sflag:s30] =	ssyncadd.s32 $0xFFFFFC00  }
0x53: {  	_ =	swait.ge [sflag:s30], $0x400  }
0x54: {  	[sflag:s30] =	ssyncset.done $0x0  }
0x55: {  	[sflag:s30] =	ssyncadd.s32 $0xFFFFFC00  }
0x56: {  	_ =	swait.ge [sflag:s30], $0x400  }
0x57: {  	[sflag:s30] =	ssyncset.done $0x0  }
0x58: {  	[sflag:s30] =	ssyncadd.s32 $0xFFFFFC00  }
0x59: {  	_ =	swait.ge [sflag:s30], $0x400  }
0x5a: {  	s6 =	rddreg [dreg:$0x6]  }
0x5b: {  	s0 =	rddreg [dreg:$0x5];
	s6 =	sadd.s32 $0x1, s6  }
0x5c: {  	p0 =	sne.s32 s6, s0  }
.Ltmp1:
0x5d: {  	_ = 	snop;
	(pc) =	sbr.rel @!p0 .LBB2_7-.Ltmp1, $3  }
0x5e: {  	_ =	sdelay $0x1  }
0x5f: {  	[sflag:s30] =	ssyncset.done $0x0  }
0x60: {  	[sflag:s30] =	ssyncadd.s32 $0xFFFFFC00  }
.LBB2_1:
0x61: {  	[dreg:$0x6] =	wrdreg s6  }
0x62: {  	s0 =	rddreg [dreg:$0x3];
	s13 =	simm.s32 $0x1  }
0x63: {  	[tilespmem:s3], [sflag:$0x1] =	stream.linear.gather [hbm4b:s0+s3], $0x80, $0x38;
	[tilespmem:$0x4300] =	vst v63  }
0x64: {  	_ =	swait.ge [sflag:s13], $0x80  }
.Ltmp2:
0x65: {  	s18 =	simm.s32 $0x80;
	[sflag:s13] =	ssyncset.done $0x0;
	(pc) =	sbr.rel .LBB2_2-.Ltmp2, $4  }
0x66: {  	s20 =	simm.s32 $0x100;
	s31 =	simm.s32 $0x0;
	[sflag:s13] =	ssyncadd.s32 $0xFFFFFF80  }
0x67: {  	[tilespmem:s20], [sflag:$0x3] =	stream.indirect.gather [hbm4b:s5+s18], $0x20, s3, s18, $0xb8;
	[tilespmem:$0x4300] =	vst v63  }
0x68: {  	s7 =	simm.s32 $0x0;
	s0 =	simm.s32 $0x0;
	s22 =	rddreg [dreg:$0x4]  }
0x69: {  	[tilespmem:s18], [sflag:$0x2] =	stream.linear.gather [hbm4b:s22+s3], $0x80, $0x38;
	[tilespmem:$0x4300] =	vst v63  }
.LBB2_4:
0x6a: {  	_ =	swait.ge [sflag:s29], $0x400  }
0x6b: {  	[sflag:s29] =	ssyncset.done $0x0  }
0x6c: {  	[sflag:s29] =	ssyncadd.s32 $0xFFFFFC00  }
0x6d: {  	_ =	swait.ge [sflag:s29], $0x400  }
0x6e: {  	[sflag:s29] =	ssyncset.done $0x0  }
0x6f: {  	[sflag:s29] =	ssyncadd.s32 $0xFFFFFC00  }
0x70: {  	_ =	swait.ge [sflag:s29], $0x400  }
0x71: {  	[sflag:s29] =	ssyncset.done $0x0  }
0x72: {  	[sflag:s29] =	ssyncadd.s32 $0xFFFFFC00  }
0x73: {  	_ =	swait.ge [sflag:s29], $0x400  }
0x74: {  	[sflag:s29] =	ssyncset.done $0x0  }
0x75: {  	p1 =	por $0x0, $0x0;
	[sflag:s29] =	ssyncadd.s32 $0xFFFFFC00  }
.LBB2_5:
0x76: {  	v1 =	vld [tilespmem:$0x100];
	_ =	sdelay $0x3  }
0x77: {  	v2 =	vld [tilespmem:$0x110]  }
0x78: {  	[tilespmem:v0+s19+$0x0] =	vst.idx.msk $0xffff, v1;
	v1 =	vld [tilespmem:$0x1FC10];
	_ =	sdelay $0x5  }
0x79: {  	v3 =	vld [tilespmem:$0x1FC20];
	_ =	sdelay $0x1  }
0x7a: {  	[tilespmem:v1+s19+$0x0] =	vst.idx.msk $0xffff, v2  }
0x7b: {  	v1 =	vld [tilespmem:$0x120];
	_ =	sdelay $0x1  }
0x7c: {  	v2 =	vld [tilespmem:$0x130];
	_ =	sdelay $0x2  }
0x7d: {  	[tilespmem:v3+s19+$0x0] =	vst.idx.msk $0xffff, v1;
	v3 =	vld [tilespmem:$0x1FC30];
	_ =	sdelay $0x1  }
0x7e: {  	[tilespmem:v6+s19+$0x0] =	vst.idx.msk $0xffff, v2  }
0x7f: {  	v1 =	vld [tilespmem:$0x140];
	_ =	sdelay $0x1  }
0x80: {  	v2 =	vld [tilespmem:$0x150];
	_ =	sdelay $0x2  }
0x81: {  	[tilespmem:v3+s19+$0x0] =	vst.idx.msk $0xffff, v1;
	v3 =	vld [tilespmem:$0x1FC40];
	_ =	sdelay $0x1  }
0x82: {  	[tilespmem:v7+s19+$0x0] =	vst.idx.msk $0xffff, v2  }
0x83: {  	v1 =	vld [tilespmem:$0x160];
	_ =	sdelay $0x1  }
0x84: {  	v2 =	vld [tilespmem:$0x170];
	_ =	sdelay $0x2  }
0x85: {  	[tilespmem:v3+s19+$0x0] =	vst.idx.msk $0xffff, v1;
	v3 =	vld [tilespmem:$0x1FC50];
	_ =	sdelay $0x1  }
0x86: {  	[tilespmem:v8+s19+$0x0] =	vst.idx.msk $0xffff, v2  }
0x87: {  	v1 =	vld [tilespmem:$0x180];
	_ =	sdelay $0x2  }
0x88: {  	v2 =	vld [tilespmem:$0x190];
	_ =	sdelay $0x1  }
0x89: {  	[tilespmem:v3+s19+$0x0] =	vst.idx.msk $0xffff, v1  }
0x8a: {  	v3 =	vld [tilespmem:$0x1FC60];
	_ =	sdelay $0x1  }
0x8b: {  	[tilespmem:v9+s19+$0x0] =	vst.idx.msk $0xffff, v2  }
0x8c: {  	v1 =	vld [tilespmem:$0x1A0];
	_ =	sdelay $0x1  }
0x8d: {  	v2 =	vld [tilespmem:$0x1B0];
	_ =	sdelay $0x2  }
0x8e: {  	[tilespmem:v3+s19+$0x0] =	vst.idx.msk $0xffff, v1;
	v3 =	vld [tilespmem:$0x1FC70];
	_ =	sdelay $0x1  }
0x8f: {  	[tilespmem:v10+s19+$0x0] =	vst.idx.msk $0xffff, v2  }
0x90: {  	v1 =	vld [tilespmem:$0x1C0];
	_ =	sdelay $0x1  }
0x91: {  	v2 =	vld [tilespmem:$0x1D0];
	_ =	sdelay $0x2  }
0x92: {  	[tilespmem:v3+s19+$0x0] =	vst.idx.msk $0xffff, v1;
	v3 =	vld [tilespmem:$0x1FC80];
	_ =	sdelay $0x1  }
0x93: {  	[tilespmem:v11+s19+$0x0] =	vst.idx.msk $0xffff, v2  }
0x94: {  	v1 =	vld [tilespmem:$0x1E0];
	_ =	sdelay $0x1  }
0x95: {  	v2 =	vld [tilespmem:$0x1F0];
	_ =	sdelay $0x2  }
0x96: {  	[tilespmem:v3+s19+$0x0] =	vst.idx.msk $0xffff, v1;
	v3 =	vld [tilespmem:$0x1FC90];
	_ =	sdelay $0x1  }
0x97: {  	[tilespmem:v12+s19+$0x0] =	vst.idx.msk $0xffff, v2  }
0x98: {  	v1 =	vld [tilespmem:$0x200];
	_ =	sdelay $0x1  }
0x99: {  	v2 =	vld [tilespmem:$0x210];
	_ =	sdelay $0x2  }
0x9a: {  	[tilespmem:v3+s19+$0x0] =	vst.idx.msk $0xffff, v1;
	v3 =	vld [tilespmem:$0x1FCA0];
	_ =	sdelay $0x1  }
0x9b: {  	[tilespmem:v13+s19+$0x0] =	vst.idx.msk $0xffff, v2  }
0x9c: {  	v1 =	vld [tilespmem:$0x220];
	_ =	sdelay $0x1  }
0x9d: {  	v2 =	vld [tilespmem:$0x230];
	_ =	sdelay $0x2  }
0x9e: {  	[tilespmem:v3+s19+$0x0] =	vst.idx.msk $0xffff, v1;
	v3 =	vld [tilespmem:$0x1FCB0];
	_ =	sdelay $0x1  }
0x9f: {  	[tilespmem:v14+s19+$0x0] =	vst.idx.msk $0xffff, v2  }
0xa0: {  	v1 =	vld [tilespmem:$0x240];
	_ =	sdelay $0x1  }
0xa1: {  	v2 =	vld [tilespmem:$0x250];
	_ =	sdelay $0x2  }
0xa2: {  	[tilespmem:v3+s19+$0x0] =	vst.idx.msk $0xffff, v1;
	v3 =	vld [tilespmem:$0x1FCC0];
	_ =	sdelay $0x1  }
0xa3: {  	[tilespmem:v15+s19+$0x0] =	vst.idx.msk $0xffff, v2  }
0xa4: {  	v1 =	vld [tilespmem:$0x260];
	_ =	sdelay $0x1  }
0xa5: {  	v2 =	vld [tilespmem:$0x270];
	_ =	sdelay $0x2  }
0xa6: {  	[tilespmem:v3+s19+$0x0] =	vst.idx.msk $0xffff, v1;
	v3 =	vld [tilespmem:$0x1FCD0];
	_ =	sdelay $0x1  }
0xa7: {  	[tilespmem:v16+s19+$0x0] =	vst.idx.msk $0xffff, v2  }
0xa8: {  	v1 =	vld [tilespmem:$0x280];
	_ =	sdelay $0x1  }
0xa9: {  	v2 =	vld [tilespmem:$0x290];
	_ =	sdelay $0x2  }
0xaa: {  	[tilespmem:v3+s19+$0x0] =	vst.idx.msk $0xffff, v1;
	v3 =	vld [tilespmem:$0x1FCE0];
	_ =	sdelay $0x1  }
0xab: {  	[tilespmem:v17+s19+$0x0] =	vst.idx.msk $0xffff, v2  }
0xac: {  	v1 =	vld [tilespmem:$0x2A0];
	_ =	sdelay $0x1  }
0xad: {  	v2 =	vld [tilespmem:$0x2B0];
	_ =	sdelay $0x2  }
0xae: {  	[tilespmem:v3+s19+$0x0] =	vst.idx.msk $0xffff, v1;
	v3 =	vld [tilespmem:$0x1FCF0];
	_ =	sdelay $0x1  }
0xaf: {  	[tilespmem:v18+s19+$0x0] =	vst.idx.msk $0xffff, v2  }
0xb0: {  	v1 =	vld [tilespmem:$0x2C0];
	_ =	sdelay $0x1  }
0xb1: {  	v2 =	vld [tilespmem:$0x2D0];
	_ =	sdelay $0x2  }
0xb2: {  	[tilespmem:v3+s19+$0x0] =	vst.idx.msk $0xffff, v1;
	v3 =	vld [tilespmem:$0x1FD00];
	_ =	sdelay $0x1  }
0xb3: {  	[tilespmem:v19+s19+$0x0] =	vst.idx.msk $0xffff, v2  }
0xb4: {  	v1 =	vld [tilespmem:$0x2E0];
	_ =	sdelay $0x1  }
0xb5: {  	v2 =	vld [tilespmem:$0x2F0];
	_ =	sdelay $0x2  }
0xb6: {  	[tilespmem:v3+s19+$0x0] =	vst.idx.msk $0xffff, v1;
	v3 =	vld [tilespmem:$0x1FD10];
	_ =	sdelay $0x1  }
0xb7: {  	[tilespmem:v20+s19+$0x0] =	vst.idx.msk $0xffff, v2  }
0xb8: {  	v1 =	vld [tilespmem:$0x300];
	_ =	sdelay $0x1  }
0xb9: {  	v2 =	vld [tilespmem:$0x310];
	_ =	sdelay $0x2  }
0xba: {  	[tilespmem:v3+s19+$0x0] =	vst.idx.msk $0xffff, v1;
	v3 =	vld [tilespmem:$0x1FD20];
	_ =	sdelay $0x1  }
0xbb: {  	[tilespmem:v21+s19+$0x0] =	vst.idx.msk $0xffff, v2  }
0xbc: {  	v1 =	vld [tilespmem:$0x320];
	_ =	sdelay $0x1  }
0xbd: {  	v2 =	vld [tilespmem:$0x330];
	_ =	sdelay $0x2  }
0xbe: {  	[tilespmem:v3+s19+$0x0] =	vst.idx.msk $0xffff, v1;
	v3 =	vld [tilespmem:$0x1FD30];
	_ =	sdelay $0x1  }
0xbf: {  	[tilespmem:v22+s19+$0x0] =	vst.idx.msk $0xffff, v2  }
0xc0: {  	v1 =	vld [tilespmem:$0x340];
	_ =	sdelay $0x1  }
0xc1: {  	v2 =	vld [tilespmem:$0x350];
	_ =	sdelay $0x2  }
0xc2: {  	[tilespmem:v3+s19+$0x0] =	vst.idx.msk $0xffff, v1;
	v3 =	vld [tilespmem:$0x1FD40];
	_ =	sdelay $0x1  }
0xc3: {  	[tilespmem:v23+s19+$0x0] =	vst.idx.msk $0xffff, v2  }
0xc4: {  	v1 =	vld [tilespmem:$0x360];
	_ =	sdelay $0x1  }
0xc5: {  	v2 =	vld [tilespmem:$0x370];
	_ =	sdelay $0x2  }
0xc6: {  	[tilespmem:v3+s19+$0x0] =	vst.idx.msk $0xffff, v1;
	v3 =	vld [tilespmem:$0x1FD50];
	_ =	sdelay $0x1  }
0xc7: {  	[tilespmem:v24+s19+$0x0] =	vst.idx.msk $0xffff, v2  }
0xc8: {  	v1 =	vld [tilespmem:$0x380];
	_ =	sdelay $0x1  }
0xc9: {  	v2 =	vld [tilespmem:$0x390];
	_ =	sdelay $0x2  }
0xca: {  	[tilespmem:v3+s19+$0x0] =	vst.idx.msk $0xffff, v1;
	v3 =	vld [tilespmem:$0x1FD60];
	_ =	sdelay $0x1  }
0xcb: {  	[tilespmem:v25+s19+$0x0] =	vst.idx.msk $0xffff, v2  }
0xcc: {  	v1 =	vld [tilespmem:$0x3A0];
	_ =	sdelay $0x1  }
0xcd: {  	v2 =	vld [tilespmem:$0x3B0];
	_ =	sdelay $0x2  }
0xce: {  	[tilespmem:v3+s19+$0x0] =	vst.idx.msk $0xffff, v1;
	v3 =	vld [tilespmem:$0x1FD70];
	_ =	sdelay $0x1  }
0xcf: {  	[tilespmem:v26+s19+$0x0] =	vst.idx.msk $0xffff, v2  }
0xd0: {  	v1 =	vld [tilespmem:$0x3C0];
	_ =	sdelay $0x1  }
0xd1: {  	v2 =	vld [tilespmem:$0x3D0];
	_ =	sdelay $0x2  }
0xd2: {  	[tilespmem:v3+s19+$0x0] =	vst.idx.msk $0xffff, v1;
	v3 =	vld [tilespmem:$0x1FD80];
	_ =	sdelay $0x1  }
0xd3: {  	[tilespmem:v27+s19+$0x0] =	vst.idx.msk $0xffff, v2  }
0xd4: {  	v1 =	vld [tilespmem:$0x3E0];
	_ =	sdelay $0x1  }
0xd5: {  	v2 =	vld [tilespmem:$0x3F0];
	_ =	sdelay $0x2  }
0xd6: {  	[tilespmem:v3+s19+$0x0] =	vst.idx.msk $0xffff, v1;
	v3 =	vld [tilespmem:$0x1FD90];
	_ =	sdelay $0x1  }
0xd7: {  	[tilespmem:v28+s19+$0x0] =	vst.idx.msk $0xffff, v2  }
0xd8: {  	v1 =	vld [tilespmem:$0x400];
	_ =	sdelay $0x1  }
0xd9: {  	v2 =	vld [tilespmem:$0x410];
	_ =	sdelay $0x2  }
0xda: {  	[tilespmem:v3+s19+$0x0] =	vst.idx.msk $0xffff, v1;
	v3 =	vld [tilespmem:$0x1FDA0];
	_ =	sdelay $0x1  }
0xdb: {  	[tilespmem:v29+s19+$0x0] =	vst.idx.msk $0xffff, v2  }
0xdc: {  	v1 =	vld [tilespmem:$0x420];
	_ =	sdelay $0x1  }
0xdd: {  	v2 =	vld [tilespmem:$0x430];
	_ =	sdelay $0x2  }
0xde: {  	[tilespmem:v3+s19+$0x0] =	vst.idx.msk $0xffff, v1;
	v3 =	vld [tilespmem:$0x1FDB0];
	_ =	sdelay $0x1  }
0xdf: {  	[tilespmem:v30+s19+$0x0] =	vst.idx.msk $0xffff, v2  }
0xe0: {  	v1 =	vld [tilespmem:$0x440];
	_ =	sdelay $0x1  }
0xe1: {  	v2 =	vld [tilespmem:$0x450];
	_ =	sdelay $0x2  }
0xe2: {  	[tilespmem:v3+s19+$0x0] =	vst.idx.msk $0xffff, v1;
	v3 =	vld [tilespmem:$0x1FDC0];
	_ =	sdelay $0x1  }
0xe3: {  	[tilespmem:v31+s19+$0x0] =	vst.idx.msk $0xffff, v2  }
0xe4: {  	v1 =	vld [tilespmem:$0x460];
	_ =	sdelay $0x1  }
0xe5: {  	v2 =	vld [tilespmem:$0x470];
	_ =	sdelay $0x2  }
0xe6: {  	[tilespmem:v3+s19+$0x0] =	vst.idx.msk $0xffff, v1;
	v3 =	vld [tilespmem:$0x1FDD0];
	_ =	sdelay $0x1  }
0xe7: {  	[tilespmem:v32+s19+$0x0] =	vst.idx.msk $0xffff, v2  }
0xe8: {  	v1 =	vld [tilespmem:$0x480];
	_ =	sdelay $0x1  }
0xe9: {  	v2 =	vld [tilespmem:$0x490];
	_ =	sdelay $0x2  }
0xea: {  	[tilespmem:v3+s19+$0x0] =	vst.idx.msk $0xffff, v1;
	v3 =	vld [tilespmem:$0x1FDE0];
	_ =	sdelay $0x1  }
0xeb: {  	[tilespmem:v33+s19+$0x0] =	vst.idx.msk $0xffff, v2  }
0xec: {  	v1 =	vld [tilespmem:$0x4A0];
	_ =	sdelay $0x1  }
0xed: {  	v2 =	vld [tilespmem:$0x4B0];
	_ =	sdelay $0x2  }
0xee: {  	[tilespmem:v3+s19+$0x0] =	vst.idx.msk $0xffff, v1;
	v3 =	vld [tilespmem:$0x1FDF0];
	_ =	sdelay $0x1  }
0xef: {  	[tilespmem:v34+s19+$0x0] =	vst.idx.msk $0xffff, v2  }
0xf0: {  	v1 =	vld [tilespmem:$0x4C0];
	_ =	sdelay $0x1  }
0xf1: {  	v2 =	vld [tilespmem:$0x4D0];
	_ =	sdelay $0x2  }
0xf2: {  	[tilespmem:v3+s19+$0x0] =	vst.idx.msk $0xffff, v1;
	v3 =	vld [tilespmem:$0x1FE00];
	_ =	sdelay $0x1  }
0xf3: {  	[tilespmem:v35+s19+$0x0] =	vst.idx.msk $0xffff, v2  }
0xf4: {  	v1 =	vld [tilespmem:$0x4E0]  }
0xf5: {  	v2 =	vld [tilespmem:$0x4F0];
	_ =	sdelay $0x3  }
0xf6: {  	[tilespmem:v3+s19+$0x0] =	vst.idx.msk $0xffff, v1  }
0xf7: {  	[tilespmem:v36+s19+$0x0] =	vst.idx.msk $0xffff, v2  }
0xf8: {  	v3 =	vadd.s32 $0x20, v0;
	v1 =	vld [tilespmem:$0x500]  }
0xf9: {  	v4 =	vadd.s32 $0x8A0, v0;
	v2 =	vld [tilespmem:$0x510];
	_ =	sdelay $0x3  }
0xfa: {  	[tilespmem:v3+s19+$0x0] =	vst.idx.msk $0xffff, v1  }
0xfb: {  	[tilespmem:v4+s19+$0x0] =	vst.idx.msk $0xffff, v2  }
0xfc: {  	[tilespmem:$0x1F1E0] =	vst v3;
	v3 =	vadd.s32 $0x21, v0;
	v1 =	vld [tilespmem:$0x520]  }
0xfd: {  	[tilespmem:$0x1F1F0] =	vst v4;
	v4 =	vadd.s32 $0x8A1, v0;
	v2 =	vld [tilespmem:$0x530];
	_ =	sdelay $0x3  }
0xfe: {  	[tilespmem:v3+s19+$0x0] =	vst.idx.msk $0xffff, v1  }
0xff: {  	[tilespmem:v4+s19+$0x0] =	vst.idx.msk $0xffff, v2  }
0x100: {  	[tilespmem:$0x1F200] =	vst v3;
	v3 =	vadd.s32 $0x22, v0;
	v1 =	vld [tilespmem:$0x540]  }
0x101: {  	[tilespmem:$0x1F210] =	vst v4;
	v4 =	vadd.s32 $0x8A2, v0;
	v2 =	vld [tilespmem:$0x550];
	_ =	sdelay $0x3  }
0x102: {  	[tilespmem:v3+s19+$0x0] =	vst.idx.msk $0xffff, v1  }
0x103: {  	[tilespmem:v4+s19+$0x0] =	vst.idx.msk $0xffff, v2  }
0x104: {  	[tilespmem:$0x1F220] =	vst v3;
	v3 =	vadd.s32 $0x23, v0;
	v1 =	vld [tilespmem:$0x560]  }
0x105: {  	[tilespmem:$0x1F230] =	vst v4;
	v4 =	vadd.s32 $0x8A3, v0;
	v2 =	vld [tilespmem:$0x570];
	_ =	sdelay $0x3  }
0x106: {  	[tilespmem:v3+s19+$0x0] =	vst.idx.msk $0xffff, v1  }
0x107: {  	[tilespmem:v4+s19+$0x0] =	vst.idx.msk $0xffff, v2  }
0x108: {  	[tilespmem:$0x1F240] =	vst v3;
	v3 =	vadd.s32 $0x24, v0;
	v1 =	vld [tilespmem:$0x580]  }
0x109: {  	[tilespmem:$0x1F250] =	vst v4;
	v4 =	vadd.s32 $0x8A4, v0;
	v2 =	vld [tilespmem:$0x590];
	_ =	sdelay $0x3  }
0x10a: {  	[tilespmem:v3+s19+$0x0] =	vst.idx.msk $0xffff, v1  }
0x10b: {  	[tilespmem:v4+s19+$0x0] =	vst.idx.msk $0xffff, v2  }
0x10c: {  	[tilespmem:$0x1F260] =	vst v3;
	v3 =	vadd.s32 $0x25, v0;
	v1 =	vld [tilespmem:$0x5A0]  }
0x10d: {  	[tilespmem:$0x1F270] =	vst v4;
	v4 =	vadd.s32 $0x8A5, v0;
	v2 =	vld [tilespmem:$0x5B0];
	_ =	sdelay $0x3  }
0x10e: {  	[tilespmem:v3+s19+$0x0] =	vst.idx.msk $0xffff, v1  }
0x10f: {  	[tilespmem:v4+s19+$0x0] =	vst.idx.msk $0xffff, v2  }
0x110: {  	[tilespmem:$0x1F280] =	vst v3;
	v3 =	vadd.s32 $0x26, v0;
	v1 =	vld [tilespmem:$0x5C0]  }
0x111: {  	[tilespmem:$0x1F290] =	vst v4;
	v4 =	vadd.s32 $0x8A6, v0;
	v2 =	vld [tilespmem:$0x5D0];
	_ =	sdelay $0x3  }
0x112: {  	[tilespmem:v3+s19+$0x0] =	vst.idx.msk $0xffff, v1  }
0x113: {  	[tilespmem:v4+s19+$0x0] =	vst.idx.msk $0xffff, v2  }
0x114: {  	[tilespmem:$0x1F2A0] =	vst v3;
	v3 =	vadd.s32 $0x27, v0;
	v1 =	vld [tilespmem:$0x5E0]  }
0x115: {  	[tilespmem:$0x1F2B0] =	vst v4;
	v4 =	vadd.s32 $0x8A7, v0;
	v2 =	vld [tilespmem:$0x5F0];
	_ =	sdelay $0x3  }
0x116: {  	[tilespmem:v3+s19+$0x0] =	vst.idx.msk $0xffff, v1  }
0x117: {  	[tilespmem:v4+s19+$0x0] =	vst.idx.msk $0xffff, v2  }
0x118: {  	[tilespmem:$0x1F2C0] =	vst v3;
	v3 =	vadd.s32 $0x28, v0;
	v1 =	vld [tilespmem:$0x600]  }
0x119: {  	[tilespmem:$0x1F2D0] =	vst v4;
	v4 =	vadd.s32 $0x8A8, v0;
	v2 =	vld [tilespmem:$0x610];
	_ =	sdelay $0x3  }
0x11a: {  	[tilespmem:v3+s19+$0x0] =	vst.idx.msk $0xffff, v1  }
0x11b: {  	[tilespmem:v4+s19+$0x0] =	vst.idx.msk $0xffff, v2  }
0x11c: {  	[tilespmem:$0x1F2E0] =	vst v3;
	v3 =	vadd.s32 $0x29, v0;
	v1 =	vld [tilespmem:$0x620]  }
0x11d: {  	[tilespmem:$0x1F2F0] =	vst v4;
	v4 =	vadd.s32 $0x8A9, v0;
	v2 =	vld [tilespmem:$0x630];
	_ =	sdelay $0x3  }
0x11e: {  	[tilespmem:v3+s19+$0x0] =	vst.idx.msk $0xffff, v1  }
0x11f: {  	[tilespmem:v4+s19+$0x0] =	vst.idx.msk $0xffff, v2  }
0x120: {  	[tilespmem:$0x1F300] =	vst v3;
	v3 =	vadd.s32 $0x2A, v0;
	v1 =	vld [tilespmem:$0x640]  }
0x121: {  	[tilespmem:$0x1F310] =	vst v4;
	v4 =	vadd.s32 $0x8AA, v0;
	v2 =	vld [tilespmem:$0x650];
	_ =	sdelay $0x3  }
0x122: {  	[tilespmem:v3+s19+$0x0] =	vst.idx.msk $0xffff, v1  }
0x123: {  	[tilespmem:v4+s19+$0x0] =	vst.idx.msk $0xffff, v2  }
0x124: {  	[tilespmem:$0x1F320] =	vst v3;
	v3 =	vadd.s32 $0x2B, v0;
	v1 =	vld [tilespmem:$0x660]  }
0x125: {  	[tilespmem:$0x1F330] =	vst v4;
	v4 =	vadd.s32 $0x8AB, v0;
	v2 =	vld [tilespmem:$0x670];
	_ =	sdelay $0x3  }
0x126: {  	[tilespmem:v3+s19+$0x0] =	vst.idx.msk $0xffff, v1  }
0x127: {  	[tilespmem:v4+s19+$0x0] =	vst.idx.msk $0xffff, v2  }
0x128: {  	[tilespmem:$0x1F340] =	vst v3;
	v3 =	vadd.s32 $0x2C, v0;
	v1 =	vld [tilespmem:$0x680]  }
0x129: {  	[tilespmem:$0x1F350] =	vst v4;
	v4 =	vadd.s32 $0x8AC, v0;
	v2 =	vld [tilespmem:$0x690];
	_ =	sdelay $0x3  }
0x12a: {  	[tilespmem:v3+s19+$0x0] =	vst.idx.msk $0xffff, v1  }
0x12b: {  	[tilespmem:v4+s19+$0x0] =	vst.idx.msk $0xffff, v2  }
0x12c: {  	[tilespmem:$0x1F360] =	vst v3;
	v3 =	vadd.s32 $0x2D, v0;
	v1 =	vld [tilespmem:$0x6A0]  }
0x12d: {  	[tilespmem:$0x1F370] =	vst v4;
	v4 =	vadd.s32 $0x8AD, v0;
	v2 =	vld [tilespmem:$0x6B0];
	_ =	sdelay $0x3  }
0x12e: {  	[tilespmem:v3+s19+$0x0] =	vst.idx.msk $0xffff, v1  }
0x12f: {  	[tilespmem:v4+s19+$0x0] =	vst.idx.msk $0xffff, v2  }
0x130: {  	[tilespmem:$0x1F380] =	vst v3;
	v3 =	vadd.s32 $0x2E, v0;
	v1 =	vld [tilespmem:$0x6C0]  }
0x131: {  	[tilespmem:$0x1F390] =	vst v4;
	v4 =	vadd.s32 $0x8AE, v0;
	v2 =	vld [tilespmem:$0x6D0];
	_ =	sdelay $0x3  }
0x132: {  	[tilespmem:v3+s19+$0x0] =	vst.idx.msk $0xffff, v1  }
0x133: {  	[tilespmem:v4+s19+$0x0] =	vst.idx.msk $0xffff, v2  }
0x134: {  	[tilespmem:$0x1F3A0] =	vst v3;
	v3 =	vadd.s32 $0x2F, v0;
	v1 =	vld [tilespmem:$0x6E0]  }
0x135: {  	[tilespmem:$0x1F3B0] =	vst v4;
	v4 =	vadd.s32 $0x8AF, v0;
	v2 =	vld [tilespmem:$0x6F0];
	_ =	sdelay $0x3  }
0x136: {  	[tilespmem:v3+s19+$0x0] =	vst.idx.msk $0xffff, v1  }
0x137: {  	[tilespmem:v4+s19+$0x0] =	vst.idx.msk $0xffff, v2  }
0x138: {  	[tilespmem:$0x1F3C0] =	vst v3;
	v3 =	vadd.s32 $0x30, v0;
	v1 =	vld [tilespmem:$0x700]  }
0x139: {  	[tilespmem:$0x1F3D0] =	vst v4;
	v4 =	vadd.s32 $0x8B0, v0;
	v2 =	vld [tilespmem:$0x710];
	_ =	sdelay $0x3  }
0x13a: {  	[tilespmem:v3+s19+$0x0] =	vst.idx.msk $0xffff, v1  }
0x13b: {  	[tilespmem:v4+s19+$0x0] =	vst.idx.msk $0xffff, v2  }
0x13c: {  	[tilespmem:$0x1F3E0] =	vst v3;
	v3 =	vadd.s32 $0x31, v0;
	v1 =	vld [tilespmem:$0x720]  }
0x13d: {  	[tilespmem:$0x1F3F0] =	vst v4;
	v4 =	vadd.s32 $0x8B1, v0;
	v2 =	vld [tilespmem:$0x730];
	_ =	sdelay $0x3  }
0x13e: {  	[tilespmem:v3+s19+$0x0] =	vst.idx.msk $0xffff, v1  }
0x13f: {  	[tilespmem:v4+s19+$0x0] =	vst.idx.msk $0xffff, v2  }
0x140: {  	[tilespmem:$0x1F400] =	vst v3;
	v3 =	vadd.s32 $0x32, v0;
	v1 =	vld [tilespmem:$0x740]  }
0x141: {  	[tilespmem:$0x1F410] =	vst v4;
	v4 =	vadd.s32 $0x8B2, v0;
	v2 =	vld [tilespmem:$0x750];
	_ =	sdelay $0x3  }
0x142: {  	[tilespmem:v3+s19+$0x0] =	vst.idx.msk $0xffff, v1  }
0x143: {  	[tilespmem:v4+s19+$0x0] =	vst.idx.msk $0xffff, v2  }
0x144: {  	[tilespmem:$0x1F420] =	vst v3;
	v3 =	vadd.s32 $0x33, v0;
	v1 =	vld [tilespmem:$0x760]  }
0x145: {  	[tilespmem:$0x1F430] =	vst v4;
	v4 =	vadd.s32 $0x8B3, v0;
	v2 =	vld [tilespmem:$0x770];
	_ =	sdelay $0x3  }
0x146: {  	[tilespmem:v3+s19+$0x0] =	vst.idx.msk $0xffff, v1  }
0x147: {  	[tilespmem:v4+s19+$0x0] =	vst.idx.msk $0xffff, v2  }
0x148: {  	[tilespmem:$0x1F440] =	vst v3;
	v3 =	vadd.s32 $0x34, v0;
	v1 =	vld [tilespmem:$0x780]  }
0x149: {  	[tilespmem:$0x1F450] =	vst v4;
	v4 =	vadd.s32 $0x8B4, v0;
	v2 =	vld [tilespmem:$0x790];
	_ =	sdelay $0x3  }
0x14a: {  	[tilespmem:v3+s19+$0x0] =	vst.idx.msk $0xffff, v1  }
0x14b: {  	[tilespmem:v4+s19+$0x0] =	vst.idx.msk $0xffff, v2  }
0x14c: {  	[tilespmem:$0x1F460] =	vst v3;
	v3 =	vadd.s32 $0x35, v0;
	v1 =	vld [tilespmem:$0x7A0]  }
0x14d: {  	[tilespmem:$0x1F470] =	vst v4;
	v4 =	vadd.s32 $0x8B5, v0;
	v2 =	vld [tilespmem:$0x7B0];
	_ =	sdelay $0x3  }
0x14e: {  	[tilespmem:v3+s19+$0x0] =	vst.idx.msk $0xffff, v1  }
0x14f: {  	[tilespmem:v4+s19+$0x0] =	vst.idx.msk $0xffff, v2  }
0x150: {  	[tilespmem:$0x1F480] =	vst v3;
	v3 =	vadd.s32 $0x36, v0;
	v1 =	vld [tilespmem:$0x7C0]  }
0x151: {  	[tilespmem:$0x1F490] =	vst v4;
	v4 =	vadd.s32 $0x8B6, v0;
	v2 =	vld [tilespmem:$0x7D0];
	_ =	sdelay $0x3  }
0x152: {  	[tilespmem:v3+s19+$0x0] =	vst.idx.msk $0xffff, v1  }
0x153: {  	[tilespmem:v4+s19+$0x0] =	vst.idx.msk $0xffff, v2  }
0x154: {  	[tilespmem:$0x1F4A0] =	vst v3;
	v3 =	vadd.s32 $0x37, v0;
	v1 =	vld [tilespmem:$0x7E0]  }
0x155: {  	[tilespmem:$0x1F4B0] =	vst v4;
	v4 =	vadd.s32 $0x8B7, v0;
	v2 =	vld [tilespmem:$0x7F0];
	_ =	sdelay $0x3  }
0x156: {  	[tilespmem:v3+s19+$0x0] =	vst.idx.msk $0xffff, v1  }
0x157: {  	[tilespmem:v4+s19+$0x0] =	vst.idx.msk $0xffff, v2  }
0x158: {  	[tilespmem:$0x1F4C0] =	vst v3;
	v3 =	vadd.s32 $0x38, v0;
	v1 =	vld [tilespmem:$0x800]  }
0x159: {  	[tilespmem:$0x1F4D0] =	vst v4;
	v4 =	vadd.s32 $0x8B8, v0;
	v2 =	vld [tilespmem:$0x810];
	_ =	sdelay $0x3  }
0x15a: {  	[tilespmem:v3+s19+$0x0] =	vst.idx.msk $0xffff, v1  }
0x15b: {  	[tilespmem:v4+s19+$0x0] =	vst.idx.msk $0xffff, v2  }
0x15c: {  	[tilespmem:$0x1F4E0] =	vst v3;
	v3 =	vadd.s32 $0x39, v0;
	v1 =	vld [tilespmem:$0x820]  }
0x15d: {  	[tilespmem:$0x1F4F0] =	vst v4;
	v4 =	vadd.s32 $0x8B9, v0;
	v2 =	vld [tilespmem:$0x830];
	_ =	sdelay $0x3  }
0x15e: {  	[tilespmem:v3+s19+$0x0] =	vst.idx.msk $0xffff, v1  }
0x15f: {  	[tilespmem:v4+s19+$0x0] =	vst.idx.msk $0xffff, v2  }
0x160: {  	[tilespmem:$0x1F500] =	vst v3;
	v3 =	vadd.s32 $0x3A, v0;
	v1 =	vld [tilespmem:$0x840]  }
0x161: {  	[tilespmem:$0x1F510] =	vst v4;
	v4 =	vadd.s32 $0x8BA, v0;
	v2 =	vld [tilespmem:$0x850];
	_ =	sdelay $0x3  }
0x162: {  	[tilespmem:v3+s19+$0x0] =	vst.idx.msk $0xffff, v1  }
0x163: {  	[tilespmem:v4+s19+$0x0] =	vst.idx.msk $0xffff, v2  }
0x164: {  	[tilespmem:$0x1F520] =	vst v3;
	v3 =	vadd.s32 $0x3B, v0;
	v1 =	vld [tilespmem:$0x860]  }
0x165: {  	[tilespmem:$0x1F530] =	vst v4;
	v4 =	vadd.s32 $0x8BB, v0;
	v2 =	vld [tilespmem:$0x870];
	_ =	sdelay $0x3  }
0x166: {  	[tilespmem:v3+s19+$0x0] =	vst.idx.msk $0xffff, v1  }
0x167: {  	[tilespmem:v4+s19+$0x0] =	vst.idx.msk $0xffff, v2  }
0x168: {  	[tilespmem:$0x1F540] =	vst v3;
	v3 =	vadd.s32 $0x3C, v0;
	v1 =	vld [tilespmem:$0x880]  }
0x169: {  	[tilespmem:$0x1F550] =	vst v4;
	v4 =	vadd.s32 $0x8BC, v0;
	v2 =	vld [tilespmem:$0x890];
	_ =	sdelay $0x3  }
0x16a: {  	[tilespmem:v3+s19+$0x0] =	vst.idx.msk $0xffff, v1  }
0x16b: {  	[tilespmem:v4+s19+$0x0] =	vst.idx.msk $0xffff, v2  }
0x16c: {  	[tilespmem:$0x1F560] =	vst v3;
	v3 =	vadd.s32 $0x3D, v0;
	v1 =	vld [tilespmem:$0x8A0]  }
0x16d: {  	[tilespmem:$0x1F570] =	vst v4;
	v4 =	vadd.s32 $0x8BD, v0;
	v2 =	vld [tilespmem:$0x8B0];
	_ =	sdelay $0x3  }
0x16e: {  	[tilespmem:v3+s19+$0x0] =	vst.idx.msk $0xffff, v1  }
0x16f: {  	[tilespmem:v4+s19+$0x0] =	vst.idx.msk $0xffff, v2  }
0x170: {  	[tilespmem:$0x1F580] =	vst v3;
	v3 =	vadd.s32 $0x3E, v0;
	v1 =	vld [tilespmem:$0x8C0]  }
0x171: {  	[tilespmem:$0x1F590] =	vst v4;
	v4 =	vadd.s32 $0x8BE, v0;
	v2 =	vld [tilespmem:$0x8D0];
	_ =	sdelay $0x3  }
0x172: {  	[tilespmem:v3+s19+$0x0] =	vst.idx.msk $0xffff, v1  }
0x173: {  	[tilespmem:v4+s19+$0x0] =	vst.idx.msk $0xffff, v2  }
0x174: {  	[tilespmem:$0x1F5A0] =	vst v3;
	v3 =	vadd.s32 $0x3F, v0;
	v1 =	vld [tilespmem:$0x8E0]  }
0x175: {  	[tilespmem:$0x1F5B0] =	vst v4;
	v4 =	vadd.s32 $0x8BF, v0;
	v2 =	vld [tilespmem:$0x8F0];
	_ =	sdelay $0x3  }
0x176: {  	[tilespmem:v3+s19+$0x0] =	vst.idx.msk $0xffff, v1  }
0x177: {  	[tilespmem:v4+s19+$0x0] =	vst.idx.msk $0xffff, v2  }
0x178: {  	[tilespmem:$0x1F5C0] =	vst v3;
	v3 =	vadd.s32 $0x40, v0;
	v1 =	vld [tilespmem:$0x900]  }
0x179: {  	[tilespmem:$0x1F5D0] =	vst v4;
	v4 =	vadd.s32 $0x8C0, v0;
	v2 =	vld [tilespmem:$0x910];
	_ =	sdelay $0x3  }
0x17a: {  	[tilespmem:v3+s19+$0x0] =	vst.idx.msk $0xffff, v1  }
0x17b: {  	[tilespmem:v4+s19+$0x0] =	vst.idx.msk $0xffff, v2  }
0x17c: {  	[tilespmem:$0x1F5E0] =	vst v3;
	v3 =	vadd.s32 $0x41, v0;
	v1 =	vld [tilespmem:$0x920]  }
0x17d: {  	[tilespmem:$0x1F5F0] =	vst v4;
	v4 =	vadd.s32 $0x8C1, v0;
	v2 =	vld [tilespmem:$0x930];
	_ =	sdelay $0x3  }
0x17e: {  	[tilespmem:v3+s19+$0x0] =	vst.idx.msk $0xffff, v1  }
0x17f: {  	[tilespmem:v4+s19+$0x0] =	vst.idx.msk $0xffff, v2  }
0x180: {  	[tilespmem:$0x1F600] =	vst v3;
	v3 =	vadd.s32 $0x42, v0;
	v1 =	vld [tilespmem:$0x940]  }
0x181: {  	[tilespmem:$0x1F610] =	vst v4;
	v4 =	vadd.s32 $0x8C2, v0;
	v2 =	vld [tilespmem:$0x950];
	_ =	sdelay $0x3  }
0x182: {  	[tilespmem:v3+s19+$0x0] =	vst.idx.msk $0xffff, v1  }
0x183: {  	[tilespmem:v4+s19+$0x0] =	vst.idx.msk $0xffff, v2  }
0x184: {  	[tilespmem:$0x1F620] =	vst v3;
	v3 =	vadd.s32 $0x43, v0;
	v1 =	vld [tilespmem:$0x960]  }
0x185: {  	[tilespmem:$0x1F630] =	vst v4;
	v4 =	vadd.s32 $0x8C3, v0;
	v2 =	vld [tilespmem:$0x970];
	_ =	sdelay $0x3  }
0x186: {  	[tilespmem:v3+s19+$0x0] =	vst.idx.msk $0xffff, v1  }
0x187: {  	[tilespmem:v4+s19+$0x0] =	vst.idx.msk $0xffff, v2  }
0x188: {  	[tilespmem:$0x1F640] =	vst v3;
	v3 =	vadd.s32 $0x44, v0;
	v1 =	vld [tilespmem:$0x980]  }
0x189: {  	[tilespmem:$0x1F650] =	vst v4;
	v4 =	vadd.s32 $0x8C4, v0;
	v2 =	vld [tilespmem:$0x990];
	_ =	sdelay $0x3  }
0x18a: {  	[tilespmem:v3+s19+$0x0] =	vst.idx.msk $0xffff, v1  }
0x18b: {  	[tilespmem:v4+s19+$0x0] =	vst.idx.msk $0xffff, v2  }
0x18c: {  	[tilespmem:$0x1F660] =	vst v3;
	v3 =	vadd.s32 $0x45, v0;
	v1 =	vld [tilespmem:$0x9A0]  }
0x18d: {  	[tilespmem:$0x1F670] =	vst v4;
	v4 =	vadd.s32 $0x8C5, v0;
	v2 =	vld [tilespmem:$0x9B0];
	_ =	sdelay $0x3  }
0x18e: {  	[tilespmem:v3+s19+$0x0] =	vst.idx.msk $0xffff, v1  }
0x18f: {  	[tilespmem:v4+s19+$0x0] =	vst.idx.msk $0xffff, v2  }
0x190: {  	[tilespmem:$0x1F680] =	vst v3;
	v3 =	vadd.s32 $0x46, v0;
	v1 =	vld [tilespmem:$0x9C0]  }
0x191: {  	[tilespmem:$0x1F690] =	vst v4;
	v4 =	vadd.s32 $0x8C6, v0;
	v2 =	vld [tilespmem:$0x9D0];
	_ =	sdelay $0x3  }
0x192: {  	[tilespmem:v3+s19+$0x0] =	vst.idx.msk $0xffff, v1  }
0x193: {  	[tilespmem:v4+s19+$0x0] =	vst.idx.msk $0xffff, v2  }
0x194: {  	[tilespmem:$0x1F6A0] =	vst v3;
	v3 =	vadd.s32 $0x47, v0;
	v1 =	vld [tilespmem:$0x9E0]  }
0x195: {  	[tilespmem:$0x1F6B0] =	vst v4;
	v4 =	vadd.s32 $0x8C7, v0;
	v2 =	vld [tilespmem:$0x9F0];
	_ =	sdelay $0x3  }
0x196: {  	[tilespmem:v3+s19+$0x0] =	vst.idx.msk $0xffff, v1  }
0x197: {  	[tilespmem:v4+s19+$0x0] =	vst.idx.msk $0xffff, v2  }
0x198: {  	[tilespmem:$0x1F6C0] =	vst v3;
	v3 =	vadd.s32 $0x48, v0;
	v1 =	vld [tilespmem:$0xA00]  }
0x199: {  	[tilespmem:$0x1F6D0] =	vst v4;
	v4 =	vadd.s32 $0x8C8, v0;
	v2 =	vld [tilespmem:$0xA10];
	_ =	sdelay $0x3  }
0x19a: {  	[tilespmem:v3+s19+$0x0] =	vst.idx.msk $0xffff, v1  }
0x19b: {  	[tilespmem:v4+s19+$0x0] =	vst.idx.msk $0xffff, v2  }
0x19c: {  	[tilespmem:$0x1F6E0] =	vst v3;
	v3 =	vadd.s32 $0x49, v0;
	v1 =	vld [tilespmem:$0xA20]  }
0x19d: {  	[tilespmem:$0x1F6F0] =	vst v4;
	v4 =	vadd.s32 $0x8C9, v0;
	v2 =	vld [tilespmem:$0xA30];
	_ =	sdelay $0x3  }
0x19e: {  	[tilespmem:v3+s19+$0x0] =	vst.idx.msk $0xffff, v1  }
0x19f: {  	[tilespmem:v4+s19+$0x0] =	vst.idx.msk $0xffff, v2  }
0x1a0: {  	[tilespmem:$0x1F700] =	vst v3;
	v3 =	vadd.s32 $0x4A, v0;
	v1 =	vld [tilespmem:$0xA40]  }
0x1a1: {  	[tilespmem:$0x1F710] =	vst v4;
	v4 =	vadd.s32 $0x8CA, v0;
	v2 =	vld [tilespmem:$0xA50];
	_ =	sdelay $0x3  }
0x1a2: {  	[tilespmem:v3+s19+$0x0] =	vst.idx.msk $0xffff, v1  }
0x1a3: {  	[tilespmem:v4+s19+$0x0] =	vst.idx.msk $0xffff, v2  }
0x1a4: {  	[tilespmem:$0x1F720] =	vst v3;
	v3 =	vadd.s32 $0x4B, v0;
	v1 =	vld [tilespmem:$0xA60]  }
0x1a5: {  	[tilespmem:$0x1F730] =	vst v4;
	v4 =	vadd.s32 $0x8CB, v0;
	v2 =	vld [tilespmem:$0xA70];
	_ =	sdelay $0x3  }
0x1a6: {  	[tilespmem:v3+s19+$0x0] =	vst.idx.msk $0xffff, v1  }
0x1a7: {  	[tilespmem:v4+s19+$0x0] =	vst.idx.msk $0xffff, v2  }
0x1a8: {  	[tilespmem:$0x1F740] =	vst v3;
	v3 =	vadd.s32 $0x4C, v0;
	v1 =	vld [tilespmem:$0xA80]  }
0x1a9: {  	[tilespmem:$0x1F750] =	vst v4;
	v4 =	vadd.s32 $0x8CC, v0;
	v2 =	vld [tilespmem:$0xA90];
	_ =	sdelay $0x3  }
0x1aa: {  	[tilespmem:v3+s19+$0x0] =	vst.idx.msk $0xffff, v1  }
0x1ab: {  	[tilespmem:v4+s19+$0x0] =	vst.idx.msk $0xffff, v2  }
0x1ac: {  	[tilespmem:$0x1F760] =	vst v3;
	v3 =	vadd.s32 $0x4D, v0;
	v1 =	vld [tilespmem:$0xAA0]  }
0x1ad: {  	[tilespmem:$0x1F770] =	vst v4;
	v4 =	vadd.s32 $0x8CD, v0;
	v2 =	vld [tilespmem:$0xAB0];
	_ =	sdelay $0x3  }
0x1ae: {  	[tilespmem:v3+s19+$0x0] =	vst.idx.msk $0xffff, v1  }
0x1af: {  	[tilespmem:v4+s19+$0x0] =	vst.idx.msk $0xffff, v2  }
0x1b0: {  	[tilespmem:$0x1F780] =	vst v3;
	v3 =	vadd.s32 $0x4E, v0;
	v1 =	vld [tilespmem:$0xAC0]  }
0x1b1: {  	[tilespmem:$0x1F790] =	vst v4;
	v4 =	vadd.s32 $0x8CE, v0;
	v2 =	vld [tilespmem:$0xAD0];
	_ =	sdelay $0x3  }
0x1b2: {  	[tilespmem:v3+s19+$0x0] =	vst.idx.msk $0xffff, v1  }
0x1b3: {  	[tilespmem:v4+s19+$0x0] =	vst.idx.msk $0xffff, v2  }
0x1b4: {  	[tilespmem:$0x1F7A0] =	vst v3;
	v3 =	vadd.s32 $0x4F, v0;
	v1 =	vld [tilespmem:$0xAE0]  }
0x1b5: {  	[tilespmem:$0x1F7B0] =	vst v4;
	v4 =	vadd.s32 $0x8CF, v0;
	v2 =	vld [tilespmem:$0xAF0];
	_ =	sdelay $0x3  }
0x1b6: {  	[tilespmem:v3+s19+$0x0] =	vst.idx.msk $0xffff, v1  }
0x1b7: {  	[tilespmem:v4+s19+$0x0] =	vst.idx.msk $0xffff, v2  }
0x1b8: {  	[tilespmem:$0x1F7C0] =	vst v3;
	v3 =	vadd.s32 $0x50, v0;
	v1 =	vld [tilespmem:$0xB00]  }
0x1b9: {  	[tilespmem:$0x1F7D0] =	vst v4;
	v4 =	vadd.s32 $0x8D0, v0;
	v2 =	vld [tilespmem:$0xB10];
	_ =	sdelay $0x3  }
0x1ba: {  	[tilespmem:v3+s19+$0x0] =	vst.idx.msk $0xffff, v1  }
0x1bb: {  	[tilespmem:v4+s19+$0x0] =	vst.idx.msk $0xffff, v2  }
0x1bc: {  	[tilespmem:$0x1F7E0] =	vst v3;
	v3 =	vadd.s32 $0x51, v0;
	v1 =	vld [tilespmem:$0xB20]  }
0x1bd: {  	[tilespmem:$0x1F7F0] =	vst v4;
	v4 =	vadd.s32 $0x8D1, v0;
	v2 =	vld [tilespmem:$0xB30];
	_ =	sdelay $0x3  }
0x1be: {  	[tilespmem:v3+s19+$0x0] =	vst.idx.msk $0xffff, v1  }
0x1bf: {  	[tilespmem:v4+s19+$0x0] =	vst.idx.msk $0xffff, v2  }
0x1c0: {  	[tilespmem:$0x1F800] =	vst v3;
	v3 =	vadd.s32 $0x52, v0;
	v1 =	vld [tilespmem:$0xB40]  }
0x1c1: {  	[tilespmem:$0x1F810] =	vst v4;
	v4 =	vadd.s32 $0x8D2, v0;
	v2 =	vld [tilespmem:$0xB50];
	_ =	sdelay $0x3  }
0x1c2: {  	[tilespmem:v3+s19+$0x0] =	vst.idx.msk $0xffff, v1  }
0x1c3: {  	[tilespmem:v4+s19+$0x0] =	vst.idx.msk $0xffff, v2  }
0x1c4: {  	[tilespmem:$0x1F820] =	vst v3;
	v3 =	vadd.s32 $0x53, v0;
	v1 =	vld [tilespmem:$0xB60]  }
0x1c5: {  	[tilespmem:$0x1F830] =	vst v4;
	v4 =	vadd.s32 $0x8D3, v0;
	v2 =	vld [tilespmem:$0xB70];
	_ =	sdelay $0x3  }
0x1c6: {  	[tilespmem:v3+s19+$0x0] =	vst.idx.msk $0xffff, v1  }
0x1c7: {  	[tilespmem:v4+s19+$0x0] =	vst.idx.msk $0xffff, v2  }
0x1c8: {  	[tilespmem:$0x1F840] =	vst v3;
	v3 =	vadd.s32 $0x54, v0;
	v1 =	vld [tilespmem:$0xB80]  }
0x1c9: {  	[tilespmem:$0x1F850] =	vst v4;
	v4 =	vadd.s32 $0x8D4, v0;
	v2 =	vld [tilespmem:$0xB90];
	_ =	sdelay $0x3  }
0x1ca: {  	[tilespmem:v3+s19+$0x0] =	vst.idx.msk $0xffff, v1  }
0x1cb: {  	[tilespmem:v4+s19+$0x0] =	vst.idx.msk $0xffff, v2  }
0x1cc: {  	[tilespmem:$0x1F860] =	vst v3;
	v3 =	vadd.s32 $0x55, v0;
	v1 =	vld [tilespmem:$0xBA0]  }
0x1cd: {  	[tilespmem:$0x1F870] =	vst v4;
	v4 =	vadd.s32 $0x8D5, v0;
	v2 =	vld [tilespmem:$0xBB0];
	_ =	sdelay $0x3  }
0x1ce: {  	[tilespmem:v3+s19+$0x0] =	vst.idx.msk $0xffff, v1  }
0x1cf: {  	[tilespmem:v4+s19+$0x0] =	vst.idx.msk $0xffff, v2  }
0x1d0: {  	[tilespmem:$0x1F880] =	vst v3;
	v3 =	vadd.s32 $0x56, v0;
	v1 =	vld [tilespmem:$0xBC0]  }
0x1d1: {  	[tilespmem:$0x1F890] =	vst v4;
	v4 =	vadd.s32 $0x8D6, v0;
	v2 =	vld [tilespmem:$0xBD0];
	_ =	sdelay $0x3  }
0x1d2: {  	[tilespmem:v3+s19+$0x0] =	vst.idx.msk $0xffff, v1  }
0x1d3: {  	[tilespmem:v4+s19+$0x0] =	vst.idx.msk $0xffff, v2  }
0x1d4: {  	[tilespmem:$0x1F8A0] =	vst v3;
	v3 =	vadd.s32 $0x57, v0;
	v1 =	vld [tilespmem:$0xBE0]  }
0x1d5: {  	[tilespmem:$0x1F8B0] =	vst v4;
	v4 =	vadd.s32 $0x8D7, v0;
	v2 =	vld [tilespmem:$0xBF0];
	_ =	sdelay $0x3  }
0x1d6: {  	[tilespmem:v3+s19+$0x0] =	vst.idx.msk $0xffff, v1  }
0x1d7: {  	[tilespmem:v4+s19+$0x0] =	vst.idx.msk $0xffff, v2  }
0x1d8: {  	[tilespmem:$0x1F8C0] =	vst v3;
	v3 =	vadd.s32 $0x58, v0;
	v1 =	vld [tilespmem:$0xC00]  }
0x1d9: {  	[tilespmem:$0x1F8D0] =	vst v4;
	v4 =	vadd.s32 $0x8D8, v0;
	v2 =	vld [tilespmem:$0xC10];
	_ =	sdelay $0x3  }
0x1da: {  	[tilespmem:v3+s19+$0x0] =	vst.idx.msk $0xffff, v1  }
0x1db: {  	[tilespmem:v4+s19+$0x0] =	vst.idx.msk $0xffff, v2  }
0x1dc: {  	[tilespmem:$0x1F8E0] =	vst v3;
	v3 =	vadd.s32 $0x59, v0;
	v1 =	vld [tilespmem:$0xC20]  }
0x1dd: {  	[tilespmem:$0x1F8F0] =	vst v4;
	v4 =	vadd.s32 $0x8D9, v0;
	v2 =	vld [tilespmem:$0xC30];
	_ =	sdelay $0x3  }
0x1de: {  	[tilespmem:v3+s19+$0x0] =	vst.idx.msk $0xffff, v1  }
0x1df: {  	[tilespmem:v4+s19+$0x0] =	vst.idx.msk $0xffff, v2  }
0x1e0: {  	[tilespmem:$0x1F900] =	vst v3;
	v3 =	vadd.s32 $0x5A, v0;
	v1 =	vld [tilespmem:$0xC40]  }
0x1e1: {  	[tilespmem:$0x1F910] =	vst v4;
	v4 =	vadd.s32 $0x8DA, v0;
	v2 =	vld [tilespmem:$0xC50];
	_ =	sdelay $0x3  }
0x1e2: {  	[tilespmem:v3+s19+$0x0] =	vst.idx.msk $0xffff, v1  }
0x1e3: {  	[tilespmem:v4+s19+$0x0] =	vst.idx.msk $0xffff, v2  }
0x1e4: {  	[tilespmem:$0x1F920] =	vst v3;
	v3 =	vadd.s32 $0x5B, v0;
	v1 =	vld [tilespmem:$0xC60]  }
0x1e5: {  	[tilespmem:$0x1F930] =	vst v4;
	v4 =	vadd.s32 $0x8DB, v0;
	v2 =	vld [tilespmem:$0xC70];
	_ =	sdelay $0x3  }
0x1e6: {  	[tilespmem:v3+s19+$0x0] =	vst.idx.msk $0xffff, v1  }
0x1e7: {  	[tilespmem:v4+s19+$0x0] =	vst.idx.msk $0xffff, v2  }
0x1e8: {  	[tilespmem:$0x1F940] =	vst v3;
	v3 =	vadd.s32 $0x5C, v0;
	v1 =	vld [tilespmem:$0xC80]  }
0x1e9: {  	[tilespmem:$0x1F950] =	vst v4;
	v4 =	vadd.s32 $0x8DC, v0;
	v2 =	vld [tilespmem:$0xC90];
	_ =	sdelay $0x2  }
0x1ea: {  	[tilespmem:$0x1F960] =	vst v3  }
0x1eb: {  	[tilespmem:v3+s19+$0x0] =	vst.idx.msk $0xffff, v1  }
0x1ec: {  	[tilespmem:v4+s19+$0x0] =	vst.idx.msk $0xffff, v2  }
0x1ed: {  	v3 =	vadd.s32 $0x5D, v0;
	v1 =	vld [tilespmem:$0xCA0]  }
0x1ee: {  	[tilespmem:$0x1F970] =	vst v4;
	v4 =	vadd.s32 $0x8DD, v0;
	v2 =	vld [tilespmem:$0xCB0];
	_ =	sdelay $0x3  }
0x1ef: {  	[tilespmem:v3+s19+$0x0] =	vst.idx.msk $0xffff, v1  }
0x1f0: {  	[tilespmem:v4+s19+$0x0] =	vst.idx.msk $0xffff, v2  }
0x1f1: {  	[tilespmem:$0x1F980] =	vst v3;
	v3 =	vadd.s32 $0x5E, v0;
	v1 =	vld [tilespmem:$0xCC0]  }
0x1f2: {  	[tilespmem:$0x1F990] =	vst v4;
	v4 =	vadd.s32 $0x8DE, v0;
	v2 =	vld [tilespmem:$0xCD0];
	_ =	sdelay $0x3  }
0x1f3: {  	[tilespmem:v3+s19+$0x0] =	vst.idx.msk $0xffff, v1  }
0x1f4: {  	[tilespmem:v4+s19+$0x0] =	vst.idx.msk $0xffff, v2  }
0x1f5: {  	[tilespmem:$0x1F9A0] =	vst v3;
	v3 =	vadd.s32 $0x5F, v0;
	v1 =	vld [tilespmem:$0xCE0]  }
0x1f6: {  	[tilespmem:$0x1F9B0] =	vst v4;
	v4 =	vadd.s32 $0x8DF, v0;
	v2 =	vld [tilespmem:$0xCF0];
	_ =	sdelay $0x3  }
0x1f7: {  	[tilespmem:v3+s19+$0x0] =	vst.idx.msk $0xffff, v1  }
0x1f8: {  	[tilespmem:v4+s19+$0x0] =	vst.idx.msk $0xffff, v2  }
0x1f9: {  	[tilespmem:$0x1F9C0] =	vst v3;
	v3 =	vadd.s32 $0x60, v0;
	v1 =	vld [tilespmem:$0xD00]  }
0x1fa: {  	[tilespmem:$0x1F9D0] =	vst v4;
	v4 =	vadd.s32 $0x8E0, v0;
	v2 =	vld [tilespmem:$0xD10];
	_ =	sdelay $0x3  }
0x1fb: {  	[tilespmem:v3+s19+$0x0] =	vst.idx.msk $0xffff, v1  }
0x1fc: {  	[tilespmem:v4+s19+$0x0] =	vst.idx.msk $0xffff, v2  }
0x1fd: {  	[tilespmem:$0x1F9E0] =	vst v3;
	v3 =	vadd.s32 $0x61, v0;
	v1 =	vld [tilespmem:$0xD20]  }
0x1fe: {  	[tilespmem:$0x1F9F0] =	vst v4;
	v4 =	vadd.s32 $0x8E1, v0;
	v2 =	vld [tilespmem:$0xD30];
	_ =	sdelay $0x3  }
0x1ff: {  	[tilespmem:v3+s19+$0x0] =	vst.idx.msk $0xffff, v1  }
0x200: {  	[tilespmem:v4+s19+$0x0] =	vst.idx.msk $0xffff, v2  }
0x201: {  	[tilespmem:$0x1FA00] =	vst v3;
	v3 =	vadd.s32 $0x62, v0;
	v1 =	vld [tilespmem:$0xD40]  }
0x202: {  	[tilespmem:$0x1FA10] =	vst v4;
	v4 =	vadd.s32 $0x8E2, v0;
	v2 =	vld [tilespmem:$0xD50];
	_ =	sdelay $0x3  }
0x203: {  	[tilespmem:v3+s19+$0x0] =	vst.idx.msk $0xffff, v1  }
0x204: {  	[tilespmem:v4+s19+$0x0] =	vst.idx.msk $0xffff, v2  }
0x205: {  	[tilespmem:$0x1FA20] =	vst v3;
	v3 =	vadd.s32 $0x63, v0;
	v1 =	vld [tilespmem:$0xD60]  }
0x206: {  	[tilespmem:$0x1FA30] =	vst v4;
	v4 =	vadd.s32 $0x8E3, v0;
	v2 =	vld [tilespmem:$0xD70];
	_ =	sdelay $0x3  }
0x207: {  	[tilespmem:v3+s19+$0x0] =	vst.idx.msk $0xffff, v1  }
0x208: {  	[tilespmem:v4+s19+$0x0] =	vst.idx.msk $0xffff, v2  }
0x209: {  	[tilespmem:$0x1FA40] =	vst v3;
	v3 =	vadd.s32 $0x64, v0;
	v1 =	vld [tilespmem:$0xD80]  }
0x20a: {  	[tilespmem:$0x1FA50] =	vst v4;
	v4 =	vadd.s32 $0x8E4, v0;
	v2 =	vld [tilespmem:$0xD90];
	_ =	sdelay $0x3  }
0x20b: {  	[tilespmem:v3+s19+$0x0] =	vst.idx.msk $0xffff, v1  }
0x20c: {  	[tilespmem:v4+s19+$0x0] =	vst.idx.msk $0xffff, v2  }
0x20d: {  	[tilespmem:$0x1FA60] =	vst v3;
	v3 =	vadd.s32 $0x65, v0;
	v1 =	vld [tilespmem:$0xDA0]  }
0x20e: {  	[tilespmem:$0x1FA70] =	vst v4;
	v4 =	vadd.s32 $0x8E5, v0;
	v2 =	vld [tilespmem:$0xDB0];
	_ =	sdelay $0x3  }
0x20f: {  	[tilespmem:v3+s19+$0x0] =	vst.idx.msk $0xffff, v1  }
0x210: {  	[tilespmem:v4+s19+$0x0] =	vst.idx.msk $0xffff, v2  }
0x211: {  	[tilespmem:$0x1FA80] =	vst v3;
	v3 =	vadd.s32 $0x66, v0;
	v1 =	vld [tilespmem:$0xDC0]  }
0x212: {  	[tilespmem:$0x1FA90] =	vst v4;
	v4 =	vadd.s32 $0x8E6, v0;
	v2 =	vld [tilespmem:$0xDD0];
	_ =	sdelay $0x3  }
0x213: {  	[tilespmem:v3+s19+$0x0] =	vst.idx.msk $0xffff, v1  }
0x214: {  	[tilespmem:v4+s19+$0x0] =	vst.idx.msk $0xffff, v2  }
0x215: {  	[tilespmem:$0x1FAA0] =	vst v3;
	v3 =	vadd.s32 $0x67, v0;
	v1 =	vld [tilespmem:$0xDE0]  }
0x216: {  	[tilespmem:$0x1FAB0] =	vst v4;
	v4 =	vadd.s32 $0x8E7, v0;
	v2 =	vld [tilespmem:$0xDF0];
	_ =	sdelay $0x3  }
0x217: {  	[tilespmem:v3+s19+$0x0] =	vst.idx.msk $0xffff, v1  }
0x218: {  	[tilespmem:v4+s19+$0x0] =	vst.idx.msk $0xffff, v2  }
0x219: {  	[tilespmem:$0x1FAC0] =	vst v3;
	v3 =	vadd.s32 $0x68, v0;
	v1 =	vld [tilespmem:$0xE00]  }
0x21a: {  	[tilespmem:$0x1FAD0] =	vst v4;
	v4 =	vadd.s32 $0x8E8, v0;
	v2 =	vld [tilespmem:$0xE10];
	_ =	sdelay $0x3  }
0x21b: {  	[tilespmem:v3+s19+$0x0] =	vst.idx.msk $0xffff, v1  }
0x21c: {  	[tilespmem:v4+s19+$0x0] =	vst.idx.msk $0xffff, v2  }
0x21d: {  	[tilespmem:$0x1FAE0] =	vst v3;
	v3 =	vadd.s32 $0x69, v0;
	v1 =	vld [tilespmem:$0xE20]  }
0x21e: {  	[tilespmem:$0x1FAF0] =	vst v4;
	v4 =	vadd.s32 $0x8E9, v0;
	v2 =	vld [tilespmem:$0xE30];
	_ =	sdelay $0x3  }
0x21f: {  	[tilespmem:v3+s19+$0x0] =	vst.idx.msk $0xffff, v1  }
0x220: {  	[tilespmem:v4+s19+$0x0] =	vst.idx.msk $0xffff, v2  }
0x221: {  	[tilespmem:$0x1FB00] =	vst v3;
	v3 =	vadd.s32 $0x6A, v0;
	v1 =	vld [tilespmem:$0xE40]  }
0x222: {  	[tilespmem:$0x1FB10] =	vst v4;
	v4 =	vadd.s32 $0x8EA, v0;
	v2 =	vld [tilespmem:$0xE50];
	_ =	sdelay $0x3  }
0x223: {  	[tilespmem:v3+s19+$0x0] =	vst.idx.msk $0xffff, v1  }
0x224: {  	[tilespmem:v4+s19+$0x0] =	vst.idx.msk $0xffff, v2  }
0x225: {  	[tilespmem:$0x1FB20] =	vst v3;
	v3 =	vadd.s32 $0x6B, v0;
	v1 =	vld [tilespmem:$0xE60]  }
0x226: {  	[tilespmem:$0x1FB30] =	vst v4;
	v4 =	vadd.s32 $0x8EB, v0;
	v2 =	vld [tilespmem:$0xE70];
	_ =	sdelay $0x3  }
0x227: {  	[tilespmem:v3+s19+$0x0] =	vst.idx.msk $0xffff, v1  }
0x228: {  	[tilespmem:v4+s19+$0x0] =	vst.idx.msk $0xffff, v2  }
0x229: {  	[tilespmem:$0x1FB40] =	vst v3;
	v3 =	vadd.s32 $0x6C, v0;
	v1 =	vld [tilespmem:$0xE80]  }
0x22a: {  	[tilespmem:$0x1FB50] =	vst v4;
	v4 =	vadd.s32 $0x8EC, v0;
	v2 =	vld [tilespmem:$0xE90];
	_ =	sdelay $0x3  }
0x22b: {  	[tilespmem:v3+s19+$0x0] =	vst.idx.msk $0xffff, v1  }
0x22c: {  	[tilespmem:v4+s19+$0x0] =	vst.idx.msk $0xffff, v2  }
0x22d: {  	[tilespmem:$0x1FB60] =	vst v3;
	v3 =	vadd.s32 $0x6D, v0;
	v1 =	vld [tilespmem:$0xEA0]  }
0x22e: {  	[tilespmem:$0x1FB70] =	vst v4;
	v4 =	vadd.s32 $0x8ED, v0;
	v2 =	vld [tilespmem:$0xEB0];
	_ =	sdelay $0x3  }
0x22f: {  	[tilespmem:v3+s19+$0x0] =	vst.idx.msk $0xffff, v1  }
0x230: {  	[tilespmem:v4+s19+$0x0] =	vst.idx.msk $0xffff, v2  }
0x231: {  	[tilespmem:$0x1FB80] =	vst v3;
	v3 =	vadd.s32 $0x6E, v0;
	v1 =	vld [tilespmem:$0xEC0]  }
0x232: {  	[tilespmem:$0x1FB90] =	vst v4;
	v4 =	vadd.s32 $0x8EE, v0;
	v2 =	vld [tilespmem:$0xED0];
	_ =	sdelay $0x3  }
0x233: {  	[tilespmem:v3+s19+$0x0] =	vst.idx.msk $0xffff, v1  }
0x234: {  	[tilespmem:v4+s19+$0x0] =	vst.idx.msk $0xffff, v2  }
0x235: {  	[tilespmem:$0x1FBA0] =	vst v3;
	v3 =	vadd.s32 $0x6F, v0;
	v1 =	vld [tilespmem:$0xEE0]  }
0x236: {  	[tilespmem:$0x1FBB0] =	vst v4;
	v4 =	vadd.s32 $0x8EF, v0;
	v2 =	vld [tilespmem:$0xEF0];
	_ =	sdelay $0x3  }
0x237: {  	[tilespmem:v3+s19+$0x0] =	vst.idx.msk $0xffff, v1  }
0x238: {  	[tilespmem:v4+s19+$0x0] =	vst.idx.msk $0xffff, v2  }
0x239: {  	[tilespmem:$0x1FBC0] =	vst v3;
	v3 =	vadd.s32 $0x70, v0;
	v1 =	vld [tilespmem:$0xF00]  }
0x23a: {  	[tilespmem:$0x1FBD0] =	vst v4;
	v4 =	vadd.s32 $0x8F0, v0;
	v2 =	vld [tilespmem:$0xF10];
	_ =	sdelay $0x3  }
0x23b: {  	[tilespmem:v3+s19+$0x0] =	vst.idx.msk $0xffff, v1  }
0x23c: {  	[tilespmem:v4+s19+$0x0] =	vst.idx.msk $0xffff, v2  }
0x23d: {  	[tilespmem:$0x1FBE0] =	vst v3;
	v3 =	vadd.s32 $0x71, v0;
	v1 =	vld [tilespmem:$0xF20]  }
0x23e: {  	v38 =	vadd.s32 $0x8F1, v0;
	v2 =	vld [tilespmem:$0xF30];
	_ =	sdelay $0x3  }
0x23f: {  	[tilespmem:v3+s19+$0x0] =	vst.idx.msk $0xffff, v1  }
0x240: {  	[tilespmem:v38+s19+$0x0] =	vst.idx.msk $0xffff, v2  }
0x241: {  	v39 =	vadd.s32 $0x72, v0;
	v1 =	vld [tilespmem:$0xF40]  }
0x242: {  	v40 =	vadd.s32 $0x8F2, v0;
	v2 =	vld [tilespmem:$0xF50];
	_ =	sdelay $0x3  }
0x243: {  	[tilespmem:v39+s19+$0x0] =	vst.idx.msk $0xffff, v1  }
0x244: {  	[tilespmem:v40+s19+$0x0] =	vst.idx.msk $0xffff, v2  }
0x245: {  	v41 =	vadd.s32 $0x73, v0;
	v1 =	vld [tilespmem:$0xF60]  }
0x246: {  	v42 =	vadd.s32 $0x8F3, v0;
	v2 =	vld [tilespmem:$0xF70];
	_ =	sdelay $0x3  }
0x247: {  	[tilespmem:v41+s19+$0x0] =	vst.idx.msk $0xffff, v1  }
0x248: {  	[tilespmem:v42+s19+$0x0] =	vst.idx.msk $0xffff, v2  }
0x249: {  	v43 =	vadd.s32 $0x74, v0;
	v1 =	vld [tilespmem:$0xF80]  }
0x24a: {  	v44 =	vadd.s32 $0x8F4, v0;
	v2 =	vld [tilespmem:$0xF90];
	_ =	sdelay $0x3  }
0x24b: {  	[tilespmem:v43+s19+$0x0] =	vst.idx.msk $0xffff, v1  }
0x24c: {  	[tilespmem:v44+s19+$0x0] =	vst.idx.msk $0xffff, v2  }
0x24d: {  	v45 =	vadd.s32 $0x75, v0;
	v1 =	vld [tilespmem:$0xFA0]  }
0x24e: {  	v46 =	vadd.s32 $0x8F5, v0;
	v2 =	vld [tilespmem:$0xFB0];
	_ =	sdelay $0x3  }
0x24f: {  	[tilespmem:v45+s19+$0x0] =	vst.idx.msk $0xffff, v1  }
0x250: {  	[tilespmem:v46+s19+$0x0] =	vst.idx.msk $0xffff, v2  }
0x251: {  	v47 =	vadd.s32 $0x76, v0;
	v1 =	vld [tilespmem:$0xFC0]  }
0x252: {  	v48 =	vadd.s32 $0x8F6, v0;
	v2 =	vld [tilespmem:$0xFD0];
	_ =	sdelay $0x3  }
0x253: {  	[tilespmem:v47+s19+$0x0] =	vst.idx.msk $0xffff, v1  }
0x254: {  	[tilespmem:v48+s19+$0x0] =	vst.idx.msk $0xffff, v2  }
0x255: {  	v49 =	vadd.s32 $0x77, v0;
	v1 =	vld [tilespmem:$0xFE0]  }
0x256: {  	v50 =	vadd.s32 $0x8F7, v0;
	v2 =	vld [tilespmem:$0xFF0];
	_ =	sdelay $0x3  }
0x257: {  	[tilespmem:v49+s19+$0x0] =	vst.idx.msk $0xffff, v1  }
0x258: {  	[tilespmem:v50+s19+$0x0] =	vst.idx.msk $0xffff, v2  }
0x259: {  	v51 =	vadd.s32 $0x78, v0;
	v1 =	vld [tilespmem:$0x1000]  }
0x25a: {  	v52 =	vadd.s32 $0x8F8, v0;
	v2 =	vld [tilespmem:$0x1010];
	_ =	sdelay $0x3  }
0x25b: {  	[tilespmem:v51+s19+$0x0] =	vst.idx.msk $0xffff, v1  }
0x25c: {  	[tilespmem:v52+s19+$0x0] =	vst.idx.msk $0xffff, v2  }
0x25d: {  	v53 =	vadd.s32 $0x79, v0;
	v1 =	vld [tilespmem:$0x1020]  }
0x25e: {  	v54 =	vadd.s32 $0x8F9, v0;
	v2 =	vld [tilespmem:$0x1030];
	_ =	sdelay $0x3  }
0x25f: {  	[tilespmem:v53+s19+$0x0] =	vst.idx.msk $0xffff, v1  }
0x260: {  	[tilespmem:v54+s19+$0x0] =	vst.idx.msk $0xffff, v2  }
0x261: {  	v55 =	vadd.s32 $0x7A, v0;
	v1 =	vld [tilespmem:$0x1040]  }
0x262: {  	v56 =	vadd.s32 $0x8FA, v0;
	v2 =	vld [tilespmem:$0x1050];
	_ =	sdelay $0x3  }
0x263: {  	[tilespmem:v55+s19+$0x0] =	vst.idx.msk $0xffff, v1  }
0x264: {  	[tilespmem:v56+s19+$0x0] =	vst.idx.msk $0xffff, v2  }
0x265: {  	v57 =	vadd.s32 $0x7B, v0;
	v1 =	vld [tilespmem:$0x1060]  }
0x266: {  	v58 =	vadd.s32 $0x8FB, v0;
	v2 =	vld [tilespmem:$0x1070];
	_ =	sdelay $0x3  }
0x267: {  	[tilespmem:v57+s19+$0x0] =	vst.idx.msk $0xffff, v1  }
0x268: {  	[tilespmem:v58+s19+$0x0] =	vst.idx.msk $0xffff, v2  }
0x269: {  	v59 =	vadd.s32 $0x7C, v0;
	v1 =	vld [tilespmem:$0x1080]  }
0x26a: {  	v60 =	vadd.s32 $0x8FC, v0;
	v2 =	vld [tilespmem:$0x1090];
	_ =	sdelay $0x3  }
0x26b: {  	[tilespmem:v59+s19+$0x0] =	vst.idx.msk $0xffff, v1  }
0x26c: {  	[tilespmem:v60+s19+$0x0] =	vst.idx.msk $0xffff, v2  }
0x26d: {  	v61 =	vadd.s32 $0x7D, v0;
	v1 =	vld [tilespmem:$0x10A0]  }
0x26e: {  	v62 =	vadd.s32 $0x8FD, v0;
	v2 =	vld [tilespmem:$0x10B0];
	_ =	sdelay $0x3  }
0x26f: {  	[tilespmem:v61+s19+$0x0] =	vst.idx.msk $0xffff, v1  }
0x270: {  	[tilespmem:v62+s19+$0x0] =	vst.idx.msk $0xffff, v2  }
0x271: {  	v63 =	vadd.s32 $0x7E, v0;
	v2 =	vld [tilespmem:$0x10C0]  }
0x272: {  	[tilespmem:$0x1FC00] =	vst v3;
	v1 =	vadd.s32 $0x8FE, v0;
	v3 =	vld [tilespmem:$0x10D0];
	_ =	sdelay $0x3  }
0x273: {  	[tilespmem:v63+s19+$0x0] =	vst.idx.msk $0xffff, v2  }
0x274: {  	[tilespmem:v1+s19+$0x0] =	vst.idx.msk $0xffff, v3  }
0x275: {  	[tilespmem:$0x1FBF0] =	vst v4;
	v2 =	vadd.s32 $0x7F, v0;
	v4 =	vld [tilespmem:$0x10E0]  }
0x276: {  	v3 =	vadd.s32 $0x8FF, v0;
	v5 =	vld [tilespmem:$0x10F0]  }
0x277: {  	s13 =	sand.u32 $0x40, s0  }
0x278: {  	s13 =	sor.u32 s4, s13  }
0x279: {  	s18 =	sand.u32 $0x3F0000, s31;
	s13 =	sshll.u32 s13, $0x7  }
0x27a: {  	s13 =	sor.u32 s18, s13;
	[tilespmem:v2+s19+$0x0] =	vst.idx.msk $0xffff, v4  }
0x27b: {  	s18 =	sadd.s32 s2, s13;
	[tilespmem:v3+s19+$0x0] =	vst.idx.msk $0xffff, v5  }
0x27c: {  	[hbm4b:s18+s3] =	stream.linear.scatter [tilespmem:s19], [sflag:$0x5], $0x80, $0x38;
	[tilespmem:$0x4300] =	vst v63  }
0x27d: {  	s22 =	simm.s32 $0x2188;
	s20 =	sadd.s32 $0x10, s18  }
0x27e: {  	[hbm4b:s20+s3] =	stream.linear.scatter [tilespmem:s22], [sflag:$0x5], $0x80, $0x38;
	[tilespmem:$0x4300] =	vst v63  }
0x27f: {  	s20 =	sadd.s32 $0x20, s18;
	s22 =	simm.s32 $0x2210  }
0x280: {  	[hbm4b:s20+s3] =	stream.linear.scatter [tilespmem:s22], [sflag:$0x5], $0x80, $0x38;
	[tilespmem:$0x4300] =	vst v63  }
0x281: {  	s20 =	sadd.s32 $0x30, s18;
	s22 =	simm.s32 $0x2298  }
0x282: {  	[hbm4b:s20+s3] =	stream.linear.scatter [tilespmem:s22], [sflag:$0x5], $0x80, $0x38;
	[tilespmem:$0x4300] =	vst v63  }
0x283: {  	s20 =	sadd.s32 $0x40, s18;
	s22 =	simm.s32 $0x2320  }
0x284: {  	[hbm4b:s20+s3] =	stream.linear.scatter [tilespmem:s22], [sflag:$0x5], $0x80, $0x38;
	[tilespmem:$0x4300] =	vst v63  }
0x285: {  	s20 =	sadd.s32 $0x50, s18;
	s22 =	simm.s32 $0x23A8  }
0x286: {  	[hbm4b:s20+s3] =	stream.linear.scatter [tilespmem:s22], [sflag:$0x5], $0x80, $0x38;
	[tilespmem:$0x4300] =	vst v63  }
0x287: {  	s20 =	sadd.s32 $0x60, s18;
	s22 =	simm.s32 $0x2430  }
0x288: {  	[hbm4b:s20+s3] =	stream.linear.scatter [tilespmem:s22], [sflag:$0x5], $0x80, $0x38;
	[tilespmem:$0x4300] =	vst v63  }
0x289: {  	s18 =	sadd.s32 $0x70, s18;
	s22 =	simm.s32 $0x24B8  }
0x28a: {  	[hbm4b:s18+s3] =	stream.linear.scatter [tilespmem:s22], [sflag:$0x5], $0x80, $0x38;
	[tilespmem:$0x4300] =	vst v63  }
0x28b: {  	s18 =	sadd.s32 s13, s8;
	s22 =	simm.s32 $0x2540  }
0x28c: {  	[hbm4b:s18+s3] =	stream.linear.scatter [tilespmem:s22], [sflag:$0x5], $0x80, $0x38;
	[tilespmem:$0x4300] =	vst v63  }
0x28d: {  	s20 =	sadd.s32 $0x10, s18;
	s22 =	simm.s32 $0x25C8  }
0x28e: {  	[hbm4b:s20+s3] =	stream.linear.scatter [tilespmem:s22], [sflag:$0x5], $0x80, $0x38;
	[tilespmem:$0x4300] =	vst v63  }
0x28f: {  	s20 =	sadd.s32 $0x20, s18;
	s22 =	simm.s32 $0x2650  }
0x290: {  	[hbm4b:s20+s3] =	stream.linear.scatter [tilespmem:s22], [sflag:$0x5], $0x80, $0x38;
	[tilespmem:$0x4300] =	vst v63  }
0x291: {  	s20 =	sadd.s32 $0x30, s18;
	s22 =	simm.s32 $0x26D8  }
0x292: {  	[hbm4b:s20+s3] =	stream.linear.scatter [tilespmem:s22], [sflag:$0x5], $0x80, $0x38;
	[tilespmem:$0x4300] =	vst v63  }
0x293: {  	s20 =	sadd.s32 $0x40, s18;
	s22 =	simm.s32 $0x2760  }
0x294: {  	[hbm4b:s20+s3] =	stream.linear.scatter [tilespmem:s22], [sflag:$0x5], $0x80, $0x38;
	[tilespmem:$0x4300] =	vst v63  }
0x295: {  	s20 =	sadd.s32 $0x50, s18;
	s22 =	simm.s32 $0x27E8  }
0x296: {  	[hbm4b:s20+s3] =	stream.linear.scatter [tilespmem:s22], [sflag:$0x5], $0x80, $0x38;
	[tilespmem:$0x4300] =	vst v63  }
0x297: {  	s20 =	sadd.s32 $0x60, s18;
	s22 =	simm.s32 $0x2870  }
0x298: {  	[hbm4b:s20+s3] =	stream.linear.scatter [tilespmem:s22], [sflag:$0x5], $0x80, $0x38;
	[tilespmem:$0x4300] =	vst v63  }
0x299: {  	s18 =	sadd.s32 $0x70, s18;
	s22 =	simm.s32 $0x28F8  }
0x29a: {  	[hbm4b:s18+s3] =	stream.linear.scatter [tilespmem:s22], [sflag:$0x5], $0x80, $0x38;
	[tilespmem:$0x4300] =	vst v63  }
0x29b: {  	s18 =	sadd.s32 s13, s9;
	s22 =	simm.s32 $0x2980  }
0x29c: {  	[hbm4b:s18+s3] =	stream.linear.scatter [tilespmem:s22], [sflag:$0x5], $0x80, $0x38;
	[tilespmem:$0x4300] =	vst v63  }
0x29d: {  	s20 =	sadd.s32 $0x10, s18;
	s22 =	simm.s32 $0x2A08  }
0x29e: {  	[hbm4b:s20+s3] =	stream.linear.scatter [tilespmem:s22], [sflag:$0x5], $0x80, $0x38;
	[tilespmem:$0x4300] =	vst v63  }
0x29f: {  	s20 =	sadd.s32 $0x20, s18;
	s22 =	simm.s32 $0x2A90  }
0x2a0: {  	[hbm4b:s20+s3] =	stream.linear.scatter [tilespmem:s22], [sflag:$0x5], $0x80, $0x38;
	[tilespmem:$0x4300] =	vst v63  }
0x2a1: {  	s20 =	sadd.s32 $0x30, s18;
	s22 =	simm.s32 $0x2B18  }
0x2a2: {  	[hbm4b:s20+s3] =	stream.linear.scatter [tilespmem:s22], [sflag:$0x5], $0x80, $0x38;
	[tilespmem:$0x4300] =	vst v63  }
0x2a3: {  	s20 =	sadd.s32 $0x40, s18;
	s22 =	simm.s32 $0x2BA0  }
0x2a4: {  	[hbm4b:s20+s3] =	stream.linear.scatter [tilespmem:s22], [sflag:$0x5], $0x80, $0x38;
	[tilespmem:$0x4300] =	vst v63  }
0x2a5: {  	s20 =	sadd.s32 $0x50, s18;
	s22 =	simm.s32 $0x2C28  }
0x2a6: {  	[hbm4b:s20+s3] =	stream.linear.scatter [tilespmem:s22], [sflag:$0x5], $0x80, $0x38;
	[tilespmem:$0x4300] =	vst v63  }
0x2a7: {  	s20 =	sadd.s32 $0x60, s18;
	s22 =	simm.s32 $0x2CB0  }
0x2a8: {  	[hbm4b:s20+s3] =	stream.linear.scatter [tilespmem:s22], [sflag:$0x5], $0x80, $0x38;
	[tilespmem:$0x4300] =	vst v63  }
0x2a9: {  	s18 =	sadd.s32 $0x70, s18;
	s22 =	simm.s32 $0x2D38  }
0x2aa: {  	[hbm4b:s18+s3] =	stream.linear.scatter [tilespmem:s22], [sflag:$0x5], $0x80, $0x38;
	[tilespmem:$0x4300] =	vst v63  }
0x2ab: {  	s18 =	sadd.s32 s13, s10;
	s22 =	simm.s32 $0x2DC0  }
0x2ac: {  	[hbm4b:s18+s3] =	stream.linear.scatter [tilespmem:s22], [sflag:$0x5], $0x80, $0x38;
	[tilespmem:$0x4300] =	vst v63  }
0x2ad: {  	s20 =	sadd.s32 $0x10, s18;
	s22 =	simm.s32 $0x2E48  }
0x2ae: {  	[hbm4b:s20+s3] =	stream.linear.scatter [tilespmem:s22], [sflag:$0x5], $0x80, $0x38;
	[tilespmem:$0x4300] =	vst v63  }
0x2af: {  	s20 =	sadd.s32 $0x20, s18;
	s22 =	simm.s32 $0x2ED0  }
0x2b0: {  	[hbm4b:s20+s3] =	stream.linear.scatter [tilespmem:s22], [sflag:$0x5], $0x80, $0x38;
	[tilespmem:$0x4300] =	vst v63  }
0x2b1: {  	s20 =	sadd.s32 $0x30, s18;
	s22 =	simm.s32 $0x2F58  }
0x2b2: {  	[hbm4b:s20+s3] =	stream.linear.scatter [tilespmem:s22], [sflag:$0x5], $0x80, $0x38;
	[tilespmem:$0x4300] =	vst v63  }
0x2b3: {  	s20 =	sadd.s32 $0x40, s18;
	s22 =	simm.s32 $0x2FE0  }
0x2b4: {  	[hbm4b:s20+s3] =	stream.linear.scatter [tilespmem:s22], [sflag:$0x5], $0x80, $0x38;
	[tilespmem:$0x4300] =	vst v63  }
0x2b5: {  	s20 =	sadd.s32 $0x50, s18;
	s22 =	simm.s32 $0x3068  }
0x2b6: {  	[hbm4b:s20+s3] =	stream.linear.scatter [tilespmem:s22], [sflag:$0x5], $0x80, $0x38;
	[tilespmem:$0x4300] =	vst v63  }
0x2b7: {  	s20 =	sadd.s32 $0x60, s18;
	s22 =	simm.s32 $0x30F0  }
0x2b8: {  	[hbm4b:s20+s3] =	stream.linear.scatter [tilespmem:s22], [sflag:$0x5], $0x80, $0x38;
	[tilespmem:$0x4300] =	vst v63  }
0x2b9: {  	s18 =	sadd.s32 $0x70, s18;
	s22 =	simm.s32 $0x3178  }
0x2ba: {  	[hbm4b:s18+s3] =	stream.linear.scatter [tilespmem:s22], [sflag:$0x5], $0x80, $0x38;
	[tilespmem:$0x4300] =	vst v63  }
0x2bb: {  	_ =	swait.ge [sflag:s1], $0x1000  }
0x2bc: {  	[sflag:s1] =	ssyncset.done $0x0  }
0x2bd: {  	s18 =	simm.s32 @!p0 $0x1;
	[sflag:s1] =	ssyncadd.s32 $0xFFFFF000  }
0x2be: {  	_ =	swait.ge @!p0 [sflag:s18], $0x80  }
0x2bf: {  	[sflag:s18] =	ssyncset.done @!p0 $0x0  }
0x2c0: {  	s20 =	simm.s32 @!p0 $0x100;
	[sflag:s18] =	ssyncadd.s32 @!p0 $0xFFFFFF80;
	s18 =	simm.s32 @!p0 $0x80  }
0x2c1: {  	[tilespmem:s20], [sflag:$0x3] =	stream.indirect.gather @!p0 [hbm4b:s5+s18], $0x20, s6, s18, $0xb8;
	[tilespmem:$0x4300] =	vst v63  }
0x2c2: {  	s11 =	sadd.s32 @!p0 $0x600, s11  }
0x2c3: {  	[tilespmem:s18], [sflag:$0x2] =	stream.linear.gather @!p0 [hbm4b:s11+s6], $0x80, $0x38;
	[tilespmem:$0x4300] =	vst v63  }
0x2c4: {  	p0 =	por p0, !p1  }
0x2c5: {  	_ =	swait.ge @p0 [sflag:s30], $0x400  }
0x2c6: {  	[sflag:s30] =	ssyncset.done @p0 $0x0  }
0x2c7: {  	[sflag:s30] =	ssyncadd.s32 @p0 $0xFFFFFC00  }
0x2c8: {  	_ =	swait.ge @p0 [sflag:s30], $0x400  }
0x2c9: {  	[sflag:s30] =	ssyncset.done @p0 $0x0  }
0x2ca: {  	[sflag:s30] =	ssyncadd.s32 @p0 $0xFFFFFC00  }
0x2cb: {  	_ =	swait.ge @p0 [sflag:s30], $0x400  }
0x2cc: {  	[sflag:s30] =	ssyncset.done @p0 $0x0  }
0x2cd: {  	[sflag:s30] =	ssyncadd.s32 @p0 $0xFFFFFC00  }
0x2ce: {  	_ =	swait.ge @p0 [sflag:s30], $0x400  }
0x2cf: {  	[sflag:s30] =	ssyncset.done @p0 $0x0  }
0x2d0: {  	[sflag:s30] =	ssyncadd.s32 @p0 $0xFFFFFC00  }
0x2d1: {  	v4 =	vld [tilespmem:$0x1100];
	_ =	sdelay $0x3  }
0x2d2: {  	v5 =	vld [tilespmem:$0x1110]  }
0x2d3: {  	[tilespmem:v0+s15+$0x0] =	vst.idx.msk $0xffff, v4;
	v4 =	vld [tilespmem:$0x1FC10];
	_ =	sdelay $0x5  }
0x2d4: {  	v6 =	vld [tilespmem:$0x1FC20];
	_ =	sdelay $0x1  }
0x2d5: {  	[tilespmem:v4+s15+$0x0] =	vst.idx.msk $0xffff, v5  }
0x2d6: {  	v4 =	vld [tilespmem:$0x1120];
	_ =	sdelay $0x3  }
0x2d7: {  	v5 =	vld [tilespmem:$0x1130]  }
0x2d8: {  	[tilespmem:v6+s15+$0x0] =	vst.idx.msk $0xffff, v4;
	v6 =	vld [tilespmem:$0x1FE10];
	_ =	sdelay $0x5  }
0x2d9: {  	v7 =	vld [tilespmem:$0x1FC30];
	_ =	sdelay $0x1  }
0x2da: {  	[tilespmem:v6+s15+$0x0] =	vst.idx.msk $0xffff, v5  }
0x2db: {  	v4 =	vld [tilespmem:$0x1140];
	_ =	sdelay $0x3  }
0x2dc: {  	v5 =	vld [tilespmem:$0x1150]  }
0x2dd: {  	[tilespmem:v7+s15+$0x0] =	vst.idx.msk $0xffff, v4;
	v7 =	vld [tilespmem:$0x1FE20];
	_ =	sdelay $0x5  }
0x2de: {  	v8 =	vld [tilespmem:$0x1FC40];
	_ =	sdelay $0x1  }
0x2df: {  	[tilespmem:v7+s15+$0x0] =	vst.idx.msk $0xffff, v5  }
0x2e0: {  	v4 =	vld [tilespmem:$0x1160];
	_ =	sdelay $0x3  }
0x2e1: {  	v5 =	vld [tilespmem:$0x1170]  }
0x2e2: {  	[tilespmem:v8+s15+$0x0] =	vst.idx.msk $0xffff, v4;
	v8 =	vld [tilespmem:$0x1FE30];
	_ =	sdelay $0x5  }
0x2e3: {  	v9 =	vld [tilespmem:$0x1FC50];
	_ =	sdelay $0x1  }
0x2e4: {  	[tilespmem:v8+s15+$0x0] =	vst.idx.msk $0xffff, v5  }
0x2e5: {  	v4 =	vld [tilespmem:$0x1180];
	_ =	sdelay $0x3  }
0x2e6: {  	v5 =	vld [tilespmem:$0x1190]  }
0x2e7: {  	[tilespmem:v9+s15+$0x0] =	vst.idx.msk $0xffff, v4;
	v9 =	vld [tilespmem:$0x1FE40];
	_ =	sdelay $0x5  }
0x2e8: {  	v10 =	vld [tilespmem:$0x1FC60];
	_ =	sdelay $0x1  }
0x2e9: {  	[tilespmem:v9+s15+$0x0] =	vst.idx.msk $0xffff, v5  }
0x2ea: {  	v4 =	vld [tilespmem:$0x11A0];
	_ =	sdelay $0x3  }
0x2eb: {  	v5 =	vld [tilespmem:$0x11B0]  }
0x2ec: {  	[tilespmem:v10+s15+$0x0] =	vst.idx.msk $0xffff, v4;
	v10 =	vld [tilespmem:$0x1FE50];
	_ =	sdelay $0x5  }
0x2ed: {  	v11 =	vld [tilespmem:$0x1FC70];
	_ =	sdelay $0x1  }
0x2ee: {  	[tilespmem:v10+s15+$0x0] =	vst.idx.msk $0xffff, v5  }
0x2ef: {  	v4 =	vld [tilespmem:$0x11C0];
	_ =	sdelay $0x3  }
0x2f0: {  	v5 =	vld [tilespmem:$0x11D0]  }
0x2f1: {  	[tilespmem:v11+s15+$0x0] =	vst.idx.msk $0xffff, v4;
	v11 =	vld [tilespmem:$0x1FE60];
	_ =	sdelay $0x5  }
0x2f2: {  	v12 =	vld [tilespmem:$0x1FC80];
	_ =	sdelay $0x1  }
0x2f3: {  	[tilespmem:v11+s15+$0x0] =	vst.idx.msk $0xffff, v5  }
0x2f4: {  	v4 =	vld [tilespmem:$0x11E0];
	_ =	sdelay $0x3  }
0x2f5: {  	v5 =	vld [tilespmem:$0x11F0]  }
0x2f6: {  	[tilespmem:v12+s15+$0x0] =	vst.idx.msk $0xffff, v4;
	v12 =	vld [tilespmem:$0x1FE70];
	_ =	sdelay $0x5  }
0x2f7: {  	v13 =	vld [tilespmem:$0x1FC90];
	_ =	sdelay $0x1  }
0x2f8: {  	[tilespmem:v12+s15+$0x0] =	vst.idx.msk $0xffff, v5  }
0x2f9: {  	v4 =	vld [tilespmem:$0x1200];
	_ =	sdelay $0x3  }
0x2fa: {  	v5 =	vld [tilespmem:$0x1210]  }
0x2fb: {  	[tilespmem:v13+s15+$0x0] =	vst.idx.msk $0xffff, v4;
	v13 =	vld [tilespmem:$0x1FE80];
	_ =	sdelay $0x5  }
0x2fc: {  	v14 =	vld [tilespmem:$0x1FCA0];
	_ =	sdelay $0x1  }
0x2fd: {  	[tilespmem:v13+s15+$0x0] =	vst.idx.msk $0xffff, v5  }
0x2fe: {  	v4 =	vld [tilespmem:$0x1220];
	_ =	sdelay $0x3  }
0x2ff: {  	v5 =	vld [tilespmem:$0x1230]  }
0x300: {  	[tilespmem:v14+s15+$0x0] =	vst.idx.msk $0xffff, v4;
	v14 =	vld [tilespmem:$0x1FE90];
	_ =	sdelay $0x5  }
0x301: {  	v15 =	vld [tilespmem:$0x1FCB0];
	_ =	sdelay $0x1  }
0x302: {  	[tilespmem:v14+s15+$0x0] =	vst.idx.msk $0xffff, v5  }
0x303: {  	v4 =	vld [tilespmem:$0x1240];
	_ =	sdelay $0x3  }
0x304: {  	v5 =	vld [tilespmem:$0x1250]  }
0x305: {  	[tilespmem:v15+s15+$0x0] =	vst.idx.msk $0xffff, v4;
	v15 =	vld [tilespmem:$0x1FEA0];
	_ =	sdelay $0x5  }
0x306: {  	v16 =	vld [tilespmem:$0x1FCC0];
	_ =	sdelay $0x1  }
0x307: {  	[tilespmem:v15+s15+$0x0] =	vst.idx.msk $0xffff, v5  }
0x308: {  	v4 =	vld [tilespmem:$0x1260];
	_ =	sdelay $0x3  }
0x309: {  	v5 =	vld [tilespmem:$0x1270]  }
0x30a: {  	[tilespmem:v16+s15+$0x0] =	vst.idx.msk $0xffff, v4;
	v16 =	vld [tilespmem:$0x1FEB0];
	_ =	sdelay $0x5  }
0x30b: {  	v17 =	vld [tilespmem:$0x1FCD0];
	_ =	sdelay $0x1  }
0x30c: {  	[tilespmem:v16+s15+$0x0] =	vst.idx.msk $0xffff, v5  }
0x30d: {  	v4 =	vld [tilespmem:$0x1280];
	_ =	sdelay $0x3  }
0x30e: {  	v5 =	vld [tilespmem:$0x1290]  }
0x30f: {  	[tilespmem:v17+s15+$0x0] =	vst.idx.msk $0xffff, v4;
	v17 =	vld [tilespmem:$0x1FEC0];
	_ =	sdelay $0x5  }
0x310: {  	v18 =	vld [tilespmem:$0x1FCE0];
	_ =	sdelay $0x1  }
0x311: {  	[tilespmem:v17+s15+$0x0] =	vst.idx.msk $0xffff, v5  }
0x312: {  	v4 =	vld [tilespmem:$0x12A0];
	_ =	sdelay $0x3  }
0x313: {  	v5 =	vld [tilespmem:$0x12B0]  }
0x314: {  	[tilespmem:v18+s15+$0x0] =	vst.idx.msk $0xffff, v4;
	v18 =	vld [tilespmem:$0x1FED0];
	_ =	sdelay $0x5  }
0x315: {  	v19 =	vld [tilespmem:$0x1FCF0];
	_ =	sdelay $0x1  }
0x316: {  	[tilespmem:v18+s15+$0x0] =	vst.idx.msk $0xffff, v5  }
0x317: {  	v4 =	vld [tilespmem:$0x12C0];
	_ =	sdelay $0x3  }
0x318: {  	v5 =	vld [tilespmem:$0x12D0]  }
0x319: {  	[tilespmem:v19+s15+$0x0] =	vst.idx.msk $0xffff, v4;
	v19 =	vld [tilespmem:$0x1FEE0];
	_ =	sdelay $0x5  }
0x31a: {  	v20 =	vld [tilespmem:$0x1FD00];
	_ =	sdelay $0x1  }
0x31b: {  	[tilespmem:v19+s15+$0x0] =	vst.idx.msk $0xffff, v5  }
0x31c: {  	v4 =	vld [tilespmem:$0x12E0];
	_ =	sdelay $0x3  }
0x31d: {  	v5 =	vld [tilespmem:$0x12F0]  }
0x31e: {  	[tilespmem:v20+s15+$0x0] =	vst.idx.msk $0xffff, v4;
	v20 =	vld [tilespmem:$0x1FEF0];
	_ =	sdelay $0x5  }
0x31f: {  	v21 =	vld [tilespmem:$0x1FD10];
	_ =	sdelay $0x1  }
0x320: {  	[tilespmem:v20+s15+$0x0] =	vst.idx.msk $0xffff, v5  }
0x321: {  	v4 =	vld [tilespmem:$0x1300];
	_ =	sdelay $0x3  }
0x322: {  	v5 =	vld [tilespmem:$0x1310]  }
0x323: {  	[tilespmem:v21+s15+$0x0] =	vst.idx.msk $0xffff, v4;
	v21 =	vld [tilespmem:$0x1FF00];
	_ =	sdelay $0x5  }
0x324: {  	v22 =	vld [tilespmem:$0x1FD20];
	_ =	sdelay $0x1  }
0x325: {  	[tilespmem:v21+s15+$0x0] =	vst.idx.msk $0xffff, v5  }
0x326: {  	v4 =	vld [tilespmem:$0x1320];
	_ =	sdelay $0x3  }
0x327: {  	v5 =	vld [tilespmem:$0x1330]  }
0x328: {  	[tilespmem:v22+s15+$0x0] =	vst.idx.msk $0xffff, v4;
	v22 =	vld [tilespmem:$0x1FF10];
	_ =	sdelay $0x5  }
0x329: {  	v23 =	vld [tilespmem:$0x1FD30];
	_ =	sdelay $0x1  }
0x32a: {  	[tilespmem:v22+s15+$0x0] =	vst.idx.msk $0xffff, v5  }
0x32b: {  	v4 =	vld [tilespmem:$0x1340];
	_ =	sdelay $0x3  }
0x32c: {  	v5 =	vld [tilespmem:$0x1350]  }
0x32d: {  	[tilespmem:v23+s15+$0x0] =	vst.idx.msk $0xffff, v4;
	v23 =	vld [tilespmem:$0x1FF20];
	_ =	sdelay $0x5  }
0x32e: {  	v24 =	vld [tilespmem:$0x1FD40];
	_ =	sdelay $0x1  }
0x32f: {  	[tilespmem:v23+s15+$0x0] =	vst.idx.msk $0xffff, v5  }
0x330: {  	v4 =	vld [tilespmem:$0x1360];
	_ =	sdelay $0x3  }
0x331: {  	v5 =	vld [tilespmem:$0x1370]  }
0x332: {  	[tilespmem:v24+s15+$0x0] =	vst.idx.msk $0xffff, v4;
	v24 =	vld [tilespmem:$0x1FF30];
	_ =	sdelay $0x5  }
0x333: {  	v25 =	vld [tilespmem:$0x1FD50];
	_ =	sdelay $0x1  }
0x334: {  	[tilespmem:v24+s15+$0x0] =	vst.idx.msk $0xffff, v5  }
0x335: {  	v4 =	vld [tilespmem:$0x1380];
	_ =	sdelay $0x3  }
0x336: {  	v5 =	vld [tilespmem:$0x1390]  }
0x337: {  	[tilespmem:v25+s15+$0x0] =	vst.idx.msk $0xffff, v4;
	v25 =	vld [tilespmem:$0x1FF40];
	_ =	sdelay $0x5  }
0x338: {  	v26 =	vld [tilespmem:$0x1FD60];
	_ =	sdelay $0x1  }
0x339: {  	[tilespmem:v25+s15+$0x0] =	vst.idx.msk $0xffff, v5  }
0x33a: {  	v4 =	vld [tilespmem:$0x13A0];
	_ =	sdelay $0x3  }
0x33b: {  	v5 =	vld [tilespmem:$0x13B0]  }
0x33c: {  	[tilespmem:v26+s15+$0x0] =	vst.idx.msk $0xffff, v4;
	v26 =	vld [tilespmem:$0x1FF50];
	_ =	sdelay $0x5  }
0x33d: {  	v27 =	vld [tilespmem:$0x1FD70];
	_ =	sdelay $0x1  }
0x33e: {  	[tilespmem:v26+s15+$0x0] =	vst.idx.msk $0xffff, v5  }
0x33f: {  	v4 =	vld [tilespmem:$0x13C0];
	_ =	sdelay $0x3  }
0x340: {  	v5 =	vld [tilespmem:$0x13D0]  }
0x341: {  	[tilespmem:v27+s15+$0x0] =	vst.idx.msk $0xffff, v4;
	v27 =	vld [tilespmem:$0x1FF60];
	_ =	sdelay $0x5  }
0x342: {  	v28 =	vld [tilespmem:$0x1FD80];
	_ =	sdelay $0x1  }
0x343: {  	[tilespmem:v27+s15+$0x0] =	vst.idx.msk $0xffff, v5  }
0x344: {  	v4 =	vld [tilespmem:$0x13E0];
	_ =	sdelay $0x3  }
0x345: {  	v5 =	vld [tilespmem:$0x13F0]  }
0x346: {  	[tilespmem:v28+s15+$0x0] =	vst.idx.msk $0xffff, v4;
	v28 =	vld [tilespmem:$0x1FF70];
	_ =	sdelay $0x5  }
0x347: {  	v29 =	vld [tilespmem:$0x1FD90];
	_ =	sdelay $0x1  }
0x348: {  	[tilespmem:v28+s15+$0x0] =	vst.idx.msk $0xffff, v5  }
0x349: {  	v4 =	vld [tilespmem:$0x1400];
	_ =	sdelay $0x3  }
0x34a: {  	v5 =	vld [tilespmem:$0x1410]  }
0x34b: {  	[tilespmem:v29+s15+$0x0] =	vst.idx.msk $0xffff, v4;
	v29 =	vld [tilespmem:$0x1FF80];
	_ =	sdelay $0x5  }
0x34c: {  	v30 =	vld [tilespmem:$0x1FDA0];
	_ =	sdelay $0x1  }
0x34d: {  	[tilespmem:v29+s15+$0x0] =	vst.idx.msk $0xffff, v5  }
0x34e: {  	v4 =	vld [tilespmem:$0x1420];
	_ =	sdelay $0x3  }
0x34f: {  	v5 =	vld [tilespmem:$0x1430]  }
0x350: {  	[tilespmem:v30+s15+$0x0] =	vst.idx.msk $0xffff, v4;
	v30 =	vld [tilespmem:$0x1FF90];
	_ =	sdelay $0x5  }
0x351: {  	v31 =	vld [tilespmem:$0x1FDB0];
	_ =	sdelay $0x1  }
0x352: {  	[tilespmem:v30+s15+$0x0] =	vst.idx.msk $0xffff, v5  }
0x353: {  	v4 =	vld [tilespmem:$0x1440];
	_ =	sdelay $0x3  }
0x354: {  	v5 =	vld [tilespmem:$0x1450]  }
0x355: {  	[tilespmem:v31+s15+$0x0] =	vst.idx.msk $0xffff, v4;
	v31 =	vld [tilespmem:$0x1FFA0];
	_ =	sdelay $0x5  }
0x356: {  	v36 =	vld [tilespmem:$0x1FDC0]  }
0x357: {  	v32 =	vld [tilespmem:$0x1FFB0]  }
0x358: {  	[tilespmem:v31+s15+$0x0] =	vst.idx.msk $0xffff, v5  }
0x359: {  	v4 =	vld [tilespmem:$0x1460]  }
0x35a: {  	v5 =	vld [tilespmem:$0x1470];
	_ =	sdelay $0x2  }
0x35b: {  	v37 =	vld [tilespmem:$0x1FDD0]  }
0x35c: {  	v33 =	vld [tilespmem:$0x1FFC0];
	[tilespmem:v36+s15+$0x0] =	vst.idx.msk $0xffff, v4  }
0x35d: {  	[tilespmem:v32+s15+$0x0] =	vst.idx.msk $0xffff, v5  }
0x35e: {  	v4 =	vld [tilespmem:$0x1480]  }
0x35f: {  	v5 =	vld [tilespmem:$0x1490];
	_ =	sdelay $0x2  }
0x360: {  	v36 =	vld [tilespmem:$0x1FDE0]  }
0x361: {  	v34 =	vld [tilespmem:$0x1FFD0];
	[tilespmem:v37+s15+$0x0] =	vst.idx.msk $0xffff, v4  }
0x362: {  	[tilespmem:v33+s15+$0x0] =	vst.idx.msk $0xffff, v5  }
0x363: {  	v4 =	vld [tilespmem:$0x14A0]  }
0x364: {  	v5 =	vld [tilespmem:$0x14B0];
	_ =	sdelay $0x2  }
0x365: {  	v37 =	vld [tilespmem:$0x1FDF0]  }
0x366: {  	v35 =	vld [tilespmem:$0x1FFE0];
	[tilespmem:v36+s15+$0x0] =	vst.idx.msk $0xffff, v4  }
0x367: {  	[tilespmem:v34+s15+$0x0] =	vst.idx.msk $0xffff, v5  }
0x368: {  	v4 =	vld [tilespmem:$0x14C0]  }
0x369: {  	v5 =	vld [tilespmem:$0x14D0];
	_ =	sdelay $0x2  }
0x36a: {  	v36 =	vld [tilespmem:$0x1FE00]  }
0x36b: {  	[tilespmem:v37+s15+$0x0] =	vst.idx.msk $0xffff, v4  }
0x36c: {  	[tilespmem:v35+s15+$0x0] =	vst.idx.msk $0xffff, v5  }
0x36d: {  	v4 =	vld [tilespmem:$0x14E0];
	_ =	sdelay $0x3  }
0x36e: {  	v5 =	vld [tilespmem:$0x14F0]  }
0x36f: {  	[tilespmem:v36+s15+$0x0] =	vst.idx.msk $0xffff, v4;
	v36 =	vld [tilespmem:$0x1FFF0];
	_ =	sdelay $0x5  }
0x370: {  	v37 =	vld [tilespmem:$0x1F1E0];
	_ =	sdelay $0x1  }
0x371: {  	[tilespmem:v36+s15+$0x0] =	vst.idx.msk $0xffff, v5  }
0x372: {  	v4 =	vld [tilespmem:$0x1500];
	_ =	sdelay $0x3  }
0x373: {  	v5 =	vld [tilespmem:$0x1510]  }
0x374: {  	[tilespmem:v37+s15+$0x0] =	vst.idx.msk $0xffff, v4;
	v4 =	vld [tilespmem:$0x1F1F0];
	_ =	sdelay $0x5  }
0x375: {  	v37 =	vld [tilespmem:$0x1F200];
	_ =	sdelay $0x1  }
0x376: {  	[tilespmem:v4+s15+$0x0] =	vst.idx.msk $0xffff, v5  }
0x377: {  	v4 =	vld [tilespmem:$0x1520];
	_ =	sdelay $0x3  }
0x378: {  	v5 =	vld [tilespmem:$0x1530]  }
0x379: {  	[tilespmem:v37+s15+$0x0] =	vst.idx.msk $0xffff, v4;
	v4 =	vld [tilespmem:$0x1F210];
	_ =	sdelay $0x5  }
0x37a: {  	v37 =	vld [tilespmem:$0x1F220];
	_ =	sdelay $0x1  }
0x37b: {  	[tilespmem:v4+s15+$0x0] =	vst.idx.msk $0xffff, v5  }
0x37c: {  	v4 =	vld [tilespmem:$0x1540];
	_ =	sdelay $0x3  }
0x37d: {  	v5 =	vld [tilespmem:$0x1550]  }
0x37e: {  	[tilespmem:v37+s15+$0x0] =	vst.idx.msk $0xffff, v4;
	v4 =	vld [tilespmem:$0x1F230];
	_ =	sdelay $0x5  }
0x37f: {  	v37 =	vld [tilespmem:$0x1F240];
	_ =	sdelay $0x1  }
0x380: {  	[tilespmem:v4+s15+$0x0] =	vst.idx.msk $0xffff, v5  }
0x381: {  	v4 =	vld [tilespmem:$0x1560];
	_ =	sdelay $0x3  }
0x382: {  	v5 =	vld [tilespmem:$0x1570]  }
0x383: {  	[tilespmem:v37+s15+$0x0] =	vst.idx.msk $0xffff, v4;
	v4 =	vld [tilespmem:$0x1F250];
	_ =	sdelay $0x5  }
0x384: {  	v37 =	vld [tilespmem:$0x1F260];
	_ =	sdelay $0x1  }
0x385: {  	[tilespmem:v4+s15+$0x0] =	vst.idx.msk $0xffff, v5  }
0x386: {  	v4 =	vld [tilespmem:$0x1580];
	_ =	sdelay $0x3  }
0x387: {  	v5 =	vld [tilespmem:$0x1590]  }
0x388: {  	[tilespmem:v37+s15+$0x0] =	vst.idx.msk $0xffff, v4;
	v4 =	vld [tilespmem:$0x1F270];
	_ =	sdelay $0x5  }
0x389: {  	v37 =	vld [tilespmem:$0x1F280];
	_ =	sdelay $0x1  }
0x38a: {  	[tilespmem:v4+s15+$0x0] =	vst.idx.msk $0xffff, v5  }
0x38b: {  	v4 =	vld [tilespmem:$0x15A0];
	_ =	sdelay $0x3  }
0x38c: {  	v5 =	vld [tilespmem:$0x15B0]  }
0x38d: {  	[tilespmem:v37+s15+$0x0] =	vst.idx.msk $0xffff, v4;
	v4 =	vld [tilespmem:$0x1F290];
	_ =	sdelay $0x5  }
0x38e: {  	v37 =	vld [tilespmem:$0x1F2A0];
	_ =	sdelay $0x1  }
0x38f: {  	[tilespmem:v4+s15+$0x0] =	vst.idx.msk $0xffff, v5  }
0x390: {  	v4 =	vld [tilespmem:$0x15C0];
	_ =	sdelay $0x3  }
0x391: {  	v5 =	vld [tilespmem:$0x15D0]  }
0x392: {  	[tilespmem:v37+s15+$0x0] =	vst.idx.msk $0xffff, v4;
	v4 =	vld [tilespmem:$0x1F2B0];
	_ =	sdelay $0x5  }
0x393: {  	v37 =	vld [tilespmem:$0x1F2C0];
	_ =	sdelay $0x1  }
0x394: {  	[tilespmem:v4+s15+$0x0] =	vst.idx.msk $0xffff, v5  }
0x395: {  	v4 =	vld [tilespmem:$0x15E0];
	_ =	sdelay $0x3  }
0x396: {  	v5 =	vld [tilespmem:$0x15F0]  }
0x397: {  	[tilespmem:v37+s15+$0x0] =	vst.idx.msk $0xffff, v4;
	v4 =	vld [tilespmem:$0x1F2D0];
	_ =	sdelay $0x5  }
0x398: {  	v37 =	vld [tilespmem:$0x1F2E0];
	_ =	sdelay $0x1  }
0x399: {  	[tilespmem:v4+s15+$0x0] =	vst.idx.msk $0xffff, v5  }
0x39a: {  	v4 =	vld [tilespmem:$0x1600];
	_ =	sdelay $0x3  }
0x39b: {  	v5 =	vld [tilespmem:$0x1610]  }
0x39c: {  	[tilespmem:v37+s15+$0x0] =	vst.idx.msk $0xffff, v4;
	v4 =	vld [tilespmem:$0x1F2F0];
	_ =	sdelay $0x5  }
0x39d: {  	v37 =	vld [tilespmem:$0x1F300];
	_ =	sdelay $0x1  }
0x39e: {  	[tilespmem:v4+s15+$0x0] =	vst.idx.msk $0xffff, v5  }
0x39f: {  	v4 =	vld [tilespmem:$0x1620];
	_ =	sdelay $0x3  }
0x3a0: {  	v5 =	vld [tilespmem:$0x1630]  }
0x3a1: {  	[tilespmem:v37+s15+$0x0] =	vst.idx.msk $0xffff, v4;
	v4 =	vld [tilespmem:$0x1F310];
	_ =	sdelay $0x5  }
0x3a2: {  	v37 =	vld [tilespmem:$0x1F320];
	_ =	sdelay $0x1  }
0x3a3: {  	[tilespmem:v4+s15+$0x0] =	vst.idx.msk $0xffff, v5  }
0x3a4: {  	v4 =	vld [tilespmem:$0x1640];
	_ =	sdelay $0x3  }
0x3a5: {  	v5 =	vld [tilespmem:$0x1650]  }
0x3a6: {  	[tilespmem:v37+s15+$0x0] =	vst.idx.msk $0xffff, v4;
	v4 =	vld [tilespmem:$0x1F330];
	_ =	sdelay $0x5  }
0x3a7: {  	v37 =	vld [tilespmem:$0x1F340];
	_ =	sdelay $0x1  }
0x3a8: {  	[tilespmem:v4+s15+$0x0] =	vst.idx.msk $0xffff, v5  }
0x3a9: {  	v4 =	vld [tilespmem:$0x1660];
	_ =	sdelay $0x3  }
0x3aa: {  	v5 =	vld [tilespmem:$0x1670]  }
0x3ab: {  	[tilespmem:v37+s15+$0x0] =	vst.idx.msk $0xffff, v4;
	v4 =	vld [tilespmem:$0x1F350];
	_ =	sdelay $0x5  }
0x3ac: {  	v37 =	vld [tilespmem:$0x1F360];
	_ =	sdelay $0x1  }
0x3ad: {  	[tilespmem:v4+s15+$0x0] =	vst.idx.msk $0xffff, v5  }
0x3ae: {  	v4 =	vld [tilespmem:$0x1680];
	_ =	sdelay $0x3  }
0x3af: {  	v5 =	vld [tilespmem:$0x1690]  }
0x3b0: {  	[tilespmem:v37+s15+$0x0] =	vst.idx.msk $0xffff, v4;
	v4 =	vld [tilespmem:$0x1F370];
	_ =	sdelay $0x7  }
0x3b1: {  	[tilespmem:v4+s15+$0x0] =	vst.idx.msk $0xffff, v5  }
0x3b2: {  	v4 =	vld [tilespmem:$0x16A0]  }
0x3b3: {  	v5 =	vld [tilespmem:$0x16B0]  }
0x3b4: {  	v37 =	vld [tilespmem:$0x1F380];
	_ =	sdelay $0x7  }
0x3b5: {  	[tilespmem:v37+s15+$0x0] =	vst.idx.msk $0xffff, v4;
	v4 =	vld [tilespmem:$0x1F390];
	_ =	sdelay $0x5  }
0x3b6: {  	v37 =	vld [tilespmem:$0x1F3A0];
	_ =	sdelay $0x1  }
0x3b7: {  	[tilespmem:v4+s15+$0x0] =	vst.idx.msk $0xffff, v5  }
0x3b8: {  	v4 =	vld [tilespmem:$0x16C0];
	_ =	sdelay $0x3  }
0x3b9: {  	v5 =	vld [tilespmem:$0x16D0]  }
0x3ba: {  	[tilespmem:v37+s15+$0x0] =	vst.idx.msk $0xffff, v4;
	v4 =	vld [tilespmem:$0x1F3B0];
	_ =	sdelay $0x5  }
0x3bb: {  	v37 =	vld [tilespmem:$0x1F3C0];
	_ =	sdelay $0x1  }
0x3bc: {  	[tilespmem:v4+s15+$0x0] =	vst.idx.msk $0xffff, v5  }
0x3bd: {  	v4 =	vld [tilespmem:$0x16E0];
	_ =	sdelay $0x3  }
0x3be: {  	v5 =	vld [tilespmem:$0x16F0]  }
0x3bf: {  	[tilespmem:v37+s15+$0x0] =	vst.idx.msk $0xffff, v4;
	v4 =	vld [tilespmem:$0x1F3D0];
	_ =	sdelay $0x5  }
0x3c0: {  	v37 =	vld [tilespmem:$0x1F3E0];
	_ =	sdelay $0x1  }
0x3c1: {  	[tilespmem:v4+s15+$0x0] =	vst.idx.msk $0xffff, v5  }
0x3c2: {  	v4 =	vld [tilespmem:$0x1700];
	_ =	sdelay $0x3  }
0x3c3: {  	v5 =	vld [tilespmem:$0x1710]  }
0x3c4: {  	[tilespmem:v37+s15+$0x0] =	vst.idx.msk $0xffff, v4;
	v4 =	vld [tilespmem:$0x1F3F0];
	_ =	sdelay $0x5  }
0x3c5: {  	v37 =	vld [tilespmem:$0x1F400];
	_ =	sdelay $0x1  }
0x3c6: {  	[tilespmem:v4+s15+$0x0] =	vst.idx.msk $0xffff, v5  }
0x3c7: {  	v4 =	vld [tilespmem:$0x1720];
	_ =	sdelay $0x3  }
0x3c8: {  	v5 =	vld [tilespmem:$0x1730]  }
0x3c9: {  	[tilespmem:v37+s15+$0x0] =	vst.idx.msk $0xffff, v4;
	v4 =	vld [tilespmem:$0x1F410];
	_ =	sdelay $0x5  }
0x3ca: {  	v37 =	vld [tilespmem:$0x1F420];
	_ =	sdelay $0x1  }
0x3cb: {  	[tilespmem:v4+s15+$0x0] =	vst.idx.msk $0xffff, v5  }
0x3cc: {  	v4 =	vld [tilespmem:$0x1740];
	_ =	sdelay $0x3  }
0x3cd: {  	v5 =	vld [tilespmem:$0x1750]  }
0x3ce: {  	[tilespmem:v37+s15+$0x0] =	vst.idx.msk $0xffff, v4;
	v4 =	vld [tilespmem:$0x1F430];
	_ =	sdelay $0x5  }
0x3cf: {  	v37 =	vld [tilespmem:$0x1F440];
	_ =	sdelay $0x1  }
0x3d0: {  	[tilespmem:v4+s15+$0x0] =	vst.idx.msk $0xffff, v5  }
0x3d1: {  	v4 =	vld [tilespmem:$0x1760];
	_ =	sdelay $0x3  }
0x3d2: {  	v5 =	vld [tilespmem:$0x1770]  }
0x3d3: {  	[tilespmem:v37+s15+$0x0] =	vst.idx.msk $0xffff, v4;
	v4 =	vld [tilespmem:$0x1F450];
	_ =	sdelay $0x5  }
0x3d4: {  	v37 =	vld [tilespmem:$0x1F460];
	_ =	sdelay $0x1  }
0x3d5: {  	[tilespmem:v4+s15+$0x0] =	vst.idx.msk $0xffff, v5  }
0x3d6: {  	v4 =	vld [tilespmem:$0x1780];
	_ =	sdelay $0x3  }
0x3d7: {  	v5 =	vld [tilespmem:$0x1790]  }
0x3d8: {  	[tilespmem:v37+s15+$0x0] =	vst.idx.msk $0xffff, v4;
	v4 =	vld [tilespmem:$0x1F470];
	_ =	sdelay $0x5  }
0x3d9: {  	v37 =	vld [tilespmem:$0x1F480];
	_ =	sdelay $0x1  }
0x3da: {  	[tilespmem:v4+s15+$0x0] =	vst.idx.msk $0xffff, v5  }
0x3db: {  	v4 =	vld [tilespmem:$0x17A0];
	_ =	sdelay $0x3  }
0x3dc: {  	v5 =	vld [tilespmem:$0x17B0]  }
0x3dd: {  	[tilespmem:v37+s15+$0x0] =	vst.idx.msk $0xffff, v4;
	v4 =	vld [tilespmem:$0x1F490];
	_ =	sdelay $0x5  }
0x3de: {  	v37 =	vld [tilespmem:$0x1F4A0];
	_ =	sdelay $0x1  }
0x3df: {  	[tilespmem:v4+s15+$0x0] =	vst.idx.msk $0xffff, v5  }
0x3e0: {  	v4 =	vld [tilespmem:$0x17C0];
	_ =	sdelay $0x3  }
0x3e1: {  	v5 =	vld [tilespmem:$0x17D0]  }
0x3e2: {  	[tilespmem:v37+s15+$0x0] =	vst.idx.msk $0xffff, v4;
	v4 =	vld [tilespmem:$0x1F4B0];
	_ =	sdelay $0x5  }
0x3e3: {  	v37 =	vld [tilespmem:$0x1F4C0];
	_ =	sdelay $0x1  }
0x3e4: {  	[tilespmem:v4+s15+$0x0] =	vst.idx.msk $0xffff, v5  }
0x3e5: {  	v4 =	vld [tilespmem:$0x17E0];
	_ =	sdelay $0x3  }
0x3e6: {  	v5 =	vld [tilespmem:$0x17F0]  }
0x3e7: {  	[tilespmem:v37+s15+$0x0] =	vst.idx.msk $0xffff, v4;
	v4 =	vld [tilespmem:$0x1F4D0];
	_ =	sdelay $0x5  }
0x3e8: {  	v37 =	vld [tilespmem:$0x1F4E0];
	_ =	sdelay $0x1  }
0x3e9: {  	[tilespmem:v4+s15+$0x0] =	vst.idx.msk $0xffff, v5  }
0x3ea: {  	v4 =	vld [tilespmem:$0x1800];
	_ =	sdelay $0x3  }
0x3eb: {  	v5 =	vld [tilespmem:$0x1810]  }
0x3ec: {  	[tilespmem:v37+s15+$0x0] =	vst.idx.msk $0xffff, v4;
	v4 =	vld [tilespmem:$0x1F4F0];
	_ =	sdelay $0x5  }
0x3ed: {  	v37 =	vld [tilespmem:$0x1F500];
	_ =	sdelay $0x1  }
0x3ee: {  	[tilespmem:v4+s15+$0x0] =	vst.idx.msk $0xffff, v5  }
0x3ef: {  	v4 =	vld [tilespmem:$0x1820];
	_ =	sdelay $0x3  }
0x3f0: {  	v5 =	vld [tilespmem:$0x1830]  }
0x3f1: {  	[tilespmem:v37+s15+$0x0] =	vst.idx.msk $0xffff, v4;
	v4 =	vld [tilespmem:$0x1F510];
	_ =	sdelay $0x5  }
0x3f2: {  	v37 =	vld [tilespmem:$0x1F520];
	_ =	sdelay $0x1  }
0x3f3: {  	[tilespmem:v4+s15+$0x0] =	vst.idx.msk $0xffff, v5  }
0x3f4: {  	v4 =	vld [tilespmem:$0x1840];
	_ =	sdelay $0x3  }
0x3f5: {  	v5 =	vld [tilespmem:$0x1850]  }
0x3f6: {  	[tilespmem:v37+s15+$0x0] =	vst.idx.msk $0xffff, v4;
	v4 =	vld [tilespmem:$0x1F530];
	_ =	sdelay $0x5  }
0x3f7: {  	v37 =	vld [tilespmem:$0x1F540];
	_ =	sdelay $0x1  }
0x3f8: {  	[tilespmem:v4+s15+$0x0] =	vst.idx.msk $0xffff, v5  }
0x3f9: {  	v4 =	vld [tilespmem:$0x1860];
	_ =	sdelay $0x3  }
0x3fa: {  	v5 =	vld [tilespmem:$0x1870]  }
0x3fb: {  	[tilespmem:v37+s15+$0x0] =	vst.idx.msk $0xffff, v4;
	v4 =	vld [tilespmem:$0x1F550];
	_ =	sdelay $0x5  }
0x3fc: {  	v37 =	vld [tilespmem:$0x1F560];
	_ =	sdelay $0x1  }
0x3fd: {  	[tilespmem:v4+s15+$0x0] =	vst.idx.msk $0xffff, v5  }
0x3fe: {  	v4 =	vld [tilespmem:$0x1880];
	_ =	sdelay $0x3  }
0x3ff: {  	v5 =	vld [tilespmem:$0x1890]  }
0x400: {  	[tilespmem:v37+s15+$0x0] =	vst.idx.msk $0xffff, v4;
	v4 =	vld [tilespmem:$0x1F570];
	_ =	sdelay $0x5  }
0x401: {  	v37 =	vld [tilespmem:$0x1F580];
	_ =	sdelay $0x1  }
0x402: {  	[tilespmem:v4+s15+$0x0] =	vst.idx.msk $0xffff, v5  }
0x403: {  	v4 =	vld [tilespmem:$0x18A0];
	_ =	sdelay $0x3  }
0x404: {  	v5 =	vld [tilespmem:$0x18B0]  }
0x405: {  	[tilespmem:v37+s15+$0x0] =	vst.idx.msk $0xffff, v4;
	v4 =	vld [tilespmem:$0x1F590];
	_ =	sdelay $0x5  }
0x406: {  	v37 =	vld [tilespmem:$0x1F5A0];
	_ =	sdelay $0x1  }
0x407: {  	[tilespmem:v4+s15+$0x0] =	vst.idx.msk $0xffff, v5  }
0x408: {  	v4 =	vld [tilespmem:$0x18C0];
	_ =	sdelay $0x3  }
0x409: {  	v5 =	vld [tilespmem:$0x18D0]  }
0x40a: {  	[tilespmem:v37+s15+$0x0] =	vst.idx.msk $0xffff, v4;
	v4 =	vld [tilespmem:$0x1F5B0];
	_ =	sdelay $0x5  }
0x40b: {  	v37 =	vld [tilespmem:$0x1F5C0];
	_ =	sdelay $0x1  }
0x40c: {  	[tilespmem:v4+s15+$0x0] =	vst.idx.msk $0xffff, v5  }
0x40d: {  	v4 =	vld [tilespmem:$0x18E0];
	_ =	sdelay $0x3  }
0x40e: {  	v5 =	vld [tilespmem:$0x18F0]  }
0x40f: {  	[tilespmem:v37+s15+$0x0] =	vst.idx.msk $0xffff, v4;
	v4 =	vld [tilespmem:$0x1F5D0];
	_ =	sdelay $0x5  }
0x410: {  	v37 =	vld [tilespmem:$0x1F5E0];
	_ =	sdelay $0x1  }
0x411: {  	[tilespmem:v4+s15+$0x0] =	vst.idx.msk $0xffff, v5  }
0x412: {  	v4 =	vld [tilespmem:$0x1900];
	_ =	sdelay $0x3  }
0x413: {  	v5 =	vld [tilespmem:$0x1910]  }
0x414: {  	[tilespmem:v37+s15+$0x0] =	vst.idx.msk $0xffff, v4;
	v4 =	vld [tilespmem:$0x1F5F0];
	_ =	sdelay $0x5  }
0x415: {  	v37 =	vld [tilespmem:$0x1F600];
	_ =	sdelay $0x1  }
0x416: {  	[tilespmem:v4+s15+$0x0] =	vst.idx.msk $0xffff, v5  }
0x417: {  	v4 =	vld [tilespmem:$0x1920];
	_ =	sdelay $0x3  }
0x418: {  	v5 =	vld [tilespmem:$0x1930]  }
0x419: {  	[tilespmem:v37+s15+$0x0] =	vst.idx.msk $0xffff, v4;
	v4 =	vld [tilespmem:$0x1F610];
	_ =	sdelay $0x5  }
0x41a: {  	v37 =	vld [tilespmem:$0x1F620];
	_ =	sdelay $0x1  }
0x41b: {  	[tilespmem:v4+s15+$0x0] =	vst.idx.msk $0xffff, v5  }
0x41c: {  	v4 =	vld [tilespmem:$0x1940];
	_ =	sdelay $0x3  }
0x41d: {  	v5 =	vld [tilespmem:$0x1950]  }
0x41e: {  	[tilespmem:v37+s15+$0x0] =	vst.idx.msk $0xffff, v4;
	v4 =	vld [tilespmem:$0x1F630];
	_ =	sdelay $0x5  }
0x41f: {  	v37 =	vld [tilespmem:$0x1F640];
	_ =	sdelay $0x1  }
0x420: {  	[tilespmem:v4+s15+$0x0] =	vst.idx.msk $0xffff, v5  }
0x421: {  	v4 =	vld [tilespmem:$0x1960];
	_ =	sdelay $0x3  }
0x422: {  	v5 =	vld [tilespmem:$0x1970]  }
0x423: {  	[tilespmem:v37+s15+$0x0] =	vst.idx.msk $0xffff, v4;
	v4 =	vld [tilespmem:$0x1F650];
	_ =	sdelay $0x5  }
0x424: {  	v37 =	vld [tilespmem:$0x1F660];
	_ =	sdelay $0x1  }
0x425: {  	[tilespmem:v4+s15+$0x0] =	vst.idx.msk $0xffff, v5  }
0x426: {  	v4 =	vld [tilespmem:$0x1980];
	_ =	sdelay $0x3  }
0x427: {  	v5 =	vld [tilespmem:$0x1990]  }
0x428: {  	[tilespmem:v37+s15+$0x0] =	vst.idx.msk $0xffff, v4;
	v4 =	vld [tilespmem:$0x1F670];
	_ =	sdelay $0x5  }
0x429: {  	v37 =	vld [tilespmem:$0x1F680];
	_ =	sdelay $0x1  }
0x42a: {  	[tilespmem:v4+s15+$0x0] =	vst.idx.msk $0xffff, v5  }
0x42b: {  	v4 =	vld [tilespmem:$0x19A0];
	_ =	sdelay $0x3  }
0x42c: {  	v5 =	vld [tilespmem:$0x19B0]  }
0x42d: {  	[tilespmem:v37+s15+$0x0] =	vst.idx.msk $0xffff, v4;
	v4 =	vld [tilespmem:$0x1F690];
	_ =	sdelay $0x5  }
0x42e: {  	v37 =	vld [tilespmem:$0x1F6A0];
	_ =	sdelay $0x1  }
0x42f: {  	[tilespmem:v4+s15+$0x0] =	vst.idx.msk $0xffff, v5  }
0x430: {  	v4 =	vld [tilespmem:$0x19C0];
	_ =	sdelay $0x3  }
0x431: {  	v5 =	vld [tilespmem:$0x19D0]  }
0x432: {  	[tilespmem:v37+s15+$0x0] =	vst.idx.msk $0xffff, v4;
	v4 =	vld [tilespmem:$0x1F6B0];
	_ =	sdelay $0x5  }
0x433: {  	v37 =	vld [tilespmem:$0x1F6C0];
	_ =	sdelay $0x1  }
0x434: {  	[tilespmem:v4+s15+$0x0] =	vst.idx.msk $0xffff, v5  }
0x435: {  	v4 =	vld [tilespmem:$0x19E0];
	_ =	sdelay $0x3  }
0x436: {  	v5 =	vld [tilespmem:$0x19F0]  }
0x437: {  	[tilespmem:v37+s15+$0x0] =	vst.idx.msk $0xffff, v4;
	v4 =	vld [tilespmem:$0x1F6D0];
	_ =	sdelay $0x5  }
0x438: {  	v37 =	vld [tilespmem:$0x1F6E0];
	_ =	sdelay $0x1  }
0x439: {  	[tilespmem:v4+s15+$0x0] =	vst.idx.msk $0xffff, v5  }
0x43a: {  	v4 =	vld [tilespmem:$0x1A00];
	_ =	sdelay $0x3  }
0x43b: {  	v5 =	vld [tilespmem:$0x1A10]  }
0x43c: {  	[tilespmem:v37+s15+$0x0] =	vst.idx.msk $0xffff, v4;
	v4 =	vld [tilespmem:$0x1F6F0];
	_ =	sdelay $0x5  }
0x43d: {  	v37 =	vld [tilespmem:$0x1F700];
	_ =	sdelay $0x1  }
0x43e: {  	[tilespmem:v4+s15+$0x0] =	vst.idx.msk $0xffff, v5  }
0x43f: {  	v4 =	vld [tilespmem:$0x1A20];
	_ =	sdelay $0x3  }
0x440: {  	v5 =	vld [tilespmem:$0x1A30]  }
0x441: {  	[tilespmem:v37+s15+$0x0] =	vst.idx.msk $0xffff, v4;
	v4 =	vld [tilespmem:$0x1F710];
	_ =	sdelay $0x5  }
0x442: {  	v37 =	vld [tilespmem:$0x1F720];
	_ =	sdelay $0x1  }
0x443: {  	[tilespmem:v4+s15+$0x0] =	vst.idx.msk $0xffff, v5  }
0x444: {  	v4 =	vld [tilespmem:$0x1A40];
	_ =	sdelay $0x3  }
0x445: {  	v5 =	vld [tilespmem:$0x1A50]  }
0x446: {  	[tilespmem:v37+s15+$0x0] =	vst.idx.msk $0xffff, v4;
	v4 =	vld [tilespmem:$0x1F730];
	_ =	sdelay $0x5  }
0x447: {  	v37 =	vld [tilespmem:$0x1F740];
	_ =	sdelay $0x1  }
0x448: {  	[tilespmem:v4+s15+$0x0] =	vst.idx.msk $0xffff, v5  }
0x449: {  	v4 =	vld [tilespmem:$0x1A60];
	_ =	sdelay $0x3  }
0x44a: {  	v5 =	vld [tilespmem:$0x1A70]  }
0x44b: {  	[tilespmem:v37+s15+$0x0] =	vst.idx.msk $0xffff, v4;
	v4 =	vld [tilespmem:$0x1F750];
	_ =	sdelay $0x5  }
0x44c: {  	v37 =	vld [tilespmem:$0x1F760];
	_ =	sdelay $0x1  }
0x44d: {  	[tilespmem:v4+s15+$0x0] =	vst.idx.msk $0xffff, v5  }
0x44e: {  	v4 =	vld [tilespmem:$0x1A80];
	_ =	sdelay $0x3  }
0x44f: {  	v5 =	vld [tilespmem:$0x1A90]  }
0x450: {  	[tilespmem:v37+s15+$0x0] =	vst.idx.msk $0xffff, v4;
	v4 =	vld [tilespmem:$0x1F770];
	_ =	sdelay $0x5  }
0x451: {  	v37 =	vld [tilespmem:$0x1F780];
	_ =	sdelay $0x1  }
0x452: {  	[tilespmem:v4+s15+$0x0] =	vst.idx.msk $0xffff, v5  }
0x453: {  	v4 =	vld [tilespmem:$0x1AA0];
	_ =	sdelay $0x3  }
0x454: {  	v5 =	vld [tilespmem:$0x1AB0]  }
0x455: {  	[tilespmem:v37+s15+$0x0] =	vst.idx.msk $0xffff, v4;
	v4 =	vld [tilespmem:$0x1F790];
	_ =	sdelay $0x5  }
0x456: {  	v37 =	vld [tilespmem:$0x1F7A0];
	_ =	sdelay $0x1  }
0x457: {  	[tilespmem:v4+s15+$0x0] =	vst.idx.msk $0xffff, v5  }
0x458: {  	v4 =	vld [tilespmem:$0x1AC0];
	_ =	sdelay $0x3  }
0x459: {  	v5 =	vld [tilespmem:$0x1AD0]  }
0x45a: {  	[tilespmem:v37+s15+$0x0] =	vst.idx.msk $0xffff, v4;
	v4 =	vld [tilespmem:$0x1F7B0];
	_ =	sdelay $0x5  }
0x45b: {  	v37 =	vld [tilespmem:$0x1F7C0];
	_ =	sdelay $0x1  }
0x45c: {  	[tilespmem:v4+s15+$0x0] =	vst.idx.msk $0xffff, v5  }
0x45d: {  	v4 =	vld [tilespmem:$0x1AE0];
	_ =	sdelay $0x3  }
0x45e: {  	v5 =	vld [tilespmem:$0x1AF0]  }
0x45f: {  	[tilespmem:v37+s15+$0x0] =	vst.idx.msk $0xffff, v4;
	v4 =	vld [tilespmem:$0x1F7D0];
	_ =	sdelay $0x5  }
0x460: {  	v37 =	vld [tilespmem:$0x1F7E0];
	_ =	sdelay $0x1  }
0x461: {  	[tilespmem:v4+s15+$0x0] =	vst.idx.msk $0xffff, v5  }
0x462: {  	v4 =	vld [tilespmem:$0x1B00];
	_ =	sdelay $0x3  }
0x463: {  	v5 =	vld [tilespmem:$0x1B10]  }
0x464: {  	[tilespmem:v37+s15+$0x0] =	vst.idx.msk $0xffff, v4;
	v4 =	vld [tilespmem:$0x1F7F0];
	_ =	sdelay $0x5  }
0x465: {  	v37 =	vld [tilespmem:$0x1F800];
	_ =	sdelay $0x1  }
0x466: {  	[tilespmem:v4+s15+$0x0] =	vst.idx.msk $0xffff, v5  }
0x467: {  	v4 =	vld [tilespmem:$0x1B20];
	_ =	sdelay $0x3  }
0x468: {  	v5 =	vld [tilespmem:$0x1B30]  }
0x469: {  	[tilespmem:v37+s15+$0x0] =	vst.idx.msk $0xffff, v4;
	v4 =	vld [tilespmem:$0x1F810];
	_ =	sdelay $0x5  }
0x46a: {  	v37 =	vld [tilespmem:$0x1F820];
	_ =	sdelay $0x1  }
0x46b: {  	[tilespmem:v4+s15+$0x0] =	vst.idx.msk $0xffff, v5  }
0x46c: {  	v4 =	vld [tilespmem:$0x1B40];
	_ =	sdelay $0x3  }
0x46d: {  	v5 =	vld [tilespmem:$0x1B50]  }
0x46e: {  	[tilespmem:v37+s15+$0x0] =	vst.idx.msk $0xffff, v4;
	v4 =	vld [tilespmem:$0x1F830];
	_ =	sdelay $0x5  }
0x46f: {  	v37 =	vld [tilespmem:$0x1F840];
	_ =	sdelay $0x1  }
0x470: {  	[tilespmem:v4+s15+$0x0] =	vst.idx.msk $0xffff, v5  }
0x471: {  	v4 =	vld [tilespmem:$0x1B60];
	_ =	sdelay $0x3  }
0x472: {  	v5 =	vld [tilespmem:$0x1B70]  }
0x473: {  	[tilespmem:v37+s15+$0x0] =	vst.idx.msk $0xffff, v4;
	v4 =	vld [tilespmem:$0x1F850];
	_ =	sdelay $0x5  }
0x474: {  	v37 =	vld [tilespmem:$0x1F860];
	_ =	sdelay $0x1  }
0x475: {  	[tilespmem:v4+s15+$0x0] =	vst.idx.msk $0xffff, v5  }
0x476: {  	v4 =	vld [tilespmem:$0x1B80];
	_ =	sdelay $0x3  }
0x477: {  	v5 =	vld [tilespmem:$0x1B90]  }
0x478: {  	[tilespmem:v37+s15+$0x0] =	vst.idx.msk $0xffff, v4;
	v4 =	vld [tilespmem:$0x1F870];
	_ =	sdelay $0x5  }
0x479: {  	v37 =	vld [tilespmem:$0x1F880];
	_ =	sdelay $0x1  }
0x47a: {  	[tilespmem:v4+s15+$0x0] =	vst.idx.msk $0xffff, v5  }
0x47b: {  	v4 =	vld [tilespmem:$0x1BA0];
	_ =	sdelay $0x3  }
0x47c: {  	v5 =	vld [tilespmem:$0x1BB0]  }
0x47d: {  	[tilespmem:v37+s15+$0x0] =	vst.idx.msk $0xffff, v4;
	v4 =	vld [tilespmem:$0x1F890];
	_ =	sdelay $0x5  }
0x47e: {  	v37 =	vld [tilespmem:$0x1F8A0];
	_ =	sdelay $0x1  }
0x47f: {  	[tilespmem:v4+s15+$0x0] =	vst.idx.msk $0xffff, v5  }
0x480: {  	v4 =	vld [tilespmem:$0x1BC0];
	_ =	sdelay $0x3  }
0x481: {  	v5 =	vld [tilespmem:$0x1BD0]  }
0x482: {  	[tilespmem:v37+s15+$0x0] =	vst.idx.msk $0xffff, v4;
	v4 =	vld [tilespmem:$0x1F8B0];
	_ =	sdelay $0x5  }
0x483: {  	v37 =	vld [tilespmem:$0x1F8C0];
	_ =	sdelay $0x1  }
0x484: {  	[tilespmem:v4+s15+$0x0] =	vst.idx.msk $0xffff, v5  }
0x485: {  	v4 =	vld [tilespmem:$0x1BE0];
	_ =	sdelay $0x3  }
0x486: {  	v5 =	vld [tilespmem:$0x1BF0]  }
0x487: {  	[tilespmem:v37+s15+$0x0] =	vst.idx.msk $0xffff, v4;
	v4 =	vld [tilespmem:$0x1F8D0];
	_ =	sdelay $0x5  }
0x488: {  	v37 =	vld [tilespmem:$0x1F8E0];
	_ =	sdelay $0x1  }
0x489: {  	[tilespmem:v4+s15+$0x0] =	vst.idx.msk $0xffff, v5  }
0x48a: {  	v4 =	vld [tilespmem:$0x1C00];
	_ =	sdelay $0x3  }
0x48b: {  	v5 =	vld [tilespmem:$0x1C10]  }
0x48c: {  	[tilespmem:v37+s15+$0x0] =	vst.idx.msk $0xffff, v4;
	v4 =	vld [tilespmem:$0x1F8F0];
	_ =	sdelay $0x5  }
0x48d: {  	v37 =	vld [tilespmem:$0x1F900];
	_ =	sdelay $0x1  }
0x48e: {  	[tilespmem:v4+s15+$0x0] =	vst.idx.msk $0xffff, v5  }
0x48f: {  	v4 =	vld [tilespmem:$0x1C20];
	_ =	sdelay $0x3  }
0x490: {  	v5 =	vld [tilespmem:$0x1C30]  }
0x491: {  	[tilespmem:v37+s15+$0x0] =	vst.idx.msk $0xffff, v4;
	v4 =	vld [tilespmem:$0x1F910];
	_ =	sdelay $0x5  }
0x492: {  	v37 =	vld [tilespmem:$0x1F920];
	_ =	sdelay $0x1  }
0x493: {  	[tilespmem:v4+s15+$0x0] =	vst.idx.msk $0xffff, v5  }
0x494: {  	v4 =	vld [tilespmem:$0x1C40];
	_ =	sdelay $0x3  }
0x495: {  	v5 =	vld [tilespmem:$0x1C50]  }
0x496: {  	[tilespmem:v37+s15+$0x0] =	vst.idx.msk $0xffff, v4;
	v4 =	vld [tilespmem:$0x1F930];
	_ =	sdelay $0x5  }
0x497: {  	v37 =	vld [tilespmem:$0x1F940];
	_ =	sdelay $0x1  }
0x498: {  	[tilespmem:v4+s15+$0x0] =	vst.idx.msk $0xffff, v5  }
0x499: {  	v4 =	vld [tilespmem:$0x1C60];
	_ =	sdelay $0x3  }
0x49a: {  	v5 =	vld [tilespmem:$0x1C70]  }
0x49b: {  	[tilespmem:v37+s15+$0x0] =	vst.idx.msk $0xffff, v4;
	v4 =	vld [tilespmem:$0x1F950];
	_ =	sdelay $0x5  }
0x49c: {  	v37 =	vld [tilespmem:$0x1F960];
	_ =	sdelay $0x1  }
0x49d: {  	[tilespmem:v4+s15+$0x0] =	vst.idx.msk $0xffff, v5  }
0x49e: {  	v4 =	vld [tilespmem:$0x1C80];
	_ =	sdelay $0x3  }
0x49f: {  	v5 =	vld [tilespmem:$0x1C90]  }
0x4a0: {  	[tilespmem:v37+s15+$0x0] =	vst.idx.msk $0xffff, v4;
	v4 =	vld [tilespmem:$0x1F970];
	_ =	sdelay $0x5  }
0x4a1: {  	v37 =	vld [tilespmem:$0x1F980];
	_ =	sdelay $0x1  }
0x4a2: {  	[tilespmem:v4+s15+$0x0] =	vst.idx.msk $0xffff, v5  }
0x4a3: {  	v4 =	vld [tilespmem:$0x1CA0];
	_ =	sdelay $0x3  }
0x4a4: {  	v5 =	vld [tilespmem:$0x1CB0]  }
0x4a5: {  	[tilespmem:v37+s15+$0x0] =	vst.idx.msk $0xffff, v4;
	v4 =	vld [tilespmem:$0x1F990];
	_ =	sdelay $0x5  }
0x4a6: {  	v37 =	vld [tilespmem:$0x1F9A0];
	_ =	sdelay $0x1  }
0x4a7: {  	[tilespmem:v4+s15+$0x0] =	vst.idx.msk $0xffff, v5  }
0x4a8: {  	v4 =	vld [tilespmem:$0x1CC0];
	_ =	sdelay $0x3  }
0x4a9: {  	v5 =	vld [tilespmem:$0x1CD0]  }
0x4aa: {  	[tilespmem:v37+s15+$0x0] =	vst.idx.msk $0xffff, v4;
	v4 =	vld [tilespmem:$0x1F9B0];
	_ =	sdelay $0x5  }
0x4ab: {  	v37 =	vld [tilespmem:$0x1F9C0];
	_ =	sdelay $0x1  }
0x4ac: {  	[tilespmem:v4+s15+$0x0] =	vst.idx.msk $0xffff, v5  }
0x4ad: {  	v4 =	vld [tilespmem:$0x1CE0];
	_ =	sdelay $0x3  }
0x4ae: {  	v5 =	vld [tilespmem:$0x1CF0]  }
0x4af: {  	[tilespmem:v37+s15+$0x0] =	vst.idx.msk $0xffff, v4;
	v4 =	vld [tilespmem:$0x1F9D0];
	_ =	sdelay $0x5  }
0x4b0: {  	v37 =	vld [tilespmem:$0x1F9E0];
	_ =	sdelay $0x1  }
0x4b1: {  	[tilespmem:v4+s15+$0x0] =	vst.idx.msk $0xffff, v5  }
0x4b2: {  	v4 =	vld [tilespmem:$0x1D00];
	_ =	sdelay $0x3  }
0x4b3: {  	v5 =	vld [tilespmem:$0x1D10]  }
0x4b4: {  	[tilespmem:v37+s15+$0x0] =	vst.idx.msk $0xffff, v4;
	v4 =	vld [tilespmem:$0x1F9F0];
	_ =	sdelay $0x5  }
0x4b5: {  	v37 =	vld [tilespmem:$0x1FA00];
	_ =	sdelay $0x1  }
0x4b6: {  	[tilespmem:v4+s15+$0x0] =	vst.idx.msk $0xffff, v5  }
0x4b7: {  	v4 =	vld [tilespmem:$0x1D20];
	_ =	sdelay $0x3  }
0x4b8: {  	v5 =	vld [tilespmem:$0x1D30]  }
0x4b9: {  	[tilespmem:v37+s15+$0x0] =	vst.idx.msk $0xffff, v4;
	v4 =	vld [tilespmem:$0x1FA10];
	_ =	sdelay $0x5  }
0x4ba: {  	v37 =	vld [tilespmem:$0x1FA20];
	_ =	sdelay $0x1  }
0x4bb: {  	[tilespmem:v4+s15+$0x0] =	vst.idx.msk $0xffff, v5  }
0x4bc: {  	v4 =	vld [tilespmem:$0x1D40];
	_ =	sdelay $0x3  }
0x4bd: {  	v5 =	vld [tilespmem:$0x1D50]  }
0x4be: {  	[tilespmem:v37+s15+$0x0] =	vst.idx.msk $0xffff, v4;
	v4 =	vld [tilespmem:$0x1FA30];
	_ =	sdelay $0x5  }
0x4bf: {  	v37 =	vld [tilespmem:$0x1FA40];
	_ =	sdelay $0x1  }
0x4c0: {  	[tilespmem:v4+s15+$0x0] =	vst.idx.msk $0xffff, v5  }
0x4c1: {  	v4 =	vld [tilespmem:$0x1D60];
	_ =	sdelay $0x3  }
0x4c2: {  	v5 =	vld [tilespmem:$0x1D70]  }
0x4c3: {  	[tilespmem:v37+s15+$0x0] =	vst.idx.msk $0xffff, v4;
	v4 =	vld [tilespmem:$0x1FA50];
	_ =	sdelay $0x5  }
0x4c4: {  	v37 =	vld [tilespmem:$0x1FA60];
	_ =	sdelay $0x1  }
0x4c5: {  	[tilespmem:v4+s15+$0x0] =	vst.idx.msk $0xffff, v5  }
0x4c6: {  	v4 =	vld [tilespmem:$0x1D80];
	_ =	sdelay $0x3  }
0x4c7: {  	v5 =	vld [tilespmem:$0x1D90]  }
0x4c8: {  	[tilespmem:v37+s15+$0x0] =	vst.idx.msk $0xffff, v4;
	v4 =	vld [tilespmem:$0x1FA70];
	_ =	sdelay $0x5  }
0x4c9: {  	v37 =	vld [tilespmem:$0x1FA80];
	_ =	sdelay $0x1  }
0x4ca: {  	[tilespmem:v4+s15+$0x0] =	vst.idx.msk $0xffff, v5  }
0x4cb: {  	v4 =	vld [tilespmem:$0x1DA0];
	_ =	sdelay $0x3  }
0x4cc: {  	v5 =	vld [tilespmem:$0x1DB0]  }
0x4cd: {  	[tilespmem:v37+s15+$0x0] =	vst.idx.msk $0xffff, v4;
	v4 =	vld [tilespmem:$0x1FA90];
	_ =	sdelay $0x5  }
0x4ce: {  	v37 =	vld [tilespmem:$0x1FAA0];
	_ =	sdelay $0x1  }
0x4cf: {  	[tilespmem:v4+s15+$0x0] =	vst.idx.msk $0xffff, v5  }
0x4d0: {  	v4 =	vld [tilespmem:$0x1DC0];
	_ =	sdelay $0x3  }
0x4d1: {  	v5 =	vld [tilespmem:$0x1DD0]  }
0x4d2: {  	[tilespmem:v37+s15+$0x0] =	vst.idx.msk $0xffff, v4;
	v4 =	vld [tilespmem:$0x1FAB0];
	_ =	sdelay $0x5  }
0x4d3: {  	v37 =	vld [tilespmem:$0x1FAC0];
	_ =	sdelay $0x1  }
0x4d4: {  	[tilespmem:v4+s15+$0x0] =	vst.idx.msk $0xffff, v5  }
0x4d5: {  	v4 =	vld [tilespmem:$0x1DE0];
	_ =	sdelay $0x3  }
0x4d6: {  	v5 =	vld [tilespmem:$0x1DF0]  }
0x4d7: {  	[tilespmem:v37+s15+$0x0] =	vst.idx.msk $0xffff, v4;
	v4 =	vld [tilespmem:$0x1FAD0];
	_ =	sdelay $0x5  }
0x4d8: {  	v37 =	vld [tilespmem:$0x1FAE0];
	_ =	sdelay $0x1  }
0x4d9: {  	[tilespmem:v4+s15+$0x0] =	vst.idx.msk $0xffff, v5  }
0x4da: {  	v4 =	vld [tilespmem:$0x1E00];
	_ =	sdelay $0x3  }
0x4db: {  	v5 =	vld [tilespmem:$0x1E10]  }
0x4dc: {  	[tilespmem:v37+s15+$0x0] =	vst.idx.msk $0xffff, v4;
	v4 =	vld [tilespmem:$0x1FAF0];
	_ =	sdelay $0x5  }
0x4dd: {  	v37 =	vld [tilespmem:$0x1FB00];
	_ =	sdelay $0x1  }
0x4de: {  	[tilespmem:v4+s15+$0x0] =	vst.idx.msk $0xffff, v5  }
0x4df: {  	v4 =	vld [tilespmem:$0x1E20];
	_ =	sdelay $0x3  }
0x4e0: {  	v5 =	vld [tilespmem:$0x1E30]  }
0x4e1: {  	[tilespmem:v37+s15+$0x0] =	vst.idx.msk $0xffff, v4;
	v4 =	vld [tilespmem:$0x1FB10];
	_ =	sdelay $0x5  }
0x4e2: {  	v37 =	vld [tilespmem:$0x1FB20];
	_ =	sdelay $0x1  }
0x4e3: {  	[tilespmem:v4+s15+$0x0] =	vst.idx.msk $0xffff, v5  }
0x4e4: {  	v4 =	vld [tilespmem:$0x1E40];
	_ =	sdelay $0x3  }
0x4e5: {  	v5 =	vld [tilespmem:$0x1E50]  }
0x4e6: {  	[tilespmem:v37+s15+$0x0] =	vst.idx.msk $0xffff, v4;
	v4 =	vld [tilespmem:$0x1FB30];
	_ =	sdelay $0x5  }
0x4e7: {  	v37 =	vld [tilespmem:$0x1FB40];
	_ =	sdelay $0x1  }
0x4e8: {  	[tilespmem:v4+s15+$0x0] =	vst.idx.msk $0xffff, v5  }
0x4e9: {  	v4 =	vld [tilespmem:$0x1E60];
	_ =	sdelay $0x3  }
0x4ea: {  	v5 =	vld [tilespmem:$0x1E70]  }
0x4eb: {  	[tilespmem:v37+s15+$0x0] =	vst.idx.msk $0xffff, v4;
	v4 =	vld [tilespmem:$0x1FB50];
	_ =	sdelay $0x5  }
0x4ec: {  	v37 =	vld [tilespmem:$0x1FB60];
	_ =	sdelay $0x1  }
0x4ed: {  	[tilespmem:v4+s15+$0x0] =	vst.idx.msk $0xffff, v5  }
0x4ee: {  	v4 =	vld [tilespmem:$0x1E80];
	_ =	sdelay $0x3  }
0x4ef: {  	v5 =	vld [tilespmem:$0x1E90]  }
0x4f0: {  	[tilespmem:v37+s15+$0x0] =	vst.idx.msk $0xffff, v4;
	v4 =	vld [tilespmem:$0x1FB70];
	_ =	sdelay $0x5  }
0x4f1: {  	v37 =	vld [tilespmem:$0x1FB80];
	_ =	sdelay $0x1  }
0x4f2: {  	[tilespmem:v4+s15+$0x0] =	vst.idx.msk $0xffff, v5  }
0x4f3: {  	v4 =	vld [tilespmem:$0x1EA0];
	_ =	sdelay $0x3  }
0x4f4: {  	v5 =	vld [tilespmem:$0x1EB0]  }
0x4f5: {  	[tilespmem:v37+s15+$0x0] =	vst.idx.msk $0xffff, v4;
	v4 =	vld [tilespmem:$0x1FB90];
	_ =	sdelay $0x5  }
0x4f6: {  	v37 =	vld [tilespmem:$0x1FBA0];
	_ =	sdelay $0x1  }
0x4f7: {  	[tilespmem:v4+s15+$0x0] =	vst.idx.msk $0xffff, v5  }
0x4f8: {  	v4 =	vld [tilespmem:$0x1EC0];
	_ =	sdelay $0x3  }
0x4f9: {  	v5 =	vld [tilespmem:$0x1ED0]  }
0x4fa: {  	[tilespmem:v37+s15+$0x0] =	vst.idx.msk $0xffff, v4;
	v4 =	vld [tilespmem:$0x1FBB0];
	_ =	sdelay $0x5  }
0x4fb: {  	v37 =	vld [tilespmem:$0x1FBC0];
	_ =	sdelay $0x1  }
0x4fc: {  	[tilespmem:v4+s15+$0x0] =	vst.idx.msk $0xffff, v5  }
0x4fd: {  	v4 =	vld [tilespmem:$0x1EE0];
	_ =	sdelay $0x3  }
0x4fe: {  	v5 =	vld [tilespmem:$0x1EF0]  }
0x4ff: {  	[tilespmem:v37+s15+$0x0] =	vst.idx.msk $0xffff, v4;
	v4 =	vld [tilespmem:$0x1FBD0];
	_ =	sdelay $0x5  }
0x500: {  	v37 =	vld [tilespmem:$0x1FBE0];
	_ =	sdelay $0x1  }
0x501: {  	[tilespmem:v4+s15+$0x0] =	vst.idx.msk $0xffff, v5  }
0x502: {  	v4 =	vld [tilespmem:$0x1F00];
	_ =	sdelay $0x3  }
0x503: {  	v5 =	vld [tilespmem:$0x1F10]  }
0x504: {  	[tilespmem:v37+s15+$0x0] =	vst.idx.msk $0xffff, v4;
	v4 =	vld [tilespmem:$0x1FBF0];
	_ =	sdelay $0x5  }
0x505: {  	v37 =	vld [tilespmem:$0x1FC00];
	_ =	sdelay $0x1  }
0x506: {  	[tilespmem:v4+s15+$0x0] =	vst.idx.msk $0xffff, v5  }
0x507: {  	v4 =	vld [tilespmem:$0x1F20]  }
0x508: {  	v5 =	vld [tilespmem:$0x1F30];
	_ =	sdelay $0x3  }
0x509: {  	[tilespmem:v37+s15+$0x0] =	vst.idx.msk $0xffff, v4  }
0x50a: {  	[tilespmem:v38+s15+$0x0] =	vst.idx.msk $0xffff, v5  }
0x50b: {  	v4 =	vld [tilespmem:$0x1F40]  }
0x50c: {  	v5 =	vld [tilespmem:$0x1F50];
	_ =	sdelay $0x3  }
0x50d: {  	[tilespmem:v39+s15+$0x0] =	vst.idx.msk $0xffff, v4  }
0x50e: {  	[tilespmem:v40+s15+$0x0] =	vst.idx.msk $0xffff, v5  }
0x50f: {  	v4 =	vld [tilespmem:$0x1F60]  }
0x510: {  	v5 =	vld [tilespmem:$0x1F70];
	_ =	sdelay $0x3  }
0x511: {  	[tilespmem:v41+s15+$0x0] =	vst.idx.msk $0xffff, v4  }
0x512: {  	[tilespmem:v42+s15+$0x0] =	vst.idx.msk $0xffff, v5  }
0x513: {  	v4 =	vld [tilespmem:$0x1F80]  }
0x514: {  	v5 =	vld [tilespmem:$0x1F90];
	_ =	sdelay $0x3  }
0x515: {  	[tilespmem:v43+s15+$0x0] =	vst.idx.msk $0xffff, v4  }
0x516: {  	[tilespmem:v44+s15+$0x0] =	vst.idx.msk $0xffff, v5  }
0x517: {  	v4 =	vld [tilespmem:$0x1FA0]  }
0x518: {  	v5 =	vld [tilespmem:$0x1FB0];
	_ =	sdelay $0x3  }
0x519: {  	[tilespmem:v45+s15+$0x0] =	vst.idx.msk $0xffff, v4  }
0x51a: {  	[tilespmem:v46+s15+$0x0] =	vst.idx.msk $0xffff, v5  }
0x51b: {  	v4 =	vld [tilespmem:$0x1FC0]  }
0x51c: {  	v5 =	vld [tilespmem:$0x1FD0];
	_ =	sdelay $0x3  }
0x51d: {  	[tilespmem:v47+s15+$0x0] =	vst.idx.msk $0xffff, v4  }
0x51e: {  	[tilespmem:v48+s15+$0x0] =	vst.idx.msk $0xffff, v5  }
0x51f: {  	v4 =	vld [tilespmem:$0x1FE0]  }
0x520: {  	v5 =	vld [tilespmem:$0x1FF0];
	_ =	sdelay $0x3  }
0x521: {  	[tilespmem:v49+s15+$0x0] =	vst.idx.msk $0xffff, v4  }
0x522: {  	[tilespmem:v50+s15+$0x0] =	vst.idx.msk $0xffff, v5  }
0x523: {  	v4 =	vld [tilespmem:$0x2000]  }
0x524: {  	v5 =	vld [tilespmem:$0x2010];
	_ =	sdelay $0x3  }
0x525: {  	[tilespmem:v51+s15+$0x0] =	vst.idx.msk $0xffff, v4  }
0x526: {  	[tilespmem:v52+s15+$0x0] =	vst.idx.msk $0xffff, v5  }
0x527: {  	v4 =	vld [tilespmem:$0x2020]  }
0x528: {  	v5 =	vld [tilespmem:$0x2030];
	_ =	sdelay $0x3  }
0x529: {  	[tilespmem:v53+s15+$0x0] =	vst.idx.msk $0xffff, v4  }
0x52a: {  	[tilespmem:v54+s15+$0x0] =	vst.idx.msk $0xffff, v5  }
0x52b: {  	v4 =	vld [tilespmem:$0x2040]  }
0x52c: {  	v5 =	vld [tilespmem:$0x2050];
	_ =	sdelay $0x3  }
0x52d: {  	[tilespmem:v55+s15+$0x0] =	vst.idx.msk $0xffff, v4  }
0x52e: {  	[tilespmem:v56+s15+$0x0] =	vst.idx.msk $0xffff, v5  }
0x52f: {  	v4 =	vld [tilespmem:$0x2060]  }
0x530: {  	v5 =	vld [tilespmem:$0x2070];
	_ =	sdelay $0x3  }
0x531: {  	[tilespmem:v57+s15+$0x0] =	vst.idx.msk $0xffff, v4  }
0x532: {  	[tilespmem:v58+s15+$0x0] =	vst.idx.msk $0xffff, v5  }
0x533: {  	v4 =	vld [tilespmem:$0x2080]  }
0x534: {  	v5 =	vld [tilespmem:$0x2090];
	_ =	sdelay $0x3  }
0x535: {  	[tilespmem:v59+s15+$0x0] =	vst.idx.msk $0xffff, v4  }
0x536: {  	[tilespmem:v60+s15+$0x0] =	vst.idx.msk $0xffff, v5  }
0x537: {  	v4 =	vld [tilespmem:$0x20A0]  }
0x538: {  	v5 =	vld [tilespmem:$0x20B0];
	_ =	sdelay $0x3  }
0x539: {  	[tilespmem:v61+s15+$0x0] =	vst.idx.msk $0xffff, v4  }
0x53a: {  	[tilespmem:v62+s15+$0x0] =	vst.idx.msk $0xffff, v5  }
0x53b: {  	v4 =	vld [tilespmem:$0x20C0]  }
0x53c: {  	v5 =	vld [tilespmem:$0x20D0];
	_ =	sdelay $0x3  }
0x53d: {  	[tilespmem:v63+s15+$0x0] =	vst.idx.msk $0xffff, v4  }
0x53e: {  	[tilespmem:v1+s15+$0x0] =	vst.idx.msk $0xffff, v5  }
0x53f: {  	v1 =	vld [tilespmem:$0x20E0]  }
0x540: {  	v4 =	vld [tilespmem:$0x20F0];
	_ =	sdelay $0x3  }
0x541: {  	s6 =	sor.u32 $0x1000, s13;
	[tilespmem:v2+s15+$0x0] =	vst.idx.msk $0xffff, v1  }
0x542: {  	s11 =	sadd.s32 s2, s6;
	[tilespmem:v3+s15+$0x0] =	vst.idx.msk $0xffff, v4  }
0x543: {  	[hbm4b:s11+s3] =	stream.linear.scatter [tilespmem:s15], [sflag:$0x6], $0x80, $0x38;
	[tilespmem:$0x4300] =	vst v63  }
0x544: {  	s22 =	simm.s32 $0x3288;
	s20 =	sadd.s32 $0x10, s11  }
0x545: {  	[hbm4b:s20+s3] =	stream.linear.scatter [tilespmem:s22], [sflag:$0x6], $0x80, $0x38;
	[tilespmem:$0x4300] =	vst v63  }
0x546: {  	s20 =	sadd.s32 $0x20, s11;
	s22 =	simm.s32 $0x3310  }
0x547: {  	[hbm4b:s20+s3] =	stream.linear.scatter [tilespmem:s22], [sflag:$0x6], $0x80, $0x38;
	[tilespmem:$0x4300] =	vst v63  }
0x548: {  	s20 =	sadd.s32 $0x30, s11;
	s22 =	simm.s32 $0x3398  }
0x549: {  	[hbm4b:s20+s3] =	stream.linear.scatter [tilespmem:s22], [sflag:$0x6], $0x80, $0x38;
	[tilespmem:$0x4300] =	vst v63  }
0x54a: {  	s20 =	sadd.s32 $0x40, s11;
	s22 =	simm.s32 $0x3420  }
0x54b: {  	[hbm4b:s20+s3] =	stream.linear.scatter [tilespmem:s22], [sflag:$0x6], $0x80, $0x38;
	[tilespmem:$0x4300] =	vst v63  }
0x54c: {  	s20 =	sadd.s32 $0x50, s11;
	s22 =	simm.s32 $0x34A8  }
0x54d: {  	[hbm4b:s20+s3] =	stream.linear.scatter [tilespmem:s22], [sflag:$0x6], $0x80, $0x38;
	[tilespmem:$0x4300] =	vst v63  }
0x54e: {  	s18 =	sadd.s32 $0x60, s11;
	s20 =	simm.s32 $0x3530  }
0x54f: {  	[hbm4b:s18+s3] =	stream.linear.scatter [tilespmem:s20], [sflag:$0x6], $0x80, $0x38;
	[tilespmem:$0x4300] =	vst v63  }
0x550: {  	s11 =	sadd.s32 $0x70, s11;
	s22 =	simm.s32 $0x35B8  }
0x551: {  	[hbm4b:s11+s3] =	stream.linear.scatter [tilespmem:s22], [sflag:$0x6], $0x80, $0x38;
	[tilespmem:$0x4300] =	vst v63  }
0x552: {  	s18 =	simm.s32 $0x3640;
	s11 =	sadd.s32 s6, s8  }
0x553: {  	[hbm4b:s11+s3] =	stream.linear.scatter [tilespmem:s18], [sflag:$0x6], $0x80, $0x38;
	[tilespmem:$0x4300] =	vst v63  }
0x554: {  	s22 =	simm.s32 $0x36C8;
	s20 =	sadd.s32 $0x10, s11  }
0x555: {  	[hbm4b:s20+s3] =	stream.linear.scatter [tilespmem:s22], [sflag:$0x6], $0x80, $0x38;
	[tilespmem:$0x4300] =	vst v63  }
0x556: {  	s20 =	sadd.s32 $0x20, s11;
	s22 =	simm.s32 $0x3750  }
0x557: {  	[hbm4b:s20+s3] =	stream.linear.scatter [tilespmem:s22], [sflag:$0x6], $0x80, $0x38;
	[tilespmem:$0x4300] =	vst v63  }
0x558: {  	s20 =	sadd.s32 $0x30, s11;
	s22 =	simm.s32 $0x37D8  }
0x559: {  	[hbm4b:s20+s3] =	stream.linear.scatter [tilespmem:s22], [sflag:$0x6], $0x80, $0x38;
	[tilespmem:$0x4300] =	vst v63  }
0x55a: {  	s20 =	sadd.s32 $0x40, s11;
	s22 =	simm.s32 $0x3860  }
0x55b: {  	[hbm4b:s20+s3] =	stream.linear.scatter [tilespmem:s22], [sflag:$0x6], $0x80, $0x38;
	[tilespmem:$0x4300] =	vst v63  }
0x55c: {  	s20 =	sadd.s32 $0x50, s11;
	s22 =	simm.s32 $0x38E8  }
0x55d: {  	[hbm4b:s20+s3] =	stream.linear.scatter [tilespmem:s22], [sflag:$0x6], $0x80, $0x38;
	[tilespmem:$0x4300] =	vst v63  }
0x55e: {  	s18 =	sadd.s32 $0x60, s11;
	s20 =	simm.s32 $0x3970  }
0x55f: {  	[hbm4b:s18+s3] =	stream.linear.scatter [tilespmem:s20], [sflag:$0x6], $0x80, $0x38;
	[tilespmem:$0x4300] =	vst v63  }
0x560: {  	s11 =	sadd.s32 $0x70, s11;
	s22 =	simm.s32 $0x39F8  }
0x561: {  	[hbm4b:s11+s3] =	stream.linear.scatter [tilespmem:s22], [sflag:$0x6], $0x80, $0x38;
	[tilespmem:$0x4300] =	vst v63  }
0x562: {  	s18 =	simm.s32 $0x3A80;
	s11 =	sadd.s32 s6, s9  }
0x563: {  	[hbm4b:s11+s3] =	stream.linear.scatter [tilespmem:s18], [sflag:$0x6], $0x80, $0x38;
	[tilespmem:$0x4300] =	vst v63  }
0x564: {  	s22 =	simm.s32 $0x3B08;
	s20 =	sadd.s32 $0x10, s11  }
0x565: {  	[hbm4b:s20+s3] =	stream.linear.scatter [tilespmem:s22], [sflag:$0x6], $0x80, $0x38;
	[tilespmem:$0x4300] =	vst v63  }
0x566: {  	s20 =	sadd.s32 $0x20, s11;
	s22 =	simm.s32 $0x3B90  }
0x567: {  	[hbm4b:s20+s3] =	stream.linear.scatter [tilespmem:s22], [sflag:$0x6], $0x80, $0x38;
	[tilespmem:$0x4300] =	vst v63  }
0x568: {  	s20 =	sadd.s32 $0x30, s11;
	s22 =	simm.s32 $0x3C18  }
0x569: {  	[hbm4b:s20+s3] =	stream.linear.scatter [tilespmem:s22], [sflag:$0x6], $0x80, $0x38;
	[tilespmem:$0x4300] =	vst v63  }
0x56a: {  	s20 =	sadd.s32 $0x40, s11;
	s22 =	simm.s32 $0x3CA0  }
0x56b: {  	[hbm4b:s20+s3] =	stream.linear.scatter [tilespmem:s22], [sflag:$0x6], $0x80, $0x38;
	[tilespmem:$0x4300] =	vst v63  }
0x56c: {  	s20 =	sadd.s32 $0x50, s11;
	s22 =	simm.s32 $0x3D28  }
0x56d: {  	[hbm4b:s20+s3] =	stream.linear.scatter [tilespmem:s22], [sflag:$0x6], $0x80, $0x38;
	[tilespmem:$0x4300] =	vst v63  }
0x56e: {  	s18 =	sadd.s32 $0x60, s11;
	s20 =	simm.s32 $0x3DB0  }
0x56f: {  	[hbm4b:s18+s3] =	stream.linear.scatter [tilespmem:s20], [sflag:$0x6], $0x80, $0x38;
	[tilespmem:$0x4300] =	vst v63  }
0x570: {  	s11 =	sadd.s32 $0x70, s11;
	s22 =	simm.s32 $0x3E38  }
0x571: {  	[hbm4b:s11+s3] =	stream.linear.scatter [tilespmem:s22], [sflag:$0x6], $0x80, $0x38;
	[tilespmem:$0x4300] =	vst v63  }
0x572: {  	s13 =	simm.s32 $0x3EC0;
	s6 =	sadd.s32 s6, s10  }
0x573: {  	[hbm4b:s6+s3] =	stream.linear.scatter [tilespmem:s13], [sflag:$0x6], $0x80, $0x38;
	[tilespmem:$0x4300] =	vst v63  }
0x574: {  	s18 =	sadd.s32 $0x10, s6;
	s20 =	simm.s32 $0x3F48  }
0x575: {  	[hbm4b:s18+s3] =	stream.linear.scatter [tilespmem:s20], [sflag:$0x6], $0x80, $0x38;
	[tilespmem:$0x4300] =	vst v63  }
0x576: {  	s22 =	sadd.s32 $0x20, s6  }
0x577: {  	[hbm4b:s22+s3] =	stream.linear.scatter [tilespmem:s23], [sflag:$0x6], $0x80, $0x38;
	[tilespmem:$0x4300] =	vst v63  }
0x578: {  	s13 =	sadd.s32 $0x30, s6  }
0x579: {  	[hbm4b:s13+s3] =	stream.linear.scatter [tilespmem:s24], [sflag:$0x6], $0x80, $0x38;
	[tilespmem:$0x4300] =	vst v63  }
0x57a: {  	s7 =	sadd.s32 $0x400, s7;
	s18 =	sadd.s32 $0x40, s6  }
0x57b: {  	[hbm4b:s18+s3] =	stream.linear.scatter [tilespmem:s25], [sflag:$0x6], $0x80, $0x38;
	[tilespmem:$0x4300] =	vst v63  }
0x57c: {  	p0 =	sne.s32 s7, $0x19000;
	s20 =	sadd.s32 $0x50, s6  }
0x57d: {  	[hbm4b:s20+s3] =	stream.linear.scatter [tilespmem:s26], [sflag:$0x6], $0x80, $0x38;
	[tilespmem:$0x4300] =	vst v63  }
.Ltmp3:
0x57e: {  	_ = 	snop;
	(pc) =	sbr.rel @!p0 .LBB2_6-.Ltmp3, $4  }
0x57f: {  	s22 =	sadd.s32 $0x60, s6  }
0x580: {  	[hbm4b:s22+s3] =	stream.linear.scatter [tilespmem:s28], [sflag:$0x6], $0x80, $0x38;
	[tilespmem:$0x4300] =	vst v63  }
0x581: {  	s0 =	sadd.s32 $0x40, s0;
	s31 =	sadd.s32 $0x8000, s31;
	s6 =	sadd.s32 $0x70, s6  }
0x582: {  	[hbm4b:s6+s3] =	stream.linear.scatter [tilespmem:s14], [sflag:$0x6], $0x80, $0x38;
	[tilespmem:$0x4300] =	vst v63  }
.LBB2_2:
0x583: {  	_ =	swait.ge [sflag:s16], $0x1000  }
0x584: {  	p0 =	seq.s32 s7, $0x18C00;
	[sflag:s16] =	ssyncset.done $0x0  }
0x585: {  	p1 =	seq.s32 @!p0 s7, $0x0;
	[sflag:s16] =	ssyncadd.s32 $0xFFFFF000  }
0x586: {  	p1 =	por p0, !p1;
	_ =	swait.ge [sflag:s17], $0x80  }
.Ltmp4:
0x587: {  	[sflag:s17] =	ssyncset.done $0x0;
	(pc) =	sbr.rel @p1 .LBB2_4-.Ltmp4, $4  }
0x588: {  	s6 =	simm.s32 $0x1100;
	s11 =	sadd.s32 @!p0 s7, s12;
	[sflag:s17] =	ssyncadd.s32 $0xFFFFFF80  }
0x589: {  	[tilespmem:s6], [sflag:$0x4] =	stream.indirect.gather [hbm4b:s5+s21], $0x20, s21, s21, $0xb8;
	[tilespmem:$0x4300] =	vst v63  }
0x58a: {  	s13 =	sadd.s32 @!p0 $0x400, s11;
	s6 =	simm.s32 @!p0 $0x0  }
0x58b: {  	[tilespmem:s6], [sflag:$0x1] =	stream.linear.gather @!p0 [hbm4b:s13+s6], $0x80, $0x38;
	[tilespmem:$0x4300] =	vst v63  }
.Ltmp5:
0x58c: {  	(pc) =	sbr.rel .LBB2_5-.Ltmp5, $2  }
0x58d: {  	_ =	sdelay $0x2  }
0x58e: {  	p1 =	por @!p0 $0x1, $0x1  }
.LBB2_7:
0x58f: {  	_ =	sfence.sel $0x180000  }
0x590: {  	[bflag:$0x0] =	sbarrier.arrive $0xFFFF  }
0x591: {  	_ =	strace $0x9000004A  }
0x592: {  	s0 =	stileid.u32;
	[bflag:$0x2] =	sbarrier.arrive $0xFFFF  }
0x593: {  	p0 =	sne.s32 s0, $0x0;
	s0 =	rddreg [dreg:$0x2]  }
0x594: {  	s0 =	sadd.s32 @!p0 $0x100000, s0  }
0x595: {  	[sflag:s0] =	ssyncadd.tile.s32 @!p0 $0x1;
	_ =	shalt  }
.Lfunc_end2:
_tile_overlayer_lowered:
.L_overlay_start_2:
0x596: {  	(tag) =	ssettag $0x2  }
0x597: {  	s0 =	rddreg [dreg:$0x0];
	s2 =	stileid.u32  }
0x598: {  	s1 =	rddreg [dreg:$0x1];
	p0 =	sne.s32 s2, $0x0  }
0x599: {  	s3 =	rddreg [dreg:$0x2];
	[bflag:$0x3] =	sbarrier.arrive $0xFFFF;
	s2 =	simm.s32 @!p0 $0x1C07  }
0x59a: {  	[timem:s3], [sflag:s2] =	dma.local @!p0 [hbm:s0], s1  }
0x59b: {  	s0 =	simm.s32 @!p0 $0x7  }
0x59c: {  	_ =	swait.ge @!p0 [sflag:s0], s1  }
0x59d: {  	s1 =	ssub.s32 @!p0 $0x0, s1;
	[sflag:s0] =	ssyncset.done @!p0 $0x0  }
0x59e: {  	[sflag:s0] =	ssyncadd.s32 @!p0 s1  }
0x59f: {  	[bflag:$0x3] =	sbarrier.arrive $0xFFFF  }
0x5a0: {  	_ =	shalt  }

</sc_bundles>
